<compile_context>
chip_gen: v7x
topology: tpu7x:2x2x1
jax: 0.10.2.dev20260603
libtpu: 0.0.44.dev20260713+nightly
codegen_flags: <defaults>
</compile_context>

<pallas_src>
import jax
import jax.numpy as jnp
from jax import lax
from jax.experimental import pallas as pl
from jax.experimental.pallas import tpu as pltpu
from jax.experimental.pallas import tpu_sc as plsc

NC = 2
NS = 16
NW = NC * NS

G = 128
CB = 8
RW = 128


def _mesh():
    return plsc.VectorSubcoreMesh(core_axis_name="c", subcore_axis_name="s",
                                  num_cores=NC, num_subcores=NS)



def _make_sc_agg(n_pad, d, e, split0):
    nch = e // G
    rpt = n_pad // NS
    rb = rpt // RW
    tot = nch // NS
    assert nch % NS == 0 and tot % CB == 0 and split0 % CB == 0
    assert rpt % RW == 0

    def body(h_hbm, src_hbm, dst_hbm, zrow_hbm, ridx_hbm, agg_out,
             src_v, dst_v, rows_v, ridx_v, agg_sp, gsem):
        cid = lax.axis_index("c")
        sid = lax.axis_index("s")

        base = sid * tot + cid * split0
        ng = (split0 + cid * (tot - 2 * split0)) // CB

        pltpu.sync_copy(ridx_hbm.at[sid], ridx_v)
        pltpu.sync_copy(zrow_hbm, rows_v.at[0])

        def iz(r, carry):
            pltpu.sync_copy(rows_v.at[0], agg_sp.at[ridx_v.at[r]])
            return carry
        lax.fori_loop(0, rb, iz, 0)

        plsc.subcore_barrier()

        pltpu.sync_copy(src_hbm.at[pl.ds(base, CB)], src_v.at[0])
        pltpu.sync_copy(dst_hbm.at[pl.ds(base, CB)], dst_v.at[0])
        pltpu.async_copy(h_hbm.at[src_v.at[0, 0]], rows_v.at[0], gsem)

        def group(gi, carry):
            slot = lax.rem(gi, 2)
            nslot = lax.rem(gi + 1, 2)

            @pl.when(gi + 1 < ng)
            def _stage_next():
                pltpu.sync_copy(
                    src_hbm.at[pl.ds(base + (gi + 1) * CB, CB)],
                    src_v.at[nslot])
                pltpu.sync_copy(
                    dst_hbm.at[pl.ds(base + (gi + 1) * CB, CB)],
                    dst_v.at[nslot])

            for k in range(CB):
                pltpu.make_async_copy(h_hbm.at[src_v.at[slot, k]],
                                      rows_v.at[k % 2], gsem).wait()
                if k + 1 < CB:
                    pltpu.async_copy(h_hbm.at[src_v.at[slot, k + 1]],
                                     rows_v.at[(k + 1) % 2], gsem)
                else:
                    @pl.when(gi + 1 < ng)
                    def _issue_next_group():
                        pltpu.async_copy(h_hbm.at[src_v.at[nslot, 0]],
                                         rows_v.at[0], gsem)
                pltpu.sync_copy(rows_v.at[k % 2],
                                agg_sp.at[dst_v.at[slot, k]], add=True)
            return carry

        lax.fori_loop(0, ng, group, 0)

        plsc.subcore_barrier()

        def cout(r, carry):
            pltpu.sync_copy(agg_sp.at[ridx_v.at[r]], rows_v.at[0])
            pltpu.sync_copy(rows_v.at[0],
                            agg_out.at[cid, pl.ds(sid * rpt + r * RW, RW)])
            return carry
        lax.fori_loop(0, rb, cout, 0)

    return pl.kernel(
        body,
        out_type=[jax.ShapeDtypeStruct((NC, n_pad, d), jnp.float32)],
        mesh=_mesh(),
        scratch_types=[
            pltpu.VMEM((2, CB, G), jnp.int32),
            pltpu.VMEM((2, CB, G), jnp.int32),
            pltpu.VMEM((2, G, d), jnp.float32),
            pltpu.VMEM((rpt // RW, RW), jnp.int32),
            pltpu.VMEM_SHARED((n_pad, d), jnp.float32),
            pltpu.SemaphoreType.DMA,
        ])



def _make_sc_deg(n_pad, d, e):
    c = e // (NW * G)
    rpt = n_pad // NS
    rb = rpt // RW
    assert c % CB == 0 and rpt % RW == 0

    def body(dst_hbm, ones_hbm, zrow_hbm, ridx_hbm, deg_out,
             dst_v, ones_v, zrow_v, ridx_v, deg_sp):
        cid = lax.axis_index("c")
        sid = lax.axis_index("s")
        wid = cid * NS + sid

        pltpu.sync_copy(ones_hbm, ones_v)
        pltpu.sync_copy(zrow_hbm, zrow_v)
        pltpu.sync_copy(ridx_hbm.at[sid], ridx_v)

        def iz(r, carry):
            pltpu.sync_copy(zrow_v, deg_sp.at[ridx_v.at[r]])
            return carry
        lax.fori_loop(0, rb, iz, 0)

        plsc.subcore_barrier()

        def outer(ci, carry):
            pltpu.sync_copy(dst_hbm.at[wid, pl.ds(ci * CB, CB)], dst_v)

            def inner(j, carry2):
                pltpu.sync_copy(ones_v, deg_sp.at[dst_v.at[j]], add=True)
                return carry2

            lax.fori_loop(0, CB, inner, 0)
            return carry

        lax.fori_loop(0, c // CB, outer, 0)

        plsc.subcore_barrier()

        def cout(r, carry):
            pltpu.sync_copy(deg_sp.at[ridx_v.at[r]], zrow_v)
            pltpu.sync_copy(zrow_v,
                            deg_out.at[cid, pl.ds(sid * rpt + r * RW, RW)])
            return carry
        lax.fori_loop(0, rb, cout, 0)

    return pl.kernel(
        body,
        out_type=[jax.ShapeDtypeStruct((NC, n_pad, d), jnp.float32)],
        mesh=_mesh(),
        scratch_types=[
            pltpu.VMEM((CB, G), jnp.int32),
            pltpu.VMEM((G, d), jnp.float32),
            pltpu.VMEM((RW, d), jnp.float32),
            pltpu.VMEM((rpt // RW, RW), jnp.int32),
            pltpu.VMEM_SHARED((n_pad, d), jnp.float32),
        ])



def _tc_layer1_body(x_ref, aggp_ref, degp_ref, ws_ref, wn_ref, b_ref, o_ref):
    agg = aggp_ref[0] + aggp_ref[1]
    deg = degp_ref[0] + degp_ref[1]
    inv = 1.0 / jnp.maximum(deg[:, 0:1], 1.0)
    h = (x_ref[...] @ ws_ref[...] + (agg * inv) @ wn_ref[...] + b_ref[...])
    o_ref[...] = jnp.maximum(h, 0.0)


def _tc_layer2_body(h_ref, aggp_ref, degp_ref, ws_ref, wn_ref, b_ref,
                    wh_ref, bh_ref, o_ref):
    agg = aggp_ref[0] + aggp_ref[1]
    deg = degp_ref[0] + degp_ref[1]
    inv = 1.0 / jnp.maximum(deg[:, 0:1], 1.0)
    h2 = jnp.maximum(
        h_ref[...] @ ws_ref[...] + (agg * inv) @ wn_ref[...] + b_ref[...],
        0.0)
    o_ref[...] = h2 @ wh_ref[...] + bh_ref[...]


def _make_tc_layer1(n, d, blk):
    grid = (n // blk,)
    return pl.pallas_call(
        _tc_layer1_body,
        grid=grid,
        in_specs=[
            pl.BlockSpec((blk, d), lambda i: (i, 0)),
            pl.BlockSpec((NC, blk, d), lambda i: (0, i, 0)),
            pl.BlockSpec((NC, blk, d), lambda i: (0, i, 0)),
            pl.BlockSpec((d, d), lambda i: (0, 0)),
            pl.BlockSpec((d, d), lambda i: (0, 0)),
            pl.BlockSpec((1, d), lambda i: (0, 0)),
        ],
        out_specs=pl.BlockSpec((blk, d), lambda i: (i, 0)),
        out_shape=jax.ShapeDtypeStruct((n, d), jnp.float32),
    )


def _make_tc_layer2(n, d, out_d, blk):
    grid = (n // blk,)
    return pl.pallas_call(
        _tc_layer2_body,
        grid=grid,
        in_specs=[
            pl.BlockSpec((blk, d), lambda i: (i, 0)),
            pl.BlockSpec((NC, blk, d), lambda i: (0, i, 0)),
            pl.BlockSpec((NC, blk, d), lambda i: (0, i, 0)),
            pl.BlockSpec((d, d), lambda i: (0, 0)),
            pl.BlockSpec((d, d), lambda i: (0, 0)),
            pl.BlockSpec((1, d), lambda i: (0, 0)),
            pl.BlockSpec((d, out_d), lambda i: (0, 0)),
            pl.BlockSpec((1, out_d), lambda i: (0, 0)),
        ],
        out_specs=pl.BlockSpec((blk, out_d), lambda i: (i, 0)),
        out_shape=jax.ShapeDtypeStruct((n, out_d), jnp.float32),
    )



def kernel(x, edge_index, W_self1, W_nbr1, b1, W_self2, W_nbr2, b2, W_head,
           b_head):
    n, d = x.shape
    e = edge_index.shape[1]
    out_d = W_head.shape[1]
    n_pad = ((n + NS * RW - 1) // (NS * RW)) * (NS * RW)
    rpt = n_pad // NS
    grp = NW * G * CB
    e_pad = ((e + grp - 1) // grp) * grp
    c = e_pad // (NW * G)

    src = jnp.concatenate(
        [edge_index[0], jnp.zeros((e_pad - e,), jnp.int32)]).reshape(NW, c, G)
    dst = jnp.concatenate(
        [edge_index[1],
         jnp.full((e_pad - e,), n_pad - 1, jnp.int32)]).reshape(NW, c, G)
    ones_g = jnp.ones((G, d), jnp.float32)
    zrow_d = jnp.zeros((RW, d), jnp.float32)
    ridx = jnp.arange(n_pad, dtype=jnp.int32).reshape(NS, rpt // RW, RW)

    src2 = src.reshape(e_pad // G, G)
    dst2 = dst.reshape(e_pad // G, G)

    sc_agg = _make_sc_agg(n_pad, d, e_pad, split0=80)
    sc_deg = _make_sc_deg(n_pad, d, e_pad)
    blk = 400
    tc1 = _make_tc_layer1(n, d, blk)
    tc2 = _make_tc_layer2(n, d, out_d, blk)

    (degp,) = sc_deg(dst, ones_g, zrow_d, ridx)
    (aggp1,) = sc_agg(x, src2, dst2, zrow_d, ridx)
    h1 = tc1(x, aggp1, degp, W_self1, W_nbr1, b1.reshape(1, d))
    (aggp2,) = sc_agg(h1, src2, dst2, zrow_d, ridx)
    out = tc2(h1, aggp2, degp, W_self2, W_nbr2, b2.reshape(1, d),
              W_head, b_head.reshape(1, out_d))
    return out

# --- scband reference (transcript-rebuilt; emitter-appended) ---
"""Pipeline reference for scband-universal-sagemodel-81226421502333 (READ-ONLY COPY).

The authoritative reference and input builder live on the scoring server;
editing this copy changes nothing except your own understanding.
"""

import jax, jax.numpy as jnp
import numpy as np

N = 10000
E = 320000
D = 128
OUT = 128


def setup_inputs(seed: int = 0) -> dict:
    key = jax.random.key(seed)
    ks = jax.random.split(key, 12)
    x = jax.random.normal(ks[0], (N, D), dtype=jnp.float32)
    edge_index = jax.random.randint(ks[1], (2, E), 0, N, dtype=jnp.int32)
    s = 0.05
    W_self1 = jax.random.normal(ks[2], (D, D), dtype=jnp.float32) * s
    W_nbr1 = jax.random.normal(ks[3], (D, D), dtype=jnp.float32) * s
    b1 = jnp.zeros((D,), dtype=jnp.float32)
    W_self2 = jax.random.normal(ks[4], (D, D), dtype=jnp.float32) * s
    W_nbr2 = jax.random.normal(ks[5], (D, D), dtype=jnp.float32) * s
    b2 = jnp.zeros((D,), dtype=jnp.float32)
    W_head = jax.random.normal(ks[6], (D, OUT), dtype=jnp.float32) * s
    b_head = jnp.zeros((OUT,), dtype=jnp.float32)
    return {
        "x": x,
        "edge_index": edge_index,
        "W_self1": W_self1,
        "W_nbr1": W_nbr1,
        "b1": b1,
        "W_self2": W_self2,
        "W_nbr2": W_nbr2,
        "b2": b2,
        "W_head": W_head,
        "b_head": b_head,
    }


def reference(x, edge_index, W_self1, W_nbr1, b1, W_self2, W_nbr2, b2, W_head, b_head):
    # HeteroGraphSAGE collapsed to a single ('entity','to','entity') relation.
    # Each layer: h_v = relu(W_self h_v + W_nbr * mean_{u in N(v)} h_u + b)
    src = edge_index[0]
    dst = edge_index[1]
    deg = jnp.zeros((N,), dtype=jnp.float32).at[dst].add(1.0)
    inv_deg = 1.0 / jnp.clip(deg, 1.0, None)
    h = x
    for (Ws, Wn, b) in ((W_self1, W_nbr1, b1), (W_self2, W_nbr2, b2)):
        msg = jnp.take(h, src, axis=0)  # gather: [E, D]
        agg = jax.ops.segment_sum(msg, dst, num_segments=N)  # scatter-add
        agg = agg * inv_deg[:, None]  # mean aggregation
        h = jax.nn.relu(h @ Ws + agg @ Wn + b)
    # MLP head (num_layers=1 -> single linear projection)
    out = h @ W_head + b_head
    return out

if __name__ == "__main__":
    import jax
    _d = setup_inputs()
    print(jax.jit(kernel)(*tuple(_d.values())))

</pallas_src>

<mosaic_0001>
#map = affine_map<(d0, d1) -> (0, 0)>
#map1 = affine_map<(d0, d1) -> (0, 0, 0)>
module attributes {stable_mosaic.version = 14 : i64} {
  func.func @body(%arg0: i32, %arg1: i32, %arg2: memref<10000x128xf32, #tpu.memory_space<hbm>>, %arg3: memref<2560x128xi32, #tpu.memory_space<hbm>>, %arg4: memref<2560x128xi32, #tpu.memory_space<hbm>>, %arg5: memref<128x128xf32, #tpu.memory_space<hbm>>, %arg6: memref<16x5x128xi32, #tpu.memory_space<hbm>>, %arg7: memref<2x10240x128xf32, #tpu.memory_space<hbm>>, %arg8: memref<2x8x128xi32, #tpu.memory_space<vmem>>, %arg9: memref<2x8x128xi32, #tpu.memory_space<vmem>>, %arg10: memref<2x128x128xf32, #tpu.memory_space<vmem>>, %arg11: memref<5x128xi32, #tpu.memory_space<vmem>>, %arg12: memref<10240x128xf32, #tpu.memory_space<vmem_shared>>, %arg13: memref<!tpu.dma_semaphore, #tpu.memory_space<semaphore_mem>>) attributes {dimension_semantics = [#tpu.dimension_semantics<core_parallel>, #tpu.dimension_semantics<subcore_parallel>], iteration_bounds = array<i64: 2, 16>, scalar_prefetch = 0 : i64, scratch_operands = 6 : i64, tpu.core_type = #tpu.core_type<sc_vector_subcore>, window_params = [{transform_indices = #map}, {transform_indices = #map}, {transform_indices = #map}, {transform_indices = #map}, {transform_indices = #map1}, {transform_indices = #map1}]} {
    %mul3A = arith.constant 160 : i32
    %mul3A_0 = arith.muli %arg1, %mul3A : i32
    %mul3A_1 = arith.constant 80 : i32
    %mul3A_2 = arith.muli %arg0, %mul3A_1 : i32
    %add3A = arith.addi %mul3A_0, %mul3A_2 : i32
    %mul3A_3 = arith.constant 0 : i32
    %mul3A_4 = arith.muli %arg0, %mul3A_3 : i32
    %add3A_5 = arith.constant 80 : i32
    %add3A_6 = arith.addi %add3A_5, %mul3A_4 : i32
    %jit3A = arith.constant 8 : i32
    %div3A = arith.divsi %add3A_6, %jit3A : i32
    %sign3A = arith.constant 0 : i32
    %sign3A_7 = arith.cmpi sgt, %add3A_6, %sign3A : i32
    %sign3A_8 = arith.extui %sign3A_7 : i1 to i32
    %sign3A_9 = arith.constant 0 : i32
    %sign3A_10 = arith.cmpi slt, %add3A_6, %sign3A_9 : i32
    %sign3A_11 = arith.extui %sign3A_10 : i1 to i32
    %sign3A_12 = arith.subi %sign3A_8, %sign3A_11 : i32
    %sign3A_13 = arith.constant 0 : i32
    %sign3A_14 = arith.cmpi sgt, %jit3A, %sign3A_13 : i32
    %sign3A_15 = arith.extui %sign3A_14 : i1 to i32
    %sign3A_16 = arith.constant 0 : i32
    %sign3A_17 = arith.cmpi slt, %jit3A, %sign3A_16 : i32
    %sign3A_18 = arith.extui %sign3A_17 : i1 to i32
    %sign3A_19 = arith.subi %sign3A_15, %sign3A_18 : i32
    %ne3A = arith.cmpi ne, %sign3A_12, %sign3A_19 : i32
    %rem3A = arith.remsi %add3A_6, %jit3A : i32
    %ne3A_20 = arith.constant 0 : i32
    %ne3A_21 = arith.cmpi ne, %rem3A, %ne3A_20 : i32
    %and3A = arith.andi %ne3A, %ne3A_21 : i1
    %sub3A = arith.constant 1 : i32
    %sub3A_22 = arith.subi %div3A, %sub3A : i32
    %select_n3A = arith.select %and3A, %sub3A_22, %div3A : i32
    "tpu.region"() ({
      %run_scoped3A_58 = tpu.sem_alloc : memref<!tpu.dma_semaphore, #tpu.memory_space<semaphore_mem>>
      %dma_start3A_59 = arith.constant 0 : i32
      %dma_start3A_60 = arith.constant 0 : i32
      %dma_start3A_61 = tpu.memref_slice %arg6[%arg1, %dma_start3A_59, %dma_start3A_60] : memref<16x5x128xi32, #tpu.memory_space<hbm>> -> memref<1x5x128xi32, #tpu.memory_space<hbm>>
      %dma_start3A_62 = tpu.memref_squeeze %dma_start3A_61 : memref<1x5x128xi32, #tpu.memory_space<hbm>> -> memref<5x128xi32, #tpu.memory_space<hbm>>
      %dma_start3A_63 = arith.constant 0 : i32
      %dma_start3A_64 = arith.constant 0 : i32
      %dma_start3A_65 = tpu.memref_slice %arg6[%arg1, %dma_start3A_63, %dma_start3A_64] : memref<16x5x128xi32, #tpu.memory_space<hbm>> -> memref<1x5x128xi32, #tpu.memory_space<hbm>>
      %dma_start3A_66 = tpu.memref_squeeze %dma_start3A_65 : memref<1x5x128xi32, #tpu.memory_space<hbm>> -> memref<5x128xi32, #tpu.memory_space<hbm>>
      tpu.enqueue_dma source(%dma_start3A_66 : memref<5x128xi32, #tpu.memory_space<hbm>>) target(%arg11 : memref<5x128xi32, #tpu.memory_space<vmem>>) target_semaphore(%run_scoped3A_58 : memref<!tpu.dma_semaphore, #tpu.memory_space<semaphore_mem>>)
      %dma_wait3A = arith.constant 0 : i32
      %dma_wait3A_67 = arith.constant 0 : i32
      %dma_wait3A_68 = tpu.memref_slice %arg6[%arg1, %dma_wait3A, %dma_wait3A_67] : memref<16x5x128xi32, #tpu.memory_space<hbm>> -> memref<1x5x128xi32, #tpu.memory_space<hbm>>
      %dma_wait3A_69 = tpu.memref_squeeze %dma_wait3A_68 : memref<1x5x128xi32, #tpu.memory_space<hbm>> -> memref<5x128xi32, #tpu.memory_space<hbm>>
      %dma_wait3A_70 = arith.constant 0 : i32
      %dma_wait3A_71 = arith.constant 0 : i32
      %dma_wait3A_72 = tpu.memref_slice %arg6[%arg1, %dma_wait3A_70, %dma_wait3A_71] : memref<16x5x128xi32, #tpu.memory_space<hbm>> -> memref<1x5x128xi32, #tpu.memory_space<hbm>>
      %dma_wait3A_73 = tpu.memref_squeeze %dma_wait3A_72 : memref<1x5x128xi32, #tpu.memory_space<hbm>> -> memref<5x128xi32, #tpu.memory_space<hbm>>
      tpu.wait_dma2 semaphore(%run_scoped3A_58 : memref<!tpu.dma_semaphore, #tpu.memory_space<semaphore_mem>>) src(%dma_wait3A_73 : memref<5x128xi32, #tpu.memory_space<hbm>>) dst(%arg11 : memref<5x128xi32, #tpu.memory_space<vmem>>)
      tpu.yield
    }) : () -> ()
    %run_scoped3A = arith.constant 0 : i32
    "tpu.region"() ({
      %run_scoped3A_58 = tpu.sem_alloc : memref<!tpu.dma_semaphore, #tpu.memory_space<semaphore_mem>>
      %dma_start3A_59 = arith.constant 0 : i32
      %dma_start3A_60 = arith.constant 0 : i32
      %dma_start3A_61 = tpu.memref_slice %arg10[%run_scoped3A, %dma_start3A_59, %dma_start3A_60] : memref<2x128x128xf32, #tpu.memory_space<vmem>> -> memref<1x128x128xf32, #tpu.memory_space<vmem>>
      %dma_start3A_62 = tpu.memref_squeeze %dma_start3A_61 : memref<1x128x128xf32, #tpu.memory_space<vmem>> -> memref<128x128xf32, #tpu.memory_space<vmem>>
      %dma_start3A_63 = arith.constant 0 : i32
      %dma_start3A_64 = arith.constant 0 : i32
      %dma_start3A_65 = tpu.memref_slice %arg10[%run_scoped3A, %dma_start3A_63, %dma_start3A_64] : memref<2x128x128xf32, #tpu.memory_space<vmem>> -> memref<1x128x128xf32, #tpu.memory_space<vmem>>
      %dma_start3A_66 = tpu.memref_squeeze %dma_start3A_65 : memref<1x128x128xf32, #tpu.memory_space<vmem>> -> memref<128x128xf32, #tpu.memory_space<vmem>>
      tpu.enqueue_dma source(%arg5 : memref<128x128xf32, #tpu.memory_space<hbm>>) target(%dma_start3A_66 : memref<128x128xf32, #tpu.memory_space<vmem>>) target_semaphore(%run_scoped3A_58 : memref<!tpu.dma_semaphore, #tpu.memory_space<semaphore_mem>>)
      %dma_wait3A = arith.constant 0 : i32
      %dma_wait3A_67 = arith.constant 0 : i32
      %dma_wait3A_68 = tpu.memref_slice %arg10[%run_scoped3A, %dma_wait3A, %dma_wait3A_67] : memref<2x128x128xf32, #tpu.memory_space<vmem>> -> memref<1x128x128xf32, #tpu.memory_space<vmem>>
      %dma_wait3A_69 = tpu.memref_squeeze %dma_wait3A_68 : memref<1x128x128xf32, #tpu.memory_space<vmem>> -> memref<128x128xf32, #tpu.memory_space<vmem>>
      %dma_wait3A_70 = arith.constant 0 : i32
      %dma_wait3A_71 = arith.constant 0 : i32
      %dma_wait3A_72 = tpu.memref_slice %arg10[%run_scoped3A, %dma_wait3A_70, %dma_wait3A_71] : memref<2x128x128xf32, #tpu.memory_space<vmem>> -> memref<1x128x128xf32, #tpu.memory_space<vmem>>
      %dma_wait3A_73 = tpu.memref_squeeze %dma_wait3A_72 : memref<1x128x128xf32, #tpu.memory_space<vmem>> -> memref<128x128xf32, #tpu.memory_space<vmem>>
      tpu.wait_dma2 semaphore(%run_scoped3A_58 : memref<!tpu.dma_semaphore, #tpu.memory_space<semaphore_mem>>) src(%arg5 : memref<128x128xf32, #tpu.memory_space<hbm>>) dst(%dma_wait3A_73 : memref<128x128xf32, #tpu.memory_space<vmem>>)
      tpu.yield
    }) : () -> ()
    %scan3A = arith.constant 0 : i32
    %scan3A_23 = arith.constant 0 : i32
    %scan3A_24 = arith.constant 5 : i32
    %scan3A_25 = arith.addi %scan3A_23, %scan3A_24 : i32
    %scan3A_26 = arith.constant 1 : i32
    scf.for %scan3A_58 = %scan3A_23 to %scan3A_25 step %scan3A_26  : i32 {
      %run_scoped3A_59 = arith.constant 0 : i32
      "tpu.region"() ({
        %run_scoped3A_60 = tpu.sem_alloc : memref<!tpu.dma_semaphore, #tpu.memory_space<semaphore_mem>>
        %dma_start3A_61 = arith.constant 0 : i32
        %dma_start3A_62 = arith.constant 0 : i32
        %dma_start3A_63 = tpu.memref_slice %arg10[%run_scoped3A_59, %dma_start3A_61, %dma_start3A_62] : memref<2x128x128xf32, #tpu.memory_space<vmem>> -> memref<1x128x128xf32, #tpu.memory_space<vmem>>
        %dma_start3A_64 = tpu.memref_squeeze %dma_start3A_63 : memref<1x128x128xf32, #tpu.memory_space<vmem>> -> memref<128x128xf32, #tpu.memory_space<vmem>>
        %dma_start3A_65 = arith.constant 0 : i32
        %dma_start3A_66 = tpu.memref_slice %arg11[%scan3A_58, %dma_start3A_65] : memref<5x128xi32, #tpu.memory_space<vmem>> -> memref<1x128xi32, #tpu.memory_space<vmem>>
        %dma_start3A_67 = tpu.memref_squeeze %dma_start3A_66 : memref<1x128xi32, #tpu.memory_space<vmem>> -> memref<128xi32, #tpu.memory_space<vmem>>
        %dma_start3A_68 = arith.constant 0 : i32
        %dma_start3A_69 = arith.constant 0 : i32
        %dma_start3A_70 = tpu.memref_slice %arg12[%dma_start3A_68, %dma_start3A_69] : memref<10240x128xf32, #tpu.memory_space<vmem_shared>> -> memref<10240x128xf32, #tpu.memory_space<vmem_shared>>
        tpu.enqueue_indirect_dma source(%dma_start3A_64 : memref<128x128xf32, #tpu.memory_space<vmem>>) target(%dma_start3A_70 : memref<10240x128xf32, #tpu.memory_space<vmem_shared>>) offsets(%dma_start3A_67 : memref<128xi32, #tpu.memory_space<vmem>>) semaphore(%run_scoped3A_60 : memref<!tpu.dma_semaphore, #tpu.memory_space<semaphore_mem>>)
        %dma_wait3A = arith.constant 0 : i32
        %dma_wait3A_71 = arith.constant 0 : i32
        %dma_wait3A_72 = tpu.memref_slice %arg10[%run_scoped3A_59, %dma_wait3A, %dma_wait3A_71] : memref<2x128x128xf32, #tpu.memory_space<vmem>> -> memref<1x128x128xf32, #tpu.memory_space<vmem>>
        %dma_wait3A_73 = tpu.memref_squeeze %dma_wait3A_72 : memref<1x128x128xf32, #tpu.memory_space<vmem>> -> memref<128x128xf32, #tpu.memory_space<vmem>>
        %dma_wait3A_74 = arith.constant 0 : i32
        %dma_wait3A_75 = tpu.memref_slice %arg11[%scan3A_58, %dma_wait3A_74] : memref<5x128xi32, #tpu.memory_space<vmem>> -> memref<1x128xi32, #tpu.memory_space<vmem>>
        %dma_wait3A_76 = tpu.memref_squeeze %dma_wait3A_75 : memref<1x128xi32, #tpu.memory_space<vmem>> -> memref<128xi32, #tpu.memory_space<vmem>>
        %dma_wait3A_77 = arith.constant 0 : i32
        %dma_wait3A_78 = arith.constant 0 : i32
        %dma_wait3A_79 = tpu.memref_slice %arg12[%dma_wait3A_77, %dma_wait3A_78] : memref<10240x128xf32, #tpu.memory_space<vmem_shared>> -> memref<10240x128xf32, #tpu.memory_space<vmem_shared>>
        tpu.wait_indirect_dma semaphore(%run_scoped3A_60 : memref<!tpu.dma_semaphore, #tpu.memory_space<semaphore_mem>>) src(%dma_wait3A_73 : memref<128x128xf32, #tpu.memory_space<vmem>>) dst(%dma_wait3A_79 : memref<10240x128xf32, #tpu.memory_space<vmem_shared>>)
        tpu.yield
      }) : () -> ()
    }
    %scan3A_27 = arith.constant 5 : i32
    %barrier3A = arith.constant 0 : index
    tpu.barrier barrier_id(%barrier3A)
    %run_scoped3A_28 = arith.constant 0 : i32
    "tpu.region"() ({
      %run_scoped3A_58 = tpu.sem_alloc : memref<!tpu.dma_semaphore, #tpu.memory_space<semaphore_mem>>
      %dma_start3A_59 = arith.constant 0 : i32
      %dma_start3A_60 = arith.constant 0 : i32
      %dma_start3A_61 = tpu.memref_slice %arg8[%run_scoped3A_28, %dma_start3A_59, %dma_start3A_60] : memref<2x8x128xi32, #tpu.memory_space<vmem>> -> memref<1x8x128xi32, #tpu.memory_space<vmem>>
      %dma_start3A_62 = tpu.memref_squeeze %dma_start3A_61 : memref<1x8x128xi32, #tpu.memory_space<vmem>> -> memref<8x128xi32, #tpu.memory_space<vmem>>
      %dma_start3A_63 = arith.constant 0 : i32
      %dma_start3A_64 = tpu.memref_slice %arg3[%add3A, %dma_start3A_63] : memref<2560x128xi32, #tpu.memory_space<hbm>> -> memref<8x128xi32, #tpu.memory_space<hbm>>
      %dma_start3A_65 = arith.constant 0 : i32
      %dma_start3A_66 = arith.constant 0 : i32
      %dma_start3A_67 = tpu.memref_slice %arg8[%run_scoped3A_28, %dma_start3A_65, %dma_start3A_66] : memref<2x8x128xi32, #tpu.memory_space<vmem>> -> memref<1x8x128xi32, #tpu.memory_space<vmem>>
      %dma_start3A_68 = tpu.memref_squeeze %dma_start3A_67 : memref<1x8x128xi32, #tpu.memory_space<vmem>> -> memref<8x128xi32, #tpu.memory_space<vmem>>
      %dma_start3A_69 = arith.constant 0 : i32
      %dma_start3A_70 = tpu.memref_slice %arg3[%add3A, %dma_start3A_69] : memref<2560x128xi32, #tpu.memory_space<hbm>> -> memref<8x128xi32, #tpu.memory_space<hbm>>
      tpu.enqueue_dma source(%dma_start3A_70 : memref<8x128xi32, #tpu.memory_space<hbm>>) target(%dma_start3A_68 : memref<8x128xi32, #tpu.memory_space<vmem>>) target_semaphore(%run_scoped3A_58 : memref<!tpu.dma_semaphore, #tpu.memory_space<semaphore_mem>>)
      %dma_wait3A = arith.constant 0 : i32
      %dma_wait3A_71 = arith.constant 0 : i32
      %dma_wait3A_72 = tpu.memref_slice %arg8[%run_scoped3A_28, %dma_wait3A, %dma_wait3A_71] : memref<2x8x128xi32, #tpu.memory_space<vmem>> -> memref<1x8x128xi32, #tpu.memory_space<vmem>>
      %dma_wait3A_73 = tpu.memref_squeeze %dma_wait3A_72 : memref<1x8x128xi32, #tpu.memory_space<vmem>> -> memref<8x128xi32, #tpu.memory_space<vmem>>
      %dma_wait3A_74 = arith.constant 0 : i32
      %dma_wait3A_75 = tpu.memref_slice %arg3[%add3A, %dma_wait3A_74] : memref<2560x128xi32, #tpu.memory_space<hbm>> -> memref<8x128xi32, #tpu.memory_space<hbm>>
      %dma_wait3A_76 = arith.constant 0 : i32
      %dma_wait3A_77 = arith.constant 0 : i32
      %dma_wait3A_78 = tpu.memref_slice %arg8[%run_scoped3A_28, %dma_wait3A_76, %dma_wait3A_77] : memref<2x8x128xi32, #tpu.memory_space<vmem>> -> memref<1x8x128xi32, #tpu.memory_space<vmem>>
      %dma_wait3A_79 = tpu.memref_squeeze %dma_wait3A_78 : memref<1x8x128xi32, #tpu.memory_space<vmem>> -> memref<8x128xi32, #tpu.memory_space<vmem>>
      %dma_wait3A_80 = arith.constant 0 : i32
      %dma_wait3A_81 = tpu.memref_slice %arg3[%add3A, %dma_wait3A_80] : memref<2560x128xi32, #tpu.memory_space<hbm>> -> memref<8x128xi32, #tpu.memory_space<hbm>>
      tpu.wait_dma2 semaphore(%run_scoped3A_58 : memref<!tpu.dma_semaphore, #tpu.memory_space<semaphore_mem>>) src(%dma_wait3A_81 : memref<8x128xi32, #tpu.memory_space<hbm>>) dst(%dma_wait3A_79 : memref<8x128xi32, #tpu.memory_space<vmem>>)
      tpu.yield
    }) : () -> ()
    %run_scoped3A_29 = arith.constant 0 : i32
    "tpu.region"() ({
      %run_scoped3A_58 = tpu.sem_alloc : memref<!tpu.dma_semaphore, #tpu.memory_space<semaphore_mem>>
      %dma_start3A_59 = arith.constant 0 : i32
      %dma_start3A_60 = arith.constant 0 : i32
      %dma_start3A_61 = tpu.memref_slice %arg9[%run_scoped3A_29, %dma_start3A_59, %dma_start3A_60] : memref<2x8x128xi32, #tpu.memory_space<vmem>> -> memref<1x8x128xi32, #tpu.memory_space<vmem>>
      %dma_start3A_62 = tpu.memref_squeeze %dma_start3A_61 : memref<1x8x128xi32, #tpu.memory_space<vmem>> -> memref<8x128xi32, #tpu.memory_space<vmem>>
      %dma_start3A_63 = arith.constant 0 : i32
      %dma_start3A_64 = tpu.memref_slice %arg4[%add3A, %dma_start3A_63] : memref<2560x128xi32, #tpu.memory_space<hbm>> -> memref<8x128xi32, #tpu.memory_space<hbm>>
      %dma_start3A_65 = arith.constant 0 : i32
      %dma_start3A_66 = arith.constant 0 : i32
      %dma_start3A_67 = tpu.memref_slice %arg9[%run_scoped3A_29, %dma_start3A_65, %dma_start3A_66] : memref<2x8x128xi32, #tpu.memory_space<vmem>> -> memref<1x8x128xi32, #tpu.memory_space<vmem>>
      %dma_start3A_68 = tpu.memref_squeeze %dma_start3A_67 : memref<1x8x128xi32, #tpu.memory_space<vmem>> -> memref<8x128xi32, #tpu.memory_space<vmem>>
      %dma_start3A_69 = arith.constant 0 : i32
      %dma_start3A_70 = tpu.memref_slice %arg4[%add3A, %dma_start3A_69] : memref<2560x128xi32, #tpu.memory_space<hbm>> -> memref<8x128xi32, #tpu.memory_space<hbm>>
      tpu.enqueue_dma source(%dma_start3A_70 : memref<8x128xi32, #tpu.memory_space<hbm>>) target(%dma_start3A_68 : memref<8x128xi32, #tpu.memory_space<vmem>>) target_semaphore(%run_scoped3A_58 : memref<!tpu.dma_semaphore, #tpu.memory_space<semaphore_mem>>)
      %dma_wait3A = arith.constant 0 : i32
      %dma_wait3A_71 = arith.constant 0 : i32
      %dma_wait3A_72 = tpu.memref_slice %arg9[%run_scoped3A_29, %dma_wait3A, %dma_wait3A_71] : memref<2x8x128xi32, #tpu.memory_space<vmem>> -> memref<1x8x128xi32, #tpu.memory_space<vmem>>
      %dma_wait3A_73 = tpu.memref_squeeze %dma_wait3A_72 : memref<1x8x128xi32, #tpu.memory_space<vmem>> -> memref<8x128xi32, #tpu.memory_space<vmem>>
      %dma_wait3A_74 = arith.constant 0 : i32
      %dma_wait3A_75 = tpu.memref_slice %arg4[%add3A, %dma_wait3A_74] : memref<2560x128xi32, #tpu.memory_space<hbm>> -> memref<8x128xi32, #tpu.memory_space<hbm>>
      %dma_wait3A_76 = arith.constant 0 : i32
      %dma_wait3A_77 = arith.constant 0 : i32
      %dma_wait3A_78 = tpu.memref_slice %arg9[%run_scoped3A_29, %dma_wait3A_76, %dma_wait3A_77] : memref<2x8x128xi32, #tpu.memory_space<vmem>> -> memref<1x8x128xi32, #tpu.memory_space<vmem>>
      %dma_wait3A_79 = tpu.memref_squeeze %dma_wait3A_78 : memref<1x8x128xi32, #tpu.memory_space<vmem>> -> memref<8x128xi32, #tpu.memory_space<vmem>>
      %dma_wait3A_80 = arith.constant 0 : i32
      %dma_wait3A_81 = tpu.memref_slice %arg4[%add3A, %dma_wait3A_80] : memref<2560x128xi32, #tpu.memory_space<hbm>> -> memref<8x128xi32, #tpu.memory_space<hbm>>
      tpu.wait_dma2 semaphore(%run_scoped3A_58 : memref<!tpu.dma_semaphore, #tpu.memory_space<semaphore_mem>>) src(%dma_wait3A_81 : memref<8x128xi32, #tpu.memory_space<hbm>>) dst(%dma_wait3A_79 : memref<8x128xi32, #tpu.memory_space<vmem>>)
      tpu.yield
    }) : () -> ()
    %dma_start3A = arith.constant 0 : i32
    %dma_start3A_30 = arith.constant 0 : i32
    %dma_start3A_31 = arith.constant 0 : i32
    %dma_start3A_32 = arith.constant 0 : i32
    %dma_start3A_33 = arith.constant 0 : i32
    %dma_start3A_34 = tpu.memref_slice %arg10[%dma_start3A_31, %dma_start3A_32, %dma_start3A_33] : memref<2x128x128xf32, #tpu.memory_space<vmem>> -> memref<1x128x128xf32, #tpu.memory_space<vmem>>
    %dma_start3A_35 = tpu.memref_squeeze %dma_start3A_34 : memref<1x128x128xf32, #tpu.memory_space<vmem>> -> memref<128x128xf32, #tpu.memory_space<vmem>>
    %dma_start3A_36 = arith.constant 0 : i32
    %dma_start3A_37 = tpu.memref_slice %arg8[%dma_start3A, %dma_start3A_30, %dma_start3A_36] : memref<2x8x128xi32, #tpu.memory_space<vmem>> -> memref<1x1x128xi32, #tpu.memory_space<vmem>>
    %dma_start3A_38 = tpu.memref_squeeze %dma_start3A_37 : memref<1x1x128xi32, #tpu.memory_space<vmem>> -> memref<128xi32, #tpu.memory_space<vmem>>
    %dma_start3A_39 = arith.constant 0 : i32
    %dma_start3A_40 = arith.constant 0 : i32
    %dma_start3A_41 = tpu.memref_slice %arg2[%dma_start3A_39, %dma_start3A_40] : memref<10000x128xf32, #tpu.memory_space<hbm>> -> memref<10000x128xf32, #tpu.memory_space<hbm>>
    tpu.enqueue_indirect_dma source(%dma_start3A_41 : memref<10000x128xf32, #tpu.memory_space<hbm>>) target(%dma_start3A_35 : memref<128x128xf32, #tpu.memory_space<vmem>>) offsets(%dma_start3A_38 : memref<128xi32, #tpu.memory_space<vmem>>) semaphore(%arg13 : memref<!tpu.dma_semaphore, #tpu.memory_space<semaphore_mem>>)
    %while3A = arith.constant 0 : i32
    %while3A_42 = arith.constant 0 : i32
    %while3A_43 = arith.subi %select_n3A, %while3A_42 : i32
    %while3A_44 = arith.addi %while3A_42, %while3A_43 : i32
    %while3A_45 = arith.constant 1 : i32
    %while3A_46 = arith.divsi %while3A_43, %while3A_45 : i32
    %while3A_47 = arith.muli %while3A_46, %while3A_45 : i32
    %while3A_48 = arith.addi %while3A_42, %while3A_47 : i32
    %while3A_49 = arith.constant 1 : i32
    scf.for %while3A_58 = %while3A_42 to %while3A_48 step %while3A_49  : i32 {
      %rem3A_59 = arith.constant 2 : i32
      %rem3A_60 = arith.remsi %while3A_58, %rem3A_59 : i32
      %add3A_61 = arith.constant 1 : i32
      %add3A_62 = arith.addi %while3A_58, %add3A_61 : i32
      %rem3A_63 = arith.constant 2 : i32
      %rem3A_64 = arith.remsi %add3A_62, %rem3A_63 : i32
      %add3A_65 = arith.constant 1 : i32
      %add3A_66 = arith.addi %while3A_58, %add3A_65 : i32
      %lt3A = arith.cmpi slt, %add3A_66, %select_n3A : i32
      %convert_element_type3A = arith.extui %lt3A : i1 to i32
      %cond3A = arith.constant 0 : i32
      %cond3A_67 = arith.cmpi ne, %convert_element_type3A, %cond3A : i32
      scf.if %cond3A_67 {
        %add3A_269 = arith.constant 1 : i32
        %add3A_270 = arith.addi %while3A_58, %add3A_269 : i32
        %mul3A_271 = arith.constant 8 : i32
        %mul3A_272 = arith.muli %add3A_270, %mul3A_271 : i32
        %add3A_273 = arith.addi %add3A, %mul3A_272 : i32
        "tpu.region"() ({
          %run_scoped3A_279 = tpu.sem_alloc : memref<!tpu.dma_semaphore, #tpu.memory_space<semaphore_mem>>
          %dma_start3A_280 = arith.constant 0 : i32
          %dma_start3A_281 = arith.constant 0 : i32
          %dma_start3A_282 = tpu.memref_slice %arg8[%rem3A_64, %dma_start3A_280, %dma_start3A_281] : memref<2x8x128xi32, #tpu.memory_space<vmem>> -> memref<1x8x128xi32, #tpu.memory_space<vmem>>
          %dma_start3A_283 = tpu.memref_squeeze %dma_start3A_282 : memref<1x8x128xi32, #tpu.memory_space<vmem>> -> memref<8x128xi32, #tpu.memory_space<vmem>>
          %dma_start3A_284 = arith.constant 0 : i32
          %dma_start3A_285 = tpu.memref_slice %arg3[%add3A_273, %dma_start3A_284] : memref<2560x128xi32, #tpu.memory_space<hbm>> -> memref<8x128xi32, #tpu.memory_space<hbm>>
          %dma_start3A_286 = arith.constant 0 : i32
          %dma_start3A_287 = arith.constant 0 : i32
          %dma_start3A_288 = tpu.memref_slice %arg8[%rem3A_64, %dma_start3A_286, %dma_start3A_287] : memref<2x8x128xi32, #tpu.memory_space<vmem>> -> memref<1x8x128xi32, #tpu.memory_space<vmem>>
          %dma_start3A_289 = tpu.memref_squeeze %dma_start3A_288 : memref<1x8x128xi32, #tpu.memory_space<vmem>> -> memref<8x128xi32, #tpu.memory_space<vmem>>
          %dma_start3A_290 = arith.constant 0 : i32
          %dma_start3A_291 = tpu.memref_slice %arg3[%add3A_273, %dma_start3A_290] : memref<2560x128xi32, #tpu.memory_space<hbm>> -> memref<8x128xi32, #tpu.memory_space<hbm>>
          tpu.enqueue_dma source(%dma_start3A_291 : memref<8x128xi32, #tpu.memory_space<hbm>>) target(%dma_start3A_289 : memref<8x128xi32, #tpu.memory_space<vmem>>) target_semaphore(%run_scoped3A_279 : memref<!tpu.dma_semaphore, #tpu.memory_space<semaphore_mem>>)
          %dma_wait3A_292 = arith.constant 0 : i32
          %dma_wait3A_293 = arith.constant 0 : i32
          %dma_wait3A_294 = tpu.memref_slice %arg8[%rem3A_64, %dma_wait3A_292, %dma_wait3A_293] : memref<2x8x128xi32, #tpu.memory_space<vmem>> -> memref<1x8x128xi32, #tpu.memory_space<vmem>>
          %dma_wait3A_295 = tpu.memref_squeeze %dma_wait3A_294 : memref<1x8x128xi32, #tpu.memory_space<vmem>> -> memref<8x128xi32, #tpu.memory_space<vmem>>
          %dma_wait3A_296 = arith.constant 0 : i32
          %dma_wait3A_297 = tpu.memref_slice %arg3[%add3A_273, %dma_wait3A_296] : memref<2560x128xi32, #tpu.memory_space<hbm>> -> memref<8x128xi32, #tpu.memory_space<hbm>>
          %dma_wait3A_298 = arith.constant 0 : i32
          %dma_wait3A_299 = arith.constant 0 : i32
          %dma_wait3A_300 = tpu.memref_slice %arg8[%rem3A_64, %dma_wait3A_298, %dma_wait3A_299] : memref<2x8x128xi32, #tpu.memory_space<vmem>> -> memref<1x8x128xi32, #tpu.memory_space<vmem>>
          %dma_wait3A_301 = tpu.memref_squeeze %dma_wait3A_300 : memref<1x8x128xi32, #tpu.memory_space<vmem>> -> memref<8x128xi32, #tpu.memory_space<vmem>>
          %dma_wait3A_302 = arith.constant 0 : i32
          %dma_wait3A_303 = tpu.memref_slice %arg3[%add3A_273, %dma_wait3A_302] : memref<2560x128xi32, #tpu.memory_space<hbm>> -> memref<8x128xi32, #tpu.memory_space<hbm>>
          tpu.wait_dma2 semaphore(%run_scoped3A_279 : memref<!tpu.dma_semaphore, #tpu.memory_space<semaphore_mem>>) src(%dma_wait3A_303 : memref<8x128xi32, #tpu.memory_space<hbm>>) dst(%dma_wait3A_301 : memref<8x128xi32, #tpu.memory_space<vmem>>)
          tpu.yield
        }) : () -> ()
        %add3A_274 = arith.constant 1 : i32
        %add3A_275 = arith.addi %while3A_58, %add3A_274 : i32
        %mul3A_276 = arith.constant 8 : i32
        %mul3A_277 = arith.muli %add3A_275, %mul3A_276 : i32
        %add3A_278 = arith.addi %add3A, %mul3A_277 : i32
        "tpu.region"() ({
          %run_scoped3A_279 = tpu.sem_alloc : memref<!tpu.dma_semaphore, #tpu.memory_space<semaphore_mem>>
          %dma_start3A_280 = arith.constant 0 : i32
          %dma_start3A_281 = arith.constant 0 : i32
          %dma_start3A_282 = tpu.memref_slice %arg9[%rem3A_64, %dma_start3A_280, %dma_start3A_281] : memref<2x8x128xi32, #tpu.memory_space<vmem>> -> memref<1x8x128xi32, #tpu.memory_space<vmem>>
          %dma_start3A_283 = tpu.memref_squeeze %dma_start3A_282 : memref<1x8x128xi32, #tpu.memory_space<vmem>> -> memref<8x128xi32, #tpu.memory_space<vmem>>
          %dma_start3A_284 = arith.constant 0 : i32
          %dma_start3A_285 = tpu.memref_slice %arg4[%add3A_278, %dma_start3A_284] : memref<2560x128xi32, #tpu.memory_space<hbm>> -> memref<8x128xi32, #tpu.memory_space<hbm>>
          %dma_start3A_286 = arith.constant 0 : i32
          %dma_start3A_287 = arith.constant 0 : i32
          %dma_start3A_288 = tpu.memref_slice %arg9[%rem3A_64, %dma_start3A_286, %dma_start3A_287] : memref<2x8x128xi32, #tpu.memory_space<vmem>> -> memref<1x8x128xi32, #tpu.memory_space<vmem>>
          %dma_start3A_289 = tpu.memref_squeeze %dma_start3A_288 : memref<1x8x128xi32, #tpu.memory_space<vmem>> -> memref<8x128xi32, #tpu.memory_space<vmem>>
          %dma_start3A_290 = arith.constant 0 : i32
          %dma_start3A_291 = tpu.memref_slice %arg4[%add3A_278, %dma_start3A_290] : memref<2560x128xi32, #tpu.memory_space<hbm>> -> memref<8x128xi32, #tpu.memory_space<hbm>>
          tpu.enqueue_dma source(%dma_start3A_291 : memref<8x128xi32, #tpu.memory_space<hbm>>) target(%dma_start3A_289 : memref<8x128xi32, #tpu.memory_space<vmem>>) target_semaphore(%run_scoped3A_279 : memref<!tpu.dma_semaphore, #tpu.memory_space<semaphore_mem>>)
          %dma_wait3A_292 = arith.constant 0 : i32
          %dma_wait3A_293 = arith.constant 0 : i32
          %dma_wait3A_294 = tpu.memref_slice %arg9[%rem3A_64, %dma_wait3A_292, %dma_wait3A_293] : memref<2x8x128xi32, #tpu.memory_space<vmem>> -> memref<1x8x128xi32, #tpu.memory_space<vmem>>
          %dma_wait3A_295 = tpu.memref_squeeze %dma_wait3A_294 : memref<1x8x128xi32, #tpu.memory_space<vmem>> -> memref<8x128xi32, #tpu.memory_space<vmem>>
          %dma_wait3A_296 = arith.constant 0 : i32
          %dma_wait3A_297 = tpu.memref_slice %arg4[%add3A_278, %dma_wait3A_296] : memref<2560x128xi32, #tpu.memory_space<hbm>> -> memref<8x128xi32, #tpu.memory_space<hbm>>
          %dma_wait3A_298 = arith.constant 0 : i32
          %dma_wait3A_299 = arith.constant 0 : i32
          %dma_wait3A_300 = tpu.memref_slice %arg9[%rem3A_64, %dma_wait3A_298, %dma_wait3A_299] : memref<2x8x128xi32, #tpu.memory_space<vmem>> -> memref<1x8x128xi32, #tpu.memory_space<vmem>>
          %dma_wait3A_301 = tpu.memref_squeeze %dma_wait3A_300 : memref<1x8x128xi32, #tpu.memory_space<vmem>> -> memref<8x128xi32, #tpu.memory_space<vmem>>
          %dma_wait3A_302 = arith.constant 0 : i32
          %dma_wait3A_303 = tpu.memref_slice %arg4[%add3A_278, %dma_wait3A_302] : memref<2560x128xi32, #tpu.memory_space<hbm>> -> memref<8x128xi32, #tpu.memory_space<hbm>>
          tpu.wait_dma2 semaphore(%run_scoped3A_279 : memref<!tpu.dma_semaphore, #tpu.memory_space<semaphore_mem>>) src(%dma_wait3A_303 : memref<8x128xi32, #tpu.memory_space<hbm>>) dst(%dma_wait3A_301 : memref<8x128xi32, #tpu.memory_space<vmem>>)
          tpu.yield
        }) : () -> ()
      } else {
      }
      %dma_wait3A = arith.constant 0 : i32
      %dma_wait3A_68 = arith.constant 0 : i32
      %dma_wait3A_69 = arith.constant 0 : i32
      %dma_wait3A_70 = arith.constant 0 : i32
      %dma_wait3A_71 = tpu.memref_slice %arg10[%dma_wait3A_68, %dma_wait3A_69, %dma_wait3A_70] : memref<2x128x128xf32, #tpu.memory_space<vmem>> -> memref<1x128x128xf32, #tpu.memory_space<vmem>>
      %dma_wait3A_72 = tpu.memref_squeeze %dma_wait3A_71 : memref<1x128x128xf32, #tpu.memory_space<vmem>> -> memref<128x128xf32, #tpu.memory_space<vmem>>
      %dma_wait3A_73 = arith.constant 0 : i32
      %dma_wait3A_74 = tpu.memref_slice %arg8[%rem3A_60, %dma_wait3A, %dma_wait3A_73] : memref<2x8x128xi32, #tpu.memory_space<vmem>> -> memref<1x1x128xi32, #tpu.memory_space<vmem>>
      %dma_wait3A_75 = tpu.memref_squeeze %dma_wait3A_74 : memref<1x1x128xi32, #tpu.memory_space<vmem>> -> memref<128xi32, #tpu.memory_space<vmem>>
      %dma_wait3A_76 = arith.constant 0 : i32
      %dma_wait3A_77 = arith.constant 0 : i32
      %dma_wait3A_78 = tpu.memref_slice %arg2[%dma_wait3A_76, %dma_wait3A_77] : memref<10000x128xf32, #tpu.memory_space<hbm>> -> memref<10000x128xf32, #tpu.memory_space<hbm>>
      tpu.wait_indirect_dma semaphore(%arg13 : memref<!tpu.dma_semaphore, #tpu.memory_space<semaphore_mem>>) src(%dma_wait3A_78 : memref<10000x128xf32, #tpu.memory_space<hbm>>) dst(%dma_wait3A_72 : memref<128x128xf32, #tpu.memory_space<vmem>>)
      %dma_start3A_79 = arith.constant 1 : i32
      %dma_start3A_80 = arith.constant 1 : i32
      %dma_start3A_81 = arith.constant 0 : i32
      %dma_start3A_82 = arith.constant 0 : i32
      %dma_start3A_83 = tpu.memref_slice %arg10[%dma_start3A_80, %dma_start3A_81, %dma_start3A_82] : memref<2x128x128xf32, #tpu.memory_space<vmem>> -> memref<1x128x128xf32, #tpu.memory_space<vmem>>
      %dma_start3A_84 = tpu.memref_squeeze %dma_start3A_83 : memref<1x128x128xf32, #tpu.memory_space<vmem>> -> memref<128x128xf32, #tpu.memory_space<vmem>>
      %dma_start3A_85 = arith.constant 0 : i32
      %dma_start3A_86 = tpu.memref_slice %arg8[%rem3A_60, %dma_start3A_79, %dma_start3A_85] : memref<2x8x128xi32, #tpu.memory_space<vmem>> -> memref<1x1x128xi32, #tpu.memory_space<vmem>>
      %dma_start3A_87 = tpu.memref_squeeze %dma_start3A_86 : memref<1x1x128xi32, #tpu.memory_space<vmem>> -> memref<128xi32, #tpu.memory_space<vmem>>
      %dma_start3A_88 = arith.constant 0 : i32
      %dma_start3A_89 = arith.constant 0 : i32
      %dma_start3A_90 = tpu.memref_slice %arg2[%dma_start3A_88, %dma_start3A_89] : memref<10000x128xf32, #tpu.memory_space<hbm>> -> memref<10000x128xf32, #tpu.memory_space<hbm>>
      tpu.enqueue_indirect_dma source(%dma_start3A_90 : memref<10000x128xf32, #tpu.memory_space<hbm>>) target(%dma_start3A_84 : memref<128x128xf32, #tpu.memory_space<vmem>>) offsets(%dma_start3A_87 : memref<128xi32, #tpu.memory_space<vmem>>) semaphore(%arg13 : memref<!tpu.dma_semaphore, #tpu.memory_space<semaphore_mem>>)
      %run_scoped3A_91 = arith.constant 0 : i32
      %run_scoped3A_92 = arith.constant 0 : i32
      "tpu.region"() ({
        %run_scoped3A_269 = tpu.sem_alloc : memref<!tpu.dma_semaphore, #tpu.memory_space<semaphore_mem>>
        %dma_start3A_270 = arith.constant 0 : i32
        %dma_start3A_271 = arith.constant 0 : i32
        %dma_start3A_272 = tpu.memref_slice %arg10[%run_scoped3A_91, %dma_start3A_270, %dma_start3A_271] : memref<2x128x128xf32, #tpu.memory_space<vmem>> -> memref<1x128x128xf32, #tpu.memory_space<vmem>>
        %dma_start3A_273 = tpu.memref_squeeze %dma_start3A_272 : memref<1x128x128xf32, #tpu.memory_space<vmem>> -> memref<128x128xf32, #tpu.memory_space<vmem>>
        %dma_start3A_274 = arith.constant 0 : i32
        %dma_start3A_275 = tpu.memref_slice %arg9[%rem3A_60, %run_scoped3A_92, %dma_start3A_274] : memref<2x8x128xi32, #tpu.memory_space<vmem>> -> memref<1x1x128xi32, #tpu.memory_space<vmem>>
        %dma_start3A_276 = tpu.memref_squeeze %dma_start3A_275 : memref<1x1x128xi32, #tpu.memory_space<vmem>> -> memref<128xi32, #tpu.memory_space<vmem>>
        %dma_start3A_277 = arith.constant 0 : i32
        %dma_start3A_278 = arith.constant 0 : i32
        %dma_start3A_279 = tpu.memref_slice %arg12[%dma_start3A_277, %dma_start3A_278] : memref<10240x128xf32, #tpu.memory_space<vmem_shared>> -> memref<10240x128xf32, #tpu.memory_space<vmem_shared>>
        tpu.enqueue_indirect_dma source(%dma_start3A_273 : memref<128x128xf32, #tpu.memory_space<vmem>>) target(%dma_start3A_279 : memref<10240x128xf32, #tpu.memory_space<vmem_shared>>) offsets(%dma_start3A_276 : memref<128xi32, #tpu.memory_space<vmem>>) semaphore(%run_scoped3A_269 : memref<!tpu.dma_semaphore, #tpu.memory_space<semaphore_mem>>) {add = true}
        %dma_wait3A_280 = arith.constant 0 : i32
        %dma_wait3A_281 = arith.constant 0 : i32
        %dma_wait3A_282 = tpu.memref_slice %arg10[%run_scoped3A_91, %dma_wait3A_280, %dma_wait3A_281] : memref<2x128x128xf32, #tpu.memory_space<vmem>> -> memref<1x128x128xf32, #tpu.memory_space<vmem>>
        %dma_wait3A_283 = tpu.memref_squeeze %dma_wait3A_282 : memref<1x128x128xf32, #tpu.memory_space<vmem>> -> memref<128x128xf32, #tpu.memory_space<vmem>>
        %dma_wait3A_284 = arith.constant 0 : i32
        %dma_wait3A_285 = tpu.memref_slice %arg9[%rem3A_60, %run_scoped3A_92, %dma_wait3A_284] : memref<2x8x128xi32, #tpu.memory_space<vmem>> -> memref<1x1x128xi32, #tpu.memory_space<vmem>>
        %dma_wait3A_286 = tpu.memref_squeeze %dma_wait3A_285 : memref<1x1x128xi32, #tpu.memory_space<vmem>> -> memref<128xi32, #tpu.memory_space<vmem>>
        %dma_wait3A_287 = arith.constant 0 : i32
        %dma_wait3A_288 = arith.constant 0 : i32
        %dma_wait3A_289 = tpu.memref_slice %arg12[%dma_wait3A_287, %dma_wait3A_288] : memref<10240x128xf32, #tpu.memory_space<vmem_shared>> -> memref<10240x128xf32, #tpu.memory_space<vmem_shared>>
        tpu.wait_indirect_dma semaphore(%run_scoped3A_269 : memref<!tpu.dma_semaphore, #tpu.memory_space<semaphore_mem>>) src(%dma_wait3A_283 : memref<128x128xf32, #tpu.memory_space<vmem>>) dst(%dma_wait3A_289 : memref<10240x128xf32, #tpu.memory_space<vmem_shared>>)
        tpu.yield
      }) : () -> ()
      %dma_wait3A_93 = arith.constant 1 : i32
      %dma_wait3A_94 = arith.constant 1 : i32
      %dma_wait3A_95 = arith.constant 0 : i32
      %dma_wait3A_96 = arith.constant 0 : i32
      %dma_wait3A_97 = tpu.memref_slice %arg10[%dma_wait3A_94, %dma_wait3A_95, %dma_wait3A_96] : memref<2x128x128xf32, #tpu.memory_space<vmem>> -> memref<1x128x128xf32, #tpu.memory_space<vmem>>
      %dma_wait3A_98 = tpu.memref_squeeze %dma_wait3A_97 : memref<1x128x128xf32, #tpu.memory_space<vmem>> -> memref<128x128xf32, #tpu.memory_space<vmem>>
      %dma_wait3A_99 = arith.constant 0 : i32
      %dma_wait3A_100 = tpu.memref_slice %arg8[%rem3A_60, %dma_wait3A_93, %dma_wait3A_99] : memref<2x8x128xi32, #tpu.memory_space<vmem>> -> memref<1x1x128xi32, #tpu.memory_space<vmem>>
      %dma_wait3A_101 = tpu.memref_squeeze %dma_wait3A_100 : memref<1x1x128xi32, #tpu.memory_space<vmem>> -> memref<128xi32, #tpu.memory_space<vmem>>
      %dma_wait3A_102 = arith.constant 0 : i32
      %dma_wait3A_103 = arith.constant 0 : i32
      %dma_wait3A_104 = tpu.memref_slice %arg2[%dma_wait3A_102, %dma_wait3A_103] : memref<10000x128xf32, #tpu.memory_space<hbm>> -> memref<10000x128xf32, #tpu.memory_space<hbm>>
      tpu.wait_indirect_dma semaphore(%arg13 : memref<!tpu.dma_semaphore, #tpu.memory_space<semaphore_mem>>) src(%dma_wait3A_104 : memref<10000x128xf32, #tpu.memory_space<hbm>>) dst(%dma_wait3A_98 : memref<128x128xf32, #tpu.memory_space<vmem>>)
      %dma_start3A_105 = arith.constant 2 : i32
      %dma_start3A_106 = arith.constant 0 : i32
      %dma_start3A_107 = arith.constant 0 : i32
      %dma_start3A_108 = arith.constant 0 : i32
      %dma_start3A_109 = tpu.memref_slice %arg10[%dma_start3A_106, %dma_start3A_107, %dma_start3A_108] : memref<2x128x128xf32, #tpu.memory_space<vmem>> -> memref<1x128x128xf32, #tpu.memory_space<vmem>>
      %dma_start3A_110 = tpu.memref_squeeze %dma_start3A_109 : memref<1x128x128xf32, #tpu.memory_space<vmem>> -> memref<128x128xf32, #tpu.memory_space<vmem>>
      %dma_start3A_111 = arith.constant 0 : i32
      %dma_start3A_112 = tpu.memref_slice %arg8[%rem3A_60, %dma_start3A_105, %dma_start3A_111] : memref<2x8x128xi32, #tpu.memory_space<vmem>> -> memref<1x1x128xi32, #tpu.memory_space<vmem>>
      %dma_start3A_113 = tpu.memref_squeeze %dma_start3A_112 : memref<1x1x128xi32, #tpu.memory_space<vmem>> -> memref<128xi32, #tpu.memory_space<vmem>>
      %dma_start3A_114 = arith.constant 0 : i32
      %dma_start3A_115 = arith.constant 0 : i32
      %dma_start3A_116 = tpu.memref_slice %arg2[%dma_start3A_114, %dma_start3A_115] : memref<10000x128xf32, #tpu.memory_space<hbm>> -> memref<10000x128xf32, #tpu.memory_space<hbm>>
      tpu.enqueue_indirect_dma source(%dma_start3A_116 : memref<10000x128xf32, #tpu.memory_space<hbm>>) target(%dma_start3A_110 : memref<128x128xf32, #tpu.memory_space<vmem>>) offsets(%dma_start3A_113 : memref<128xi32, #tpu.memory_space<vmem>>) semaphore(%arg13 : memref<!tpu.dma_semaphore, #tpu.memory_space<semaphore_mem>>)
      %run_scoped3A_117 = arith.constant 1 : i32
      %run_scoped3A_118 = arith.constant 1 : i32
      "tpu.region"() ({
        %run_scoped3A_269 = tpu.sem_alloc : memref<!tpu.dma_semaphore, #tpu.memory_space<semaphore_mem>>
        %dma_start3A_270 = arith.constant 0 : i32
        %dma_start3A_271 = arith.constant 0 : i32
        %dma_start3A_272 = tpu.memref_slice %arg10[%run_scoped3A_117, %dma_start3A_270, %dma_start3A_271] : memref<2x128x128xf32, #tpu.memory_space<vmem>> -> memref<1x128x128xf32, #tpu.memory_space<vmem>>
        %dma_start3A_273 = tpu.memref_squeeze %dma_start3A_272 : memref<1x128x128xf32, #tpu.memory_space<vmem>> -> memref<128x128xf32, #tpu.memory_space<vmem>>
        %dma_start3A_274 = arith.constant 0 : i32
        %dma_start3A_275 = tpu.memref_slice %arg9[%rem3A_60, %run_scoped3A_118, %dma_start3A_274] : memref<2x8x128xi32, #tpu.memory_space<vmem>> -> memref<1x1x128xi32, #tpu.memory_space<vmem>>
        %dma_start3A_276 = tpu.memref_squeeze %dma_start3A_275 : memref<1x1x128xi32, #tpu.memory_space<vmem>> -> memref<128xi32, #tpu.memory_space<vmem>>
        %dma_start3A_277 = arith.constant 0 : i32
        %dma_start3A_278 = arith.constant 0 : i32
        %dma_start3A_279 = tpu.memref_slice %arg12[%dma_start3A_277, %dma_start3A_278] : memref<10240x128xf32, #tpu.memory_space<vmem_shared>> -> memref<10240x128xf32, #tpu.memory_space<vmem_shared>>
        tpu.enqueue_indirect_dma source(%dma_start3A_273 : memref<128x128xf32, #tpu.memory_space<vmem>>) target(%dma_start3A_279 : memref<10240x128xf32, #tpu.memory_space<vmem_shared>>) offsets(%dma_start3A_276 : memref<128xi32, #tpu.memory_space<vmem>>) semaphore(%run_scoped3A_269 : memref<!tpu.dma_semaphore, #tpu.memory_space<semaphore_mem>>) {add = true}
        %dma_wait3A_280 = arith.constant 0 : i32
        %dma_wait3A_281 = arith.constant 0 : i32
        %dma_wait3A_282 = tpu.memref_slice %arg10[%run_scoped3A_117, %dma_wait3A_280, %dma_wait3A_281] : memref<2x128x128xf32, #tpu.memory_space<vmem>> -> memref<1x128x128xf32, #tpu.memory_space<vmem>>
        %dma_wait3A_283 = tpu.memref_squeeze %dma_wait3A_282 : memref<1x128x128xf32, #tpu.memory_space<vmem>> -> memref<128x128xf32, #tpu.memory_space<vmem>>
        %dma_wait3A_284 = arith.constant 0 : i32
        %dma_wait3A_285 = tpu.memref_slice %arg9[%rem3A_60, %run_scoped3A_118, %dma_wait3A_284] : memref<2x8x128xi32, #tpu.memory_space<vmem>> -> memref<1x1x128xi32, #tpu.memory_space<vmem>>
        %dma_wait3A_286 = tpu.memref_squeeze %dma_wait3A_285 : memref<1x1x128xi32, #tpu.memory_space<vmem>> -> memref<128xi32, #tpu.memory_space<vmem>>
        %dma_wait3A_287 = arith.constant 0 : i32
        %dma_wait3A_288 = arith.constant 0 : i32
        %dma_wait3A_289 = tpu.memref_slice %arg12[%dma_wait3A_287, %dma_wait3A_288] : memref<10240x128xf32, #tpu.memory_space<vmem_shared>> -> memref<10240x128xf32, #tpu.memory_space<vmem_shared>>
        tpu.wait_indirect_dma semaphore(%run_scoped3A_269 : memref<!tpu.dma_semaphore, #tpu.memory_space<semaphore_mem>>) src(%dma_wait3A_283 : memref<128x128xf32, #tpu.memory_space<vmem>>) dst(%dma_wait3A_289 : memref<10240x128xf32, #tpu.memory_space<vmem_shared>>)
        tpu.yield
      }) : () -> ()
      %dma_wait3A_119 = arith.constant 2 : i32
      %dma_wait3A_120 = arith.constant 0 : i32
      %dma_wait3A_121 = arith.constant 0 : i32
      %dma_wait3A_122 = arith.constant 0 : i32
      %dma_wait3A_123 = tpu.memref_slice %arg10[%dma_wait3A_120, %dma_wait3A_121, %dma_wait3A_122] : memref<2x128x128xf32, #tpu.memory_space<vmem>> -> memref<1x128x128xf32, #tpu.memory_space<vmem>>
      %dma_wait3A_124 = tpu.memref_squeeze %dma_wait3A_123 : memref<1x128x128xf32, #tpu.memory_space<vmem>> -> memref<128x128xf32, #tpu.memory_space<vmem>>
      %dma_wait3A_125 = arith.constant 0 : i32
      %dma_wait3A_126 = tpu.memref_slice %arg8[%rem3A_60, %dma_wait3A_119, %dma_wait3A_125] : memref<2x8x128xi32, #tpu.memory_space<vmem>> -> memref<1x1x128xi32, #tpu.memory_space<vmem>>
      %dma_wait3A_127 = tpu.memref_squeeze %dma_wait3A_126 : memref<1x1x128xi32, #tpu.memory_space<vmem>> -> memref<128xi32, #tpu.memory_space<vmem>>
      %dma_wait3A_128 = arith.constant 0 : i32
      %dma_wait3A_129 = arith.constant 0 : i32
      %dma_wait3A_130 = tpu.memref_slice %arg2[%dma_wait3A_128, %dma_wait3A_129] : memref<10000x128xf32, #tpu.memory_space<hbm>> -> memref<10000x128xf32, #tpu.memory_space<hbm>>
      tpu.wait_indirect_dma semaphore(%arg13 : memref<!tpu.dma_semaphore, #tpu.memory_space<semaphore_mem>>) src(%dma_wait3A_130 : memref<10000x128xf32, #tpu.memory_space<hbm>>) dst(%dma_wait3A_124 : memref<128x128xf32, #tpu.memory_space<vmem>>)
      %dma_start3A_131 = arith.constant 3 : i32
      %dma_start3A_132 = arith.constant 1 : i32
      %dma_start3A_133 = arith.constant 0 : i32
      %dma_start3A_134 = arith.constant 0 : i32
      %dma_start3A_135 = tpu.memref_slice %arg10[%dma_start3A_132, %dma_start3A_133, %dma_start3A_134] : memref<2x128x128xf32, #tpu.memory_space<vmem>> -> memref<1x128x128xf32, #tpu.memory_space<vmem>>
      %dma_start3A_136 = tpu.memref_squeeze %dma_start3A_135 : memref<1x128x128xf32, #tpu.memory_space<vmem>> -> memref<128x128xf32, #tpu.memory_space<vmem>>
      %dma_start3A_137 = arith.constant 0 : i32
      %dma_start3A_138 = tpu.memref_slice %arg8[%rem3A_60, %dma_start3A_131, %dma_start3A_137] : memref<2x8x128xi32, #tpu.memory_space<vmem>> -> memref<1x1x128xi32, #tpu.memory_space<vmem>>
      %dma_start3A_139 = tpu.memref_squeeze %dma_start3A_138 : memref<1x1x128xi32, #tpu.memory_space<vmem>> -> memref<128xi32, #tpu.memory_space<vmem>>
      %dma_start3A_140 = arith.constant 0 : i32
      %dma_start3A_141 = arith.constant 0 : i32
      %dma_start3A_142 = tpu.memref_slice %arg2[%dma_start3A_140, %dma_start3A_141] : memref<10000x128xf32, #tpu.memory_space<hbm>> -> memref<10000x128xf32, #tpu.memory_space<hbm>>
      tpu.enqueue_indirect_dma source(%dma_start3A_142 : memref<10000x128xf32, #tpu.memory_space<hbm>>) target(%dma_start3A_136 : memref<128x128xf32, #tpu.memory_space<vmem>>) offsets(%dma_start3A_139 : memref<128xi32, #tpu.memory_space<vmem>>) semaphore(%arg13 : memref<!tpu.dma_semaphore, #tpu.memory_space<semaphore_mem>>)
      %run_scoped3A_143 = arith.constant 0 : i32
      %run_scoped3A_144 = arith.constant 2 : i32
      "tpu.region"() ({
        %run_scoped3A_269 = tpu.sem_alloc : memref<!tpu.dma_semaphore, #tpu.memory_space<semaphore_mem>>
        %dma_start3A_270 = arith.constant 0 : i32
        %dma_start3A_271 = arith.constant 0 : i32
        %dma_start3A_272 = tpu.memref_slice %arg10[%run_scoped3A_143, %dma_start3A_270, %dma_start3A_271] : memref<2x128x128xf32, #tpu.memory_space<vmem>> -> memref<1x128x128xf32, #tpu.memory_space<vmem>>
        %dma_start3A_273 = tpu.memref_squeeze %dma_start3A_272 : memref<1x128x128xf32, #tpu.memory_space<vmem>> -> memref<128x128xf32, #tpu.memory_space<vmem>>
        %dma_start3A_274 = arith.constant 0 : i32
        %dma_start3A_275 = tpu.memref_slice %arg9[%rem3A_60, %run_scoped3A_144, %dma_start3A_274] : memref<2x8x128xi32, #tpu.memory_space<vmem>> -> memref<1x1x128xi32, #tpu.memory_space<vmem>>
        %dma_start3A_276 = tpu.memref_squeeze %dma_start3A_275 : memref<1x1x128xi32, #tpu.memory_space<vmem>> -> memref<128xi32, #tpu.memory_space<vmem>>
        %dma_start3A_277 = arith.constant 0 : i32
        %dma_start3A_278 = arith.constant 0 : i32
        %dma_start3A_279 = tpu.memref_slice %arg12[%dma_start3A_277, %dma_start3A_278] : memref<10240x128xf32, #tpu.memory_space<vmem_shared>> -> memref<10240x128xf32, #tpu.memory_space<vmem_shared>>
        tpu.enqueue_indirect_dma source(%dma_start3A_273 : memref<128x128xf32, #tpu.memory_space<vmem>>) target(%dma_start3A_279 : memref<10240x128xf32, #tpu.memory_space<vmem_shared>>) offsets(%dma_start3A_276 : memref<128xi32, #tpu.memory_space<vmem>>) semaphore(%run_scoped3A_269 : memref<!tpu.dma_semaphore, #tpu.memory_space<semaphore_mem>>) {add = true}
        %dma_wait3A_280 = arith.constant 0 : i32
        %dma_wait3A_281 = arith.constant 0 : i32
        %dma_wait3A_282 = tpu.memref_slice %arg10[%run_scoped3A_143, %dma_wait3A_280, %dma_wait3A_281] : memref<2x128x128xf32, #tpu.memory_space<vmem>> -> memref<1x128x128xf32, #tpu.memory_space<vmem>>
        %dma_wait3A_283 = tpu.memref_squeeze %dma_wait3A_282 : memref<1x128x128xf32, #tpu.memory_space<vmem>> -> memref<128x128xf32, #tpu.memory_space<vmem>>
        %dma_wait3A_284 = arith.constant 0 : i32
        %dma_wait3A_285 = tpu.memref_slice %arg9[%rem3A_60, %run_scoped3A_144, %dma_wait3A_284] : memref<2x8x128xi32, #tpu.memory_space<vmem>> -> memref<1x1x128xi32, #tpu.memory_space<vmem>>
        %dma_wait3A_286 = tpu.memref_squeeze %dma_wait3A_285 : memref<1x1x128xi32, #tpu.memory_space<vmem>> -> memref<128xi32, #tpu.memory_space<vmem>>
        %dma_wait3A_287 = arith.constant 0 : i32
        %dma_wait3A_288 = arith.constant 0 : i32
        %dma_wait3A_289 = tpu.memref_slice %arg12[%dma_wait3A_287, %dma_wait3A_288] : memref<10240x128xf32, #tpu.memory_space<vmem_shared>> -> memref<10240x128xf32, #tpu.memory_space<vmem_shared>>
        tpu.wait_indirect_dma semaphore(%run_scoped3A_269 : memref<!tpu.dma_semaphore, #tpu.memory_space<semaphore_mem>>) src(%dma_wait3A_283 : memref<128x128xf32, #tpu.memory_space<vmem>>) dst(%dma_wait3A_289 : memref<10240x128xf32, #tpu.memory_space<vmem_shared>>)
        tpu.yield
      }) : () -> ()
      %dma_wait3A_145 = arith.constant 3 : i32
      %dma_wait3A_146 = arith.constant 1 : i32
      %dma_wait3A_147 = arith.constant 0 : i32
      %dma_wait3A_148 = arith.constant 0 : i32
      %dma_wait3A_149 = tpu.memref_slice %arg10[%dma_wait3A_146, %dma_wait3A_147, %dma_wait3A_148] : memref<2x128x128xf32, #tpu.memory_space<vmem>> -> memref<1x128x128xf32, #tpu.memory_space<vmem>>
      %dma_wait3A_150 = tpu.memref_squeeze %dma_wait3A_149 : memref<1x128x128xf32, #tpu.memory_space<vmem>> -> memref<128x128xf32, #tpu.memory_space<vmem>>
      %dma_wait3A_151 = arith.constant 0 : i32
      %dma_wait3A_152 = tpu.memref_slice %arg8[%rem3A_60, %dma_wait3A_145, %dma_wait3A_151] : memref<2x8x128xi32, #tpu.memory_space<vmem>> -> memref<1x1x128xi32, #tpu.memory_space<vmem>>
      %dma_wait3A_153 = tpu.memref_squeeze %dma_wait3A_152 : memref<1x1x128xi32, #tpu.memory_space<vmem>> -> memref<128xi32, #tpu.memory_space<vmem>>
      %dma_wait3A_154 = arith.constant 0 : i32
      %dma_wait3A_155 = arith.constant 0 : i32
      %dma_wait3A_156 = tpu.memref_slice %arg2[%dma_wait3A_154, %dma_wait3A_155] : memref<10000x128xf32, #tpu.memory_space<hbm>> -> memref<10000x128xf32, #tpu.memory_space<hbm>>
      tpu.wait_indirect_dma semaphore(%arg13 : memref<!tpu.dma_semaphore, #tpu.memory_space<semaphore_mem>>) src(%dma_wait3A_156 : memref<10000x128xf32, #tpu.memory_space<hbm>>) dst(%dma_wait3A_150 : memref<128x128xf32, #tpu.memory_space<vmem>>)
      %dma_start3A_157 = arith.constant 4 : i32
      %dma_start3A_158 = arith.constant 0 : i32
      %dma_start3A_159 = arith.constant 0 : i32
      %dma_start3A_160 = arith.constant 0 : i32
      %dma_start3A_161 = tpu.memref_slice %arg10[%dma_start3A_158, %dma_start3A_159, %dma_start3A_160] : memref<2x128x128xf32, #tpu.memory_space<vmem>> -> memref<1x128x128xf32, #tpu.memory_space<vmem>>
      %dma_start3A_162 = tpu.memref_squeeze %dma_start3A_161 : memref<1x128x128xf32, #tpu.memory_space<vmem>> -> memref<128x128xf32, #tpu.memory_space<vmem>>
      %dma_start3A_163 = arith.constant 0 : i32
      %dma_start3A_164 = tpu.memref_slice %arg8[%rem3A_60, %dma_start3A_157, %dma_start3A_163] : memref<2x8x128xi32, #tpu.memory_space<vmem>> -> memref<1x1x128xi32, #tpu.memory_space<vmem>>
      %dma_start3A_165 = tpu.memref_squeeze %dma_start3A_164 : memref<1x1x128xi32, #tpu.memory_space<vmem>> -> memref<128xi32, #tpu.memory_space<vmem>>
      %dma_start3A_166 = arith.constant 0 : i32
      %dma_start3A_167 = arith.constant 0 : i32
      %dma_start3A_168 = tpu.memref_slice %arg2[%dma_start3A_166, %dma_start3A_167] : memref<10000x128xf32, #tpu.memory_space<hbm>> -> memref<10000x128xf32, #tpu.memory_space<hbm>>
      tpu.enqueue_indirect_dma source(%dma_start3A_168 : memref<10000x128xf32, #tpu.memory_space<hbm>>) target(%dma_start3A_162 : memref<128x128xf32, #tpu.memory_space<vmem>>) offsets(%dma_start3A_165 : memref<128xi32, #tpu.memory_space<vmem>>) semaphore(%arg13 : memref<!tpu.dma_semaphore, #tpu.memory_space<semaphore_mem>>)
      %run_scoped3A_169 = arith.constant 1 : i32
      %run_scoped3A_170 = arith.constant 3 : i32
      "tpu.region"() ({
        %run_scoped3A_269 = tpu.sem_alloc : memref<!tpu.dma_semaphore, #tpu.memory_space<semaphore_mem>>
        %dma_start3A_270 = arith.constant 0 : i32
        %dma_start3A_271 = arith.constant 0 : i32
        %dma_start3A_272 = tpu.memref_slice %arg10[%run_scoped3A_169, %dma_start3A_270, %dma_start3A_271] : memref<2x128x128xf32, #tpu.memory_space<vmem>> -> memref<1x128x128xf32, #tpu.memory_space<vmem>>
        %dma_start3A_273 = tpu.memref_squeeze %dma_start3A_272 : memref<1x128x128xf32, #tpu.memory_space<vmem>> -> memref<128x128xf32, #tpu.memory_space<vmem>>
        %dma_start3A_274 = arith.constant 0 : i32
        %dma_start3A_275 = tpu.memref_slice %arg9[%rem3A_60, %run_scoped3A_170, %dma_start3A_274] : memref<2x8x128xi32, #tpu.memory_space<vmem>> -> memref<1x1x128xi32, #tpu.memory_space<vmem>>
        %dma_start3A_276 = tpu.memref_squeeze %dma_start3A_275 : memref<1x1x128xi32, #tpu.memory_space<vmem>> -> memref<128xi32, #tpu.memory_space<vmem>>
        %dma_start3A_277 = arith.constant 0 : i32
        %dma_start3A_278 = arith.constant 0 : i32
        %dma_start3A_279 = tpu.memref_slice %arg12[%dma_start3A_277, %dma_start3A_278] : memref<10240x128xf32, #tpu.memory_space<vmem_shared>> -> memref<10240x128xf32, #tpu.memory_space<vmem_shared>>
        tpu.enqueue_indirect_dma source(%dma_start3A_273 : memref<128x128xf32, #tpu.memory_space<vmem>>) target(%dma_start3A_279 : memref<10240x128xf32, #tpu.memory_space<vmem_shared>>) offsets(%dma_start3A_276 : memref<128xi32, #tpu.memory_space<vmem>>) semaphore(%run_scoped3A_269 : memref<!tpu.dma_semaphore, #tpu.memory_space<semaphore_mem>>) {add = true}
        %dma_wait3A_280 = arith.constant 0 : i32
        %dma_wait3A_281 = arith.constant 0 : i32
        %dma_wait3A_282 = tpu.memref_slice %arg10[%run_scoped3A_169, %dma_wait3A_280, %dma_wait3A_281] : memref<2x128x128xf32, #tpu.memory_space<vmem>> -> memref<1x128x128xf32, #tpu.memory_space<vmem>>
        %dma_wait3A_283 = tpu.memref_squeeze %dma_wait3A_282 : memref<1x128x128xf32, #tpu.memory_space<vmem>> -> memref<128x128xf32, #tpu.memory_space<vmem>>
        %dma_wait3A_284 = arith.constant 0 : i32
        %dma_wait3A_285 = tpu.memref_slice %arg9[%rem3A_60, %run_scoped3A_170, %dma_wait3A_284] : memref<2x8x128xi32, #tpu.memory_space<vmem>> -> memref<1x1x128xi32, #tpu.memory_space<vmem>>
        %dma_wait3A_286 = tpu.memref_squeeze %dma_wait3A_285 : memref<1x1x128xi32, #tpu.memory_space<vmem>> -> memref<128xi32, #tpu.memory_space<vmem>>
        %dma_wait3A_287 = arith.constant 0 : i32
        %dma_wait3A_288 = arith.constant 0 : i32
        %dma_wait3A_289 = tpu.memref_slice %arg12[%dma_wait3A_287, %dma_wait3A_288] : memref<10240x128xf32, #tpu.memory_space<vmem_shared>> -> memref<10240x128xf32, #tpu.memory_space<vmem_shared>>
        tpu.wait_indirect_dma semaphore(%run_scoped3A_269 : memref<!tpu.dma_semaphore, #tpu.memory_space<semaphore_mem>>) src(%dma_wait3A_283 : memref<128x128xf32, #tpu.memory_space<vmem>>) dst(%dma_wait3A_289 : memref<10240x128xf32, #tpu.memory_space<vmem_shared>>)
        tpu.yield
      }) : () -> ()
      %dma_wait3A_171 = arith.constant 4 : i32
      %dma_wait3A_172 = arith.constant 0 : i32
      %dma_wait3A_173 = arith.constant 0 : i32
      %dma_wait3A_174 = arith.constant 0 : i32
      %dma_wait3A_175 = tpu.memref_slice %arg10[%dma_wait3A_172, %dma_wait3A_173, %dma_wait3A_174] : memref<2x128x128xf32, #tpu.memory_space<vmem>> -> memref<1x128x128xf32, #tpu.memory_space<vmem>>
      %dma_wait3A_176 = tpu.memref_squeeze %dma_wait3A_175 : memref<1x128x128xf32, #tpu.memory_space<vmem>> -> memref<128x128xf32, #tpu.memory_space<vmem>>
      %dma_wait3A_177 = arith.constant 0 : i32
      %dma_wait3A_178 = tpu.memref_slice %arg8[%rem3A_60, %dma_wait3A_171, %dma_wait3A_177] : memref<2x8x128xi32, #tpu.memory_space<vmem>> -> memref<1x1x128xi32, #tpu.memory_space<vmem>>
      %dma_wait3A_179 = tpu.memref_squeeze %dma_wait3A_178 : memref<1x1x128xi32, #tpu.memory_space<vmem>> -> memref<128xi32, #tpu.memory_space<vmem>>
      %dma_wait3A_180 = arith.constant 0 : i32
      %dma_wait3A_181 = arith.constant 0 : i32
      %dma_wait3A_182 = tpu.memref_slice %arg2[%dma_wait3A_180, %dma_wait3A_181] : memref<10000x128xf32, #tpu.memory_space<hbm>> -> memref<10000x128xf32, #tpu.memory_space<hbm>>
      tpu.wait_indirect_dma semaphore(%arg13 : memref<!tpu.dma_semaphore, #tpu.memory_space<semaphore_mem>>) src(%dma_wait3A_182 : memref<10000x128xf32, #tpu.memory_space<hbm>>) dst(%dma_wait3A_176 : memref<128x128xf32, #tpu.memory_space<vmem>>)
      %dma_start3A_183 = arith.constant 5 : i32
      %dma_start3A_184 = arith.constant 1 : i32
      %dma_start3A_185 = arith.constant 0 : i32
      %dma_start3A_186 = arith.constant 0 : i32
      %dma_start3A_187 = tpu.memref_slice %arg10[%dma_start3A_184, %dma_start3A_185, %dma_start3A_186] : memref<2x128x128xf32, #tpu.memory_space<vmem>> -> memref<1x128x128xf32, #tpu.memory_space<vmem>>
      %dma_start3A_188 = tpu.memref_squeeze %dma_start3A_187 : memref<1x128x128xf32, #tpu.memory_space<vmem>> -> memref<128x128xf32, #tpu.memory_space<vmem>>
      %dma_start3A_189 = arith.constant 0 : i32
      %dma_start3A_190 = tpu.memref_slice %arg8[%rem3A_60, %dma_start3A_183, %dma_start3A_189] : memref<2x8x128xi32, #tpu.memory_space<vmem>> -> memref<1x1x128xi32, #tpu.memory_space<vmem>>
      %dma_start3A_191 = tpu.memref_squeeze %dma_start3A_190 : memref<1x1x128xi32, #tpu.memory_space<vmem>> -> memref<128xi32, #tpu.memory_space<vmem>>
      %dma_start3A_192 = arith.constant 0 : i32
      %dma_start3A_193 = arith.constant 0 : i32
      %dma_start3A_194 = tpu.memref_slice %arg2[%dma_start3A_192, %dma_start3A_193] : memref<10000x128xf32, #tpu.memory_space<hbm>> -> memref<10000x128xf32, #tpu.memory_space<hbm>>
      tpu.enqueue_indirect_dma source(%dma_start3A_194 : memref<10000x128xf32, #tpu.memory_space<hbm>>) target(%dma_start3A_188 : memref<128x128xf32, #tpu.memory_space<vmem>>) offsets(%dma_start3A_191 : memref<128xi32, #tpu.memory_space<vmem>>) semaphore(%arg13 : memref<!tpu.dma_semaphore, #tpu.memory_space<semaphore_mem>>)
      %run_scoped3A_195 = arith.constant 0 : i32
      %run_scoped3A_196 = arith.constant 4 : i32
      "tpu.region"() ({
        %run_scoped3A_269 = tpu.sem_alloc : memref<!tpu.dma_semaphore, #tpu.memory_space<semaphore_mem>>
        %dma_start3A_270 = arith.constant 0 : i32
        %dma_start3A_271 = arith.constant 0 : i32
        %dma_start3A_272 = tpu.memref_slice %arg10[%run_scoped3A_195, %dma_start3A_270, %dma_start3A_271] : memref<2x128x128xf32, #tpu.memory_space<vmem>> -> memref<1x128x128xf32, #tpu.memory_space<vmem>>
        %dma_start3A_273 = tpu.memref_squeeze %dma_start3A_272 : memref<1x128x128xf32, #tpu.memory_space<vmem>> -> memref<128x128xf32, #tpu.memory_space<vmem>>
        %dma_start3A_274 = arith.constant 0 : i32
        %dma_start3A_275 = tpu.memref_slice %arg9[%rem3A_60, %run_scoped3A_196, %dma_start3A_274] : memref<2x8x128xi32, #tpu.memory_space<vmem>> -> memref<1x1x128xi32, #tpu.memory_space<vmem>>
        %dma_start3A_276 = tpu.memref_squeeze %dma_start3A_275 : memref<1x1x128xi32, #tpu.memory_space<vmem>> -> memref<128xi32, #tpu.memory_space<vmem>>
        %dma_start3A_277 = arith.constant 0 : i32
        %dma_start3A_278 = arith.constant 0 : i32
        %dma_start3A_279 = tpu.memref_slice %arg12[%dma_start3A_277, %dma_start3A_278] : memref<10240x128xf32, #tpu.memory_space<vmem_shared>> -> memref<10240x128xf32, #tpu.memory_space<vmem_shared>>
        tpu.enqueue_indirect_dma source(%dma_start3A_273 : memref<128x128xf32, #tpu.memory_space<vmem>>) target(%dma_start3A_279 : memref<10240x128xf32, #tpu.memory_space<vmem_shared>>) offsets(%dma_start3A_276 : memref<128xi32, #tpu.memory_space<vmem>>) semaphore(%run_scoped3A_269 : memref<!tpu.dma_semaphore, #tpu.memory_space<semaphore_mem>>) {add = true}
        %dma_wait3A_280 = arith.constant 0 : i32
        %dma_wait3A_281 = arith.constant 0 : i32
        %dma_wait3A_282 = tpu.memref_slice %arg10[%run_scoped3A_195, %dma_wait3A_280, %dma_wait3A_281] : memref<2x128x128xf32, #tpu.memory_space<vmem>> -> memref<1x128x128xf32, #tpu.memory_space<vmem>>
        %dma_wait3A_283 = tpu.memref_squeeze %dma_wait3A_282 : memref<1x128x128xf32, #tpu.memory_space<vmem>> -> memref<128x128xf32, #tpu.memory_space<vmem>>
        %dma_wait3A_284 = arith.constant 0 : i32
        %dma_wait3A_285 = tpu.memref_slice %arg9[%rem3A_60, %run_scoped3A_196, %dma_wait3A_284] : memref<2x8x128xi32, #tpu.memory_space<vmem>> -> memref<1x1x128xi32, #tpu.memory_space<vmem>>
        %dma_wait3A_286 = tpu.memref_squeeze %dma_wait3A_285 : memref<1x1x128xi32, #tpu.memory_space<vmem>> -> memref<128xi32, #tpu.memory_space<vmem>>
        %dma_wait3A_287 = arith.constant 0 : i32
        %dma_wait3A_288 = arith.constant 0 : i32
        %dma_wait3A_289 = tpu.memref_slice %arg12[%dma_wait3A_287, %dma_wait3A_288] : memref<10240x128xf32, #tpu.memory_space<vmem_shared>> -> memref<10240x128xf32, #tpu.memory_space<vmem_shared>>
        tpu.wait_indirect_dma semaphore(%run_scoped3A_269 : memref<!tpu.dma_semaphore, #tpu.memory_space<semaphore_mem>>) src(%dma_wait3A_283 : memref<128x128xf32, #tpu.memory_space<vmem>>) dst(%dma_wait3A_289 : memref<10240x128xf32, #tpu.memory_space<vmem_shared>>)
        tpu.yield
      }) : () -> ()
      %dma_wait3A_197 = arith.constant 5 : i32
      %dma_wait3A_198 = arith.constant 1 : i32
      %dma_wait3A_199 = arith.constant 0 : i32
      %dma_wait3A_200 = arith.constant 0 : i32
      %dma_wait3A_201 = tpu.memref_slice %arg10[%dma_wait3A_198, %dma_wait3A_199, %dma_wait3A_200] : memref<2x128x128xf32, #tpu.memory_space<vmem>> -> memref<1x128x128xf32, #tpu.memory_space<vmem>>
      %dma_wait3A_202 = tpu.memref_squeeze %dma_wait3A_201 : memref<1x128x128xf32, #tpu.memory_space<vmem>> -> memref<128x128xf32, #tpu.memory_space<vmem>>
      %dma_wait3A_203 = arith.constant 0 : i32
      %dma_wait3A_204 = tpu.memref_slice %arg8[%rem3A_60, %dma_wait3A_197, %dma_wait3A_203] : memref<2x8x128xi32, #tpu.memory_space<vmem>> -> memref<1x1x128xi32, #tpu.memory_space<vmem>>
      %dma_wait3A_205 = tpu.memref_squeeze %dma_wait3A_204 : memref<1x1x128xi32, #tpu.memory_space<vmem>> -> memref<128xi32, #tpu.memory_space<vmem>>
      %dma_wait3A_206 = arith.constant 0 : i32
      %dma_wait3A_207 = arith.constant 0 : i32
      %dma_wait3A_208 = tpu.memref_slice %arg2[%dma_wait3A_206, %dma_wait3A_207] : memref<10000x128xf32, #tpu.memory_space<hbm>> -> memref<10000x128xf32, #tpu.memory_space<hbm>>
      tpu.wait_indirect_dma semaphore(%arg13 : memref<!tpu.dma_semaphore, #tpu.memory_space<semaphore_mem>>) src(%dma_wait3A_208 : memref<10000x128xf32, #tpu.memory_space<hbm>>) dst(%dma_wait3A_202 : memref<128x128xf32, #tpu.memory_space<vmem>>)
      %dma_start3A_209 = arith.constant 6 : i32
      %dma_start3A_210 = arith.constant 0 : i32
      %dma_start3A_211 = arith.constant 0 : i32
      %dma_start3A_212 = arith.constant 0 : i32
      %dma_start3A_213 = tpu.memref_slice %arg10[%dma_start3A_210, %dma_start3A_211, %dma_start3A_212] : memref<2x128x128xf32, #tpu.memory_space<vmem>> -> memref<1x128x128xf32, #tpu.memory_space<vmem>>
      %dma_start3A_214 = tpu.memref_squeeze %dma_start3A_213 : memref<1x128x128xf32, #tpu.memory_space<vmem>> -> memref<128x128xf32, #tpu.memory_space<vmem>>
      %dma_start3A_215 = arith.constant 0 : i32
      %dma_start3A_216 = tpu.memref_slice %arg8[%rem3A_60, %dma_start3A_209, %dma_start3A_215] : memref<2x8x128xi32, #tpu.memory_space<vmem>> -> memref<1x1x128xi32, #tpu.memory_space<vmem>>
      %dma_start3A_217 = tpu.memref_squeeze %dma_start3A_216 : memref<1x1x128xi32, #tpu.memory_space<vmem>> -> memref<128xi32, #tpu.memory_space<vmem>>
      %dma_start3A_218 = arith.constant 0 : i32
      %dma_start3A_219 = arith.constant 0 : i32
      %dma_start3A_220 = tpu.memref_slice %arg2[%dma_start3A_218, %dma_start3A_219] : memref<10000x128xf32, #tpu.memory_space<hbm>> -> memref<10000x128xf32, #tpu.memory_space<hbm>>
      tpu.enqueue_indirect_dma source(%dma_start3A_220 : memref<10000x128xf32, #tpu.memory_space<hbm>>) target(%dma_start3A_214 : memref<128x128xf32, #tpu.memory_space<vmem>>) offsets(%dma_start3A_217 : memref<128xi32, #tpu.memory_space<vmem>>) semaphore(%arg13 : memref<!tpu.dma_semaphore, #tpu.memory_space<semaphore_mem>>)
      %run_scoped3A_221 = arith.constant 1 : i32
      %run_scoped3A_222 = arith.constant 5 : i32
      "tpu.region"() ({
        %run_scoped3A_269 = tpu.sem_alloc : memref<!tpu.dma_semaphore, #tpu.memory_space<semaphore_mem>>
        %dma_start3A_270 = arith.constant 0 : i32
        %dma_start3A_271 = arith.constant 0 : i32
        %dma_start3A_272 = tpu.memref_slice %arg10[%run_scoped3A_221, %dma_start3A_270, %dma_start3A_271] : memref<2x128x128xf32, #tpu.memory_space<vmem>> -> memref<1x128x128xf32, #tpu.memory_space<vmem>>
        %dma_start3A_273 = tpu.memref_squeeze %dma_start3A_272 : memref<1x128x128xf32, #tpu.memory_space<vmem>> -> memref<128x128xf32, #tpu.memory_space<vmem>>
        %dma_start3A_274 = arith.constant 0 : i32
        %dma_start3A_275 = tpu.memref_slice %arg9[%rem3A_60, %run_scoped3A_222, %dma_start3A_274] : memref<2x8x128xi32, #tpu.memory_space<vmem>> -> memref<1x1x128xi32, #tpu.memory_space<vmem>>
        %dma_start3A_276 = tpu.memref_squeeze %dma_start3A_275 : memref<1x1x128xi32, #tpu.memory_space<vmem>> -> memref<128xi32, #tpu.memory_space<vmem>>
        %dma_start3A_277 = arith.constant 0 : i32
        %dma_start3A_278 = arith.constant 0 : i32
        %dma_start3A_279 = tpu.memref_slice %arg12[%dma_start3A_277, %dma_start3A_278] : memref<10240x128xf32, #tpu.memory_space<vmem_shared>> -> memref<10240x128xf32, #tpu.memory_space<vmem_shared>>
        tpu.enqueue_indirect_dma source(%dma_start3A_273 : memref<128x128xf32, #tpu.memory_space<vmem>>) target(%dma_start3A_279 : memref<10240x128xf32, #tpu.memory_space<vmem_shared>>) offsets(%dma_start3A_276 : memref<128xi32, #tpu.memory_space<vmem>>) semaphore(%run_scoped3A_269 : memref<!tpu.dma_semaphore, #tpu.memory_space<semaphore_mem>>) {add = true}
        %dma_wait3A_280 = arith.constant 0 : i32
        %dma_wait3A_281 = arith.constant 0 : i32
        %dma_wait3A_282 = tpu.memref_slice %arg10[%run_scoped3A_221, %dma_wait3A_280, %dma_wait3A_281] : memref<2x128x128xf32, #tpu.memory_space<vmem>> -> memref<1x128x128xf32, #tpu.memory_space<vmem>>
        %dma_wait3A_283 = tpu.memref_squeeze %dma_wait3A_282 : memref<1x128x128xf32, #tpu.memory_space<vmem>> -> memref<128x128xf32, #tpu.memory_space<vmem>>
        %dma_wait3A_284 = arith.constant 0 : i32
        %dma_wait3A_285 = tpu.memref_slice %arg9[%rem3A_60, %run_scoped3A_222, %dma_wait3A_284] : memref<2x8x128xi32, #tpu.memory_space<vmem>> -> memref<1x1x128xi32, #tpu.memory_space<vmem>>
        %dma_wait3A_286 = tpu.memref_squeeze %dma_wait3A_285 : memref<1x1x128xi32, #tpu.memory_space<vmem>> -> memref<128xi32, #tpu.memory_space<vmem>>
        %dma_wait3A_287 = arith.constant 0 : i32
        %dma_wait3A_288 = arith.constant 0 : i32
        %dma_wait3A_289 = tpu.memref_slice %arg12[%dma_wait3A_287, %dma_wait3A_288] : memref<10240x128xf32, #tpu.memory_space<vmem_shared>> -> memref<10240x128xf32, #tpu.memory_space<vmem_shared>>
        tpu.wait_indirect_dma semaphore(%run_scoped3A_269 : memref<!tpu.dma_semaphore, #tpu.memory_space<semaphore_mem>>) src(%dma_wait3A_283 : memref<128x128xf32, #tpu.memory_space<vmem>>) dst(%dma_wait3A_289 : memref<10240x128xf32, #tpu.memory_space<vmem_shared>>)
        tpu.yield
      }) : () -> ()
      %dma_wait3A_223 = arith.constant 6 : i32
      %dma_wait3A_224 = arith.constant 0 : i32
      %dma_wait3A_225 = arith.constant 0 : i32
      %dma_wait3A_226 = arith.constant 0 : i32
      %dma_wait3A_227 = tpu.memref_slice %arg10[%dma_wait3A_224, %dma_wait3A_225, %dma_wait3A_226] : memref<2x128x128xf32, #tpu.memory_space<vmem>> -> memref<1x128x128xf32, #tpu.memory_space<vmem>>
      %dma_wait3A_228 = tpu.memref_squeeze %dma_wait3A_227 : memref<1x128x128xf32, #tpu.memory_space<vmem>> -> memref<128x128xf32, #tpu.memory_space<vmem>>
      %dma_wait3A_229 = arith.constant 0 : i32
      %dma_wait3A_230 = tpu.memref_slice %arg8[%rem3A_60, %dma_wait3A_223, %dma_wait3A_229] : memref<2x8x128xi32, #tpu.memory_space<vmem>> -> memref<1x1x128xi32, #tpu.memory_space<vmem>>
      %dma_wait3A_231 = tpu.memref_squeeze %dma_wait3A_230 : memref<1x1x128xi32, #tpu.memory_space<vmem>> -> memref<128xi32, #tpu.memory_space<vmem>>
      %dma_wait3A_232 = arith.constant 0 : i32
      %dma_wait3A_233 = arith.constant 0 : i32
      %dma_wait3A_234 = tpu.memref_slice %arg2[%dma_wait3A_232, %dma_wait3A_233] : memref<10000x128xf32, #tpu.memory_space<hbm>> -> memref<10000x128xf32, #tpu.memory_space<hbm>>
      tpu.wait_indirect_dma semaphore(%arg13 : memref<!tpu.dma_semaphore, #tpu.memory_space<semaphore_mem>>) src(%dma_wait3A_234 : memref<10000x128xf32, #tpu.memory_space<hbm>>) dst(%dma_wait3A_228 : memref<128x128xf32, #tpu.memory_space<vmem>>)
      %dma_start3A_235 = arith.constant 7 : i32
      %dma_start3A_236 = arith.constant 1 : i32
      %dma_start3A_237 = arith.constant 0 : i32
      %dma_start3A_238 = arith.constant 0 : i32
      %dma_start3A_239 = tpu.memref_slice %arg10[%dma_start3A_236, %dma_start3A_237, %dma_start3A_238] : memref<2x128x128xf32, #tpu.memory_space<vmem>> -> memref<1x128x128xf32, #tpu.memory_space<vmem>>
      %dma_start3A_240 = tpu.memref_squeeze %dma_start3A_239 : memref<1x128x128xf32, #tpu.memory_space<vmem>> -> memref<128x128xf32, #tpu.memory_space<vmem>>
      %dma_start3A_241 = arith.constant 0 : i32
      %dma_start3A_242 = tpu.memref_slice %arg8[%rem3A_60, %dma_start3A_235, %dma_start3A_241] : memref<2x8x128xi32, #tpu.memory_space<vmem>> -> memref<1x1x128xi32, #tpu.memory_space<vmem>>
      %dma_start3A_243 = tpu.memref_squeeze %dma_start3A_242 : memref<1x1x128xi32, #tpu.memory_space<vmem>> -> memref<128xi32, #tpu.memory_space<vmem>>
      %dma_start3A_244 = arith.constant 0 : i32
      %dma_start3A_245 = arith.constant 0 : i32
      %dma_start3A_246 = tpu.memref_slice %arg2[%dma_start3A_244, %dma_start3A_245] : memref<10000x128xf32, #tpu.memory_space<hbm>> -> memref<10000x128xf32, #tpu.memory_space<hbm>>
      tpu.enqueue_indirect_dma source(%dma_start3A_246 : memref<10000x128xf32, #tpu.memory_space<hbm>>) target(%dma_start3A_240 : memref<128x128xf32, #tpu.memory_space<vmem>>) offsets(%dma_start3A_243 : memref<128xi32, #tpu.memory_space<vmem>>) semaphore(%arg13 : memref<!tpu.dma_semaphore, #tpu.memory_space<semaphore_mem>>)
      %run_scoped3A_247 = arith.constant 0 : i32
      %run_scoped3A_248 = arith.constant 6 : i32
      "tpu.region"() ({
        %run_scoped3A_269 = tpu.sem_alloc : memref<!tpu.dma_semaphore, #tpu.memory_space<semaphore_mem>>
        %dma_start3A_270 = arith.constant 0 : i32
        %dma_start3A_271 = arith.constant 0 : i32
        %dma_start3A_272 = tpu.memref_slice %arg10[%run_scoped3A_247, %dma_start3A_270, %dma_start3A_271] : memref<2x128x128xf32, #tpu.memory_space<vmem>> -> memref<1x128x128xf32, #tpu.memory_space<vmem>>
        %dma_start3A_273 = tpu.memref_squeeze %dma_start3A_272 : memref<1x128x128xf32, #tpu.memory_space<vmem>> -> memref<128x128xf32, #tpu.memory_space<vmem>>
        %dma_start3A_274 = arith.constant 0 : i32
        %dma_start3A_275 = tpu.memref_slice %arg9[%rem3A_60, %run_scoped3A_248, %dma_start3A_274] : memref<2x8x128xi32, #tpu.memory_space<vmem>> -> memref<1x1x128xi32, #tpu.memory_space<vmem>>
        %dma_start3A_276 = tpu.memref_squeeze %dma_start3A_275 : memref<1x1x128xi32, #tpu.memory_space<vmem>> -> memref<128xi32, #tpu.memory_space<vmem>>
        %dma_start3A_277 = arith.constant 0 : i32
        %dma_start3A_278 = arith.constant 0 : i32
        %dma_start3A_279 = tpu.memref_slice %arg12[%dma_start3A_277, %dma_start3A_278] : memref<10240x128xf32, #tpu.memory_space<vmem_shared>> -> memref<10240x128xf32, #tpu.memory_space<vmem_shared>>
        tpu.enqueue_indirect_dma source(%dma_start3A_273 : memref<128x128xf32, #tpu.memory_space<vmem>>) target(%dma_start3A_279 : memref<10240x128xf32, #tpu.memory_space<vmem_shared>>) offsets(%dma_start3A_276 : memref<128xi32, #tpu.memory_space<vmem>>) semaphore(%run_scoped3A_269 : memref<!tpu.dma_semaphore, #tpu.memory_space<semaphore_mem>>) {add = true}
        %dma_wait3A_280 = arith.constant 0 : i32
        %dma_wait3A_281 = arith.constant 0 : i32
        %dma_wait3A_282 = tpu.memref_slice %arg10[%run_scoped3A_247, %dma_wait3A_280, %dma_wait3A_281] : memref<2x128x128xf32, #tpu.memory_space<vmem>> -> memref<1x128x128xf32, #tpu.memory_space<vmem>>
        %dma_wait3A_283 = tpu.memref_squeeze %dma_wait3A_282 : memref<1x128x128xf32, #tpu.memory_space<vmem>> -> memref<128x128xf32, #tpu.memory_space<vmem>>
        %dma_wait3A_284 = arith.constant 0 : i32
        %dma_wait3A_285 = tpu.memref_slice %arg9[%rem3A_60, %run_scoped3A_248, %dma_wait3A_284] : memref<2x8x128xi32, #tpu.memory_space<vmem>> -> memref<1x1x128xi32, #tpu.memory_space<vmem>>
        %dma_wait3A_286 = tpu.memref_squeeze %dma_wait3A_285 : memref<1x1x128xi32, #tpu.memory_space<vmem>> -> memref<128xi32, #tpu.memory_space<vmem>>
        %dma_wait3A_287 = arith.constant 0 : i32
        %dma_wait3A_288 = arith.constant 0 : i32
        %dma_wait3A_289 = tpu.memref_slice %arg12[%dma_wait3A_287, %dma_wait3A_288] : memref<10240x128xf32, #tpu.memory_space<vmem_shared>> -> memref<10240x128xf32, #tpu.memory_space<vmem_shared>>
        tpu.wait_indirect_dma semaphore(%run_scoped3A_269 : memref<!tpu.dma_semaphore, #tpu.memory_space<semaphore_mem>>) src(%dma_wait3A_283 : memref<128x128xf32, #tpu.memory_space<vmem>>) dst(%dma_wait3A_289 : memref<10240x128xf32, #tpu.memory_space<vmem_shared>>)
        tpu.yield
      }) : () -> ()
      %dma_wait3A_249 = arith.constant 7 : i32
      %dma_wait3A_250 = arith.constant 1 : i32
      %dma_wait3A_251 = arith.constant 0 : i32
      %dma_wait3A_252 = arith.constant 0 : i32
      %dma_wait3A_253 = tpu.memref_slice %arg10[%dma_wait3A_250, %dma_wait3A_251, %dma_wait3A_252] : memref<2x128x128xf32, #tpu.memory_space<vmem>> -> memref<1x128x128xf32, #tpu.memory_space<vmem>>
      %dma_wait3A_254 = tpu.memref_squeeze %dma_wait3A_253 : memref<1x128x128xf32, #tpu.memory_space<vmem>> -> memref<128x128xf32, #tpu.memory_space<vmem>>
      %dma_wait3A_255 = arith.constant 0 : i32
      %dma_wait3A_256 = tpu.memref_slice %arg8[%rem3A_60, %dma_wait3A_249, %dma_wait3A_255] : memref<2x8x128xi32, #tpu.memory_space<vmem>> -> memref<1x1x128xi32, #tpu.memory_space<vmem>>
      %dma_wait3A_257 = tpu.memref_squeeze %dma_wait3A_256 : memref<1x1x128xi32, #tpu.memory_space<vmem>> -> memref<128xi32, #tpu.memory_space<vmem>>
      %dma_wait3A_258 = arith.constant 0 : i32
      %dma_wait3A_259 = arith.constant 0 : i32
      %dma_wait3A_260 = tpu.memref_slice %arg2[%dma_wait3A_258, %dma_wait3A_259] : memref<10000x128xf32, #tpu.memory_space<hbm>> -> memref<10000x128xf32, #tpu.memory_space<hbm>>
      tpu.wait_indirect_dma semaphore(%arg13 : memref<!tpu.dma_semaphore, #tpu.memory_space<semaphore_mem>>) src(%dma_wait3A_260 : memref<10000x128xf32, #tpu.memory_space<hbm>>) dst(%dma_wait3A_254 : memref<128x128xf32, #tpu.memory_space<vmem>>)
      %add3A_261 = arith.constant 1 : i32
      %add3A_262 = arith.addi %while3A_58, %add3A_261 : i32
      %lt3A_263 = arith.cmpi slt, %add3A_262, %select_n3A : i32
      %convert_element_type3A_264 = arith.extui %lt3A_263 : i1 to i32
      %cond3A_265 = arith.constant 0 : i32
      %cond3A_266 = arith.cmpi ne, %convert_element_type3A_264, %cond3A_265 : i32
      scf.if %cond3A_266 {
        %dma_start3A_269 = arith.constant 0 : i32
        %dma_start3A_270 = arith.constant 0 : i32
        %dma_start3A_271 = arith.constant 0 : i32
        %dma_start3A_272 = arith.constant 0 : i32
        %dma_start3A_273 = tpu.memref_slice %arg10[%dma_start3A_270, %dma_start3A_271, %dma_start3A_272] : memref<2x128x128xf32, #tpu.memory_space<vmem>> -> memref<1x128x128xf32, #tpu.memory_space<vmem>>
        %dma_start3A_274 = tpu.memref_squeeze %dma_start3A_273 : memref<1x128x128xf32, #tpu.memory_space<vmem>> -> memref<128x128xf32, #tpu.memory_space<vmem>>
        %dma_start3A_275 = arith.constant 0 : i32
        %dma_start3A_276 = tpu.memref_slice %arg8[%rem3A_64, %dma_start3A_269, %dma_start3A_275] : memref<2x8x128xi32, #tpu.memory_space<vmem>> -> memref<1x1x128xi32, #tpu.memory_space<vmem>>
        %dma_start3A_277 = tpu.memref_squeeze %dma_start3A_276 : memref<1x1x128xi32, #tpu.memory_space<vmem>> -> memref<128xi32, #tpu.memory_space<vmem>>
        %dma_start3A_278 = arith.constant 0 : i32
        %dma_start3A_279 = arith.constant 0 : i32
        %dma_start3A_280 = tpu.memref_slice %arg2[%dma_start3A_278, %dma_start3A_279] : memref<10000x128xf32, #tpu.memory_space<hbm>> -> memref<10000x128xf32, #tpu.memory_space<hbm>>
        tpu.enqueue_indirect_dma source(%dma_start3A_280 : memref<10000x128xf32, #tpu.memory_space<hbm>>) target(%dma_start3A_274 : memref<128x128xf32, #tpu.memory_space<vmem>>) offsets(%dma_start3A_277 : memref<128xi32, #tpu.memory_space<vmem>>) semaphore(%arg13 : memref<!tpu.dma_semaphore, #tpu.memory_space<semaphore_mem>>)
      } else {
      }
      %run_scoped3A_267 = arith.constant 1 : i32
      %run_scoped3A_268 = arith.constant 7 : i32
      "tpu.region"() ({
        %run_scoped3A_269 = tpu.sem_alloc : memref<!tpu.dma_semaphore, #tpu.memory_space<semaphore_mem>>
        %dma_start3A_270 = arith.constant 0 : i32
        %dma_start3A_271 = arith.constant 0 : i32
        %dma_start3A_272 = tpu.memref_slice %arg10[%run_scoped3A_267, %dma_start3A_270, %dma_start3A_271] : memref<2x128x128xf32, #tpu.memory_space<vmem>> -> memref<1x128x128xf32, #tpu.memory_space<vmem>>
        %dma_start3A_273 = tpu.memref_squeeze %dma_start3A_272 : memref<1x128x128xf32, #tpu.memory_space<vmem>> -> memref<128x128xf32, #tpu.memory_space<vmem>>
        %dma_start3A_274 = arith.constant 0 : i32
        %dma_start3A_275 = tpu.memref_slice %arg9[%rem3A_60, %run_scoped3A_268, %dma_start3A_274] : memref<2x8x128xi32, #tpu.memory_space<vmem>> -> memref<1x1x128xi32, #tpu.memory_space<vmem>>
        %dma_start3A_276 = tpu.memref_squeeze %dma_start3A_275 : memref<1x1x128xi32, #tpu.memory_space<vmem>> -> memref<128xi32, #tpu.memory_space<vmem>>
        %dma_start3A_277 = arith.constant 0 : i32
        %dma_start3A_278 = arith.constant 0 : i32
        %dma_start3A_279 = tpu.memref_slice %arg12[%dma_start3A_277, %dma_start3A_278] : memref<10240x128xf32, #tpu.memory_space<vmem_shared>> -> memref<10240x128xf32, #tpu.memory_space<vmem_shared>>
        tpu.enqueue_indirect_dma source(%dma_start3A_273 : memref<128x128xf32, #tpu.memory_space<vmem>>) target(%dma_start3A_279 : memref<10240x128xf32, #tpu.memory_space<vmem_shared>>) offsets(%dma_start3A_276 : memref<128xi32, #tpu.memory_space<vmem>>) semaphore(%run_scoped3A_269 : memref<!tpu.dma_semaphore, #tpu.memory_space<semaphore_mem>>) {add = true}
        %dma_wait3A_280 = arith.constant 0 : i32
        %dma_wait3A_281 = arith.constant 0 : i32
        %dma_wait3A_282 = tpu.memref_slice %arg10[%run_scoped3A_267, %dma_wait3A_280, %dma_wait3A_281] : memref<2x128x128xf32, #tpu.memory_space<vmem>> -> memref<1x128x128xf32, #tpu.memory_space<vmem>>
        %dma_wait3A_283 = tpu.memref_squeeze %dma_wait3A_282 : memref<1x128x128xf32, #tpu.memory_space<vmem>> -> memref<128x128xf32, #tpu.memory_space<vmem>>
        %dma_wait3A_284 = arith.constant 0 : i32
        %dma_wait3A_285 = tpu.memref_slice %arg9[%rem3A_60, %run_scoped3A_268, %dma_wait3A_284] : memref<2x8x128xi32, #tpu.memory_space<vmem>> -> memref<1x1x128xi32, #tpu.memory_space<vmem>>
        %dma_wait3A_286 = tpu.memref_squeeze %dma_wait3A_285 : memref<1x1x128xi32, #tpu.memory_space<vmem>> -> memref<128xi32, #tpu.memory_space<vmem>>
        %dma_wait3A_287 = arith.constant 0 : i32
        %dma_wait3A_288 = arith.constant 0 : i32
        %dma_wait3A_289 = tpu.memref_slice %arg12[%dma_wait3A_287, %dma_wait3A_288] : memref<10240x128xf32, #tpu.memory_space<vmem_shared>> -> memref<10240x128xf32, #tpu.memory_space<vmem_shared>>
        tpu.wait_indirect_dma semaphore(%run_scoped3A_269 : memref<!tpu.dma_semaphore, #tpu.memory_space<semaphore_mem>>) src(%dma_wait3A_283 : memref<128x128xf32, #tpu.memory_space<vmem>>) dst(%dma_wait3A_289 : memref<10240x128xf32, #tpu.memory_space<vmem_shared>>)
        tpu.yield
      }) : () -> ()
    }
    %while3A_50 = arith.constant 1 : i32
    scf.for %while3A_58 = %while3A_48 to %while3A_44 step %while3A_50  : i32 {
      %rem3A_59 = arith.constant 2 : i32
      %rem3A_60 = arith.remsi %while3A_58, %rem3A_59 : i32
      %add3A_61 = arith.constant 1 : i32
      %add3A_62 = arith.addi %while3A_58, %add3A_61 : i32
      %rem3A_63 = arith.constant 2 : i32
      %rem3A_64 = arith.remsi %add3A_62, %rem3A_63 : i32
      %add3A_65 = arith.constant 1 : i32
      %add3A_66 = arith.addi %while3A_58, %add3A_65 : i32
      %lt3A = arith.cmpi slt, %add3A_66, %select_n3A : i32
      %convert_element_type3A = arith.extui %lt3A : i1 to i32
      %cond3A = arith.constant 0 : i32
      %cond3A_67 = arith.cmpi ne, %convert_element_type3A, %cond3A : i32
      scf.if %cond3A_67 {
        %add3A_269 = arith.constant 1 : i32
        %add3A_270 = arith.addi %while3A_58, %add3A_269 : i32
        %mul3A_271 = arith.constant 8 : i32
        %mul3A_272 = arith.muli %add3A_270, %mul3A_271 : i32
        %add3A_273 = arith.addi %add3A, %mul3A_272 : i32
        "tpu.region"() ({
          %run_scoped3A_279 = tpu.sem_alloc : memref<!tpu.dma_semaphore, #tpu.memory_space<semaphore_mem>>
          %dma_start3A_280 = arith.constant 0 : i32
          %dma_start3A_281 = arith.constant 0 : i32
          %dma_start3A_282 = tpu.memref_slice %arg8[%rem3A_64, %dma_start3A_280, %dma_start3A_281] : memref<2x8x128xi32, #tpu.memory_space<vmem>> -> memref<1x8x128xi32, #tpu.memory_space<vmem>>
          %dma_start3A_283 = tpu.memref_squeeze %dma_start3A_282 : memref<1x8x128xi32, #tpu.memory_space<vmem>> -> memref<8x128xi32, #tpu.memory_space<vmem>>
          %dma_start3A_284 = arith.constant 0 : i32
          %dma_start3A_285 = tpu.memref_slice %arg3[%add3A_273, %dma_start3A_284] : memref<2560x128xi32, #tpu.memory_space<hbm>> -> memref<8x128xi32, #tpu.memory_space<hbm>>
          %dma_start3A_286 = arith.constant 0 : i32
          %dma_start3A_287 = arith.constant 0 : i32
          %dma_start3A_288 = tpu.memref_slice %arg8[%rem3A_64, %dma_start3A_286, %dma_start3A_287] : memref<2x8x128xi32, #tpu.memory_space<vmem>> -> memref<1x8x128xi32, #tpu.memory_space<vmem>>
          %dma_start3A_289 = tpu.memref_squeeze %dma_start3A_288 : memref<1x8x128xi32, #tpu.memory_space<vmem>> -> memref<8x128xi32, #tpu.memory_space<vmem>>
          %dma_start3A_290 = arith.constant 0 : i32
          %dma_start3A_291 = tpu.memref_slice %arg3[%add3A_273, %dma_start3A_290] : memref<2560x128xi32, #tpu.memory_space<hbm>> -> memref<8x128xi32, #tpu.memory_space<hbm>>
          tpu.enqueue_dma source(%dma_start3A_291 : memref<8x128xi32, #tpu.memory_space<hbm>>) target(%dma_start3A_289 : memref<8x128xi32, #tpu.memory_space<vmem>>) target_semaphore(%run_scoped3A_279 : memref<!tpu.dma_semaphore, #tpu.memory_space<semaphore_mem>>)
          %dma_wait3A_292 = arith.constant 0 : i32
          %dma_wait3A_293 = arith.constant 0 : i32
          %dma_wait3A_294 = tpu.memref_slice %arg8[%rem3A_64, %dma_wait3A_292, %dma_wait3A_293] : memref<2x8x128xi32, #tpu.memory_space<vmem>> -> memref<1x8x128xi32, #tpu.memory_space<vmem>>
          %dma_wait3A_295 = tpu.memref_squeeze %dma_wait3A_294 : memref<1x8x128xi32, #tpu.memory_space<vmem>> -> memref<8x128xi32, #tpu.memory_space<vmem>>
          %dma_wait3A_296 = arith.constant 0 : i32
          %dma_wait3A_297 = tpu.memref_slice %arg3[%add3A_273, %dma_wait3A_296] : memref<2560x128xi32, #tpu.memory_space<hbm>> -> memref<8x128xi32, #tpu.memory_space<hbm>>
          %dma_wait3A_298 = arith.constant 0 : i32
          %dma_wait3A_299 = arith.constant 0 : i32
          %dma_wait3A_300 = tpu.memref_slice %arg8[%rem3A_64, %dma_wait3A_298, %dma_wait3A_299] : memref<2x8x128xi32, #tpu.memory_space<vmem>> -> memref<1x8x128xi32, #tpu.memory_space<vmem>>
          %dma_wait3A_301 = tpu.memref_squeeze %dma_wait3A_300 : memref<1x8x128xi32, #tpu.memory_space<vmem>> -> memref<8x128xi32, #tpu.memory_space<vmem>>
          %dma_wait3A_302 = arith.constant 0 : i32
          %dma_wait3A_303 = tpu.memref_slice %arg3[%add3A_273, %dma_wait3A_302] : memref<2560x128xi32, #tpu.memory_space<hbm>> -> memref<8x128xi32, #tpu.memory_space<hbm>>
          tpu.wait_dma2 semaphore(%run_scoped3A_279 : memref<!tpu.dma_semaphore, #tpu.memory_space<semaphore_mem>>) src(%dma_wait3A_303 : memref<8x128xi32, #tpu.memory_space<hbm>>) dst(%dma_wait3A_301 : memref<8x128xi32, #tpu.memory_space<vmem>>)
          tpu.yield
        }) : () -> ()
        %add3A_274 = arith.constant 1 : i32
        %add3A_275 = arith.addi %while3A_58, %add3A_274 : i32
        %mul3A_276 = arith.constant 8 : i32
        %mul3A_277 = arith.muli %add3A_275, %mul3A_276 : i32
        %add3A_278 = arith.addi %add3A, %mul3A_277 : i32
        "tpu.region"() ({
          %run_scoped3A_279 = tpu.sem_alloc : memref<!tpu.dma_semaphore, #tpu.memory_space<semaphore_mem>>
          %dma_start3A_280 = arith.constant 0 : i32
          %dma_start3A_281 = arith.constant 0 : i32
          %dma_start3A_282 = tpu.memref_slice %arg9[%rem3A_64, %dma_start3A_280, %dma_start3A_281] : memref<2x8x128xi32, #tpu.memory_space<vmem>> -> memref<1x8x128xi32, #tpu.memory_space<vmem>>
          %dma_start3A_283 = tpu.memref_squeeze %dma_start3A_282 : memref<1x8x128xi32, #tpu.memory_space<vmem>> -> memref<8x128xi32, #tpu.memory_space<vmem>>
          %dma_start3A_284 = arith.constant 0 : i32
          %dma_start3A_285 = tpu.memref_slice %arg4[%add3A_278, %dma_start3A_284] : memref<2560x128xi32, #tpu.memory_space<hbm>> -> memref<8x128xi32, #tpu.memory_space<hbm>>
          %dma_start3A_286 = arith.constant 0 : i32
          %dma_start3A_287 = arith.constant 0 : i32
          %dma_start3A_288 = tpu.memref_slice %arg9[%rem3A_64, %dma_start3A_286, %dma_start3A_287] : memref<2x8x128xi32, #tpu.memory_space<vmem>> -> memref<1x8x128xi32, #tpu.memory_space<vmem>>
          %dma_start3A_289 = tpu.memref_squeeze %dma_start3A_288 : memref<1x8x128xi32, #tpu.memory_space<vmem>> -> memref<8x128xi32, #tpu.memory_space<vmem>>
          %dma_start3A_290 = arith.constant 0 : i32
          %dma_start3A_291 = tpu.memref_slice %arg4[%add3A_278, %dma_start3A_290] : memref<2560x128xi32, #tpu.memory_space<hbm>> -> memref<8x128xi32, #tpu.memory_space<hbm>>
          tpu.enqueue_dma source(%dma_start3A_291 : memref<8x128xi32, #tpu.memory_space<hbm>>) target(%dma_start3A_289 : memref<8x128xi32, #tpu.memory_space<vmem>>) target_semaphore(%run_scoped3A_279 : memref<!tpu.dma_semaphore, #tpu.memory_space<semaphore_mem>>)
          %dma_wait3A_292 = arith.constant 0 : i32
          %dma_wait3A_293 = arith.constant 0 : i32
          %dma_wait3A_294 = tpu.memref_slice %arg9[%rem3A_64, %dma_wait3A_292, %dma_wait3A_293] : memref<2x8x128xi32, #tpu.memory_space<vmem>> -> memref<1x8x128xi32, #tpu.memory_space<vmem>>
          %dma_wait3A_295 = tpu.memref_squeeze %dma_wait3A_294 : memref<1x8x128xi32, #tpu.memory_space<vmem>> -> memref<8x128xi32, #tpu.memory_space<vmem>>
          %dma_wait3A_296 = arith.constant 0 : i32
          %dma_wait3A_297 = tpu.memref_slice %arg4[%add3A_278, %dma_wait3A_296] : memref<2560x128xi32, #tpu.memory_space<hbm>> -> memref<8x128xi32, #tpu.memory_space<hbm>>
          %dma_wait3A_298 = arith.constant 0 : i32
          %dma_wait3A_299 = arith.constant 0 : i32
          %dma_wait3A_300 = tpu.memref_slice %arg9[%rem3A_64, %dma_wait3A_298, %dma_wait3A_299] : memref<2x8x128xi32, #tpu.memory_space<vmem>> -> memref<1x8x128xi32, #tpu.memory_space<vmem>>
          %dma_wait3A_301 = tpu.memref_squeeze %dma_wait3A_300 : memref<1x8x128xi32, #tpu.memory_space<vmem>> -> memref<8x128xi32, #tpu.memory_space<vmem>>
          %dma_wait3A_302 = arith.constant 0 : i32
          %dma_wait3A_303 = tpu.memref_slice %arg4[%add3A_278, %dma_wait3A_302] : memref<2560x128xi32, #tpu.memory_space<hbm>> -> memref<8x128xi32, #tpu.memory_space<hbm>>
          tpu.wait_dma2 semaphore(%run_scoped3A_279 : memref<!tpu.dma_semaphore, #tpu.memory_space<semaphore_mem>>) src(%dma_wait3A_303 : memref<8x128xi32, #tpu.memory_space<hbm>>) dst(%dma_wait3A_301 : memref<8x128xi32, #tpu.memory_space<vmem>>)
          tpu.yield
        }) : () -> ()
      } else {
      }
      %dma_wait3A = arith.constant 0 : i32
      %dma_wait3A_68 = arith.constant 0 : i32
      %dma_wait3A_69 = arith.constant 0 : i32
      %dma_wait3A_70 = arith.constant 0 : i32
      %dma_wait3A_71 = tpu.memref_slice %arg10[%dma_wait3A_68, %dma_wait3A_69, %dma_wait3A_70] : memref<2x128x128xf32, #tpu.memory_space<vmem>> -> memref<1x128x128xf32, #tpu.memory_space<vmem>>
      %dma_wait3A_72 = tpu.memref_squeeze %dma_wait3A_71 : memref<1x128x128xf32, #tpu.memory_space<vmem>> -> memref<128x128xf32, #tpu.memory_space<vmem>>
      %dma_wait3A_73 = arith.constant 0 : i32
      %dma_wait3A_74 = tpu.memref_slice %arg8[%rem3A_60, %dma_wait3A, %dma_wait3A_73] : memref<2x8x128xi32, #tpu.memory_space<vmem>> -> memref<1x1x128xi32, #tpu.memory_space<vmem>>
      %dma_wait3A_75 = tpu.memref_squeeze %dma_wait3A_74 : memref<1x1x128xi32, #tpu.memory_space<vmem>> -> memref<128xi32, #tpu.memory_space<vmem>>
      %dma_wait3A_76 = arith.constant 0 : i32
      %dma_wait3A_77 = arith.constant 0 : i32
      %dma_wait3A_78 = tpu.memref_slice %arg2[%dma_wait3A_76, %dma_wait3A_77] : memref<10000x128xf32, #tpu.memory_space<hbm>> -> memref<10000x128xf32, #tpu.memory_space<hbm>>
      tpu.wait_indirect_dma semaphore(%arg13 : memref<!tpu.dma_semaphore, #tpu.memory_space<semaphore_mem>>) src(%dma_wait3A_78 : memref<10000x128xf32, #tpu.memory_space<hbm>>) dst(%dma_wait3A_72 : memref<128x128xf32, #tpu.memory_space<vmem>>)
      %dma_start3A_79 = arith.constant 1 : i32
      %dma_start3A_80 = arith.constant 1 : i32
      %dma_start3A_81 = arith.constant 0 : i32
      %dma_start3A_82 = arith.constant 0 : i32
      %dma_start3A_83 = tpu.memref_slice %arg10[%dma_start3A_80, %dma_start3A_81, %dma_start3A_82] : memref<2x128x128xf32, #tpu.memory_space<vmem>> -> memref<1x128x128xf32, #tpu.memory_space<vmem>>
      %dma_start3A_84 = tpu.memref_squeeze %dma_start3A_83 : memref<1x128x128xf32, #tpu.memory_space<vmem>> -> memref<128x128xf32, #tpu.memory_space<vmem>>
      %dma_start3A_85 = arith.constant 0 : i32
      %dma_start3A_86 = tpu.memref_slice %arg8[%rem3A_60, %dma_start3A_79, %dma_start3A_85] : memref<2x8x128xi32, #tpu.memory_space<vmem>> -> memref<1x1x128xi32, #tpu.memory_space<vmem>>
      %dma_start3A_87 = tpu.memref_squeeze %dma_start3A_86 : memref<1x1x128xi32, #tpu.memory_space<vmem>> -> memref<128xi32, #tpu.memory_space<vmem>>
      %dma_start3A_88 = arith.constant 0 : i32
      %dma_start3A_89 = arith.constant 0 : i32
      %dma_start3A_90 = tpu.memref_slice %arg2[%dma_start3A_88, %dma_start3A_89] : memref<10000x128xf32, #tpu.memory_space<hbm>> -> memref<10000x128xf32, #tpu.memory_space<hbm>>
      tpu.enqueue_indirect_dma source(%dma_start3A_90 : memref<10000x128xf32, #tpu.memory_space<hbm>>) target(%dma_start3A_84 : memref<128x128xf32, #tpu.memory_space<vmem>>) offsets(%dma_start3A_87 : memref<128xi32, #tpu.memory_space<vmem>>) semaphore(%arg13 : memref<!tpu.dma_semaphore, #tpu.memory_space<semaphore_mem>>)
      %run_scoped3A_91 = arith.constant 0 : i32
      %run_scoped3A_92 = arith.constant 0 : i32
      "tpu.region"() ({
        %run_scoped3A_269 = tpu.sem_alloc : memref<!tpu.dma_semaphore, #tpu.memory_space<semaphore_mem>>
        %dma_start3A_270 = arith.constant 0 : i32
        %dma_start3A_271 = arith.constant 0 : i32
        %dma_start3A_272 = tpu.memref_slice %arg10[%run_scoped3A_91, %dma_start3A_270, %dma_start3A_271] : memref<2x128x128xf32, #tpu.memory_space<vmem>> -> memref<1x128x128xf32, #tpu.memory_space<vmem>>
        %dma_start3A_273 = tpu.memref_squeeze %dma_start3A_272 : memref<1x128x128xf32, #tpu.memory_space<vmem>> -> memref<128x128xf32, #tpu.memory_space<vmem>>
        %dma_start3A_274 = arith.constant 0 : i32
        %dma_start3A_275 = tpu.memref_slice %arg9[%rem3A_60, %run_scoped3A_92, %dma_start3A_274] : memref<2x8x128xi32, #tpu.memory_space<vmem>> -> memref<1x1x128xi32, #tpu.memory_space<vmem>>
        %dma_start3A_276 = tpu.memref_squeeze %dma_start3A_275 : memref<1x1x128xi32, #tpu.memory_space<vmem>> -> memref<128xi32, #tpu.memory_space<vmem>>
        %dma_start3A_277 = arith.constant 0 : i32
        %dma_start3A_278 = arith.constant 0 : i32
        %dma_start3A_279 = tpu.memref_slice %arg12[%dma_start3A_277, %dma_start3A_278] : memref<10240x128xf32, #tpu.memory_space<vmem_shared>> -> memref<10240x128xf32, #tpu.memory_space<vmem_shared>>
        tpu.enqueue_indirect_dma source(%dma_start3A_273 : memref<128x128xf32, #tpu.memory_space<vmem>>) target(%dma_start3A_279 : memref<10240x128xf32, #tpu.memory_space<vmem_shared>>) offsets(%dma_start3A_276 : memref<128xi32, #tpu.memory_space<vmem>>) semaphore(%run_scoped3A_269 : memref<!tpu.dma_semaphore, #tpu.memory_space<semaphore_mem>>) {add = true}
        %dma_wait3A_280 = arith.constant 0 : i32
        %dma_wait3A_281 = arith.constant 0 : i32
        %dma_wait3A_282 = tpu.memref_slice %arg10[%run_scoped3A_91, %dma_wait3A_280, %dma_wait3A_281] : memref<2x128x128xf32, #tpu.memory_space<vmem>> -> memref<1x128x128xf32, #tpu.memory_space<vmem>>
        %dma_wait3A_283 = tpu.memref_squeeze %dma_wait3A_282 : memref<1x128x128xf32, #tpu.memory_space<vmem>> -> memref<128x128xf32, #tpu.memory_space<vmem>>
        %dma_wait3A_284 = arith.constant 0 : i32
        %dma_wait3A_285 = tpu.memref_slice %arg9[%rem3A_60, %run_scoped3A_92, %dma_wait3A_284] : memref<2x8x128xi32, #tpu.memory_space<vmem>> -> memref<1x1x128xi32, #tpu.memory_space<vmem>>
        %dma_wait3A_286 = tpu.memref_squeeze %dma_wait3A_285 : memref<1x1x128xi32, #tpu.memory_space<vmem>> -> memref<128xi32, #tpu.memory_space<vmem>>
        %dma_wait3A_287 = arith.constant 0 : i32
        %dma_wait3A_288 = arith.constant 0 : i32
        %dma_wait3A_289 = tpu.memref_slice %arg12[%dma_wait3A_287, %dma_wait3A_288] : memref<10240x128xf32, #tpu.memory_space<vmem_shared>> -> memref<10240x128xf32, #tpu.memory_space<vmem_shared>>
        tpu.wait_indirect_dma semaphore(%run_scoped3A_269 : memref<!tpu.dma_semaphore, #tpu.memory_space<semaphore_mem>>) src(%dma_wait3A_283 : memref<128x128xf32, #tpu.memory_space<vmem>>) dst(%dma_wait3A_289 : memref<10240x128xf32, #tpu.memory_space<vmem_shared>>)
        tpu.yield
      }) : () -> ()
      %dma_wait3A_93 = arith.constant 1 : i32
      %dma_wait3A_94 = arith.constant 1 : i32
      %dma_wait3A_95 = arith.constant 0 : i32
      %dma_wait3A_96 = arith.constant 0 : i32
      %dma_wait3A_97 = tpu.memref_slice %arg10[%dma_wait3A_94, %dma_wait3A_95, %dma_wait3A_96] : memref<2x128x128xf32, #tpu.memory_space<vmem>> -> memref<1x128x128xf32, #tpu.memory_space<vmem>>
      %dma_wait3A_98 = tpu.memref_squeeze %dma_wait3A_97 : memref<1x128x128xf32, #tpu.memory_space<vmem>> -> memref<128x128xf32, #tpu.memory_space<vmem>>
      %dma_wait3A_99 = arith.constant 0 : i32
      %dma_wait3A_100 = tpu.memref_slice %arg8[%rem3A_60, %dma_wait3A_93, %dma_wait3A_99] : memref<2x8x128xi32, #tpu.memory_space<vmem>> -> memref<1x1x128xi32, #tpu.memory_space<vmem>>
      %dma_wait3A_101 = tpu.memref_squeeze %dma_wait3A_100 : memref<1x1x128xi32, #tpu.memory_space<vmem>> -> memref<128xi32, #tpu.memory_space<vmem>>
      %dma_wait3A_102 = arith.constant 0 : i32
      %dma_wait3A_103 = arith.constant 0 : i32
      %dma_wait3A_104 = tpu.memref_slice %arg2[%dma_wait3A_102, %dma_wait3A_103] : memref<10000x128xf32, #tpu.memory_space<hbm>> -> memref<10000x128xf32, #tpu.memory_space<hbm>>
      tpu.wait_indirect_dma semaphore(%arg13 : memref<!tpu.dma_semaphore, #tpu.memory_space<semaphore_mem>>) src(%dma_wait3A_104 : memref<10000x128xf32, #tpu.memory_space<hbm>>) dst(%dma_wait3A_98 : memref<128x128xf32, #tpu.memory_space<vmem>>)
      %dma_start3A_105 = arith.constant 2 : i32
      %dma_start3A_106 = arith.constant 0 : i32
      %dma_start3A_107 = arith.constant 0 : i32
      %dma_start3A_108 = arith.constant 0 : i32
      %dma_start3A_109 = tpu.memref_slice %arg10[%dma_start3A_106, %dma_start3A_107, %dma_start3A_108] : memref<2x128x128xf32, #tpu.memory_space<vmem>> -> memref<1x128x128xf32, #tpu.memory_space<vmem>>
      %dma_start3A_110 = tpu.memref_squeeze %dma_start3A_109 : memref<1x128x128xf32, #tpu.memory_space<vmem>> -> memref<128x128xf32, #tpu.memory_space<vmem>>
      %dma_start3A_111 = arith.constant 0 : i32
      %dma_start3A_112 = tpu.memref_slice %arg8[%rem3A_60, %dma_start3A_105, %dma_start3A_111] : memref<2x8x128xi32, #tpu.memory_space<vmem>> -> memref<1x1x128xi32, #tpu.memory_space<vmem>>
      %dma_start3A_113 = tpu.memref_squeeze %dma_start3A_112 : memref<1x1x128xi32, #tpu.memory_space<vmem>> -> memref<128xi32, #tpu.memory_space<vmem>>
      %dma_start3A_114 = arith.constant 0 : i32
      %dma_start3A_115 = arith.constant 0 : i32
      %dma_start3A_116 = tpu.memref_slice %arg2[%dma_start3A_114, %dma_start3A_115] : memref<10000x128xf32, #tpu.memory_space<hbm>> -> memref<10000x128xf32, #tpu.memory_space<hbm>>
      tpu.enqueue_indirect_dma source(%dma_start3A_116 : memref<10000x128xf32, #tpu.memory_space<hbm>>) target(%dma_start3A_110 : memref<128x128xf32, #tpu.memory_space<vmem>>) offsets(%dma_start3A_113 : memref<128xi32, #tpu.memory_space<vmem>>) semaphore(%arg13 : memref<!tpu.dma_semaphore, #tpu.memory_space<semaphore_mem>>)
      %run_scoped3A_117 = arith.constant 1 : i32
      %run_scoped3A_118 = arith.constant 1 : i32
      "tpu.region"() ({
        %run_scoped3A_269 = tpu.sem_alloc : memref<!tpu.dma_semaphore, #tpu.memory_space<semaphore_mem>>
        %dma_start3A_270 = arith.constant 0 : i32
        %dma_start3A_271 = arith.constant 0 : i32
        %dma_start3A_272 = tpu.memref_slice %arg10[%run_scoped3A_117, %dma_start3A_270, %dma_start3A_271] : memref<2x128x128xf32, #tpu.memory_space<vmem>> -> memref<1x128x128xf32, #tpu.memory_space<vmem>>
        %dma_start3A_273 = tpu.memref_squeeze %dma_start3A_272 : memref<1x128x128xf32, #tpu.memory_space<vmem>> -> memref<128x128xf32, #tpu.memory_space<vmem>>
        %dma_start3A_274 = arith.constant 0 : i32
        %dma_start3A_275 = tpu.memref_slice %arg9[%rem3A_60, %run_scoped3A_118, %dma_start3A_274] : memref<2x8x128xi32, #tpu.memory_space<vmem>> -> memref<1x1x128xi32, #tpu.memory_space<vmem>>
        %dma_start3A_276 = tpu.memref_squeeze %dma_start3A_275 : memref<1x1x128xi32, #tpu.memory_space<vmem>> -> memref<128xi32, #tpu.memory_space<vmem>>
        %dma_start3A_277 = arith.constant 0 : i32
        %dma_start3A_278 = arith.constant 0 : i32
        %dma_start3A_279 = tpu.memref_slice %arg12[%dma_start3A_277, %dma_start3A_278] : memref<10240x128xf32, #tpu.memory_space<vmem_shared>> -> memref<10240x128xf32, #tpu.memory_space<vmem_shared>>
        tpu.enqueue_indirect_dma source(%dma_start3A_273 : memref<128x128xf32, #tpu.memory_space<vmem>>) target(%dma_start3A_279 : memref<10240x128xf32, #tpu.memory_space<vmem_shared>>) offsets(%dma_start3A_276 : memref<128xi32, #tpu.memory_space<vmem>>) semaphore(%run_scoped3A_269 : memref<!tpu.dma_semaphore, #tpu.memory_space<semaphore_mem>>) {add = true}
        %dma_wait3A_280 = arith.constant 0 : i32
        %dma_wait3A_281 = arith.constant 0 : i32
        %dma_wait3A_282 = tpu.memref_slice %arg10[%run_scoped3A_117, %dma_wait3A_280, %dma_wait3A_281] : memref<2x128x128xf32, #tpu.memory_space<vmem>> -> memref<1x128x128xf32, #tpu.memory_space<vmem>>
        %dma_wait3A_283 = tpu.memref_squeeze %dma_wait3A_282 : memref<1x128x128xf32, #tpu.memory_space<vmem>> -> memref<128x128xf32, #tpu.memory_space<vmem>>
        %dma_wait3A_284 = arith.constant 0 : i32
        %dma_wait3A_285 = tpu.memref_slice %arg9[%rem3A_60, %run_scoped3A_118, %dma_wait3A_284] : memref<2x8x128xi32, #tpu.memory_space<vmem>> -> memref<1x1x128xi32, #tpu.memory_space<vmem>>
        %dma_wait3A_286 = tpu.memref_squeeze %dma_wait3A_285 : memref<1x1x128xi32, #tpu.memory_space<vmem>> -> memref<128xi32, #tpu.memory_space<vmem>>
        %dma_wait3A_287 = arith.constant 0 : i32
        %dma_wait3A_288 = arith.constant 0 : i32
        %dma_wait3A_289 = tpu.memref_slice %arg12[%dma_wait3A_287, %dma_wait3A_288] : memref<10240x128xf32, #tpu.memory_space<vmem_shared>> -> memref<10240x128xf32, #tpu.memory_space<vmem_shared>>
        tpu.wait_indirect_dma semaphore(%run_scoped3A_269 : memref<!tpu.dma_semaphore, #tpu.memory_space<semaphore_mem>>) src(%dma_wait3A_283 : memref<128x128xf32, #tpu.memory_space<vmem>>) dst(%dma_wait3A_289 : memref<10240x128xf32, #tpu.memory_space<vmem_shared>>)
        tpu.yield
      }) : () -> ()
      %dma_wait3A_119 = arith.constant 2 : i32
      %dma_wait3A_120 = arith.constant 0 : i32
      %dma_wait3A_121 = arith.constant 0 : i32
      %dma_wait3A_122 = arith.constant 0 : i32
      %dma_wait3A_123 = tpu.memref_slice %arg10[%dma_wait3A_120, %dma_wait3A_121, %dma_wait3A_122] : memref<2x128x128xf32, #tpu.memory_space<vmem>> -> memref<1x128x128xf32, #tpu.memory_space<vmem>>
      %dma_wait3A_124 = tpu.memref_squeeze %dma_wait3A_123 : memref<1x128x128xf32, #tpu.memory_space<vmem>> -> memref<128x128xf32, #tpu.memory_space<vmem>>
      %dma_wait3A_125 = arith.constant 0 : i32
      %dma_wait3A_126 = tpu.memref_slice %arg8[%rem3A_60, %dma_wait3A_119, %dma_wait3A_125] : memref<2x8x128xi32, #tpu.memory_space<vmem>> -> memref<1x1x128xi32, #tpu.memory_space<vmem>>
      %dma_wait3A_127 = tpu.memref_squeeze %dma_wait3A_126 : memref<1x1x128xi32, #tpu.memory_space<vmem>> -> memref<128xi32, #tpu.memory_space<vmem>>
      %dma_wait3A_128 = arith.constant 0 : i32
      %dma_wait3A_129 = arith.constant 0 : i32
      %dma_wait3A_130 = tpu.memref_slice %arg2[%dma_wait3A_128, %dma_wait3A_129] : memref<10000x128xf32, #tpu.memory_space<hbm>> -> memref<10000x128xf32, #tpu.memory_space<hbm>>
      tpu.wait_indirect_dma semaphore(%arg13 : memref<!tpu.dma_semaphore, #tpu.memory_space<semaphore_mem>>) src(%dma_wait3A_130 : memref<10000x128xf32, #tpu.memory_space<hbm>>) dst(%dma_wait3A_124 : memref<128x128xf32, #tpu.memory_space<vmem>>)
      %dma_start3A_131 = arith.constant 3 : i32
      %dma_start3A_132 = arith.constant 1 : i32
      %dma_start3A_133 = arith.constant 0 : i32
      %dma_start3A_134 = arith.constant 0 : i32
      %dma_start3A_135 = tpu.memref_slice %arg10[%dma_start3A_132, %dma_start3A_133, %dma_start3A_134] : memref<2x128x128xf32, #tpu.memory_space<vmem>> -> memref<1x128x128xf32, #tpu.memory_space<vmem>>
      %dma_start3A_136 = tpu.memref_squeeze %dma_start3A_135 : memref<1x128x128xf32, #tpu.memory_space<vmem>> -> memref<128x128xf32, #tpu.memory_space<vmem>>
      %dma_start3A_137 = arith.constant 0 : i32
      %dma_start3A_138 = tpu.memref_slice %arg8[%rem3A_60, %dma_start3A_131, %dma_start3A_137] : memref<2x8x128xi32, #tpu.memory_space<vmem>> -> memref<1x1x128xi32, #tpu.memory_space<vmem>>
      %dma_start3A_139 = tpu.memref_squeeze %dma_start3A_138 : memref<1x1x128xi32, #tpu.memory_space<vmem>> -> memref<128xi32, #tpu.memory_space<vmem>>
      %dma_start3A_140 = arith.constant 0 : i32
      %dma_start3A_141 = arith.constant 0 : i32
      %dma_start3A_142 = tpu.memref_slice %arg2[%dma_start3A_140, %dma_start3A_141] : memref<10000x128xf32, #tpu.memory_space<hbm>> -> memref<10000x128xf32, #tpu.memory_space<hbm>>
      tpu.enqueue_indirect_dma source(%dma_start3A_142 : memref<10000x128xf32, #tpu.memory_space<hbm>>) target(%dma_start3A_136 : memref<128x128xf32, #tpu.memory_space<vmem>>) offsets(%dma_start3A_139 : memref<128xi32, #tpu.memory_space<vmem>>) semaphore(%arg13 : memref<!tpu.dma_semaphore, #tpu.memory_space<semaphore_mem>>)
      %run_scoped3A_143 = arith.constant 0 : i32
      %run_scoped3A_144 = arith.constant 2 : i32
      "tpu.region"() ({
        %run_scoped3A_269 = tpu.sem_alloc : memref<!tpu.dma_semaphore, #tpu.memory_space<semaphore_mem>>
        %dma_start3A_270 = arith.constant 0 : i32
        %dma_start3A_271 = arith.constant 0 : i32
        %dma_start3A_272 = tpu.memref_slice %arg10[%run_scoped3A_143, %dma_start3A_270, %dma_start3A_271] : memref<2x128x128xf32, #tpu.memory_space<vmem>> -> memref<1x128x128xf32, #tpu.memory_space<vmem>>
        %dma_start3A_273 = tpu.memref_squeeze %dma_start3A_272 : memref<1x128x128xf32, #tpu.memory_space<vmem>> -> memref<128x128xf32, #tpu.memory_space<vmem>>
        %dma_start3A_274 = arith.constant 0 : i32
        %dma_start3A_275 = tpu.memref_slice %arg9[%rem3A_60, %run_scoped3A_144, %dma_start3A_274] : memref<2x8x128xi32, #tpu.memory_space<vmem>> -> memref<1x1x128xi32, #tpu.memory_space<vmem>>
        %dma_start3A_276 = tpu.memref_squeeze %dma_start3A_275 : memref<1x1x128xi32, #tpu.memory_space<vmem>> -> memref<128xi32, #tpu.memory_space<vmem>>
        %dma_start3A_277 = arith.constant 0 : i32
        %dma_start3A_278 = arith.constant 0 : i32
        %dma_start3A_279 = tpu.memref_slice %arg12[%dma_start3A_277, %dma_start3A_278] : memref<10240x128xf32, #tpu.memory_space<vmem_shared>> -> memref<10240x128xf32, #tpu.memory_space<vmem_shared>>
        tpu.enqueue_indirect_dma source(%dma_start3A_273 : memref<128x128xf32, #tpu.memory_space<vmem>>) target(%dma_start3A_279 : memref<10240x128xf32, #tpu.memory_space<vmem_shared>>) offsets(%dma_start3A_276 : memref<128xi32, #tpu.memory_space<vmem>>) semaphore(%run_scoped3A_269 : memref<!tpu.dma_semaphore, #tpu.memory_space<semaphore_mem>>) {add = true}
        %dma_wait3A_280 = arith.constant 0 : i32
        %dma_wait3A_281 = arith.constant 0 : i32
        %dma_wait3A_282 = tpu.memref_slice %arg10[%run_scoped3A_143, %dma_wait3A_280, %dma_wait3A_281] : memref<2x128x128xf32, #tpu.memory_space<vmem>> -> memref<1x128x128xf32, #tpu.memory_space<vmem>>
        %dma_wait3A_283 = tpu.memref_squeeze %dma_wait3A_282 : memref<1x128x128xf32, #tpu.memory_space<vmem>> -> memref<128x128xf32, #tpu.memory_space<vmem>>
        %dma_wait3A_284 = arith.constant 0 : i32
        %dma_wait3A_285 = tpu.memref_slice %arg9[%rem3A_60, %run_scoped3A_144, %dma_wait3A_284] : memref<2x8x128xi32, #tpu.memory_space<vmem>> -> memref<1x1x128xi32, #tpu.memory_space<vmem>>
        %dma_wait3A_286 = tpu.memref_squeeze %dma_wait3A_285 : memref<1x1x128xi32, #tpu.memory_space<vmem>> -> memref<128xi32, #tpu.memory_space<vmem>>
        %dma_wait3A_287 = arith.constant 0 : i32
        %dma_wait3A_288 = arith.constant 0 : i32
        %dma_wait3A_289 = tpu.memref_slice %arg12[%dma_wait3A_287, %dma_wait3A_288] : memref<10240x128xf32, #tpu.memory_space<vmem_shared>> -> memref<10240x128xf32, #tpu.memory_space<vmem_shared>>
        tpu.wait_indirect_dma semaphore(%run_scoped3A_269 : memref<!tpu.dma_semaphore, #tpu.memory_space<semaphore_mem>>) src(%dma_wait3A_283 : memref<128x128xf32, #tpu.memory_space<vmem>>) dst(%dma_wait3A_289 : memref<10240x128xf32, #tpu.memory_space<vmem_shared>>)
        tpu.yield
      }) : () -> ()
      %dma_wait3A_145 = arith.constant 3 : i32
      %dma_wait3A_146 = arith.constant 1 : i32
      %dma_wait3A_147 = arith.constant 0 : i32
      %dma_wait3A_148 = arith.constant 0 : i32
      %dma_wait3A_149 = tpu.memref_slice %arg10[%dma_wait3A_146, %dma_wait3A_147, %dma_wait3A_148] : memref<2x128x128xf32, #tpu.memory_space<vmem>> -> memref<1x128x128xf32, #tpu.memory_space<vmem>>
      %dma_wait3A_150 = tpu.memref_squeeze %dma_wait3A_149 : memref<1x128x128xf32, #tpu.memory_space<vmem>> -> memref<128x128xf32, #tpu.memory_space<vmem>>
      %dma_wait3A_151 = arith.constant 0 : i32
      %dma_wait3A_152 = tpu.memref_slice %arg8[%rem3A_60, %dma_wait3A_145, %dma_wait3A_151] : memref<2x8x128xi32, #tpu.memory_space<vmem>> -> memref<1x1x128xi32, #tpu.memory_space<vmem>>
      %dma_wait3A_153 = tpu.memref_squeeze %dma_wait3A_152 : memref<1x1x128xi32, #tpu.memory_space<vmem>> -> memref<128xi32, #tpu.memory_space<vmem>>
      %dma_wait3A_154 = arith.constant 0 : i32
      %dma_wait3A_155 = arith.constant 0 : i32
      %dma_wait3A_156 = tpu.memref_slice %arg2[%dma_wait3A_154, %dma_wait3A_155] : memref<10000x128xf32, #tpu.memory_space<hbm>> -> memref<10000x128xf32, #tpu.memory_space<hbm>>
      tpu.wait_indirect_dma semaphore(%arg13 : memref<!tpu.dma_semaphore, #tpu.memory_space<semaphore_mem>>) src(%dma_wait3A_156 : memref<10000x128xf32, #tpu.memory_space<hbm>>) dst(%dma_wait3A_150 : memref<128x128xf32, #tpu.memory_space<vmem>>)
      %dma_start3A_157 = arith.constant 4 : i32
      %dma_start3A_158 = arith.constant 0 : i32
      %dma_start3A_159 = arith.constant 0 : i32
      %dma_start3A_160 = arith.constant 0 : i32
      %dma_start3A_161 = tpu.memref_slice %arg10[%dma_start3A_158, %dma_start3A_159, %dma_start3A_160] : memref<2x128x128xf32, #tpu.memory_space<vmem>> -> memref<1x128x128xf32, #tpu.memory_space<vmem>>
      %dma_start3A_162 = tpu.memref_squeeze %dma_start3A_161 : memref<1x128x128xf32, #tpu.memory_space<vmem>> -> memref<128x128xf32, #tpu.memory_space<vmem>>
      %dma_start3A_163 = arith.constant 0 : i32
      %dma_start3A_164 = tpu.memref_slice %arg8[%rem3A_60, %dma_start3A_157, %dma_start3A_163] : memref<2x8x128xi32, #tpu.memory_space<vmem>> -> memref<1x1x128xi32, #tpu.memory_space<vmem>>
      %dma_start3A_165 = tpu.memref_squeeze %dma_start3A_164 : memref<1x1x128xi32, #tpu.memory_space<vmem>> -> memref<128xi32, #tpu.memory_space<vmem>>
      %dma_start3A_166 = arith.constant 0 : i32
      %dma_start3A_167 = arith.constant 0 : i32
      %dma_start3A_168 = tpu.memref_slice %arg2[%dma_start3A_166, %dma_start3A_167] : memref<10000x128xf32, #tpu.memory_space<hbm>> -> memref<10000x128xf32, #tpu.memory_space<hbm>>
      tpu.enqueue_indirect_dma source(%dma_start3A_168 : memref<10000x128xf32, #tpu.memory_space<hbm>>) target(%dma_start3A_162 : memref<128x128xf32, #tpu.memory_space<vmem>>) offsets(%dma_start3A_165 : memref<128xi32, #tpu.memory_space<vmem>>) semaphore(%arg13 : memref<!tpu.dma_semaphore, #tpu.memory_space<semaphore_mem>>)
      %run_scoped3A_169 = arith.constant 1 : i32
      %run_scoped3A_170 = arith.constant 3 : i32
      "tpu.region"() ({
        %run_scoped3A_269 = tpu.sem_alloc : memref<!tpu.dma_semaphore, #tpu.memory_space<semaphore_mem>>
        %dma_start3A_270 = arith.constant 0 : i32
        %dma_start3A_271 = arith.constant 0 : i32
        %dma_start3A_272 = tpu.memref_slice %arg10[%run_scoped3A_169, %dma_start3A_270, %dma_start3A_271] : memref<2x128x128xf32, #tpu.memory_space<vmem>> -> memref<1x128x128xf32, #tpu.memory_space<vmem>>
        %dma_start3A_273 = tpu.memref_squeeze %dma_start3A_272 : memref<1x128x128xf32, #tpu.memory_space<vmem>> -> memref<128x128xf32, #tpu.memory_space<vmem>>
        %dma_start3A_274 = arith.constant 0 : i32
        %dma_start3A_275 = tpu.memref_slice %arg9[%rem3A_60, %run_scoped3A_170, %dma_start3A_274] : memref<2x8x128xi32, #tpu.memory_space<vmem>> -> memref<1x1x128xi32, #tpu.memory_space<vmem>>
        %dma_start3A_276 = tpu.memref_squeeze %dma_start3A_275 : memref<1x1x128xi32, #tpu.memory_space<vmem>> -> memref<128xi32, #tpu.memory_space<vmem>>
        %dma_start3A_277 = arith.constant 0 : i32
        %dma_start3A_278 = arith.constant 0 : i32
        %dma_start3A_279 = tpu.memref_slice %arg12[%dma_start3A_277, %dma_start3A_278] : memref<10240x128xf32, #tpu.memory_space<vmem_shared>> -> memref<10240x128xf32, #tpu.memory_space<vmem_shared>>
        tpu.enqueue_indirect_dma source(%dma_start3A_273 : memref<128x128xf32, #tpu.memory_space<vmem>>) target(%dma_start3A_279 : memref<10240x128xf32, #tpu.memory_space<vmem_shared>>) offsets(%dma_start3A_276 : memref<128xi32, #tpu.memory_space<vmem>>) semaphore(%run_scoped3A_269 : memref<!tpu.dma_semaphore, #tpu.memory_space<semaphore_mem>>) {add = true}
        %dma_wait3A_280 = arith.constant 0 : i32
        %dma_wait3A_281 = arith.constant 0 : i32
        %dma_wait3A_282 = tpu.memref_slice %arg10[%run_scoped3A_169, %dma_wait3A_280, %dma_wait3A_281] : memref<2x128x128xf32, #tpu.memory_space<vmem>> -> memref<1x128x128xf32, #tpu.memory_space<vmem>>
        %dma_wait3A_283 = tpu.memref_squeeze %dma_wait3A_282 : memref<1x128x128xf32, #tpu.memory_space<vmem>> -> memref<128x128xf32, #tpu.memory_space<vmem>>
        %dma_wait3A_284 = arith.constant 0 : i32
        %dma_wait3A_285 = tpu.memref_slice %arg9[%rem3A_60, %run_scoped3A_170, %dma_wait3A_284] : memref<2x8x128xi32, #tpu.memory_space<vmem>> -> memref<1x1x128xi32, #tpu.memory_space<vmem>>
        %dma_wait3A_286 = tpu.memref_squeeze %dma_wait3A_285 : memref<1x1x128xi32, #tpu.memory_space<vmem>> -> memref<128xi32, #tpu.memory_space<vmem>>
        %dma_wait3A_287 = arith.constant 0 : i32
        %dma_wait3A_288 = arith.constant 0 : i32
        %dma_wait3A_289 = tpu.memref_slice %arg12[%dma_wait3A_287, %dma_wait3A_288] : memref<10240x128xf32, #tpu.memory_space<vmem_shared>> -> memref<10240x128xf32, #tpu.memory_space<vmem_shared>>
        tpu.wait_indirect_dma semaphore(%run_scoped3A_269 : memref<!tpu.dma_semaphore, #tpu.memory_space<semaphore_mem>>) src(%dma_wait3A_283 : memref<128x128xf32, #tpu.memory_space<vmem>>) dst(%dma_wait3A_289 : memref<10240x128xf32, #tpu.memory_space<vmem_shared>>)
        tpu.yield
      }) : () -> ()
      %dma_wait3A_171 = arith.constant 4 : i32
      %dma_wait3A_172 = arith.constant 0 : i32
      %dma_wait3A_173 = arith.constant 0 : i32
      %dma_wait3A_174 = arith.constant 0 : i32
      %dma_wait3A_175 = tpu.memref_slice %arg10[%dma_wait3A_172, %dma_wait3A_173, %dma_wait3A_174] : memref<2x128x128xf32, #tpu.memory_space<vmem>> -> memref<1x128x128xf32, #tpu.memory_space<vmem>>
      %dma_wait3A_176 = tpu.memref_squeeze %dma_wait3A_175 : memref<1x128x128xf32, #tpu.memory_space<vmem>> -> memref<128x128xf32, #tpu.memory_space<vmem>>
      %dma_wait3A_177 = arith.constant 0 : i32
      %dma_wait3A_178 = tpu.memref_slice %arg8[%rem3A_60, %dma_wait3A_171, %dma_wait3A_177] : memref<2x8x128xi32, #tpu.memory_space<vmem>> -> memref<1x1x128xi32, #tpu.memory_space<vmem>>
      %dma_wait3A_179 = tpu.memref_squeeze %dma_wait3A_178 : memref<1x1x128xi32, #tpu.memory_space<vmem>> -> memref<128xi32, #tpu.memory_space<vmem>>
      %dma_wait3A_180 = arith.constant 0 : i32
      %dma_wait3A_181 = arith.constant 0 : i32
      %dma_wait3A_182 = tpu.memref_slice %arg2[%dma_wait3A_180, %dma_wait3A_181] : memref<10000x128xf32, #tpu.memory_space<hbm>> -> memref<10000x128xf32, #tpu.memory_space<hbm>>
      tpu.wait_indirect_dma semaphore(%arg13 : memref<!tpu.dma_semaphore, #tpu.memory_space<semaphore_mem>>) src(%dma_wait3A_182 : memref<10000x128xf32, #tpu.memory_space<hbm>>) dst(%dma_wait3A_176 : memref<128x128xf32, #tpu.memory_space<vmem>>)
      %dma_start3A_183 = arith.constant 5 : i32
      %dma_start3A_184 = arith.constant 1 : i32
      %dma_start3A_185 = arith.constant 0 : i32
      %dma_start3A_186 = arith.constant 0 : i32
      %dma_start3A_187 = tpu.memref_slice %arg10[%dma_start3A_184, %dma_start3A_185, %dma_start3A_186] : memref<2x128x128xf32, #tpu.memory_space<vmem>> -> memref<1x128x128xf32, #tpu.memory_space<vmem>>
      %dma_start3A_188 = tpu.memref_squeeze %dma_start3A_187 : memref<1x128x128xf32, #tpu.memory_space<vmem>> -> memref<128x128xf32, #tpu.memory_space<vmem>>
      %dma_start3A_189 = arith.constant 0 : i32
      %dma_start3A_190 = tpu.memref_slice %arg8[%rem3A_60, %dma_start3A_183, %dma_start3A_189] : memref<2x8x128xi32, #tpu.memory_space<vmem>> -> memref<1x1x128xi32, #tpu.memory_space<vmem>>
      %dma_start3A_191 = tpu.memref_squeeze %dma_start3A_190 : memref<1x1x128xi32, #tpu.memory_space<vmem>> -> memref<128xi32, #tpu.memory_space<vmem>>
      %dma_start3A_192 = arith.constant 0 : i32
      %dma_start3A_193 = arith.constant 0 : i32
      %dma_start3A_194 = tpu.memref_slice %arg2[%dma_start3A_192, %dma_start3A_193] : memref<10000x128xf32, #tpu.memory_space<hbm>> -> memref<10000x128xf32, #tpu.memory_space<hbm>>
      tpu.enqueue_indirect_dma source(%dma_start3A_194 : memref<10000x128xf32, #tpu.memory_space<hbm>>) target(%dma_start3A_188 : memref<128x128xf32, #tpu.memory_space<vmem>>) offsets(%dma_start3A_191 : memref<128xi32, #tpu.memory_space<vmem>>) semaphore(%arg13 : memref<!tpu.dma_semaphore, #tpu.memory_space<semaphore_mem>>)
      %run_scoped3A_195 = arith.constant 0 : i32
      %run_scoped3A_196 = arith.constant 4 : i32
      "tpu.region"() ({
        %run_scoped3A_269 = tpu.sem_alloc : memref<!tpu.dma_semaphore, #tpu.memory_space<semaphore_mem>>
        %dma_start3A_270 = arith.constant 0 : i32
        %dma_start3A_271 = arith.constant 0 : i32
        %dma_start3A_272 = tpu.memref_slice %arg10[%run_scoped3A_195, %dma_start3A_270, %dma_start3A_271] : memref<2x128x128xf32, #tpu.memory_space<vmem>> -> memref<1x128x128xf32, #tpu.memory_space<vmem>>
        %dma_start3A_273 = tpu.memref_squeeze %dma_start3A_272 : memref<1x128x128xf32, #tpu.memory_space<vmem>> -> memref<128x128xf32, #tpu.memory_space<vmem>>
        %dma_start3A_274 = arith.constant 0 : i32
        %dma_start3A_275 = tpu.memref_slice %arg9[%rem3A_60, %run_scoped3A_196, %dma_start3A_274] : memref<2x8x128xi32, #tpu.memory_space<vmem>> -> memref<1x1x128xi32, #tpu.memory_space<vmem>>
        %dma_start3A_276 = tpu.memref_squeeze %dma_start3A_275 : memref<1x1x128xi32, #tpu.memory_space<vmem>> -> memref<128xi32, #tpu.memory_space<vmem>>
        %dma_start3A_277 = arith.constant 0 : i32
        %dma_start3A_278 = arith.constant 0 : i32
        %dma_start3A_279 = tpu.memref_slice %arg12[%dma_start3A_277, %dma_start3A_278] : memref<10240x128xf32, #tpu.memory_space<vmem_shared>> -> memref<10240x128xf32, #tpu.memory_space<vmem_shared>>
        tpu.enqueue_indirect_dma source(%dma_start3A_273 : memref<128x128xf32, #tpu.memory_space<vmem>>) target(%dma_start3A_279 : memref<10240x128xf32, #tpu.memory_space<vmem_shared>>) offsets(%dma_start3A_276 : memref<128xi32, #tpu.memory_space<vmem>>) semaphore(%run_scoped3A_269 : memref<!tpu.dma_semaphore, #tpu.memory_space<semaphore_mem>>) {add = true}
        %dma_wait3A_280 = arith.constant 0 : i32
        %dma_wait3A_281 = arith.constant 0 : i32
        %dma_wait3A_282 = tpu.memref_slice %arg10[%run_scoped3A_195, %dma_wait3A_280, %dma_wait3A_281] : memref<2x128x128xf32, #tpu.memory_space<vmem>> -> memref<1x128x128xf32, #tpu.memory_space<vmem>>
        %dma_wait3A_283 = tpu.memref_squeeze %dma_wait3A_282 : memref<1x128x128xf32, #tpu.memory_space<vmem>> -> memref<128x128xf32, #tpu.memory_space<vmem>>
        %dma_wait3A_284 = arith.constant 0 : i32
        %dma_wait3A_285 = tpu.memref_slice %arg9[%rem3A_60, %run_scoped3A_196, %dma_wait3A_284] : memref<2x8x128xi32, #tpu.memory_space<vmem>> -> memref<1x1x128xi32, #tpu.memory_space<vmem>>
        %dma_wait3A_286 = tpu.memref_squeeze %dma_wait3A_285 : memref<1x1x128xi32, #tpu.memory_space<vmem>> -> memref<128xi32, #tpu.memory_space<vmem>>
        %dma_wait3A_287 = arith.constant 0 : i32
        %dma_wait3A_288 = arith.constant 0 : i32
        %dma_wait3A_289 = tpu.memref_slice %arg12[%dma_wait3A_287, %dma_wait3A_288] : memref<10240x128xf32, #tpu.memory_space<vmem_shared>> -> memref<10240x128xf32, #tpu.memory_space<vmem_shared>>
        tpu.wait_indirect_dma semaphore(%run_scoped3A_269 : memref<!tpu.dma_semaphore, #tpu.memory_space<semaphore_mem>>) src(%dma_wait3A_283 : memref<128x128xf32, #tpu.memory_space<vmem>>) dst(%dma_wait3A_289 : memref<10240x128xf32, #tpu.memory_space<vmem_shared>>)
        tpu.yield
      }) : () -> ()
      %dma_wait3A_197 = arith.constant 5 : i32
      %dma_wait3A_198 = arith.constant 1 : i32
      %dma_wait3A_199 = arith.constant 0 : i32
      %dma_wait3A_200 = arith.constant 0 : i32
      %dma_wait3A_201 = tpu.memref_slice %arg10[%dma_wait3A_198, %dma_wait3A_199, %dma_wait3A_200] : memref<2x128x128xf32, #tpu.memory_space<vmem>> -> memref<1x128x128xf32, #tpu.memory_space<vmem>>
      %dma_wait3A_202 = tpu.memref_squeeze %dma_wait3A_201 : memref<1x128x128xf32, #tpu.memory_space<vmem>> -> memref<128x128xf32, #tpu.memory_space<vmem>>
      %dma_wait3A_203 = arith.constant 0 : i32
      %dma_wait3A_204 = tpu.memref_slice %arg8[%rem3A_60, %dma_wait3A_197, %dma_wait3A_203] : memref<2x8x128xi32, #tpu.memory_space<vmem>> -> memref<1x1x128xi32, #tpu.memory_space<vmem>>
      %dma_wait3A_205 = tpu.memref_squeeze %dma_wait3A_204 : memref<1x1x128xi32, #tpu.memory_space<vmem>> -> memref<128xi32, #tpu.memory_space<vmem>>
      %dma_wait3A_206 = arith.constant 0 : i32
      %dma_wait3A_207 = arith.constant 0 : i32
      %dma_wait3A_208 = tpu.memref_slice %arg2[%dma_wait3A_206, %dma_wait3A_207] : memref<10000x128xf32, #tpu.memory_space<hbm>> -> memref<10000x128xf32, #tpu.memory_space<hbm>>
      tpu.wait_indirect_dma semaphore(%arg13 : memref<!tpu.dma_semaphore, #tpu.memory_space<semaphore_mem>>) src(%dma_wait3A_208 : memref<10000x128xf32, #tpu.memory_space<hbm>>) dst(%dma_wait3A_202 : memref<128x128xf32, #tpu.memory_space<vmem>>)
      %dma_start3A_209 = arith.constant 6 : i32
      %dma_start3A_210 = arith.constant 0 : i32
      %dma_start3A_211 = arith.constant 0 : i32
      %dma_start3A_212 = arith.constant 0 : i32
      %dma_start3A_213 = tpu.memref_slice %arg10[%dma_start3A_210, %dma_start3A_211, %dma_start3A_212] : memref<2x128x128xf32, #tpu.memory_space<vmem>> -> memref<1x128x128xf32, #tpu.memory_space<vmem>>
      %dma_start3A_214 = tpu.memref_squeeze %dma_start3A_213 : memref<1x128x128xf32, #tpu.memory_space<vmem>> -> memref<128x128xf32, #tpu.memory_space<vmem>>
      %dma_start3A_215 = arith.constant 0 : i32
      %dma_start3A_216 = tpu.memref_slice %arg8[%rem3A_60, %dma_start3A_209, %dma_start3A_215] : memref<2x8x128xi32, #tpu.memory_space<vmem>> -> memref<1x1x128xi32, #tpu.memory_space<vmem>>
      %dma_start3A_217 = tpu.memref_squeeze %dma_start3A_216 : memref<1x1x128xi32, #tpu.memory_space<vmem>> -> memref<128xi32, #tpu.memory_space<vmem>>
      %dma_start3A_218 = arith.constant 0 : i32
      %dma_start3A_219 = arith.constant 0 : i32
      %dma_start3A_220 = tpu.memref_slice %arg2[%dma_start3A_218, %dma_start3A_219] : memref<10000x128xf32, #tpu.memory_space<hbm>> -> memref<10000x128xf32, #tpu.memory_space<hbm>>
      tpu.enqueue_indirect_dma source(%dma_start3A_220 : memref<10000x128xf32, #tpu.memory_space<hbm>>) target(%dma_start3A_214 : memref<128x128xf32, #tpu.memory_space<vmem>>) offsets(%dma_start3A_217 : memref<128xi32, #tpu.memory_space<vmem>>) semaphore(%arg13 : memref<!tpu.dma_semaphore, #tpu.memory_space<semaphore_mem>>)
      %run_scoped3A_221 = arith.constant 1 : i32
      %run_scoped3A_222 = arith.constant 5 : i32
      "tpu.region"() ({
        %run_scoped3A_269 = tpu.sem_alloc : memref<!tpu.dma_semaphore, #tpu.memory_space<semaphore_mem>>
        %dma_start3A_270 = arith.constant 0 : i32
        %dma_start3A_271 = arith.constant 0 : i32
        %dma_start3A_272 = tpu.memref_slice %arg10[%run_scoped3A_221, %dma_start3A_270, %dma_start3A_271] : memref<2x128x128xf32, #tpu.memory_space<vmem>> -> memref<1x128x128xf32, #tpu.memory_space<vmem>>
        %dma_start3A_273 = tpu.memref_squeeze %dma_start3A_272 : memref<1x128x128xf32, #tpu.memory_space<vmem>> -> memref<128x128xf32, #tpu.memory_space<vmem>>
        %dma_start3A_274 = arith.constant 0 : i32
        %dma_start3A_275 = tpu.memref_slice %arg9[%rem3A_60, %run_scoped3A_222, %dma_start3A_274] : memref<2x8x128xi32, #tpu.memory_space<vmem>> -> memref<1x1x128xi32, #tpu.memory_space<vmem>>
        %dma_start3A_276 = tpu.memref_squeeze %dma_start3A_275 : memref<1x1x128xi32, #tpu.memory_space<vmem>> -> memref<128xi32, #tpu.memory_space<vmem>>
        %dma_start3A_277 = arith.constant 0 : i32
        %dma_start3A_278 = arith.constant 0 : i32
        %dma_start3A_279 = tpu.memref_slice %arg12[%dma_start3A_277, %dma_start3A_278] : memref<10240x128xf32, #tpu.memory_space<vmem_shared>> -> memref<10240x128xf32, #tpu.memory_space<vmem_shared>>
        tpu.enqueue_indirect_dma source(%dma_start3A_273 : memref<128x128xf32, #tpu.memory_space<vmem>>) target(%dma_start3A_279 : memref<10240x128xf32, #tpu.memory_space<vmem_shared>>) offsets(%dma_start3A_276 : memref<128xi32, #tpu.memory_space<vmem>>) semaphore(%run_scoped3A_269 : memref<!tpu.dma_semaphore, #tpu.memory_space<semaphore_mem>>) {add = true}
        %dma_wait3A_280 = arith.constant 0 : i32
        %dma_wait3A_281 = arith.constant 0 : i32
        %dma_wait3A_282 = tpu.memref_slice %arg10[%run_scoped3A_221, %dma_wait3A_280, %dma_wait3A_281] : memref<2x128x128xf32, #tpu.memory_space<vmem>> -> memref<1x128x128xf32, #tpu.memory_space<vmem>>
        %dma_wait3A_283 = tpu.memref_squeeze %dma_wait3A_282 : memref<1x128x128xf32, #tpu.memory_space<vmem>> -> memref<128x128xf32, #tpu.memory_space<vmem>>
        %dma_wait3A_284 = arith.constant 0 : i32
        %dma_wait3A_285 = tpu.memref_slice %arg9[%rem3A_60, %run_scoped3A_222, %dma_wait3A_284] : memref<2x8x128xi32, #tpu.memory_space<vmem>> -> memref<1x1x128xi32, #tpu.memory_space<vmem>>
        %dma_wait3A_286 = tpu.memref_squeeze %dma_wait3A_285 : memref<1x1x128xi32, #tpu.memory_space<vmem>> -> memref<128xi32, #tpu.memory_space<vmem>>
        %dma_wait3A_287 = arith.constant 0 : i32
        %dma_wait3A_288 = arith.constant 0 : i32
        %dma_wait3A_289 = tpu.memref_slice %arg12[%dma_wait3A_287, %dma_wait3A_288] : memref<10240x128xf32, #tpu.memory_space<vmem_shared>> -> memref<10240x128xf32, #tpu.memory_space<vmem_shared>>
        tpu.wait_indirect_dma semaphore(%run_scoped3A_269 : memref<!tpu.dma_semaphore, #tpu.memory_space<semaphore_mem>>) src(%dma_wait3A_283 : memref<128x128xf32, #tpu.memory_space<vmem>>) dst(%dma_wait3A_289 : memref<10240x128xf32, #tpu.memory_space<vmem_shared>>)
        tpu.yield
      }) : () -> ()
      %dma_wait3A_223 = arith.constant 6 : i32
      %dma_wait3A_224 = arith.constant 0 : i32
      %dma_wait3A_225 = arith.constant 0 : i32
      %dma_wait3A_226 = arith.constant 0 : i32
      %dma_wait3A_227 = tpu.memref_slice %arg10[%dma_wait3A_224, %dma_wait3A_225, %dma_wait3A_226] : memref<2x128x128xf32, #tpu.memory_space<vmem>> -> memref<1x128x128xf32, #tpu.memory_space<vmem>>
      %dma_wait3A_228 = tpu.memref_squeeze %dma_wait3A_227 : memref<1x128x128xf32, #tpu.memory_space<vmem>> -> memref<128x128xf32, #tpu.memory_space<vmem>>
      %dma_wait3A_229 = arith.constant 0 : i32
      %dma_wait3A_230 = tpu.memref_slice %arg8[%rem3A_60, %dma_wait3A_223, %dma_wait3A_229] : memref<2x8x128xi32, #tpu.memory_space<vmem>> -> memref<1x1x128xi32, #tpu.memory_space<vmem>>
      %dma_wait3A_231 = tpu.memref_squeeze %dma_wait3A_230 : memref<1x1x128xi32, #tpu.memory_space<vmem>> -> memref<128xi32, #tpu.memory_space<vmem>>
      %dma_wait3A_232 = arith.constant 0 : i32
      %dma_wait3A_233 = arith.constant 0 : i32
      %dma_wait3A_234 = tpu.memref_slice %arg2[%dma_wait3A_232, %dma_wait3A_233] : memref<10000x128xf32, #tpu.memory_space<hbm>> -> memref<10000x128xf32, #tpu.memory_space<hbm>>
      tpu.wait_indirect_dma semaphore(%arg13 : memref<!tpu.dma_semaphore, #tpu.memory_space<semaphore_mem>>) src(%dma_wait3A_234 : memref<10000x128xf32, #tpu.memory_space<hbm>>) dst(%dma_wait3A_228 : memref<128x128xf32, #tpu.memory_space<vmem>>)
      %dma_start3A_235 = arith.constant 7 : i32
      %dma_start3A_236 = arith.constant 1 : i32
      %dma_start3A_237 = arith.constant 0 : i32
      %dma_start3A_238 = arith.constant 0 : i32
      %dma_start3A_239 = tpu.memref_slice %arg10[%dma_start3A_236, %dma_start3A_237, %dma_start3A_238] : memref<2x128x128xf32, #tpu.memory_space<vmem>> -> memref<1x128x128xf32, #tpu.memory_space<vmem>>
      %dma_start3A_240 = tpu.memref_squeeze %dma_start3A_239 : memref<1x128x128xf32, #tpu.memory_space<vmem>> -> memref<128x128xf32, #tpu.memory_space<vmem>>
      %dma_start3A_241 = arith.constant 0 : i32
      %dma_start3A_242 = tpu.memref_slice %arg8[%rem3A_60, %dma_start3A_235, %dma_start3A_241] : memref<2x8x128xi32, #tpu.memory_space<vmem>> -> memref<1x1x128xi32, #tpu.memory_space<vmem>>
      %dma_start3A_243 = tpu.memref_squeeze %dma_start3A_242 : memref<1x1x128xi32, #tpu.memory_space<vmem>> -> memref<128xi32, #tpu.memory_space<vmem>>
      %dma_start3A_244 = arith.constant 0 : i32
      %dma_start3A_245 = arith.constant 0 : i32
      %dma_start3A_246 = tpu.memref_slice %arg2[%dma_start3A_244, %dma_start3A_245] : memref<10000x128xf32, #tpu.memory_space<hbm>> -> memref<10000x128xf32, #tpu.memory_space<hbm>>
      tpu.enqueue_indirect_dma source(%dma_start3A_246 : memref<10000x128xf32, #tpu.memory_space<hbm>>) target(%dma_start3A_240 : memref<128x128xf32, #tpu.memory_space<vmem>>) offsets(%dma_start3A_243 : memref<128xi32, #tpu.memory_space<vmem>>) semaphore(%arg13 : memref<!tpu.dma_semaphore, #tpu.memory_space<semaphore_mem>>)
      %run_scoped3A_247 = arith.constant 0 : i32
      %run_scoped3A_248 = arith.constant 6 : i32
      "tpu.region"() ({
        %run_scoped3A_269 = tpu.sem_alloc : memref<!tpu.dma_semaphore, #tpu.memory_space<semaphore_mem>>
        %dma_start3A_270 = arith.constant 0 : i32
        %dma_start3A_271 = arith.constant 0 : i32
        %dma_start3A_272 = tpu.memref_slice %arg10[%run_scoped3A_247, %dma_start3A_270, %dma_start3A_271] : memref<2x128x128xf32, #tpu.memory_space<vmem>> -> memref<1x128x128xf32, #tpu.memory_space<vmem>>
        %dma_start3A_273 = tpu.memref_squeeze %dma_start3A_272 : memref<1x128x128xf32, #tpu.memory_space<vmem>> -> memref<128x128xf32, #tpu.memory_space<vmem>>
        %dma_start3A_274 = arith.constant 0 : i32
        %dma_start3A_275 = tpu.memref_slice %arg9[%rem3A_60, %run_scoped3A_248, %dma_start3A_274] : memref<2x8x128xi32, #tpu.memory_space<vmem>> -> memref<1x1x128xi32, #tpu.memory_space<vmem>>
        %dma_start3A_276 = tpu.memref_squeeze %dma_start3A_275 : memref<1x1x128xi32, #tpu.memory_space<vmem>> -> memref<128xi32, #tpu.memory_space<vmem>>
        %dma_start3A_277 = arith.constant 0 : i32
        %dma_start3A_278 = arith.constant 0 : i32
        %dma_start3A_279 = tpu.memref_slice %arg12[%dma_start3A_277, %dma_start3A_278] : memref<10240x128xf32, #tpu.memory_space<vmem_shared>> -> memref<10240x128xf32, #tpu.memory_space<vmem_shared>>
        tpu.enqueue_indirect_dma source(%dma_start3A_273 : memref<128x128xf32, #tpu.memory_space<vmem>>) target(%dma_start3A_279 : memref<10240x128xf32, #tpu.memory_space<vmem_shared>>) offsets(%dma_start3A_276 : memref<128xi32, #tpu.memory_space<vmem>>) semaphore(%run_scoped3A_269 : memref<!tpu.dma_semaphore, #tpu.memory_space<semaphore_mem>>) {add = true}
        %dma_wait3A_280 = arith.constant 0 : i32
        %dma_wait3A_281 = arith.constant 0 : i32
        %dma_wait3A_282 = tpu.memref_slice %arg10[%run_scoped3A_247, %dma_wait3A_280, %dma_wait3A_281] : memref<2x128x128xf32, #tpu.memory_space<vmem>> -> memref<1x128x128xf32, #tpu.memory_space<vmem>>
        %dma_wait3A_283 = tpu.memref_squeeze %dma_wait3A_282 : memref<1x128x128xf32, #tpu.memory_space<vmem>> -> memref<128x128xf32, #tpu.memory_space<vmem>>
        %dma_wait3A_284 = arith.constant 0 : i32
        %dma_wait3A_285 = tpu.memref_slice %arg9[%rem3A_60, %run_scoped3A_248, %dma_wait3A_284] : memref<2x8x128xi32, #tpu.memory_space<vmem>> -> memref<1x1x128xi32, #tpu.memory_space<vmem>>
        %dma_wait3A_286 = tpu.memref_squeeze %dma_wait3A_285 : memref<1x1x128xi32, #tpu.memory_space<vmem>> -> memref<128xi32, #tpu.memory_space<vmem>>
        %dma_wait3A_287 = arith.constant 0 : i32
        %dma_wait3A_288 = arith.constant 0 : i32
        %dma_wait3A_289 = tpu.memref_slice %arg12[%dma_wait3A_287, %dma_wait3A_288] : memref<10240x128xf32, #tpu.memory_space<vmem_shared>> -> memref<10240x128xf32, #tpu.memory_space<vmem_shared>>
        tpu.wait_indirect_dma semaphore(%run_scoped3A_269 : memref<!tpu.dma_semaphore, #tpu.memory_space<semaphore_mem>>) src(%dma_wait3A_283 : memref<128x128xf32, #tpu.memory_space<vmem>>) dst(%dma_wait3A_289 : memref<10240x128xf32, #tpu.memory_space<vmem_shared>>)
        tpu.yield
      }) : () -> ()
      %dma_wait3A_249 = arith.constant 7 : i32
      %dma_wait3A_250 = arith.constant 1 : i32
      %dma_wait3A_251 = arith.constant 0 : i32
      %dma_wait3A_252 = arith.constant 0 : i32
      %dma_wait3A_253 = tpu.memref_slice %arg10[%dma_wait3A_250, %dma_wait3A_251, %dma_wait3A_252] : memref<2x128x128xf32, #tpu.memory_space<vmem>> -> memref<1x128x128xf32, #tpu.memory_space<vmem>>
      %dma_wait3A_254 = tpu.memref_squeeze %dma_wait3A_253 : memref<1x128x128xf32, #tpu.memory_space<vmem>> -> memref<128x128xf32, #tpu.memory_space<vmem>>
      %dma_wait3A_255 = arith.constant 0 : i32
      %dma_wait3A_256 = tpu.memref_slice %arg8[%rem3A_60, %dma_wait3A_249, %dma_wait3A_255] : memref<2x8x128xi32, #tpu.memory_space<vmem>> -> memref<1x1x128xi32, #tpu.memory_space<vmem>>
      %dma_wait3A_257 = tpu.memref_squeeze %dma_wait3A_256 : memref<1x1x128xi32, #tpu.memory_space<vmem>> -> memref<128xi32, #tpu.memory_space<vmem>>
      %dma_wait3A_258 = arith.constant 0 : i32
      %dma_wait3A_259 = arith.constant 0 : i32
      %dma_wait3A_260 = tpu.memref_slice %arg2[%dma_wait3A_258, %dma_wait3A_259] : memref<10000x128xf32, #tpu.memory_space<hbm>> -> memref<10000x128xf32, #tpu.memory_space<hbm>>
      tpu.wait_indirect_dma semaphore(%arg13 : memref<!tpu.dma_semaphore, #tpu.memory_space<semaphore_mem>>) src(%dma_wait3A_260 : memref<10000x128xf32, #tpu.memory_space<hbm>>) dst(%dma_wait3A_254 : memref<128x128xf32, #tpu.memory_space<vmem>>)
      %add3A_261 = arith.constant 1 : i32
      %add3A_262 = arith.addi %while3A_58, %add3A_261 : i32
      %lt3A_263 = arith.cmpi slt, %add3A_262, %select_n3A : i32
      %convert_element_type3A_264 = arith.extui %lt3A_263 : i1 to i32
      %cond3A_265 = arith.constant 0 : i32
      %cond3A_266 = arith.cmpi ne, %convert_element_type3A_264, %cond3A_265 : i32
      scf.if %cond3A_266 {
        %dma_start3A_269 = arith.constant 0 : i32
        %dma_start3A_270 = arith.constant 0 : i32
        %dma_start3A_271 = arith.constant 0 : i32
        %dma_start3A_272 = arith.constant 0 : i32
        %dma_start3A_273 = tpu.memref_slice %arg10[%dma_start3A_270, %dma_start3A_271, %dma_start3A_272] : memref<2x128x128xf32, #tpu.memory_space<vmem>> -> memref<1x128x128xf32, #tpu.memory_space<vmem>>
        %dma_start3A_274 = tpu.memref_squeeze %dma_start3A_273 : memref<1x128x128xf32, #tpu.memory_space<vmem>> -> memref<128x128xf32, #tpu.memory_space<vmem>>
        %dma_start3A_275 = arith.constant 0 : i32
        %dma_start3A_276 = tpu.memref_slice %arg8[%rem3A_64, %dma_start3A_269, %dma_start3A_275] : memref<2x8x128xi32, #tpu.memory_space<vmem>> -> memref<1x1x128xi32, #tpu.memory_space<vmem>>
        %dma_start3A_277 = tpu.memref_squeeze %dma_start3A_276 : memref<1x1x128xi32, #tpu.memory_space<vmem>> -> memref<128xi32, #tpu.memory_space<vmem>>
        %dma_start3A_278 = arith.constant 0 : i32
        %dma_start3A_279 = arith.constant 0 : i32
        %dma_start3A_280 = tpu.memref_slice %arg2[%dma_start3A_278, %dma_start3A_279] : memref<10000x128xf32, #tpu.memory_space<hbm>> -> memref<10000x128xf32, #tpu.memory_space<hbm>>
        tpu.enqueue_indirect_dma source(%dma_start3A_280 : memref<10000x128xf32, #tpu.memory_space<hbm>>) target(%dma_start3A_274 : memref<128x128xf32, #tpu.memory_space<vmem>>) offsets(%dma_start3A_277 : memref<128xi32, #tpu.memory_space<vmem>>) semaphore(%arg13 : memref<!tpu.dma_semaphore, #tpu.memory_space<semaphore_mem>>)
      } else {
      }
      %run_scoped3A_267 = arith.constant 1 : i32
      %run_scoped3A_268 = arith.constant 7 : i32
      "tpu.region"() ({
        %run_scoped3A_269 = tpu.sem_alloc : memref<!tpu.dma_semaphore, #tpu.memory_space<semaphore_mem>>
        %dma_start3A_270 = arith.constant 0 : i32
        %dma_start3A_271 = arith.constant 0 : i32
        %dma_start3A_272 = tpu.memref_slice %arg10[%run_scoped3A_267, %dma_start3A_270, %dma_start3A_271] : memref<2x128x128xf32, #tpu.memory_space<vmem>> -> memref<1x128x128xf32, #tpu.memory_space<vmem>>
        %dma_start3A_273 = tpu.memref_squeeze %dma_start3A_272 : memref<1x128x128xf32, #tpu.memory_space<vmem>> -> memref<128x128xf32, #tpu.memory_space<vmem>>
        %dma_start3A_274 = arith.constant 0 : i32
        %dma_start3A_275 = tpu.memref_slice %arg9[%rem3A_60, %run_scoped3A_268, %dma_start3A_274] : memref<2x8x128xi32, #tpu.memory_space<vmem>> -> memref<1x1x128xi32, #tpu.memory_space<vmem>>
        %dma_start3A_276 = tpu.memref_squeeze %dma_start3A_275 : memref<1x1x128xi32, #tpu.memory_space<vmem>> -> memref<128xi32, #tpu.memory_space<vmem>>
        %dma_start3A_277 = arith.constant 0 : i32
        %dma_start3A_278 = arith.constant 0 : i32
        %dma_start3A_279 = tpu.memref_slice %arg12[%dma_start3A_277, %dma_start3A_278] : memref<10240x128xf32, #tpu.memory_space<vmem_shared>> -> memref<10240x128xf32, #tpu.memory_space<vmem_shared>>
        tpu.enqueue_indirect_dma source(%dma_start3A_273 : memref<128x128xf32, #tpu.memory_space<vmem>>) target(%dma_start3A_279 : memref<10240x128xf32, #tpu.memory_space<vmem_shared>>) offsets(%dma_start3A_276 : memref<128xi32, #tpu.memory_space<vmem>>) semaphore(%run_scoped3A_269 : memref<!tpu.dma_semaphore, #tpu.memory_space<semaphore_mem>>) {add = true}
        %dma_wait3A_280 = arith.constant 0 : i32
        %dma_wait3A_281 = arith.constant 0 : i32
        %dma_wait3A_282 = tpu.memref_slice %arg10[%run_scoped3A_267, %dma_wait3A_280, %dma_wait3A_281] : memref<2x128x128xf32, #tpu.memory_space<vmem>> -> memref<1x128x128xf32, #tpu.memory_space<vmem>>
        %dma_wait3A_283 = tpu.memref_squeeze %dma_wait3A_282 : memref<1x128x128xf32, #tpu.memory_space<vmem>> -> memref<128x128xf32, #tpu.memory_space<vmem>>
        %dma_wait3A_284 = arith.constant 0 : i32
        %dma_wait3A_285 = tpu.memref_slice %arg9[%rem3A_60, %run_scoped3A_268, %dma_wait3A_284] : memref<2x8x128xi32, #tpu.memory_space<vmem>> -> memref<1x1x128xi32, #tpu.memory_space<vmem>>
        %dma_wait3A_286 = tpu.memref_squeeze %dma_wait3A_285 : memref<1x1x128xi32, #tpu.memory_space<vmem>> -> memref<128xi32, #tpu.memory_space<vmem>>
        %dma_wait3A_287 = arith.constant 0 : i32
        %dma_wait3A_288 = arith.constant 0 : i32
        %dma_wait3A_289 = tpu.memref_slice %arg12[%dma_wait3A_287, %dma_wait3A_288] : memref<10240x128xf32, #tpu.memory_space<vmem_shared>> -> memref<10240x128xf32, #tpu.memory_space<vmem_shared>>
        tpu.wait_indirect_dma semaphore(%run_scoped3A_269 : memref<!tpu.dma_semaphore, #tpu.memory_space<semaphore_mem>>) src(%dma_wait3A_283 : memref<128x128xf32, #tpu.memory_space<vmem>>) dst(%dma_wait3A_289 : memref<10240x128xf32, #tpu.memory_space<vmem_shared>>)
        tpu.yield
      }) : () -> ()
    }
    %barrier3A_51 = arith.constant 0 : index
    tpu.barrier barrier_id(%barrier3A_51)
    %scan3A_52 = arith.constant 0 : i32
    %scan3A_53 = arith.constant 0 : i32
    %scan3A_54 = arith.constant 5 : i32
    %scan3A_55 = arith.addi %scan3A_53, %scan3A_54 : i32
    %scan3A_56 = arith.constant 1 : i32
    scf.for %scan3A_58 = %scan3A_53 to %scan3A_55 step %scan3A_56  : i32 {
      %run_scoped3A_59 = arith.constant 0 : i32
      "tpu.region"() ({
        %run_scoped3A_66 = tpu.sem_alloc : memref<!tpu.dma_semaphore, #tpu.memory_space<semaphore_mem>>
        %dma_start3A_67 = arith.constant 0 : i32
        %dma_start3A_68 = arith.constant 0 : i32
        %dma_start3A_69 = tpu.memref_slice %arg10[%run_scoped3A_59, %dma_start3A_67, %dma_start3A_68] : memref<2x128x128xf32, #tpu.memory_space<vmem>> -> memref<1x128x128xf32, #tpu.memory_space<vmem>>
        %dma_start3A_70 = tpu.memref_squeeze %dma_start3A_69 : memref<1x128x128xf32, #tpu.memory_space<vmem>> -> memref<128x128xf32, #tpu.memory_space<vmem>>
        %dma_start3A_71 = arith.constant 0 : i32
        %dma_start3A_72 = tpu.memref_slice %arg11[%scan3A_58, %dma_start3A_71] : memref<5x128xi32, #tpu.memory_space<vmem>> -> memref<1x128xi32, #tpu.memory_space<vmem>>
        %dma_start3A_73 = tpu.memref_squeeze %dma_start3A_72 : memref<1x128xi32, #tpu.memory_space<vmem>> -> memref<128xi32, #tpu.memory_space<vmem>>
        %dma_start3A_74 = arith.constant 0 : i32
        %dma_start3A_75 = arith.constant 0 : i32
        %dma_start3A_76 = tpu.memref_slice %arg12[%dma_start3A_74, %dma_start3A_75] : memref<10240x128xf32, #tpu.memory_space<vmem_shared>> -> memref<10240x128xf32, #tpu.memory_space<vmem_shared>>
        tpu.enqueue_indirect_dma source(%dma_start3A_76 : memref<10240x128xf32, #tpu.memory_space<vmem_shared>>) target(%dma_start3A_70 : memref<128x128xf32, #tpu.memory_space<vmem>>) offsets(%dma_start3A_73 : memref<128xi32, #tpu.memory_space<vmem>>) semaphore(%run_scoped3A_66 : memref<!tpu.dma_semaphore, #tpu.memory_space<semaphore_mem>>)
        %dma_wait3A = arith.constant 0 : i32
        %dma_wait3A_77 = arith.constant 0 : i32
        %dma_wait3A_78 = tpu.memref_slice %arg10[%run_scoped3A_59, %dma_wait3A, %dma_wait3A_77] : memref<2x128x128xf32, #tpu.memory_space<vmem>> -> memref<1x128x128xf32, #tpu.memory_space<vmem>>
        %dma_wait3A_79 = tpu.memref_squeeze %dma_wait3A_78 : memref<1x128x128xf32, #tpu.memory_space<vmem>> -> memref<128x128xf32, #tpu.memory_space<vmem>>
        %dma_wait3A_80 = arith.constant 0 : i32
        %dma_wait3A_81 = tpu.memref_slice %arg11[%scan3A_58, %dma_wait3A_80] : memref<5x128xi32, #tpu.memory_space<vmem>> -> memref<1x128xi32, #tpu.memory_space<vmem>>
        %dma_wait3A_82 = tpu.memref_squeeze %dma_wait3A_81 : memref<1x128xi32, #tpu.memory_space<vmem>> -> memref<128xi32, #tpu.memory_space<vmem>>
        %dma_wait3A_83 = arith.constant 0 : i32
        %dma_wait3A_84 = arith.constant 0 : i32
        %dma_wait3A_85 = tpu.memref_slice %arg12[%dma_wait3A_83, %dma_wait3A_84] : memref<10240x128xf32, #tpu.memory_space<vmem_shared>> -> memref<10240x128xf32, #tpu.memory_space<vmem_shared>>
        tpu.wait_indirect_dma semaphore(%run_scoped3A_66 : memref<!tpu.dma_semaphore, #tpu.memory_space<semaphore_mem>>) src(%dma_wait3A_85 : memref<10240x128xf32, #tpu.memory_space<vmem_shared>>) dst(%dma_wait3A_79 : memref<128x128xf32, #tpu.memory_space<vmem>>)
        tpu.yield
      }) : () -> ()
      %mul3A_60 = arith.constant 640 : i32
      %mul3A_61 = arith.muli %arg1, %mul3A_60 : i32
      %mul3A_62 = arith.constant 128 : i32
      %mul3A_63 = arith.muli %scan3A_58, %mul3A_62 : i32
      %add3A_64 = arith.addi %mul3A_61, %mul3A_63 : i32
      %run_scoped3A_65 = arith.constant 0 : i32
      "tpu.region"() ({
        %run_scoped3A_66 = tpu.sem_alloc : memref<!tpu.dma_semaphore, #tpu.memory_space<semaphore_mem>>
        %dma_start3A_67 = arith.constant 0 : i32
        %dma_start3A_68 = arith.constant 0 : i32
        %dma_start3A_69 = tpu.memref_slice %arg10[%run_scoped3A_65, %dma_start3A_67, %dma_start3A_68] : memref<2x128x128xf32, #tpu.memory_space<vmem>> -> memref<1x128x128xf32, #tpu.memory_space<vmem>>
        %dma_start3A_70 = tpu.memref_squeeze %dma_start3A_69 : memref<1x128x128xf32, #tpu.memory_space<vmem>> -> memref<128x128xf32, #tpu.memory_space<vmem>>
        %dma_start3A_71 = arith.constant 0 : i32
        %dma_start3A_72 = tpu.memref_slice %arg7[%arg0, %add3A_64, %dma_start3A_71] : memref<2x10240x128xf32, #tpu.memory_space<hbm>> -> memref<1x128x128xf32, #tpu.memory_space<hbm>>
        %dma_start3A_73 = tpu.memref_squeeze %dma_start3A_72 : memref<1x128x128xf32, #tpu.memory_space<hbm>> -> memref<128x128xf32, #tpu.memory_space<hbm>>
        %dma_start3A_74 = arith.constant 0 : i32
        %dma_start3A_75 = tpu.memref_slice %arg7[%arg0, %add3A_64, %dma_start3A_74] : memref<2x10240x128xf32, #tpu.memory_space<hbm>> -> memref<1x128x128xf32, #tpu.memory_space<hbm>>
        %dma_start3A_76 = tpu.memref_squeeze %dma_start3A_75 : memref<1x128x128xf32, #tpu.memory_space<hbm>> -> memref<128x128xf32, #tpu.memory_space<hbm>>
        %dma_start3A_77 = arith.constant 0 : i32
        %dma_start3A_78 = arith.constant 0 : i32
        %dma_start3A_79 = tpu.memref_slice %arg10[%run_scoped3A_65, %dma_start3A_77, %dma_start3A_78] : memref<2x128x128xf32, #tpu.memory_space<vmem>> -> memref<1x128x128xf32, #tpu.memory_space<vmem>>
        %dma_start3A_80 = tpu.memref_squeeze %dma_start3A_79 : memref<1x128x128xf32, #tpu.memory_space<vmem>> -> memref<128x128xf32, #tpu.memory_space<vmem>>
        tpu.enqueue_dma source(%dma_start3A_80 : memref<128x128xf32, #tpu.memory_space<vmem>>) target(%dma_start3A_76 : memref<128x128xf32, #tpu.memory_space<hbm>>) target_semaphore(%run_scoped3A_66 : memref<!tpu.dma_semaphore, #tpu.memory_space<semaphore_mem>>)
        %dma_wait3A = arith.constant 0 : i32
        %dma_wait3A_81 = arith.constant 0 : i32
        %dma_wait3A_82 = tpu.memref_slice %arg10[%run_scoped3A_65, %dma_wait3A, %dma_wait3A_81] : memref<2x128x128xf32, #tpu.memory_space<vmem>> -> memref<1x128x128xf32, #tpu.memory_space<vmem>>
        %dma_wait3A_83 = tpu.memref_squeeze %dma_wait3A_82 : memref<1x128x128xf32, #tpu.memory_space<vmem>> -> memref<128x128xf32, #tpu.memory_space<vmem>>
        %dma_wait3A_84 = arith.constant 0 : i32
        %dma_wait3A_85 = tpu.memref_slice %arg7[%arg0, %add3A_64, %dma_wait3A_84] : memref<2x10240x128xf32, #tpu.memory_space<hbm>> -> memref<1x128x128xf32, #tpu.memory_space<hbm>>
        %dma_wait3A_86 = tpu.memref_squeeze %dma_wait3A_85 : memref<1x128x128xf32, #tpu.memory_space<hbm>> -> memref<128x128xf32, #tpu.memory_space<hbm>>
        %dma_wait3A_87 = arith.constant 0 : i32
        %dma_wait3A_88 = tpu.memref_slice %arg7[%arg0, %add3A_64, %dma_wait3A_87] : memref<2x10240x128xf32, #tpu.memory_space<hbm>> -> memref<1x128x128xf32, #tpu.memory_space<hbm>>
        %dma_wait3A_89 = tpu.memref_squeeze %dma_wait3A_88 : memref<1x128x128xf32, #tpu.memory_space<hbm>> -> memref<128x128xf32, #tpu.memory_space<hbm>>
        %dma_wait3A_90 = arith.constant 0 : i32
        %dma_wait3A_91 = arith.constant 0 : i32
        %dma_wait3A_92 = tpu.memref_slice %arg10[%run_scoped3A_65, %dma_wait3A_90, %dma_wait3A_91] : memref<2x128x128xf32, #tpu.memory_space<vmem>> -> memref<1x128x128xf32, #tpu.memory_space<vmem>>
        %dma_wait3A_93 = tpu.memref_squeeze %dma_wait3A_92 : memref<1x128x128xf32, #tpu.memory_space<vmem>> -> memref<128x128xf32, #tpu.memory_space<vmem>>
        tpu.wait_dma2 semaphore(%run_scoped3A_66 : memref<!tpu.dma_semaphore, #tpu.memory_space<semaphore_mem>>) src(%dma_wait3A_93 : memref<128x128xf32, #tpu.memory_space<vmem>>) dst(%dma_wait3A_89 : memref<128x128xf32, #tpu.memory_space<hbm>>)
        tpu.yield
      }) : () -> ()
    }
    %scan3A_57 = arith.constant 5 : i32
    return
  }
}

#map = affine_map<(d0, d1) -> (0, 0, 0)>
#map1 = affine_map<(d0, d1) -> (0, 0)>
module attributes {stable_mosaic.version = 14 : i64} {
  func.func @body(%arg0: i32, %arg1: i32, %arg2: memref<32x80x128xi32, #tpu.memory_space<hbm>>, %arg3: memref<128x128xf32, #tpu.memory_space<hbm>>, %arg4: memref<128x128xf32, #tpu.memory_space<hbm>>, %arg5: memref<16x5x128xi32, #tpu.memory_space<hbm>>, %arg6: memref<2x10240x128xf32, #tpu.memory_space<hbm>>, %arg7: memref<8x128xi32, #tpu.memory_space<vmem>>, %arg8: memref<128x128xf32, #tpu.memory_space<vmem>>, %arg9: memref<128x128xf32, #tpu.memory_space<vmem>>, %arg10: memref<5x128xi32, #tpu.memory_space<vmem>>, %arg11: memref<10240x128xf32, #tpu.memory_space<vmem_shared>>) attributes {dimension_semantics = [#tpu.dimension_semantics<core_parallel>, #tpu.dimension_semantics<subcore_parallel>], iteration_bounds = array<i64: 2, 16>, scalar_prefetch = 0 : i64, scratch_operands = 5 : i64, tpu.core_type = #tpu.core_type<sc_vector_subcore>, window_params = [{transform_indices = #map}, {transform_indices = #map1}, {transform_indices = #map1}, {transform_indices = #map}, {transform_indices = #map}]} {
    %mul3A = arith.constant 16 : i32
    %mul3A_0 = arith.muli %arg0, %mul3A : i32
    %add3A = arith.addi %mul3A_0, %arg1 : i32
    "tpu.region"() ({
      %run_scoped3A = tpu.sem_alloc : memref<!tpu.dma_semaphore, #tpu.memory_space<semaphore_mem>>
      tpu.enqueue_dma source(%arg3 : memref<128x128xf32, #tpu.memory_space<hbm>>) target(%arg8 : memref<128x128xf32, #tpu.memory_space<vmem>>) target_semaphore(%run_scoped3A : memref<!tpu.dma_semaphore, #tpu.memory_space<semaphore_mem>>)
      tpu.wait_dma2 semaphore(%run_scoped3A : memref<!tpu.dma_semaphore, #tpu.memory_space<semaphore_mem>>) src(%arg3 : memref<128x128xf32, #tpu.memory_space<hbm>>) dst(%arg8 : memref<128x128xf32, #tpu.memory_space<vmem>>)
      tpu.yield
    }) : () -> ()
    "tpu.region"() ({
      %run_scoped3A = tpu.sem_alloc : memref<!tpu.dma_semaphore, #tpu.memory_space<semaphore_mem>>
      tpu.enqueue_dma source(%arg4 : memref<128x128xf32, #tpu.memory_space<hbm>>) target(%arg9 : memref<128x128xf32, #tpu.memory_space<vmem>>) target_semaphore(%run_scoped3A : memref<!tpu.dma_semaphore, #tpu.memory_space<semaphore_mem>>)
      tpu.wait_dma2 semaphore(%run_scoped3A : memref<!tpu.dma_semaphore, #tpu.memory_space<semaphore_mem>>) src(%arg4 : memref<128x128xf32, #tpu.memory_space<hbm>>) dst(%arg9 : memref<128x128xf32, #tpu.memory_space<vmem>>)
      tpu.yield
    }) : () -> ()
    "tpu.region"() ({
      %run_scoped3A = tpu.sem_alloc : memref<!tpu.dma_semaphore, #tpu.memory_space<semaphore_mem>>
      %dma_start3A = arith.constant 0 : i32
      %dma_start3A_19 = arith.constant 0 : i32
      %dma_start3A_20 = tpu.memref_slice %arg5[%arg1, %dma_start3A, %dma_start3A_19] : memref<16x5x128xi32, #tpu.memory_space<hbm>> -> memref<1x5x128xi32, #tpu.memory_space<hbm>>
      %dma_start3A_21 = tpu.memref_squeeze %dma_start3A_20 : memref<1x5x128xi32, #tpu.memory_space<hbm>> -> memref<5x128xi32, #tpu.memory_space<hbm>>
      %dma_start3A_22 = arith.constant 0 : i32
      %dma_start3A_23 = arith.constant 0 : i32
      %dma_start3A_24 = tpu.memref_slice %arg5[%arg1, %dma_start3A_22, %dma_start3A_23] : memref<16x5x128xi32, #tpu.memory_space<hbm>> -> memref<1x5x128xi32, #tpu.memory_space<hbm>>
      %dma_start3A_25 = tpu.memref_squeeze %dma_start3A_24 : memref<1x5x128xi32, #tpu.memory_space<hbm>> -> memref<5x128xi32, #tpu.memory_space<hbm>>
      tpu.enqueue_dma source(%dma_start3A_25 : memref<5x128xi32, #tpu.memory_space<hbm>>) target(%arg10 : memref<5x128xi32, #tpu.memory_space<vmem>>) target_semaphore(%run_scoped3A : memref<!tpu.dma_semaphore, #tpu.memory_space<semaphore_mem>>)
      %dma_wait3A = arith.constant 0 : i32
      %dma_wait3A_26 = arith.constant 0 : i32
      %dma_wait3A_27 = tpu.memref_slice %arg5[%arg1, %dma_wait3A, %dma_wait3A_26] : memref<16x5x128xi32, #tpu.memory_space<hbm>> -> memref<1x5x128xi32, #tpu.memory_space<hbm>>
      %dma_wait3A_28 = tpu.memref_squeeze %dma_wait3A_27 : memref<1x5x128xi32, #tpu.memory_space<hbm>> -> memref<5x128xi32, #tpu.memory_space<hbm>>
      %dma_wait3A_29 = arith.constant 0 : i32
      %dma_wait3A_30 = arith.constant 0 : i32
      %dma_wait3A_31 = tpu.memref_slice %arg5[%arg1, %dma_wait3A_29, %dma_wait3A_30] : memref<16x5x128xi32, #tpu.memory_space<hbm>> -> memref<1x5x128xi32, #tpu.memory_space<hbm>>
      %dma_wait3A_32 = tpu.memref_squeeze %dma_wait3A_31 : memref<1x5x128xi32, #tpu.memory_space<hbm>> -> memref<5x128xi32, #tpu.memory_space<hbm>>
      tpu.wait_dma2 semaphore(%run_scoped3A : memref<!tpu.dma_semaphore, #tpu.memory_space<semaphore_mem>>) src(%dma_wait3A_32 : memref<5x128xi32, #tpu.memory_space<hbm>>) dst(%arg10 : memref<5x128xi32, #tpu.memory_space<vmem>>)
      tpu.yield
    }) : () -> ()
    %scan3A = arith.constant 0 : i32
    %scan3A_1 = arith.constant 0 : i32
    %scan3A_2 = arith.constant 5 : i32
    %scan3A_3 = arith.addi %scan3A_1, %scan3A_2 : i32
    %scan3A_4 = arith.constant 1 : i32
    scf.for %scan3A_19 = %scan3A_1 to %scan3A_3 step %scan3A_4  : i32 {
      "tpu.region"() ({
        %run_scoped3A = tpu.sem_alloc : memref<!tpu.dma_semaphore, #tpu.memory_space<semaphore_mem>>
        %dma_start3A = arith.constant 0 : i32
        %dma_start3A_20 = tpu.memref_slice %arg10[%scan3A_19, %dma_start3A] : memref<5x128xi32, #tpu.memory_space<vmem>> -> memref<1x128xi32, #tpu.memory_space<vmem>>
        %dma_start3A_21 = tpu.memref_squeeze %dma_start3A_20 : memref<1x128xi32, #tpu.memory_space<vmem>> -> memref<128xi32, #tpu.memory_space<vmem>>
        %dma_start3A_22 = arith.constant 0 : i32
        %dma_start3A_23 = arith.constant 0 : i32
        %dma_start3A_24 = tpu.memref_slice %arg11[%dma_start3A_22, %dma_start3A_23] : memref<10240x128xf32, #tpu.memory_space<vmem_shared>> -> memref<10240x128xf32, #tpu.memory_space<vmem_shared>>
        tpu.enqueue_indirect_dma source(%arg9 : memref<128x128xf32, #tpu.memory_space<vmem>>) target(%dma_start3A_24 : memref<10240x128xf32, #tpu.memory_space<vmem_shared>>) offsets(%dma_start3A_21 : memref<128xi32, #tpu.memory_space<vmem>>) semaphore(%run_scoped3A : memref<!tpu.dma_semaphore, #tpu.memory_space<semaphore_mem>>)
        %dma_wait3A = arith.constant 0 : i32
        %dma_wait3A_25 = tpu.memref_slice %arg10[%scan3A_19, %dma_wait3A] : memref<5x128xi32, #tpu.memory_space<vmem>> -> memref<1x128xi32, #tpu.memory_space<vmem>>
        %dma_wait3A_26 = tpu.memref_squeeze %dma_wait3A_25 : memref<1x128xi32, #tpu.memory_space<vmem>> -> memref<128xi32, #tpu.memory_space<vmem>>
        %dma_wait3A_27 = arith.constant 0 : i32
        %dma_wait3A_28 = arith.constant 0 : i32
        %dma_wait3A_29 = tpu.memref_slice %arg11[%dma_wait3A_27, %dma_wait3A_28] : memref<10240x128xf32, #tpu.memory_space<vmem_shared>> -> memref<10240x128xf32, #tpu.memory_space<vmem_shared>>
        tpu.wait_indirect_dma semaphore(%run_scoped3A : memref<!tpu.dma_semaphore, #tpu.memory_space<semaphore_mem>>) src(%arg9 : memref<128x128xf32, #tpu.memory_space<vmem>>) dst(%dma_wait3A_29 : memref<10240x128xf32, #tpu.memory_space<vmem_shared>>)
        tpu.yield
      }) : () -> ()
    }
    %scan3A_5 = arith.constant 5 : i32
    %barrier3A = arith.constant 0 : index
    tpu.barrier barrier_id(%barrier3A)
    %scan3A_6 = arith.constant 0 : i32
    %scan3A_7 = arith.constant 0 : i32
    %scan3A_8 = arith.constant 10 : i32
    %scan3A_9 = arith.addi %scan3A_7, %scan3A_8 : i32
    %scan3A_10 = arith.constant 1 : i32
    scf.for %scan3A_19 = %scan3A_7 to %scan3A_9 step %scan3A_10  : i32 {
      %mul3A_20 = arith.constant 8 : i32
      %mul3A_21 = arith.muli %scan3A_19, %mul3A_20 : i32
      "tpu.region"() ({
        %run_scoped3A = tpu.sem_alloc : memref<!tpu.dma_semaphore, #tpu.memory_space<semaphore_mem>>
        %dma_start3A = arith.constant 0 : i32
        %dma_start3A_28 = tpu.memref_slice %arg2[%add3A, %mul3A_21, %dma_start3A] : memref<32x80x128xi32, #tpu.memory_space<hbm>> -> memref<1x8x128xi32, #tpu.memory_space<hbm>>
        %dma_start3A_29 = tpu.memref_squeeze %dma_start3A_28 : memref<1x8x128xi32, #tpu.memory_space<hbm>> -> memref<8x128xi32, #tpu.memory_space<hbm>>
        %dma_start3A_30 = arith.constant 0 : i32
        %dma_start3A_31 = tpu.memref_slice %arg2[%add3A, %mul3A_21, %dma_start3A_30] : memref<32x80x128xi32, #tpu.memory_space<hbm>> -> memref<1x8x128xi32, #tpu.memory_space<hbm>>
        %dma_start3A_32 = tpu.memref_squeeze %dma_start3A_31 : memref<1x8x128xi32, #tpu.memory_space<hbm>> -> memref<8x128xi32, #tpu.memory_space<hbm>>
        tpu.enqueue_dma source(%dma_start3A_32 : memref<8x128xi32, #tpu.memory_space<hbm>>) target(%arg7 : memref<8x128xi32, #tpu.memory_space<vmem>>) target_semaphore(%run_scoped3A : memref<!tpu.dma_semaphore, #tpu.memory_space<semaphore_mem>>)
        %dma_wait3A = arith.constant 0 : i32
        %dma_wait3A_33 = tpu.memref_slice %arg2[%add3A, %mul3A_21, %dma_wait3A] : memref<32x80x128xi32, #tpu.memory_space<hbm>> -> memref<1x8x128xi32, #tpu.memory_space<hbm>>
        %dma_wait3A_34 = tpu.memref_squeeze %dma_wait3A_33 : memref<1x8x128xi32, #tpu.memory_space<hbm>> -> memref<8x128xi32, #tpu.memory_space<hbm>>
        %dma_wait3A_35 = arith.constant 0 : i32
        %dma_wait3A_36 = tpu.memref_slice %arg2[%add3A, %mul3A_21, %dma_wait3A_35] : memref<32x80x128xi32, #tpu.memory_space<hbm>> -> memref<1x8x128xi32, #tpu.memory_space<hbm>>
        %dma_wait3A_37 = tpu.memref_squeeze %dma_wait3A_36 : memref<1x8x128xi32, #tpu.memory_space<hbm>> -> memref<8x128xi32, #tpu.memory_space<hbm>>
        tpu.wait_dma2 semaphore(%run_scoped3A : memref<!tpu.dma_semaphore, #tpu.memory_space<semaphore_mem>>) src(%dma_wait3A_37 : memref<8x128xi32, #tpu.memory_space<hbm>>) dst(%arg7 : memref<8x128xi32, #tpu.memory_space<vmem>>)
        tpu.yield
      }) : () -> ()
      %scan3A_22 = arith.constant 0 : i32
      %scan3A_23 = arith.constant 0 : i32
      %scan3A_24 = arith.constant 8 : i32
      %scan3A_25 = arith.addi %scan3A_23, %scan3A_24 : i32
      %scan3A_26 = arith.constant 1 : i32
      scf.for %scan3A_28 = %scan3A_23 to %scan3A_25 step %scan3A_26  : i32 {
        "tpu.region"() ({
          %run_scoped3A = tpu.sem_alloc : memref<!tpu.dma_semaphore, #tpu.memory_space<semaphore_mem>>
          %dma_start3A = arith.constant 0 : i32
          %dma_start3A_29 = tpu.memref_slice %arg7[%scan3A_28, %dma_start3A] : memref<8x128xi32, #tpu.memory_space<vmem>> -> memref<1x128xi32, #tpu.memory_space<vmem>>
          %dma_start3A_30 = tpu.memref_squeeze %dma_start3A_29 : memref<1x128xi32, #tpu.memory_space<vmem>> -> memref<128xi32, #tpu.memory_space<vmem>>
          %dma_start3A_31 = arith.constant 0 : i32
          %dma_start3A_32 = arith.constant 0 : i32
          %dma_start3A_33 = tpu.memref_slice %arg11[%dma_start3A_31, %dma_start3A_32] : memref<10240x128xf32, #tpu.memory_space<vmem_shared>> -> memref<10240x128xf32, #tpu.memory_space<vmem_shared>>
          tpu.enqueue_indirect_dma source(%arg8 : memref<128x128xf32, #tpu.memory_space<vmem>>) target(%dma_start3A_33 : memref<10240x128xf32, #tpu.memory_space<vmem_shared>>) offsets(%dma_start3A_30 : memref<128xi32, #tpu.memory_space<vmem>>) semaphore(%run_scoped3A : memref<!tpu.dma_semaphore, #tpu.memory_space<semaphore_mem>>) {add = true}
          %dma_wait3A = arith.constant 0 : i32
          %dma_wait3A_34 = tpu.memref_slice %arg7[%scan3A_28, %dma_wait3A] : memref<8x128xi32, #tpu.memory_space<vmem>> -> memref<1x128xi32, #tpu.memory_space<vmem>>
          %dma_wait3A_35 = tpu.memref_squeeze %dma_wait3A_34 : memref<1x128xi32, #tpu.memory_space<vmem>> -> memref<128xi32, #tpu.memory_space<vmem>>
          %dma_wait3A_36 = arith.constant 0 : i32
          %dma_wait3A_37 = arith.constant 0 : i32
          %dma_wait3A_38 = tpu.memref_slice %arg11[%dma_wait3A_36, %dma_wait3A_37] : memref<10240x128xf32, #tpu.memory_space<vmem_shared>> -> memref<10240x128xf32, #tpu.memory_space<vmem_shared>>
          tpu.wait_indirect_dma semaphore(%run_scoped3A : memref<!tpu.dma_semaphore, #tpu.memory_space<semaphore_mem>>) src(%arg8 : memref<128x128xf32, #tpu.memory_space<vmem>>) dst(%dma_wait3A_38 : memref<10240x128xf32, #tpu.memory_space<vmem_shared>>)
          tpu.yield
        }) : () -> ()
      }
      %scan3A_27 = arith.constant 8 : i32
    }
    %scan3A_11 = arith.constant 10 : i32
    %barrier3A_12 = arith.constant 0 : index
    tpu.barrier barrier_id(%barrier3A_12)
    %scan3A_13 = arith.constant 0 : i32
    %scan3A_14 = arith.constant 0 : i32
    %scan3A_15 = arith.constant 5 : i32
    %scan3A_16 = arith.addi %scan3A_14, %scan3A_15 : i32
    %scan3A_17 = arith.constant 1 : i32
    scf.for %scan3A_19 = %scan3A_14 to %scan3A_16 step %scan3A_17  : i32 {
      "tpu.region"() ({
        %run_scoped3A = tpu.sem_alloc : memref<!tpu.dma_semaphore, #tpu.memory_space<semaphore_mem>>
        %dma_start3A = arith.constant 0 : i32
        %dma_start3A_25 = tpu.memref_slice %arg10[%scan3A_19, %dma_start3A] : memref<5x128xi32, #tpu.memory_space<vmem>> -> memref<1x128xi32, #tpu.memory_space<vmem>>
        %dma_start3A_26 = tpu.memref_squeeze %dma_start3A_25 : memref<1x128xi32, #tpu.memory_space<vmem>> -> memref<128xi32, #tpu.memory_space<vmem>>
        %dma_start3A_27 = arith.constant 0 : i32
        %dma_start3A_28 = arith.constant 0 : i32
        %dma_start3A_29 = tpu.memref_slice %arg11[%dma_start3A_27, %dma_start3A_28] : memref<10240x128xf32, #tpu.memory_space<vmem_shared>> -> memref<10240x128xf32, #tpu.memory_space<vmem_shared>>
        tpu.enqueue_indirect_dma source(%dma_start3A_29 : memref<10240x128xf32, #tpu.memory_space<vmem_shared>>) target(%arg9 : memref<128x128xf32, #tpu.memory_space<vmem>>) offsets(%dma_start3A_26 : memref<128xi32, #tpu.memory_space<vmem>>) semaphore(%run_scoped3A : memref<!tpu.dma_semaphore, #tpu.memory_space<semaphore_mem>>)
        %dma_wait3A = arith.constant 0 : i32
        %dma_wait3A_30 = tpu.memref_slice %arg10[%scan3A_19, %dma_wait3A] : memref<5x128xi32, #tpu.memory_space<vmem>> -> memref<1x128xi32, #tpu.memory_space<vmem>>
        %dma_wait3A_31 = tpu.memref_squeeze %dma_wait3A_30 : memref<1x128xi32, #tpu.memory_space<vmem>> -> memref<128xi32, #tpu.memory_space<vmem>>
        %dma_wait3A_32 = arith.constant 0 : i32
        %dma_wait3A_33 = arith.constant 0 : i32
        %dma_wait3A_34 = tpu.memref_slice %arg11[%dma_wait3A_32, %dma_wait3A_33] : memref<10240x128xf32, #tpu.memory_space<vmem_shared>> -> memref<10240x128xf32, #tpu.memory_space<vmem_shared>>
        tpu.wait_indirect_dma semaphore(%run_scoped3A : memref<!tpu.dma_semaphore, #tpu.memory_space<semaphore_mem>>) src(%dma_wait3A_34 : memref<10240x128xf32, #tpu.memory_space<vmem_shared>>) dst(%arg9 : memref<128x128xf32, #tpu.memory_space<vmem>>)
        tpu.yield
      }) : () -> ()
      %mul3A_20 = arith.constant 640 : i32
      %mul3A_21 = arith.muli %arg1, %mul3A_20 : i32
      %mul3A_22 = arith.constant 128 : i32
      %mul3A_23 = arith.muli %scan3A_19, %mul3A_22 : i32
      %add3A_24 = arith.addi %mul3A_21, %mul3A_23 : i32
      "tpu.region"() ({
        %run_scoped3A = tpu.sem_alloc : memref<!tpu.dma_semaphore, #tpu.memory_space<semaphore_mem>>
        %dma_start3A = arith.constant 0 : i32
        %dma_start3A_25 = tpu.memref_slice %arg6[%arg0, %add3A_24, %dma_start3A] : memref<2x10240x128xf32, #tpu.memory_space<hbm>> -> memref<1x128x128xf32, #tpu.memory_space<hbm>>
        %dma_start3A_26 = tpu.memref_squeeze %dma_start3A_25 : memref<1x128x128xf32, #tpu.memory_space<hbm>> -> memref<128x128xf32, #tpu.memory_space<hbm>>
        %dma_start3A_27 = arith.constant 0 : i32
        %dma_start3A_28 = tpu.memref_slice %arg6[%arg0, %add3A_24, %dma_start3A_27] : memref<2x10240x128xf32, #tpu.memory_space<hbm>> -> memref<1x128x128xf32, #tpu.memory_space<hbm>>
        %dma_start3A_29 = tpu.memref_squeeze %dma_start3A_28 : memref<1x128x128xf32, #tpu.memory_space<hbm>> -> memref<128x128xf32, #tpu.memory_space<hbm>>
        tpu.enqueue_dma source(%arg9 : memref<128x128xf32, #tpu.memory_space<vmem>>) target(%dma_start3A_29 : memref<128x128xf32, #tpu.memory_space<hbm>>) target_semaphore(%run_scoped3A : memref<!tpu.dma_semaphore, #tpu.memory_space<semaphore_mem>>)
        %dma_wait3A = arith.constant 0 : i32
        %dma_wait3A_30 = tpu.memref_slice %arg6[%arg0, %add3A_24, %dma_wait3A] : memref<2x10240x128xf32, #tpu.memory_space<hbm>> -> memref<1x128x128xf32, #tpu.memory_space<hbm>>
        %dma_wait3A_31 = tpu.memref_squeeze %dma_wait3A_30 : memref<1x128x128xf32, #tpu.memory_space<hbm>> -> memref<128x128xf32, #tpu.memory_space<hbm>>
        %dma_wait3A_32 = arith.constant 0 : i32
        %dma_wait3A_33 = tpu.memref_slice %arg6[%arg0, %add3A_24, %dma_wait3A_32] : memref<2x10240x128xf32, #tpu.memory_space<hbm>> -> memref<1x128x128xf32, #tpu.memory_space<hbm>>
        %dma_wait3A_34 = tpu.memref_squeeze %dma_wait3A_33 : memref<1x128x128xf32, #tpu.memory_space<hbm>> -> memref<128x128xf32, #tpu.memory_space<hbm>>
        tpu.wait_dma2 semaphore(%run_scoped3A : memref<!tpu.dma_semaphore, #tpu.memory_space<semaphore_mem>>) src(%arg9 : memref<128x128xf32, #tpu.memory_space<vmem>>) dst(%dma_wait3A_34 : memref<128x128xf32, #tpu.memory_space<hbm>>)
        tpu.yield
      }) : () -> ()
    }
    %scan3A_18 = arith.constant 5 : i32
    return
  }
}

#map = affine_map<(d0, d1) -> (0, 0)>
#map1 = affine_map<(d0, d1) -> (0, 0, 0)>
module attributes {stable_mosaic.version = 14 : i64} {
  func.func @body(%arg0: i32, %arg1: i32, %arg2: memref<10000x128xf32, #tpu.memory_space<hbm>>, %arg3: memref<2560x128xi32, #tpu.memory_space<hbm>>, %arg4: memref<2560x128xi32, #tpu.memory_space<hbm>>, %arg5: memref<128x128xf32, #tpu.memory_space<hbm>>, %arg6: memref<16x5x128xi32, #tpu.memory_space<hbm>>, %arg7: memref<2x10240x128xf32, #tpu.memory_space<hbm>>, %arg8: memref<2x8x128xi32, #tpu.memory_space<vmem>>, %arg9: memref<2x8x128xi32, #tpu.memory_space<vmem>>, %arg10: memref<2x128x128xf32, #tpu.memory_space<vmem>>, %arg11: memref<5x128xi32, #tpu.memory_space<vmem>>, %arg12: memref<10240x128xf32, #tpu.memory_space<vmem_shared>>, %arg13: memref<!tpu.dma_semaphore, #tpu.memory_space<semaphore_mem>>) attributes {dimension_semantics = [#tpu.dimension_semantics<core_parallel>, #tpu.dimension_semantics<subcore_parallel>], iteration_bounds = array<i64: 2, 16>, scalar_prefetch = 0 : i64, scratch_operands = 6 : i64, tpu.core_type = #tpu.core_type<sc_vector_subcore>, window_params = [{transform_indices = #map}, {transform_indices = #map}, {transform_indices = #map}, {transform_indices = #map}, {transform_indices = #map1}, {transform_indices = #map1}]} {
    %mul3A = arith.constant 160 : i32
    %mul3A_0 = arith.muli %arg1, %mul3A : i32
    %mul3A_1 = arith.constant 80 : i32
    %mul3A_2 = arith.muli %arg0, %mul3A_1 : i32
    %add3A = arith.addi %mul3A_0, %mul3A_2 : i32
    %mul3A_3 = arith.constant 0 : i32
    %mul3A_4 = arith.muli %arg0, %mul3A_3 : i32
    %add3A_5 = arith.constant 80 : i32
    %add3A_6 = arith.addi %add3A_5, %mul3A_4 : i32
    %jit3A = arith.constant 8 : i32
    %div3A = arith.divsi %add3A_6, %jit3A : i32
    %sign3A = arith.constant 0 : i32
    %sign3A_7 = arith.cmpi sgt, %add3A_6, %sign3A : i32
    %sign3A_8 = arith.extui %sign3A_7 : i1 to i32
    %sign3A_9 = arith.constant 0 : i32
    %sign3A_10 = arith.cmpi slt, %add3A_6, %sign3A_9 : i32
    %sign3A_11 = arith.extui %sign3A_10 : i1 to i32
    %sign3A_12 = arith.subi %sign3A_8, %sign3A_11 : i32
    %sign3A_13 = arith.constant 0 : i32
    %sign3A_14 = arith.cmpi sgt, %jit3A, %sign3A_13 : i32
    %sign3A_15 = arith.extui %sign3A_14 : i1 to i32
    %sign3A_16 = arith.constant 0 : i32
    %sign3A_17 = arith.cmpi slt, %jit3A, %sign3A_16 : i32
    %sign3A_18 = arith.extui %sign3A_17 : i1 to i32
    %sign3A_19 = arith.subi %sign3A_15, %sign3A_18 : i32
    %ne3A = arith.cmpi ne, %sign3A_12, %sign3A_19 : i32
    %rem3A = arith.remsi %add3A_6, %jit3A : i32
    %ne3A_20 = arith.constant 0 : i32
    %ne3A_21 = arith.cmpi ne, %rem3A, %ne3A_20 : i32
    %and3A = arith.andi %ne3A, %ne3A_21 : i1
    %sub3A = arith.constant 1 : i32
    %sub3A_22 = arith.subi %div3A, %sub3A : i32
    %select_n3A = arith.select %and3A, %sub3A_22, %div3A : i32
    "tpu.region"() ({
      %run_scoped3A_58 = tpu.sem_alloc : memref<!tpu.dma_semaphore, #tpu.memory_space<semaphore_mem>>
      %dma_start3A_59 = arith.constant 0 : i32
      %dma_start3A_60 = arith.constant 0 : i32
      %dma_start3A_61 = tpu.memref_slice %arg6[%arg1, %dma_start3A_59, %dma_start3A_60] : memref<16x5x128xi32, #tpu.memory_space<hbm>> -> memref<1x5x128xi32, #tpu.memory_space<hbm>>
      %dma_start3A_62 = tpu.memref_squeeze %dma_start3A_61 : memref<1x5x128xi32, #tpu.memory_space<hbm>> -> memref<5x128xi32, #tpu.memory_space<hbm>>
      %dma_start3A_63 = arith.constant 0 : i32
      %dma_start3A_64 = arith.constant 0 : i32
      %dma_start3A_65 = tpu.memref_slice %arg6[%arg1, %dma_start3A_63, %dma_start3A_64] : memref<16x5x128xi32, #tpu.memory_space<hbm>> -> memref<1x5x128xi32, #tpu.memory_space<hbm>>
      %dma_start3A_66 = tpu.memref_squeeze %dma_start3A_65 : memref<1x5x128xi32, #tpu.memory_space<hbm>> -> memref<5x128xi32, #tpu.memory_space<hbm>>
      tpu.enqueue_dma source(%dma_start3A_66 : memref<5x128xi32, #tpu.memory_space<hbm>>) target(%arg11 : memref<5x128xi32, #tpu.memory_space<vmem>>) target_semaphore(%run_scoped3A_58 : memref<!tpu.dma_semaphore, #tpu.memory_space<semaphore_mem>>)
      %dma_wait3A = arith.constant 0 : i32
      %dma_wait3A_67 = arith.constant 0 : i32
      %dma_wait3A_68 = tpu.memref_slice %arg6[%arg1, %dma_wait3A, %dma_wait3A_67] : memref<16x5x128xi32, #tpu.memory_space<hbm>> -> memref<1x5x128xi32, #tpu.memory_space<hbm>>
      %dma_wait3A_69 = tpu.memref_squeeze %dma_wait3A_68 : memref<1x5x128xi32, #tpu.memory_space<hbm>> -> memref<5x128xi32, #tpu.memory_space<hbm>>
      %dma_wait3A_70 = arith.constant 0 : i32
      %dma_wait3A_71 = arith.constant 0 : i32
      %dma_wait3A_72 = tpu.memref_slice %arg6[%arg1, %dma_wait3A_70, %dma_wait3A_71] : memref<16x5x128xi32, #tpu.memory_space<hbm>> -> memref<1x5x128xi32, #tpu.memory_space<hbm>>
      %dma_wait3A_73 = tpu.memref_squeeze %dma_wait3A_72 : memref<1x5x128xi32, #tpu.memory_space<hbm>> -> memref<5x128xi32, #tpu.memory_space<hbm>>
      tpu.wait_dma2 semaphore(%run_scoped3A_58 : memref<!tpu.dma_semaphore, #tpu.memory_space<semaphore_mem>>) src(%dma_wait3A_73 : memref<5x128xi32, #tpu.memory_space<hbm>>) dst(%arg11 : memref<5x128xi32, #tpu.memory_space<vmem>>)
      tpu.yield
    }) : () -> ()
    %run_scoped3A = arith.constant 0 : i32
    "tpu.region"() ({
      %run_scoped3A_58 = tpu.sem_alloc : memref<!tpu.dma_semaphore, #tpu.memory_space<semaphore_mem>>
      %dma_start3A_59 = arith.constant 0 : i32
      %dma_start3A_60 = arith.constant 0 : i32
      %dma_start3A_61 = tpu.memref_slice %arg10[%run_scoped3A, %dma_start3A_59, %dma_start3A_60] : memref<2x128x128xf32, #tpu.memory_space<vmem>> -> memref<1x128x128xf32, #tpu.memory_space<vmem>>
      %dma_start3A_62 = tpu.memref_squeeze %dma_start3A_61 : memref<1x128x128xf32, #tpu.memory_space<vmem>> -> memref<128x128xf32, #tpu.memory_space<vmem>>
      %dma_start3A_63 = arith.constant 0 : i32
      %dma_start3A_64 = arith.constant 0 : i32
      %dma_start3A_65 = tpu.memref_slice %arg10[%run_scoped3A, %dma_start3A_63, %dma_start3A_64] : memref<2x128x128xf32, #tpu.memory_space<vmem>> -> memref<1x128x128xf32, #tpu.memory_space<vmem>>
      %dma_start3A_66 = tpu.memref_squeeze %dma_start3A_65 : memref<1x128x128xf32, #tpu.memory_space<vmem>> -> memref<128x128xf32, #tpu.memory_space<vmem>>
      tpu.enqueue_dma source(%arg5 : memref<128x128xf32, #tpu.memory_space<hbm>>) target(%dma_start3A_66 : memref<128x128xf32, #tpu.memory_space<vmem>>) target_semaphore(%run_scoped3A_58 : memref<!tpu.dma_semaphore, #tpu.memory_space<semaphore_mem>>)
      %dma_wait3A = arith.constant 0 : i32
      %dma_wait3A_67 = arith.constant 0 : i32
      %dma_wait3A_68 = tpu.memref_slice %arg10[%run_scoped3A, %dma_wait3A, %dma_wait3A_67] : memref<2x128x128xf32, #tpu.memory_space<vmem>> -> memref<1x128x128xf32, #tpu.memory_space<vmem>>
      %dma_wait3A_69 = tpu.memref_squeeze %dma_wait3A_68 : memref<1x128x128xf32, #tpu.memory_space<vmem>> -> memref<128x128xf32, #tpu.memory_space<vmem>>
      %dma_wait3A_70 = arith.constant 0 : i32
      %dma_wait3A_71 = arith.constant 0 : i32
      %dma_wait3A_72 = tpu.memref_slice %arg10[%run_scoped3A, %dma_wait3A_70, %dma_wait3A_71] : memref<2x128x128xf32, #tpu.memory_space<vmem>> -> memref<1x128x128xf32, #tpu.memory_space<vmem>>
      %dma_wait3A_73 = tpu.memref_squeeze %dma_wait3A_72 : memref<1x128x128xf32, #tpu.memory_space<vmem>> -> memref<128x128xf32, #tpu.memory_space<vmem>>
      tpu.wait_dma2 semaphore(%run_scoped3A_58 : memref<!tpu.dma_semaphore, #tpu.memory_space<semaphore_mem>>) src(%arg5 : memref<128x128xf32, #tpu.memory_space<hbm>>) dst(%dma_wait3A_73 : memref<128x128xf32, #tpu.memory_space<vmem>>)
      tpu.yield
    }) : () -> ()
    %scan3A = arith.constant 0 : i32
    %scan3A_23 = arith.constant 0 : i32
    %scan3A_24 = arith.constant 5 : i32
    %scan3A_25 = arith.addi %scan3A_23, %scan3A_24 : i32
    %scan3A_26 = arith.constant 1 : i32
    scf.for %scan3A_58 = %scan3A_23 to %scan3A_25 step %scan3A_26  : i32 {
      %run_scoped3A_59 = arith.constant 0 : i32
      "tpu.region"() ({
        %run_scoped3A_60 = tpu.sem_alloc : memref<!tpu.dma_semaphore, #tpu.memory_space<semaphore_mem>>
        %dma_start3A_61 = arith.constant 0 : i32
        %dma_start3A_62 = arith.constant 0 : i32
        %dma_start3A_63 = tpu.memref_slice %arg10[%run_scoped3A_59, %dma_start3A_61, %dma_start3A_62] : memref<2x128x128xf32, #tpu.memory_space<vmem>> -> memref<1x128x128xf32, #tpu.memory_space<vmem>>
        %dma_start3A_64 = tpu.memref_squeeze %dma_start3A_63 : memref<1x128x128xf32, #tpu.memory_space<vmem>> -> memref<128x128xf32, #tpu.memory_space<vmem>>
        %dma_start3A_65 = arith.constant 0 : i32
        %dma_start3A_66 = tpu.memref_slice %arg11[%scan3A_58, %dma_start3A_65] : memref<5x128xi32, #tpu.memory_space<vmem>> -> memref<1x128xi32, #tpu.memory_space<vmem>>
        %dma_start3A_67 = tpu.memref_squeeze %dma_start3A_66 : memref<1x128xi32, #tpu.memory_space<vmem>> -> memref<128xi32, #tpu.memory_space<vmem>>
        %dma_start3A_68 = arith.constant 0 : i32
        %dma_start3A_69 = arith.constant 0 : i32
        %dma_start3A_70 = tpu.memref_slice %arg12[%dma_start3A_68, %dma_start3A_69] : memref<10240x128xf32, #tpu.memory_space<vmem_shared>> -> memref<10240x128xf32, #tpu.memory_space<vmem_shared>>
        tpu.enqueue_indirect_dma source(%dma_start3A_64 : memref<128x128xf32, #tpu.memory_space<vmem>>) target(%dma_start3A_70 : memref<10240x128xf32, #tpu.memory_space<vmem_shared>>) offsets(%dma_start3A_67 : memref<128xi32, #tpu.memory_space<vmem>>) semaphore(%run_scoped3A_60 : memref<!tpu.dma_semaphore, #tpu.memory_space<semaphore_mem>>)
        %dma_wait3A = arith.constant 0 : i32
        %dma_wait3A_71 = arith.constant 0 : i32
        %dma_wait3A_72 = tpu.memref_slice %arg10[%run_scoped3A_59, %dma_wait3A, %dma_wait3A_71] : memref<2x128x128xf32, #tpu.memory_space<vmem>> -> memref<1x128x128xf32, #tpu.memory_space<vmem>>
        %dma_wait3A_73 = tpu.memref_squeeze %dma_wait3A_72 : memref<1x128x128xf32, #tpu.memory_space<vmem>> -> memref<128x128xf32, #tpu.memory_space<vmem>>
        %dma_wait3A_74 = arith.constant 0 : i32
        %dma_wait3A_75 = tpu.memref_slice %arg11[%scan3A_58, %dma_wait3A_74] : memref<5x128xi32, #tpu.memory_space<vmem>> -> memref<1x128xi32, #tpu.memory_space<vmem>>
        %dma_wait3A_76 = tpu.memref_squeeze %dma_wait3A_75 : memref<1x128xi32, #tpu.memory_space<vmem>> -> memref<128xi32, #tpu.memory_space<vmem>>
        %dma_wait3A_77 = arith.constant 0 : i32
        %dma_wait3A_78 = arith.constant 0 : i32
        %dma_wait3A_79 = tpu.memref_slice %arg12[%dma_wait3A_77, %dma_wait3A_78] : memref<10240x128xf32, #tpu.memory_space<vmem_shared>> -> memref<10240x128xf32, #tpu.memory_space<vmem_shared>>
        tpu.wait_indirect_dma semaphore(%run_scoped3A_60 : memref<!tpu.dma_semaphore, #tpu.memory_space<semaphore_mem>>) src(%dma_wait3A_73 : memref<128x128xf32, #tpu.memory_space<vmem>>) dst(%dma_wait3A_79 : memref<10240x128xf32, #tpu.memory_space<vmem_shared>>)
        tpu.yield
      }) : () -> ()
    }
    %scan3A_27 = arith.constant 5 : i32
    %barrier3A = arith.constant 0 : index
    tpu.barrier barrier_id(%barrier3A)
    %run_scoped3A_28 = arith.constant 0 : i32
    "tpu.region"() ({
      %run_scoped3A_58 = tpu.sem_alloc : memref<!tpu.dma_semaphore, #tpu.memory_space<semaphore_mem>>
      %dma_start3A_59 = arith.constant 0 : i32
      %dma_start3A_60 = arith.constant 0 : i32
      %dma_start3A_61 = tpu.memref_slice %arg8[%run_scoped3A_28, %dma_start3A_59, %dma_start3A_60] : memref<2x8x128xi32, #tpu.memory_space<vmem>> -> memref<1x8x128xi32, #tpu.memory_space<vmem>>
      %dma_start3A_62 = tpu.memref_squeeze %dma_start3A_61 : memref<1x8x128xi32, #tpu.memory_space<vmem>> -> memref<8x128xi32, #tpu.memory_space<vmem>>
      %dma_start3A_63 = arith.constant 0 : i32
      %dma_start3A_64 = tpu.memref_slice %arg3[%add3A, %dma_start3A_63] : memref<2560x128xi32, #tpu.memory_space<hbm>> -> memref<8x128xi32, #tpu.memory_space<hbm>>
      %dma_start3A_65 = arith.constant 0 : i32
      %dma_start3A_66 = arith.constant 0 : i32
      %dma_start3A_67 = tpu.memref_slice %arg8[%run_scoped3A_28, %dma_start3A_65, %dma_start3A_66] : memref<2x8x128xi32, #tpu.memory_space<vmem>> -> memref<1x8x128xi32, #tpu.memory_space<vmem>>
      %dma_start3A_68 = tpu.memref_squeeze %dma_start3A_67 : memref<1x8x128xi32, #tpu.memory_space<vmem>> -> memref<8x128xi32, #tpu.memory_space<vmem>>
      %dma_start3A_69 = arith.constant 0 : i32
      %dma_start3A_70 = tpu.memref_slice %arg3[%add3A, %dma_start3A_69] : memref<2560x128xi32, #tpu.memory_space<hbm>> -> memref<8x128xi32, #tpu.memory_space<hbm>>
      tpu.enqueue_dma source(%dma_start3A_70 : memref<8x128xi32, #tpu.memory_space<hbm>>) target(%dma_start3A_68 : memref<8x128xi32, #tpu.memory_space<vmem>>) target_semaphore(%run_scoped3A_58 : memref<!tpu.dma_semaphore, #tpu.memory_space<semaphore_mem>>)
      %dma_wait3A = arith.constant 0 : i32
      %dma_wait3A_71 = arith.constant 0 : i32
      %dma_wait3A_72 = tpu.memref_slice %arg8[%run_scoped3A_28, %dma_wait3A, %dma_wait3A_71] : memref<2x8x128xi32, #tpu.memory_space<vmem>> -> memref<1x8x128xi32, #tpu.memory_space<vmem>>
      %dma_wait3A_73 = tpu.memref_squeeze %dma_wait3A_72 : memref<1x8x128xi32, #tpu.memory_space<vmem>> -> memref<8x128xi32, #tpu.memory_space<vmem>>
      %dma_wait3A_74 = arith.constant 0 : i32
      %dma_wait3A_75 = tpu.memref_slice %arg3[%add3A, %dma_wait3A_74] : memref<2560x128xi32, #tpu.memory_space<hbm>> -> memref<8x128xi32, #tpu.memory_space<hbm>>
      %dma_wait3A_76 = arith.constant 0 : i32
      %dma_wait3A_77 = arith.constant 0 : i32
      %dma_wait3A_78 = tpu.memref_slice %arg8[%run_scoped3A_28, %dma_wait3A_76, %dma_wait3A_77] : memref<2x8x128xi32, #tpu.memory_space<vmem>> -> memref<1x8x128xi32, #tpu.memory_space<vmem>>
      %dma_wait3A_79 = tpu.memref_squeeze %dma_wait3A_78 : memref<1x8x128xi32, #tpu.memory_space<vmem>> -> memref<8x128xi32, #tpu.memory_space<vmem>>
      %dma_wait3A_80 = arith.constant 0 : i32
      %dma_wait3A_81 = tpu.memref_slice %arg3[%add3A, %dma_wait3A_80] : memref<2560x128xi32, #tpu.memory_space<hbm>> -> memref<8x128xi32, #tpu.memory_space<hbm>>
      tpu.wait_dma2 semaphore(%run_scoped3A_58 : memref<!tpu.dma_semaphore, #tpu.memory_space<semaphore_mem>>) src(%dma_wait3A_81 : memref<8x128xi32, #tpu.memory_space<hbm>>) dst(%dma_wait3A_79 : memref<8x128xi32, #tpu.memory_space<vmem>>)
      tpu.yield
    }) : () -> ()
    %run_scoped3A_29 = arith.constant 0 : i32
    "tpu.region"() ({
      %run_scoped3A_58 = tpu.sem_alloc : memref<!tpu.dma_semaphore, #tpu.memory_space<semaphore_mem>>
      %dma_start3A_59 = arith.constant 0 : i32
      %dma_start3A_60 = arith.constant 0 : i32
      %dma_start3A_61 = tpu.memref_slice %arg9[%run_scoped3A_29, %dma_start3A_59, %dma_start3A_60] : memref<2x8x128xi32, #tpu.memory_space<vmem>> -> memref<1x8x128xi32, #tpu.memory_space<vmem>>
      %dma_start3A_62 = tpu.memref_squeeze %dma_start3A_61 : memref<1x8x128xi32, #tpu.memory_space<vmem>> -> memref<8x128xi32, #tpu.memory_space<vmem>>
      %dma_start3A_63 = arith.constant 0 : i32
      %dma_start3A_64 = tpu.memref_slice %arg4[%add3A, %dma_start3A_63] : memref<2560x128xi32, #tpu.memory_space<hbm>> -> memref<8x128xi32, #tpu.memory_space<hbm>>
      %dma_start3A_65 = arith.constant 0 : i32
      %dma_start3A_66 = arith.constant 0 : i32
      %dma_start3A_67 = tpu.memref_slice %arg9[%run_scoped3A_29, %dma_start3A_65, %dma_start3A_66] : memref<2x8x128xi32, #tpu.memory_space<vmem>> -> memref<1x8x128xi32, #tpu.memory_space<vmem>>
      %dma_start3A_68 = tpu.memref_squeeze %dma_start3A_67 : memref<1x8x128xi32, #tpu.memory_space<vmem>> -> memref<8x128xi32, #tpu.memory_space<vmem>>
      %dma_start3A_69 = arith.constant 0 : i32
      %dma_start3A_70 = tpu.memref_slice %arg4[%add3A, %dma_start3A_69] : memref<2560x128xi32, #tpu.memory_space<hbm>> -> memref<8x128xi32, #tpu.memory_space<hbm>>
      tpu.enqueue_dma source(%dma_start3A_70 : memref<8x128xi32, #tpu.memory_space<hbm>>) target(%dma_start3A_68 : memref<8x128xi32, #tpu.memory_space<vmem>>) target_semaphore(%run_scoped3A_58 : memref<!tpu.dma_semaphore, #tpu.memory_space<semaphore_mem>>)
      %dma_wait3A = arith.constant 0 : i32
      %dma_wait3A_71 = arith.constant 0 : i32
      %dma_wait3A_72 = tpu.memref_slice %arg9[%run_scoped3A_29, %dma_wait3A, %dma_wait3A_71] : memref<2x8x128xi32, #tpu.memory_space<vmem>> -> memref<1x8x128xi32, #tpu.memory_space<vmem>>
      %dma_wait3A_73 = tpu.memref_squeeze %dma_wait3A_72 : memref<1x8x128xi32, #tpu.memory_space<vmem>> -> memref<8x128xi32, #tpu.memory_space<vmem>>
      %dma_wait3A_74 = arith.constant 0 : i32
      %dma_wait3A_75 = tpu.memref_slice %arg4[%add3A, %dma_wait3A_74] : memref<2560x128xi32, #tpu.memory_space<hbm>> -> memref<8x128xi32, #tpu.memory_space<hbm>>
      %dma_wait3A_76 = arith.constant 0 : i32
      %dma_wait3A_77 = arith.constant 0 : i32
      %dma_wait3A_78 = tpu.memref_slice %arg9[%run_scoped3A_29, %dma_wait3A_76, %dma_wait3A_77] : memref<2x8x128xi32, #tpu.memory_space<vmem>> -> memref<1x8x128xi32, #tpu.memory_space<vmem>>
      %dma_wait3A_79 = tpu.memref_squeeze %dma_wait3A_78 : memref<1x8x128xi32, #tpu.memory_space<vmem>> -> memref<8x128xi32, #tpu.memory_space<vmem>>
      %dma_wait3A_80 = arith.constant 0 : i32
      %dma_wait3A_81 = tpu.memref_slice %arg4[%add3A, %dma_wait3A_80] : memref<2560x128xi32, #tpu.memory_space<hbm>> -> memref<8x128xi32, #tpu.memory_space<hbm>>
      tpu.wait_dma2 semaphore(%run_scoped3A_58 : memref<!tpu.dma_semaphore, #tpu.memory_space<semaphore_mem>>) src(%dma_wait3A_81 : memref<8x128xi32, #tpu.memory_space<hbm>>) dst(%dma_wait3A_79 : memref<8x128xi32, #tpu.memory_space<vmem>>)
      tpu.yield
    }) : () -> ()
    %dma_start3A = arith.constant 0 : i32
    %dma_start3A_30 = arith.constant 0 : i32
    %dma_start3A_31 = arith.constant 0 : i32
    %dma_start3A_32 = arith.constant 0 : i32
    %dma_start3A_33 = arith.constant 0 : i32
    %dma_start3A_34 = tpu.memref_slice %arg10[%dma_start3A_31, %dma_start3A_32, %dma_start3A_33] : memref<2x128x128xf32, #tpu.memory_space<vmem>> -> memref<1x128x128xf32, #tpu.memory_space<vmem>>
    %dma_start3A_35 = tpu.memref_squeeze %dma_start3A_34 : memref<1x128x128xf32, #tpu.memory_space<vmem>> -> memref<128x128xf32, #tpu.memory_space<vmem>>
    %dma_start3A_36 = arith.constant 0 : i32
    %dma_start3A_37 = tpu.memref_slice %arg8[%dma_start3A, %dma_start3A_30, %dma_start3A_36] : memref<2x8x128xi32, #tpu.memory_space<vmem>> -> memref<1x1x128xi32, #tpu.memory_space<vmem>>
    %dma_start3A_38 = tpu.memref_squeeze %dma_start3A_37 : memref<1x1x128xi32, #tpu.memory_space<vmem>> -> memref<128xi32, #tpu.memory_space<vmem>>
    %dma_start3A_39 = arith.constant 0 : i32
    %dma_start3A_40 = arith.constant 0 : i32
    %dma_start3A_41 = tpu.memref_slice %arg2[%dma_start3A_39, %dma_start3A_40] : memref<10000x128xf32, #tpu.memory_space<hbm>> -> memref<10000x128xf32, #tpu.memory_space<hbm>>
    tpu.enqueue_indirect_dma source(%dma_start3A_41 : memref<10000x128xf32, #tpu.memory_space<hbm>>) target(%dma_start3A_35 : memref<128x128xf32, #tpu.memory_space<vmem>>) offsets(%dma_start3A_38 : memref<128xi32, #tpu.memory_space<vmem>>) semaphore(%arg13 : memref<!tpu.dma_semaphore, #tpu.memory_space<semaphore_mem>>)
    %while3A = arith.constant 0 : i32
    %while3A_42 = arith.constant 0 : i32
    %while3A_43 = arith.subi %select_n3A, %while3A_42 : i32
    %while3A_44 = arith.addi %while3A_42, %while3A_43 : i32
    %while3A_45 = arith.constant 1 : i32
    %while3A_46 = arith.divsi %while3A_43, %while3A_45 : i32
    %while3A_47 = arith.muli %while3A_46, %while3A_45 : i32
    %while3A_48 = arith.addi %while3A_42, %while3A_47 : i32
    %while3A_49 = arith.constant 1 : i32
    scf.for %while3A_58 = %while3A_42 to %while3A_48 step %while3A_49  : i32 {
      %rem3A_59 = arith.constant 2 : i32
      %rem3A_60 = arith.remsi %while3A_58, %rem3A_59 : i32
      %add3A_61 = arith.constant 1 : i32
      %add3A_62 = arith.addi %while3A_58, %add3A_61 : i32
      %rem3A_63 = arith.constant 2 : i32
      %rem3A_64 = arith.remsi %add3A_62, %rem3A_63 : i32
      %add3A_65 = arith.constant 1 : i32
      %add3A_66 = arith.addi %while3A_58, %add3A_65 : i32
      %lt3A = arith.cmpi slt, %add3A_66, %select_n3A : i32
      %convert_element_type3A = arith.extui %lt3A : i1 to i32
      %cond3A = arith.constant 0 : i32
      %cond3A_67 = arith.cmpi ne, %convert_element_type3A, %cond3A : i32
      scf.if %cond3A_67 {
        %add3A_269 = arith.constant 1 : i32
        %add3A_270 = arith.addi %while3A_58, %add3A_269 : i32
        %mul3A_271 = arith.constant 8 : i32
        %mul3A_272 = arith.muli %add3A_270, %mul3A_271 : i32
        %add3A_273 = arith.addi %add3A, %mul3A_272 : i32
        "tpu.region"() ({
          %run_scoped3A_279 = tpu.sem_alloc : memref<!tpu.dma_semaphore, #tpu.memory_space<semaphore_mem>>
          %dma_start3A_280 = arith.constant 0 : i32
          %dma_start3A_281 = arith.constant 0 : i32
          %dma_start3A_282 = tpu.memref_slice %arg8[%rem3A_64, %dma_start3A_280, %dma_start3A_281] : memref<2x8x128xi32, #tpu.memory_space<vmem>> -> memref<1x8x128xi32, #tpu.memory_space<vmem>>
          %dma_start3A_283 = tpu.memref_squeeze %dma_start3A_282 : memref<1x8x128xi32, #tpu.memory_space<vmem>> -> memref<8x128xi32, #tpu.memory_space<vmem>>
          %dma_start3A_284 = arith.constant 0 : i32
          %dma_start3A_285 = tpu.memref_slice %arg3[%add3A_273, %dma_start3A_284] : memref<2560x128xi32, #tpu.memory_space<hbm>> -> memref<8x128xi32, #tpu.memory_space<hbm>>
          %dma_start3A_286 = arith.constant 0 : i32
          %dma_start3A_287 = arith.constant 0 : i32
          %dma_start3A_288 = tpu.memref_slice %arg8[%rem3A_64, %dma_start3A_286, %dma_start3A_287] : memref<2x8x128xi32, #tpu.memory_space<vmem>> -> memref<1x8x128xi32, #tpu.memory_space<vmem>>
          %dma_start3A_289 = tpu.memref_squeeze %dma_start3A_288 : memref<1x8x128xi32, #tpu.memory_space<vmem>> -> memref<8x128xi32, #tpu.memory_space<vmem>>
          %dma_start3A_290 = arith.constant 0 : i32
          %dma_start3A_291 = tpu.memref_slice %arg3[%add3A_273, %dma_start3A_290] : memref<2560x128xi32, #tpu.memory_space<hbm>> -> memref<8x128xi32, #tpu.memory_space<hbm>>
          tpu.enqueue_dma source(%dma_start3A_291 : memref<8x128xi32, #tpu.memory_space<hbm>>) target(%dma_start3A_289 : memref<8x128xi32, #tpu.memory_space<vmem>>) target_semaphore(%run_scoped3A_279 : memref<!tpu.dma_semaphore, #tpu.memory_space<semaphore_mem>>)
          %dma_wait3A_292 = arith.constant 0 : i32
          %dma_wait3A_293 = arith.constant 0 : i32
          %dma_wait3A_294 = tpu.memref_slice %arg8[%rem3A_64, %dma_wait3A_292, %dma_wait3A_293] : memref<2x8x128xi32, #tpu.memory_space<vmem>> -> memref<1x8x128xi32, #tpu.memory_space<vmem>>
          %dma_wait3A_295 = tpu.memref_squeeze %dma_wait3A_294 : memref<1x8x128xi32, #tpu.memory_space<vmem>> -> memref<8x128xi32, #tpu.memory_space<vmem>>
          %dma_wait3A_296 = arith.constant 0 : i32
          %dma_wait3A_297 = tpu.memref_slice %arg3[%add3A_273, %dma_wait3A_296] : memref<2560x128xi32, #tpu.memory_space<hbm>> -> memref<8x128xi32, #tpu.memory_space<hbm>>
          %dma_wait3A_298 = arith.constant 0 : i32
          %dma_wait3A_299 = arith.constant 0 : i32
          %dma_wait3A_300 = tpu.memref_slice %arg8[%rem3A_64, %dma_wait3A_298, %dma_wait3A_299] : memref<2x8x128xi32, #tpu.memory_space<vmem>> -> memref<1x8x128xi32, #tpu.memory_space<vmem>>
          %dma_wait3A_301 = tpu.memref_squeeze %dma_wait3A_300 : memref<1x8x128xi32, #tpu.memory_space<vmem>> -> memref<8x128xi32, #tpu.memory_space<vmem>>
          %dma_wait3A_302 = arith.constant 0 : i32
          %dma_wait3A_303 = tpu.memref_slice %arg3[%add3A_273, %dma_wait3A_302] : memref<2560x128xi32, #tpu.memory_space<hbm>> -> memref<8x128xi32, #tpu.memory_space<hbm>>
          tpu.wait_dma2 semaphore(%run_scoped3A_279 : memref<!tpu.dma_semaphore, #tpu.memory_space<semaphore_mem>>) src(%dma_wait3A_303 : memref<8x128xi32, #tpu.memory_space<hbm>>) dst(%dma_wait3A_301 : memref<8x128xi32, #tpu.memory_space<vmem>>)
          tpu.yield
        }) : () -> ()
        %add3A_274 = arith.constant 1 : i32
        %add3A_275 = arith.addi %while3A_58, %add3A_274 : i32
        %mul3A_276 = arith.constant 8 : i32
        %mul3A_277 = arith.muli %add3A_275, %mul3A_276 : i32
        %add3A_278 = arith.addi %add3A, %mul3A_277 : i32
        "tpu.region"() ({
          %run_scoped3A_279 = tpu.sem_alloc : memref<!tpu.dma_semaphore, #tpu.memory_space<semaphore_mem>>
          %dma_start3A_280 = arith.constant 0 : i32
          %dma_start3A_281 = arith.constant 0 : i32
          %dma_start3A_282 = tpu.memref_slice %arg9[%rem3A_64, %dma_start3A_280, %dma_start3A_281] : memref<2x8x128xi32, #tpu.memory_space<vmem>> -> memref<1x8x128xi32, #tpu.memory_space<vmem>>
          %dma_start3A_283 = tpu.memref_squeeze %dma_start3A_282 : memref<1x8x128xi32, #tpu.memory_space<vmem>> -> memref<8x128xi32, #tpu.memory_space<vmem>>
          %dma_start3A_284 = arith.constant 0 : i32
          %dma_start3A_285 = tpu.memref_slice %arg4[%add3A_278, %dma_start3A_284] : memref<2560x128xi32, #tpu.memory_space<hbm>> -> memref<8x128xi32, #tpu.memory_space<hbm>>
          %dma_start3A_286 = arith.constant 0 : i32
          %dma_start3A_287 = arith.constant 0 : i32
          %dma_start3A_288 = tpu.memref_slice %arg9[%rem3A_64, %dma_start3A_286, %dma_start3A_287] : memref<2x8x128xi32, #tpu.memory_space<vmem>> -> memref<1x8x128xi32, #tpu.memory_space<vmem>>
          %dma_start3A_289 = tpu.memref_squeeze %dma_start3A_288 : memref<1x8x128xi32, #tpu.memory_space<vmem>> -> memref<8x128xi32, #tpu.memory_space<vmem>>
          %dma_start3A_290 = arith.constant 0 : i32
          %dma_start3A_291 = tpu.memref_slice %arg4[%add3A_278, %dma_start3A_290] : memref<2560x128xi32, #tpu.memory_space<hbm>> -> memref<8x128xi32, #tpu.memory_space<hbm>>
          tpu.enqueue_dma source(%dma_start3A_291 : memref<8x128xi32, #tpu.memory_space<hbm>>) target(%dma_start3A_289 : memref<8x128xi32, #tpu.memory_space<vmem>>) target_semaphore(%run_scoped3A_279 : memref<!tpu.dma_semaphore, #tpu.memory_space<semaphore_mem>>)
          %dma_wait3A_292 = arith.constant 0 : i32
          %dma_wait3A_293 = arith.constant 0 : i32
          %dma_wait3A_294 = tpu.memref_slice %arg9[%rem3A_64, %dma_wait3A_292, %dma_wait3A_293] : memref<2x8x128xi32, #tpu.memory_space<vmem>> -> memref<1x8x128xi32, #tpu.memory_space<vmem>>
          %dma_wait3A_295 = tpu.memref_squeeze %dma_wait3A_294 : memref<1x8x128xi32, #tpu.memory_space<vmem>> -> memref<8x128xi32, #tpu.memory_space<vmem>>
          %dma_wait3A_296 = arith.constant 0 : i32
          %dma_wait3A_297 = tpu.memref_slice %arg4[%add3A_278, %dma_wait3A_296] : memref<2560x128xi32, #tpu.memory_space<hbm>> -> memref<8x128xi32, #tpu.memory_space<hbm>>
          %dma_wait3A_298 = arith.constant 0 : i32
          %dma_wait3A_299 = arith.constant 0 : i32
          %dma_wait3A_300 = tpu.memref_slice %arg9[%rem3A_64, %dma_wait3A_298, %dma_wait3A_299] : memref<2x8x128xi32, #tpu.memory_space<vmem>> -> memref<1x8x128xi32, #tpu.memory_space<vmem>>
          %dma_wait3A_301 = tpu.memref_squeeze %dma_wait3A_300 : memref<1x8x128xi32, #tpu.memory_space<vmem>> -> memref<8x128xi32, #tpu.memory_space<vmem>>
          %dma_wait3A_302 = arith.constant 0 : i32
          %dma_wait3A_303 = tpu.memref_slice %arg4[%add3A_278, %dma_wait3A_302] : memref<2560x128xi32, #tpu.memory_space<hbm>> -> memref<8x128xi32, #tpu.memory_space<hbm>>
          tpu.wait_dma2 semaphore(%run_scoped3A_279 : memref<!tpu.dma_semaphore, #tpu.memory_space<semaphore_mem>>) src(%dma_wait3A_303 : memref<8x128xi32, #tpu.memory_space<hbm>>) dst(%dma_wait3A_301 : memref<8x128xi32, #tpu.memory_space<vmem>>)
          tpu.yield
        }) : () -> ()
      } else {
      }
      %dma_wait3A = arith.constant 0 : i32
      %dma_wait3A_68 = arith.constant 0 : i32
      %dma_wait3A_69 = arith.constant 0 : i32
      %dma_wait3A_70 = arith.constant 0 : i32
      %dma_wait3A_71 = tpu.memref_slice %arg10[%dma_wait3A_68, %dma_wait3A_69, %dma_wait3A_70] : memref<2x128x128xf32, #tpu.memory_space<vmem>> -> memref<1x128x128xf32, #tpu.memory_space<vmem>>
      %dma_wait3A_72 = tpu.memref_squeeze %dma_wait3A_71 : memref<1x128x128xf32, #tpu.memory_space<vmem>> -> memref<128x128xf32, #tpu.memory_space<vmem>>
      %dma_wait3A_73 = arith.constant 0 : i32
      %dma_wait3A_74 = tpu.memref_slice %arg8[%rem3A_60, %dma_wait3A, %dma_wait3A_73] : memref<2x8x128xi32, #tpu.memory_space<vmem>> -> memref<1x1x128xi32, #tpu.memory_space<vmem>>
      %dma_wait3A_75 = tpu.memref_squeeze %dma_wait3A_74 : memref<1x1x128xi32, #tpu.memory_space<vmem>> -> memref<128xi32, #tpu.memory_space<vmem>>
      %dma_wait3A_76 = arith.constant 0 : i32
      %dma_wait3A_77 = arith.constant 0 : i32
      %dma_wait3A_78 = tpu.memref_slice %arg2[%dma_wait3A_76, %dma_wait3A_77] : memref<10000x128xf32, #tpu.memory_space<hbm>> -> memref<10000x128xf32, #tpu.memory_space<hbm>>
      tpu.wait_indirect_dma semaphore(%arg13 : memref<!tpu.dma_semaphore, #tpu.memory_space<semaphore_mem>>) src(%dma_wait3A_78 : memref<10000x128xf32, #tpu.memory_space<hbm>>) dst(%dma_wait3A_72 : memref<128x128xf32, #tpu.memory_space<vmem>>)
      %dma_start3A_79 = arith.constant 1 : i32
      %dma_start3A_80 = arith.constant 1 : i32
      %dma_start3A_81 = arith.constant 0 : i32
      %dma_start3A_82 = arith.constant 0 : i32
      %dma_start3A_83 = tpu.memref_slice %arg10[%dma_start3A_80, %dma_start3A_81, %dma_start3A_82] : memref<2x128x128xf32, #tpu.memory_space<vmem>> -> memref<1x128x128xf32, #tpu.memory_space<vmem>>
      %dma_start3A_84 = tpu.memref_squeeze %dma_start3A_83 : memref<1x128x128xf32, #tpu.memory_space<vmem>> -> memref<128x128xf32, #tpu.memory_space<vmem>>
      %dma_start3A_85 = arith.constant 0 : i32
      %dma_start3A_86 = tpu.memref_slice %arg8[%rem3A_60, %dma_start3A_79, %dma_start3A_85] : memref<2x8x128xi32, #tpu.memory_space<vmem>> -> memref<1x1x128xi32, #tpu.memory_space<vmem>>
      %dma_start3A_87 = tpu.memref_squeeze %dma_start3A_86 : memref<1x1x128xi32, #tpu.memory_space<vmem>> -> memref<128xi32, #tpu.memory_space<vmem>>
      %dma_start3A_88 = arith.constant 0 : i32
      %dma_start3A_89 = arith.constant 0 : i32
      %dma_start3A_90 = tpu.memref_slice %arg2[%dma_start3A_88, %dma_start3A_89] : memref<10000x128xf32, #tpu.memory_space<hbm>> -> memref<10000x128xf32, #tpu.memory_space<hbm>>
      tpu.enqueue_indirect_dma source(%dma_start3A_90 : memref<10000x128xf32, #tpu.memory_space<hbm>>) target(%dma_start3A_84 : memref<128x128xf32, #tpu.memory_space<vmem>>) offsets(%dma_start3A_87 : memref<128xi32, #tpu.memory_space<vmem>>) semaphore(%arg13 : memref<!tpu.dma_semaphore, #tpu.memory_space<semaphore_mem>>)
      %run_scoped3A_91 = arith.constant 0 : i32
      %run_scoped3A_92 = arith.constant 0 : i32
      "tpu.region"() ({
        %run_scoped3A_269 = tpu.sem_alloc : memref<!tpu.dma_semaphore, #tpu.memory_space<semaphore_mem>>
        %dma_start3A_270 = arith.constant 0 : i32
        %dma_start3A_271 = arith.constant 0 : i32
        %dma_start3A_272 = tpu.memref_slice %arg10[%run_scoped3A_91, %dma_start3A_270, %dma_start3A_271] : memref<2x128x128xf32, #tpu.memory_space<vmem>> -> memref<1x128x128xf32, #tpu.memory_space<vmem>>
        %dma_start3A_273 = tpu.memref_squeeze %dma_start3A_272 : memref<1x128x128xf32, #tpu.memory_space<vmem>> -> memref<128x128xf32, #tpu.memory_space<vmem>>
        %dma_start3A_274 = arith.constant 0 : i32
        %dma_start3A_275 = tpu.memref_slice %arg9[%rem3A_60, %run_scoped3A_92, %dma_start3A_274] : memref<2x8x128xi32, #tpu.memory_space<vmem>> -> memref<1x1x128xi32, #tpu.memory_space<vmem>>
        %dma_start3A_276 = tpu.memref_squeeze %dma_start3A_275 : memref<1x1x128xi32, #tpu.memory_space<vmem>> -> memref<128xi32, #tpu.memory_space<vmem>>
        %dma_start3A_277 = arith.constant 0 : i32
        %dma_start3A_278 = arith.constant 0 : i32
        %dma_start3A_279 = tpu.memref_slice %arg12[%dma_start3A_277, %dma_start3A_278] : memref<10240x128xf32, #tpu.memory_space<vmem_shared>> -> memref<10240x128xf32, #tpu.memory_space<vmem_shared>>
        tpu.enqueue_indirect_dma source(%dma_start3A_273 : memref<128x128xf32, #tpu.memory_space<vmem>>) target(%dma_start3A_279 : memref<10240x128xf32, #tpu.memory_space<vmem_shared>>) offsets(%dma_start3A_276 : memref<128xi32, #tpu.memory_space<vmem>>) semaphore(%run_scoped3A_269 : memref<!tpu.dma_semaphore, #tpu.memory_space<semaphore_mem>>) {add = true}
        %dma_wait3A_280 = arith.constant 0 : i32
        %dma_wait3A_281 = arith.constant 0 : i32
        %dma_wait3A_282 = tpu.memref_slice %arg10[%run_scoped3A_91, %dma_wait3A_280, %dma_wait3A_281] : memref<2x128x128xf32, #tpu.memory_space<vmem>> -> memref<1x128x128xf32, #tpu.memory_space<vmem>>
        %dma_wait3A_283 = tpu.memref_squeeze %dma_wait3A_282 : memref<1x128x128xf32, #tpu.memory_space<vmem>> -> memref<128x128xf32, #tpu.memory_space<vmem>>
        %dma_wait3A_284 = arith.constant 0 : i32
        %dma_wait3A_285 = tpu.memref_slice %arg9[%rem3A_60, %run_scoped3A_92, %dma_wait3A_284] : memref<2x8x128xi32, #tpu.memory_space<vmem>> -> memref<1x1x128xi32, #tpu.memory_space<vmem>>
        %dma_wait3A_286 = tpu.memref_squeeze %dma_wait3A_285 : memref<1x1x128xi32, #tpu.memory_space<vmem>> -> memref<128xi32, #tpu.memory_space<vmem>>
        %dma_wait3A_287 = arith.constant 0 : i32
        %dma_wait3A_288 = arith.constant 0 : i32
        %dma_wait3A_289 = tpu.memref_slice %arg12[%dma_wait3A_287, %dma_wait3A_288] : memref<10240x128xf32, #tpu.memory_space<vmem_shared>> -> memref<10240x128xf32, #tpu.memory_space<vmem_shared>>
        tpu.wait_indirect_dma semaphore(%run_scoped3A_269 : memref<!tpu.dma_semaphore, #tpu.memory_space<semaphore_mem>>) src(%dma_wait3A_283 : memref<128x128xf32, #tpu.memory_space<vmem>>) dst(%dma_wait3A_289 : memref<10240x128xf32, #tpu.memory_space<vmem_shared>>)
        tpu.yield
      }) : () -> ()
      %dma_wait3A_93 = arith.constant 1 : i32
      %dma_wait3A_94 = arith.constant 1 : i32
      %dma_wait3A_95 = arith.constant 0 : i32
      %dma_wait3A_96 = arith.constant 0 : i32
      %dma_wait3A_97 = tpu.memref_slice %arg10[%dma_wait3A_94, %dma_wait3A_95, %dma_wait3A_96] : memref<2x128x128xf32, #tpu.memory_space<vmem>> -> memref<1x128x128xf32, #tpu.memory_space<vmem>>
      %dma_wait3A_98 = tpu.memref_squeeze %dma_wait3A_97 : memref<1x128x128xf32, #tpu.memory_space<vmem>> -> memref<128x128xf32, #tpu.memory_space<vmem>>
      %dma_wait3A_99 = arith.constant 0 : i32
      %dma_wait3A_100 = tpu.memref_slice %arg8[%rem3A_60, %dma_wait3A_93, %dma_wait3A_99] : memref<2x8x128xi32, #tpu.memory_space<vmem>> -> memref<1x1x128xi32, #tpu.memory_space<vmem>>
      %dma_wait3A_101 = tpu.memref_squeeze %dma_wait3A_100 : memref<1x1x128xi32, #tpu.memory_space<vmem>> -> memref<128xi32, #tpu.memory_space<vmem>>
      %dma_wait3A_102 = arith.constant 0 : i32
      %dma_wait3A_103 = arith.constant 0 : i32
      %dma_wait3A_104 = tpu.memref_slice %arg2[%dma_wait3A_102, %dma_wait3A_103] : memref<10000x128xf32, #tpu.memory_space<hbm>> -> memref<10000x128xf32, #tpu.memory_space<hbm>>
      tpu.wait_indirect_dma semaphore(%arg13 : memref<!tpu.dma_semaphore, #tpu.memory_space<semaphore_mem>>) src(%dma_wait3A_104 : memref<10000x128xf32, #tpu.memory_space<hbm>>) dst(%dma_wait3A_98 : memref<128x128xf32, #tpu.memory_space<vmem>>)
      %dma_start3A_105 = arith.constant 2 : i32
      %dma_start3A_106 = arith.constant 0 : i32
      %dma_start3A_107 = arith.constant 0 : i32
      %dma_start3A_108 = arith.constant 0 : i32
      %dma_start3A_109 = tpu.memref_slice %arg10[%dma_start3A_106, %dma_start3A_107, %dma_start3A_108] : memref<2x128x128xf32, #tpu.memory_space<vmem>> -> memref<1x128x128xf32, #tpu.memory_space<vmem>>
      %dma_start3A_110 = tpu.memref_squeeze %dma_start3A_109 : memref<1x128x128xf32, #tpu.memory_space<vmem>> -> memref<128x128xf32, #tpu.memory_space<vmem>>
      %dma_start3A_111 = arith.constant 0 : i32
      %dma_start3A_112 = tpu.memref_slice %arg8[%rem3A_60, %dma_start3A_105, %dma_start3A_111] : memref<2x8x128xi32, #tpu.memory_space<vmem>> -> memref<1x1x128xi32, #tpu.memory_space<vmem>>
      %dma_start3A_113 = tpu.memref_squeeze %dma_start3A_112 : memref<1x1x128xi32, #tpu.memory_space<vmem>> -> memref<128xi32, #tpu.memory_space<vmem>>
      %dma_start3A_114 = arith.constant 0 : i32
      %dma_start3A_115 = arith.constant 0 : i32
      %dma_start3A_116 = tpu.memref_slice %arg2[%dma_start3A_114, %dma_start3A_115] : memref<10000x128xf32, #tpu.memory_space<hbm>> -> memref<10000x128xf32, #tpu.memory_space<hbm>>
      tpu.enqueue_indirect_dma source(%dma_start3A_116 : memref<10000x128xf32, #tpu.memory_space<hbm>>) target(%dma_start3A_110 : memref<128x128xf32, #tpu.memory_space<vmem>>) offsets(%dma_start3A_113 : memref<128xi32, #tpu.memory_space<vmem>>) semaphore(%arg13 : memref<!tpu.dma_semaphore, #tpu.memory_space<semaphore_mem>>)
      %run_scoped3A_117 = arith.constant 1 : i32
      %run_scoped3A_118 = arith.constant 1 : i32
      "tpu.region"() ({
        %run_scoped3A_269 = tpu.sem_alloc : memref<!tpu.dma_semaphore, #tpu.memory_space<semaphore_mem>>
        %dma_start3A_270 = arith.constant 0 : i32
        %dma_start3A_271 = arith.constant 0 : i32
        %dma_start3A_272 = tpu.memref_slice %arg10[%run_scoped3A_117, %dma_start3A_270, %dma_start3A_271] : memref<2x128x128xf32, #tpu.memory_space<vmem>> -> memref<1x128x128xf32, #tpu.memory_space<vmem>>
        %dma_start3A_273 = tpu.memref_squeeze %dma_start3A_272 : memref<1x128x128xf32, #tpu.memory_space<vmem>> -> memref<128x128xf32, #tpu.memory_space<vmem>>
        %dma_start3A_274 = arith.constant 0 : i32
        %dma_start3A_275 = tpu.memref_slice %arg9[%rem3A_60, %run_scoped3A_118, %dma_start3A_274] : memref<2x8x128xi32, #tpu.memory_space<vmem>> -> memref<1x1x128xi32, #tpu.memory_space<vmem>>
        %dma_start3A_276 = tpu.memref_squeeze %dma_start3A_275 : memref<1x1x128xi32, #tpu.memory_space<vmem>> -> memref<128xi32, #tpu.memory_space<vmem>>
        %dma_start3A_277 = arith.constant 0 : i32
        %dma_start3A_278 = arith.constant 0 : i32
        %dma_start3A_279 = tpu.memref_slice %arg12[%dma_start3A_277, %dma_start3A_278] : memref<10240x128xf32, #tpu.memory_space<vmem_shared>> -> memref<10240x128xf32, #tpu.memory_space<vmem_shared>>
        tpu.enqueue_indirect_dma source(%dma_start3A_273 : memref<128x128xf32, #tpu.memory_space<vmem>>) target(%dma_start3A_279 : memref<10240x128xf32, #tpu.memory_space<vmem_shared>>) offsets(%dma_start3A_276 : memref<128xi32, #tpu.memory_space<vmem>>) semaphore(%run_scoped3A_269 : memref<!tpu.dma_semaphore, #tpu.memory_space<semaphore_mem>>) {add = true}
        %dma_wait3A_280 = arith.constant 0 : i32
        %dma_wait3A_281 = arith.constant 0 : i32
        %dma_wait3A_282 = tpu.memref_slice %arg10[%run_scoped3A_117, %dma_wait3A_280, %dma_wait3A_281] : memref<2x128x128xf32, #tpu.memory_space<vmem>> -> memref<1x128x128xf32, #tpu.memory_space<vmem>>
        %dma_wait3A_283 = tpu.memref_squeeze %dma_wait3A_282 : memref<1x128x128xf32, #tpu.memory_space<vmem>> -> memref<128x128xf32, #tpu.memory_space<vmem>>
        %dma_wait3A_284 = arith.constant 0 : i32
        %dma_wait3A_285 = tpu.memref_slice %arg9[%rem3A_60, %run_scoped3A_118, %dma_wait3A_284] : memref<2x8x128xi32, #tpu.memory_space<vmem>> -> memref<1x1x128xi32, #tpu.memory_space<vmem>>
        %dma_wait3A_286 = tpu.memref_squeeze %dma_wait3A_285 : memref<1x1x128xi32, #tpu.memory_space<vmem>> -> memref<128xi32, #tpu.memory_space<vmem>>
        %dma_wait3A_287 = arith.constant 0 : i32
        %dma_wait3A_288 = arith.constant 0 : i32
        %dma_wait3A_289 = tpu.memref_slice %arg12[%dma_wait3A_287, %dma_wait3A_288] : memref<10240x128xf32, #tpu.memory_space<vmem_shared>> -> memref<10240x128xf32, #tpu.memory_space<vmem_shared>>
        tpu.wait_indirect_dma semaphore(%run_scoped3A_269 : memref<!tpu.dma_semaphore, #tpu.memory_space<semaphore_mem>>) src(%dma_wait3A_283 : memref<128x128xf32, #tpu.memory_space<vmem>>) dst(%dma_wait3A_289 : memref<10240x128xf32, #tpu.memory_space<vmem_shared>>)
        tpu.yield
      }) : () -> ()
      %dma_wait3A_119 = arith.constant 2 : i32
      %dma_wait3A_120 = arith.constant 0 : i32
      %dma_wait3A_121 = arith.constant 0 : i32
      %dma_wait3A_122 = arith.constant 0 : i32
      %dma_wait3A_123 = tpu.memref_slice %arg10[%dma_wait3A_120, %dma_wait3A_121, %dma_wait3A_122] : memref<2x128x128xf32, #tpu.memory_space<vmem>> -> memref<1x128x128xf32, #tpu.memory_space<vmem>>
      %dma_wait3A_124 = tpu.memref_squeeze %dma_wait3A_123 : memref<1x128x128xf32, #tpu.memory_space<vmem>> -> memref<128x128xf32, #tpu.memory_space<vmem>>
      %dma_wait3A_125 = arith.constant 0 : i32
      %dma_wait3A_126 = tpu.memref_slice %arg8[%rem3A_60, %dma_wait3A_119, %dma_wait3A_125] : memref<2x8x128xi32, #tpu.memory_space<vmem>> -> memref<1x1x128xi32, #tpu.memory_space<vmem>>
      %dma_wait3A_127 = tpu.memref_squeeze %dma_wait3A_126 : memref<1x1x128xi32, #tpu.memory_space<vmem>> -> memref<128xi32, #tpu.memory_space<vmem>>
      %dma_wait3A_128 = arith.constant 0 : i32
      %dma_wait3A_129 = arith.constant 0 : i32
      %dma_wait3A_130 = tpu.memref_slice %arg2[%dma_wait3A_128, %dma_wait3A_129] : memref<10000x128xf32, #tpu.memory_space<hbm>> -> memref<10000x128xf32, #tpu.memory_space<hbm>>
      tpu.wait_indirect_dma semaphore(%arg13 : memref<!tpu.dma_semaphore, #tpu.memory_space<semaphore_mem>>) src(%dma_wait3A_130 : memref<10000x128xf32, #tpu.memory_space<hbm>>) dst(%dma_wait3A_124 : memref<128x128xf32, #tpu.memory_space<vmem>>)
      %dma_start3A_131 = arith.constant 3 : i32
      %dma_start3A_132 = arith.constant 1 : i32
      %dma_start3A_133 = arith.constant 0 : i32
      %dma_start3A_134 = arith.constant 0 : i32
      %dma_start3A_135 = tpu.memref_slice %arg10[%dma_start3A_132, %dma_start3A_133, %dma_start3A_134] : memref<2x128x128xf32, #tpu.memory_space<vmem>> -> memref<1x128x128xf32, #tpu.memory_space<vmem>>
      %dma_start3A_136 = tpu.memref_squeeze %dma_start3A_135 : memref<1x128x128xf32, #tpu.memory_space<vmem>> -> memref<128x128xf32, #tpu.memory_space<vmem>>
      %dma_start3A_137 = arith.constant 0 : i32
      %dma_start3A_138 = tpu.memref_slice %arg8[%rem3A_60, %dma_start3A_131, %dma_start3A_137] : memref<2x8x128xi32, #tpu.memory_space<vmem>> -> memref<1x1x128xi32, #tpu.memory_space<vmem>>
      %dma_start3A_139 = tpu.memref_squeeze %dma_start3A_138 : memref<1x1x128xi32, #tpu.memory_space<vmem>> -> memref<128xi32, #tpu.memory_space<vmem>>
      %dma_start3A_140 = arith.constant 0 : i32
      %dma_start3A_141 = arith.constant 0 : i32
      %dma_start3A_142 = tpu.memref_slice %arg2[%dma_start3A_140, %dma_start3A_141] : memref<10000x128xf32, #tpu.memory_space<hbm>> -> memref<10000x128xf32, #tpu.memory_space<hbm>>
      tpu.enqueue_indirect_dma source(%dma_start3A_142 : memref<10000x128xf32, #tpu.memory_space<hbm>>) target(%dma_start3A_136 : memref<128x128xf32, #tpu.memory_space<vmem>>) offsets(%dma_start3A_139 : memref<128xi32, #tpu.memory_space<vmem>>) semaphore(%arg13 : memref<!tpu.dma_semaphore, #tpu.memory_space<semaphore_mem>>)
      %run_scoped3A_143 = arith.constant 0 : i32
      %run_scoped3A_144 = arith.constant 2 : i32
      "tpu.region"() ({
        %run_scoped3A_269 = tpu.sem_alloc : memref<!tpu.dma_semaphore, #tpu.memory_space<semaphore_mem>>
        %dma_start3A_270 = arith.constant 0 : i32
        %dma_start3A_271 = arith.constant 0 : i32
        %dma_start3A_272 = tpu.memref_slice %arg10[%run_scoped3A_143, %dma_start3A_270, %dma_start3A_271] : memref<2x128x128xf32, #tpu.memory_space<vmem>> -> memref<1x128x128xf32, #tpu.memory_space<vmem>>
        %dma_start3A_273 = tpu.memref_squeeze %dma_start3A_272 : memref<1x128x128xf32, #tpu.memory_space<vmem>> -> memref<128x128xf32, #tpu.memory_space<vmem>>
        %dma_start3A_274 = arith.constant 0 : i32
        %dma_start3A_275 = tpu.memref_slice %arg9[%rem3A_60, %run_scoped3A_144, %dma_start3A_274] : memref<2x8x128xi32, #tpu.memory_space<vmem>> -> memref<1x1x128xi32, #tpu.memory_space<vmem>>
        %dma_start3A_276 = tpu.memref_squeeze %dma_start3A_275 : memref<1x1x128xi32, #tpu.memory_space<vmem>> -> memref<128xi32, #tpu.memory_space<vmem>>
        %dma_start3A_277 = arith.constant 0 : i32
        %dma_start3A_278 = arith.constant 0 : i32
        %dma_start3A_279 = tpu.memref_slice %arg12[%dma_start3A_277, %dma_start3A_278] : memref<10240x128xf32, #tpu.memory_space<vmem_shared>> -> memref<10240x128xf32, #tpu.memory_space<vmem_shared>>
        tpu.enqueue_indirect_dma source(%dma_start3A_273 : memref<128x128xf32, #tpu.memory_space<vmem>>) target(%dma_start3A_279 : memref<10240x128xf32, #tpu.memory_space<vmem_shared>>) offsets(%dma_start3A_276 : memref<128xi32, #tpu.memory_space<vmem>>) semaphore(%run_scoped3A_269 : memref<!tpu.dma_semaphore, #tpu.memory_space<semaphore_mem>>) {add = true}
        %dma_wait3A_280 = arith.constant 0 : i32
        %dma_wait3A_281 = arith.constant 0 : i32
        %dma_wait3A_282 = tpu.memref_slice %arg10[%run_scoped3A_143, %dma_wait3A_280, %dma_wait3A_281] : memref<2x128x128xf32, #tpu.memory_space<vmem>> -> memref<1x128x128xf32, #tpu.memory_space<vmem>>
        %dma_wait3A_283 = tpu.memref_squeeze %dma_wait3A_282 : memref<1x128x128xf32, #tpu.memory_space<vmem>> -> memref<128x128xf32, #tpu.memory_space<vmem>>
        %dma_wait3A_284 = arith.constant 0 : i32
        %dma_wait3A_285 = tpu.memref_slice %arg9[%rem3A_60, %run_scoped3A_144, %dma_wait3A_284] : memref<2x8x128xi32, #tpu.memory_space<vmem>> -> memref<1x1x128xi32, #tpu.memory_space<vmem>>
        %dma_wait3A_286 = tpu.memref_squeeze %dma_wait3A_285 : memref<1x1x128xi32, #tpu.memory_space<vmem>> -> memref<128xi32, #tpu.memory_space<vmem>>
        %dma_wait3A_287 = arith.constant 0 : i32
        %dma_wait3A_288 = arith.constant 0 : i32
        %dma_wait3A_289 = tpu.memref_slice %arg12[%dma_wait3A_287, %dma_wait3A_288] : memref<10240x128xf32, #tpu.memory_space<vmem_shared>> -> memref<10240x128xf32, #tpu.memory_space<vmem_shared>>
        tpu.wait_indirect_dma semaphore(%run_scoped3A_269 : memref<!tpu.dma_semaphore, #tpu.memory_space<semaphore_mem>>) src(%dma_wait3A_283 : memref<128x128xf32, #tpu.memory_space<vmem>>) dst(%dma_wait3A_289 : memref<10240x128xf32, #tpu.memory_space<vmem_shared>>)
        tpu.yield
      }) : () -> ()
      %dma_wait3A_145 = arith.constant 3 : i32
      %dma_wait3A_146 = arith.constant 1 : i32
      %dma_wait3A_147 = arith.constant 0 : i32
      %dma_wait3A_148 = arith.constant 0 : i32
      %dma_wait3A_149 = tpu.memref_slice %arg10[%dma_wait3A_146, %dma_wait3A_147, %dma_wait3A_148] : memref<2x128x128xf32, #tpu.memory_space<vmem>> -> memref<1x128x128xf32, #tpu.memory_space<vmem>>
      %dma_wait3A_150 = tpu.memref_squeeze %dma_wait3A_149 : memref<1x128x128xf32, #tpu.memory_space<vmem>> -> memref<128x128xf32, #tpu.memory_space<vmem>>
      %dma_wait3A_151 = arith.constant 0 : i32
      %dma_wait3A_152 = tpu.memref_slice %arg8[%rem3A_60, %dma_wait3A_145, %dma_wait3A_151] : memref<2x8x128xi32, #tpu.memory_space<vmem>> -> memref<1x1x128xi32, #tpu.memory_space<vmem>>
      %dma_wait3A_153 = tpu.memref_squeeze %dma_wait3A_152 : memref<1x1x128xi32, #tpu.memory_space<vmem>> -> memref<128xi32, #tpu.memory_space<vmem>>
      %dma_wait3A_154 = arith.constant 0 : i32
      %dma_wait3A_155 = arith.constant 0 : i32
      %dma_wait3A_156 = tpu.memref_slice %arg2[%dma_wait3A_154, %dma_wait3A_155] : memref<10000x128xf32, #tpu.memory_space<hbm>> -> memref<10000x128xf32, #tpu.memory_space<hbm>>
      tpu.wait_indirect_dma semaphore(%arg13 : memref<!tpu.dma_semaphore, #tpu.memory_space<semaphore_mem>>) src(%dma_wait3A_156 : memref<10000x128xf32, #tpu.memory_space<hbm>>) dst(%dma_wait3A_150 : memref<128x128xf32, #tpu.memory_space<vmem>>)
      %dma_start3A_157 = arith.constant 4 : i32
      %dma_start3A_158 = arith.constant 0 : i32
      %dma_start3A_159 = arith.constant 0 : i32
      %dma_start3A_160 = arith.constant 0 : i32
      %dma_start3A_161 = tpu.memref_slice %arg10[%dma_start3A_158, %dma_start3A_159, %dma_start3A_160] : memref<2x128x128xf32, #tpu.memory_space<vmem>> -> memref<1x128x128xf32, #tpu.memory_space<vmem>>
      %dma_start3A_162 = tpu.memref_squeeze %dma_start3A_161 : memref<1x128x128xf32, #tpu.memory_space<vmem>> -> memref<128x128xf32, #tpu.memory_space<vmem>>
      %dma_start3A_163 = arith.constant 0 : i32
      %dma_start3A_164 = tpu.memref_slice %arg8[%rem3A_60, %dma_start3A_157, %dma_start3A_163] : memref<2x8x128xi32, #tpu.memory_space<vmem>> -> memref<1x1x128xi32, #tpu.memory_space<vmem>>
      %dma_start3A_165 = tpu.memref_squeeze %dma_start3A_164 : memref<1x1x128xi32, #tpu.memory_space<vmem>> -> memref<128xi32, #tpu.memory_space<vmem>>
      %dma_start3A_166 = arith.constant 0 : i32
      %dma_start3A_167 = arith.constant 0 : i32
      %dma_start3A_168 = tpu.memref_slice %arg2[%dma_start3A_166, %dma_start3A_167] : memref<10000x128xf32, #tpu.memory_space<hbm>> -> memref<10000x128xf32, #tpu.memory_space<hbm>>
      tpu.enqueue_indirect_dma source(%dma_start3A_168 : memref<10000x128xf32, #tpu.memory_space<hbm>>) target(%dma_start3A_162 : memref<128x128xf32, #tpu.memory_space<vmem>>) offsets(%dma_start3A_165 : memref<128xi32, #tpu.memory_space<vmem>>) semaphore(%arg13 : memref<!tpu.dma_semaphore, #tpu.memory_space<semaphore_mem>>)
      %run_scoped3A_169 = arith.constant 1 : i32
      %run_scoped3A_170 = arith.constant 3 : i32
      "tpu.region"() ({
        %run_scoped3A_269 = tpu.sem_alloc : memref<!tpu.dma_semaphore, #tpu.memory_space<semaphore_mem>>
        %dma_start3A_270 = arith.constant 0 : i32
        %dma_start3A_271 = arith.constant 0 : i32
        %dma_start3A_272 = tpu.memref_slice %arg10[%run_scoped3A_169, %dma_start3A_270, %dma_start3A_271] : memref<2x128x128xf32, #tpu.memory_space<vmem>> -> memref<1x128x128xf32, #tpu.memory_space<vmem>>
        %dma_start3A_273 = tpu.memref_squeeze %dma_start3A_272 : memref<1x128x128xf32, #tpu.memory_space<vmem>> -> memref<128x128xf32, #tpu.memory_space<vmem>>
        %dma_start3A_274 = arith.constant 0 : i32
        %dma_start3A_275 = tpu.memref_slice %arg9[%rem3A_60, %run_scoped3A_170, %dma_start3A_274] : memref<2x8x128xi32, #tpu.memory_space<vmem>> -> memref<1x1x128xi32, #tpu.memory_space<vmem>>
        %dma_start3A_276 = tpu.memref_squeeze %dma_start3A_275 : memref<1x1x128xi32, #tpu.memory_space<vmem>> -> memref<128xi32, #tpu.memory_space<vmem>>
        %dma_start3A_277 = arith.constant 0 : i32
        %dma_start3A_278 = arith.constant 0 : i32
        %dma_start3A_279 = tpu.memref_slice %arg12[%dma_start3A_277, %dma_start3A_278] : memref<10240x128xf32, #tpu.memory_space<vmem_shared>> -> memref<10240x128xf32, #tpu.memory_space<vmem_shared>>
        tpu.enqueue_indirect_dma source(%dma_start3A_273 : memref<128x128xf32, #tpu.memory_space<vmem>>) target(%dma_start3A_279 : memref<10240x128xf32, #tpu.memory_space<vmem_shared>>) offsets(%dma_start3A_276 : memref<128xi32, #tpu.memory_space<vmem>>) semaphore(%run_scoped3A_269 : memref<!tpu.dma_semaphore, #tpu.memory_space<semaphore_mem>>) {add = true}
        %dma_wait3A_280 = arith.constant 0 : i32
        %dma_wait3A_281 = arith.constant 0 : i32
        %dma_wait3A_282 = tpu.memref_slice %arg10[%run_scoped3A_169, %dma_wait3A_280, %dma_wait3A_281] : memref<2x128x128xf32, #tpu.memory_space<vmem>> -> memref<1x128x128xf32, #tpu.memory_space<vmem>>
        %dma_wait3A_283 = tpu.memref_squeeze %dma_wait3A_282 : memref<1x128x128xf32, #tpu.memory_space<vmem>> -> memref<128x128xf32, #tpu.memory_space<vmem>>
        %dma_wait3A_284 = arith.constant 0 : i32
        %dma_wait3A_285 = tpu.memref_slice %arg9[%rem3A_60, %run_scoped3A_170, %dma_wait3A_284] : memref<2x8x128xi32, #tpu.memory_space<vmem>> -> memref<1x1x128xi32, #tpu.memory_space<vmem>>
        %dma_wait3A_286 = tpu.memref_squeeze %dma_wait3A_285 : memref<1x1x128xi32, #tpu.memory_space<vmem>> -> memref<128xi32, #tpu.memory_space<vmem>>
        %dma_wait3A_287 = arith.constant 0 : i32
        %dma_wait3A_288 = arith.constant 0 : i32
        %dma_wait3A_289 = tpu.memref_slice %arg12[%dma_wait3A_287, %dma_wait3A_288] : memref<10240x128xf32, #tpu.memory_space<vmem_shared>> -> memref<10240x128xf32, #tpu.memory_space<vmem_shared>>
        tpu.wait_indirect_dma semaphore(%run_scoped3A_269 : memref<!tpu.dma_semaphore, #tpu.memory_space<semaphore_mem>>) src(%dma_wait3A_283 : memref<128x128xf32, #tpu.memory_space<vmem>>) dst(%dma_wait3A_289 : memref<10240x128xf32, #tpu.memory_space<vmem_shared>>)
        tpu.yield
      }) : () -> ()
      %dma_wait3A_171 = arith.constant 4 : i32
      %dma_wait3A_172 = arith.constant 0 : i32
      %dma_wait3A_173 = arith.constant 0 : i32
      %dma_wait3A_174 = arith.constant 0 : i32
      %dma_wait3A_175 = tpu.memref_slice %arg10[%dma_wait3A_172, %dma_wait3A_173, %dma_wait3A_174] : memref<2x128x128xf32, #tpu.memory_space<vmem>> -> memref<1x128x128xf32, #tpu.memory_space<vmem>>
      %dma_wait3A_176 = tpu.memref_squeeze %dma_wait3A_175 : memref<1x128x128xf32, #tpu.memory_space<vmem>> -> memref<128x128xf32, #tpu.memory_space<vmem>>
      %dma_wait3A_177 = arith.constant 0 : i32
      %dma_wait3A_178 = tpu.memref_slice %arg8[%rem3A_60, %dma_wait3A_171, %dma_wait3A_177] : memref<2x8x128xi32, #tpu.memory_space<vmem>> -> memref<1x1x128xi32, #tpu.memory_space<vmem>>
      %dma_wait3A_179 = tpu.memref_squeeze %dma_wait3A_178 : memref<1x1x128xi32, #tpu.memory_space<vmem>> -> memref<128xi32, #tpu.memory_space<vmem>>
      %dma_wait3A_180 = arith.constant 0 : i32
      %dma_wait3A_181 = arith.constant 0 : i32
      %dma_wait3A_182 = tpu.memref_slice %arg2[%dma_wait3A_180, %dma_wait3A_181] : memref<10000x128xf32, #tpu.memory_space<hbm>> -> memref<10000x128xf32, #tpu.memory_space<hbm>>
      tpu.wait_indirect_dma semaphore(%arg13 : memref<!tpu.dma_semaphore, #tpu.memory_space<semaphore_mem>>) src(%dma_wait3A_182 : memref<10000x128xf32, #tpu.memory_space<hbm>>) dst(%dma_wait3A_176 : memref<128x128xf32, #tpu.memory_space<vmem>>)
      %dma_start3A_183 = arith.constant 5 : i32
      %dma_start3A_184 = arith.constant 1 : i32
      %dma_start3A_185 = arith.constant 0 : i32
      %dma_start3A_186 = arith.constant 0 : i32
      %dma_start3A_187 = tpu.memref_slice %arg10[%dma_start3A_184, %dma_start3A_185, %dma_start3A_186] : memref<2x128x128xf32, #tpu.memory_space<vmem>> -> memref<1x128x128xf32, #tpu.memory_space<vmem>>
      %dma_start3A_188 = tpu.memref_squeeze %dma_start3A_187 : memref<1x128x128xf32, #tpu.memory_space<vmem>> -> memref<128x128xf32, #tpu.memory_space<vmem>>
      %dma_start3A_189 = arith.constant 0 : i32
      %dma_start3A_190 = tpu.memref_slice %arg8[%rem3A_60, %dma_start3A_183, %dma_start3A_189] : memref<2x8x128xi32, #tpu.memory_space<vmem>> -> memref<1x1x128xi32, #tpu.memory_space<vmem>>
      %dma_start3A_191 = tpu.memref_squeeze %dma_start3A_190 : memref<1x1x128xi32, #tpu.memory_space<vmem>> -> memref<128xi32, #tpu.memory_space<vmem>>
      %dma_start3A_192 = arith.constant 0 : i32
      %dma_start3A_193 = arith.constant 0 : i32
      %dma_start3A_194 = tpu.memref_slice %arg2[%dma_start3A_192, %dma_start3A_193] : memref<10000x128xf32, #tpu.memory_space<hbm>> -> memref<10000x128xf32, #tpu.memory_space<hbm>>
      tpu.enqueue_indirect_dma source(%dma_start3A_194 : memref<10000x128xf32, #tpu.memory_space<hbm>>) target(%dma_start3A_188 : memref<128x128xf32, #tpu.memory_space<vmem>>) offsets(%dma_start3A_191 : memref<128xi32, #tpu.memory_space<vmem>>) semaphore(%arg13 : memref<!tpu.dma_semaphore, #tpu.memory_space<semaphore_mem>>)
      %run_scoped3A_195 = arith.constant 0 : i32
      %run_scoped3A_196 = arith.constant 4 : i32
      "tpu.region"() ({
        %run_scoped3A_269 = tpu.sem_alloc : memref<!tpu.dma_semaphore, #tpu.memory_space<semaphore_mem>>
        %dma_start3A_270 = arith.constant 0 : i32
        %dma_start3A_271 = arith.constant 0 : i32
        %dma_start3A_272 = tpu.memref_slice %arg10[%run_scoped3A_195, %dma_start3A_270, %dma_start3A_271] : memref<2x128x128xf32, #tpu.memory_space<vmem>> -> memref<1x128x128xf32, #tpu.memory_space<vmem>>
        %dma_start3A_273 = tpu.memref_squeeze %dma_start3A_272 : memref<1x128x128xf32, #tpu.memory_space<vmem>> -> memref<128x128xf32, #tpu.memory_space<vmem>>
        %dma_start3A_274 = arith.constant 0 : i32
        %dma_start3A_275 = tpu.memref_slice %arg9[%rem3A_60, %run_scoped3A_196, %dma_start3A_274] : memref<2x8x128xi32, #tpu.memory_space<vmem>> -> memref<1x1x128xi32, #tpu.memory_space<vmem>>
        %dma_start3A_276 = tpu.memref_squeeze %dma_start3A_275 : memref<1x1x128xi32, #tpu.memory_space<vmem>> -> memref<128xi32, #tpu.memory_space<vmem>>
        %dma_start3A_277 = arith.constant 0 : i32
        %dma_start3A_278 = arith.constant 0 : i32
        %dma_start3A_279 = tpu.memref_slice %arg12[%dma_start3A_277, %dma_start3A_278] : memref<10240x128xf32, #tpu.memory_space<vmem_shared>> -> memref<10240x128xf32, #tpu.memory_space<vmem_shared>>
        tpu.enqueue_indirect_dma source(%dma_start3A_273 : memref<128x128xf32, #tpu.memory_space<vmem>>) target(%dma_start3A_279 : memref<10240x128xf32, #tpu.memory_space<vmem_shared>>) offsets(%dma_start3A_276 : memref<128xi32, #tpu.memory_space<vmem>>) semaphore(%run_scoped3A_269 : memref<!tpu.dma_semaphore, #tpu.memory_space<semaphore_mem>>) {add = true}
        %dma_wait3A_280 = arith.constant 0 : i32
        %dma_wait3A_281 = arith.constant 0 : i32
        %dma_wait3A_282 = tpu.memref_slice %arg10[%run_scoped3A_195, %dma_wait3A_280, %dma_wait3A_281] : memref<2x128x128xf32, #tpu.memory_space<vmem>> -> memref<1x128x128xf32, #tpu.memory_space<vmem>>
        %dma_wait3A_283 = tpu.memref_squeeze %dma_wait3A_282 : memref<1x128x128xf32, #tpu.memory_space<vmem>> -> memref<128x128xf32, #tpu.memory_space<vmem>>
        %dma_wait3A_284 = arith.constant 0 : i32
        %dma_wait3A_285 = tpu.memref_slice %arg9[%rem3A_60, %run_scoped3A_196, %dma_wait3A_284] : memref<2x8x128xi32, #tpu.memory_space<vmem>> -> memref<1x1x128xi32, #tpu.memory_space<vmem>>
        %dma_wait3A_286 = tpu.memref_squeeze %dma_wait3A_285 : memref<1x1x128xi32, #tpu.memory_space<vmem>> -> memref<128xi32, #tpu.memory_space<vmem>>
        %dma_wait3A_287 = arith.constant 0 : i32
        %dma_wait3A_288 = arith.constant 0 : i32
        %dma_wait3A_289 = tpu.memref_slice %arg12[%dma_wait3A_287, %dma_wait3A_288] : memref<10240x128xf32, #tpu.memory_space<vmem_shared>> -> memref<10240x128xf32, #tpu.memory_space<vmem_shared>>
        tpu.wait_indirect_dma semaphore(%run_scoped3A_269 : memref<!tpu.dma_semaphore, #tpu.memory_space<semaphore_mem>>) src(%dma_wait3A_283 : memref<128x128xf32, #tpu.memory_space<vmem>>) dst(%dma_wait3A_289 : memref<10240x128xf32, #tpu.memory_space<vmem_shared>>)
        tpu.yield
      }) : () -> ()
      %dma_wait3A_197 = arith.constant 5 : i32
      %dma_wait3A_198 = arith.constant 1 : i32
      %dma_wait3A_199 = arith.constant 0 : i32
      %dma_wait3A_200 = arith.constant 0 : i32
      %dma_wait3A_201 = tpu.memref_slice %arg10[%dma_wait3A_198, %dma_wait3A_199, %dma_wait3A_200] : memref<2x128x128xf32, #tpu.memory_space<vmem>> -> memref<1x128x128xf32, #tpu.memory_space<vmem>>
      %dma_wait3A_202 = tpu.memref_squeeze %dma_wait3A_201 : memref<1x128x128xf32, #tpu.memory_space<vmem>> -> memref<128x128xf32, #tpu.memory_space<vmem>>
      %dma_wait3A_203 = arith.constant 0 : i32
      %dma_wait3A_204 = tpu.memref_slice %arg8[%rem3A_60, %dma_wait3A_197, %dma_wait3A_203] : memref<2x8x128xi32, #tpu.memory_space<vmem>> -> memref<1x1x128xi32, #tpu.memory_space<vmem>>
      %dma_wait3A_205 = tpu.memref_squeeze %dma_wait3A_204 : memref<1x1x128xi32, #tpu.memory_space<vmem>> -> memref<128xi32, #tpu.memory_space<vmem>>
      %dma_wait3A_206 = arith.constant 0 : i32
      %dma_wait3A_207 = arith.constant 0 : i32
      %dma_wait3A_208 = tpu.memref_slice %arg2[%dma_wait3A_206, %dma_wait3A_207] : memref<10000x128xf32, #tpu.memory_space<hbm>> -> memref<10000x128xf32, #tpu.memory_space<hbm>>
      tpu.wait_indirect_dma semaphore(%arg13 : memref<!tpu.dma_semaphore, #tpu.memory_space<semaphore_mem>>) src(%dma_wait3A_208 : memref<10000x128xf32, #tpu.memory_space<hbm>>) dst(%dma_wait3A_202 : memref<128x128xf32, #tpu.memory_space<vmem>>)
      %dma_start3A_209 = arith.constant 6 : i32
      %dma_start3A_210 = arith.constant 0 : i32
      %dma_start3A_211 = arith.constant 0 : i32
      %dma_start3A_212 = arith.constant 0 : i32
      %dma_start3A_213 = tpu.memref_slice %arg10[%dma_start3A_210, %dma_start3A_211, %dma_start3A_212] : memref<2x128x128xf32, #tpu.memory_space<vmem>> -> memref<1x128x128xf32, #tpu.memory_space<vmem>>
      %dma_start3A_214 = tpu.memref_squeeze %dma_start3A_213 : memref<1x128x128xf32, #tpu.memory_space<vmem>> -> memref<128x128xf32, #tpu.memory_space<vmem>>
      %dma_start3A_215 = arith.constant 0 : i32
      %dma_start3A_216 = tpu.memref_slice %arg8[%rem3A_60, %dma_start3A_209, %dma_start3A_215] : memref<2x8x128xi32, #tpu.memory_space<vmem>> -> memref<1x1x128xi32, #tpu.memory_space<vmem>>
      %dma_start3A_217 = tpu.memref_squeeze %dma_start3A_216 : memref<1x1x128xi32, #tpu.memory_space<vmem>> -> memref<128xi32, #tpu.memory_space<vmem>>
      %dma_start3A_218 = arith.constant 0 : i32
      %dma_start3A_219 = arith.constant 0 : i32
      %dma_start3A_220 = tpu.memref_slice %arg2[%dma_start3A_218, %dma_start3A_219] : memref<10000x128xf32, #tpu.memory_space<hbm>> -> memref<10000x128xf32, #tpu.memory_space<hbm>>
      tpu.enqueue_indirect_dma source(%dma_start3A_220 : memref<10000x128xf32, #tpu.memory_space<hbm>>) target(%dma_start3A_214 : memref<128x128xf32, #tpu.memory_space<vmem>>) offsets(%dma_start3A_217 : memref<128xi32, #tpu.memory_space<vmem>>) semaphore(%arg13 : memref<!tpu.dma_semaphore, #tpu.memory_space<semaphore_mem>>)
      %run_scoped3A_221 = arith.constant 1 : i32
      %run_scoped3A_222 = arith.constant 5 : i32
      "tpu.region"() ({
        %run_scoped3A_269 = tpu.sem_alloc : memref<!tpu.dma_semaphore, #tpu.memory_space<semaphore_mem>>
        %dma_start3A_270 = arith.constant 0 : i32
        %dma_start3A_271 = arith.constant 0 : i32
        %dma_start3A_272 = tpu.memref_slice %arg10[%run_scoped3A_221, %dma_start3A_270, %dma_start3A_271] : memref<2x128x128xf32, #tpu.memory_space<vmem>> -> memref<1x128x128xf32, #tpu.memory_space<vmem>>
        %dma_start3A_273 = tpu.memref_squeeze %dma_start3A_272 : memref<1x128x128xf32, #tpu.memory_space<vmem>> -> memref<128x128xf32, #tpu.memory_space<vmem>>
        %dma_start3A_274 = arith.constant 0 : i32
        %dma_start3A_275 = tpu.memref_slice %arg9[%rem3A_60, %run_scoped3A_222, %dma_start3A_274] : memref<2x8x128xi32, #tpu.memory_space<vmem>> -> memref<1x1x128xi32, #tpu.memory_space<vmem>>
        %dma_start3A_276 = tpu.memref_squeeze %dma_start3A_275 : memref<1x1x128xi32, #tpu.memory_space<vmem>> -> memref<128xi32, #tpu.memory_space<vmem>>
        %dma_start3A_277 = arith.constant 0 : i32
        %dma_start3A_278 = arith.constant 0 : i32
        %dma_start3A_279 = tpu.memref_slice %arg12[%dma_start3A_277, %dma_start3A_278] : memref<10240x128xf32, #tpu.memory_space<vmem_shared>> -> memref<10240x128xf32, #tpu.memory_space<vmem_shared>>
        tpu.enqueue_indirect_dma source(%dma_start3A_273 : memref<128x128xf32, #tpu.memory_space<vmem>>) target(%dma_start3A_279 : memref<10240x128xf32, #tpu.memory_space<vmem_shared>>) offsets(%dma_start3A_276 : memref<128xi32, #tpu.memory_space<vmem>>) semaphore(%run_scoped3A_269 : memref<!tpu.dma_semaphore, #tpu.memory_space<semaphore_mem>>) {add = true}
        %dma_wait3A_280 = arith.constant 0 : i32
        %dma_wait3A_281 = arith.constant 0 : i32
        %dma_wait3A_282 = tpu.memref_slice %arg10[%run_scoped3A_221, %dma_wait3A_280, %dma_wait3A_281] : memref<2x128x128xf32, #tpu.memory_space<vmem>> -> memref<1x128x128xf32, #tpu.memory_space<vmem>>
        %dma_wait3A_283 = tpu.memref_squeeze %dma_wait3A_282 : memref<1x128x128xf32, #tpu.memory_space<vmem>> -> memref<128x128xf32, #tpu.memory_space<vmem>>
        %dma_wait3A_284 = arith.constant 0 : i32
        %dma_wait3A_285 = tpu.memref_slice %arg9[%rem3A_60, %run_scoped3A_222, %dma_wait3A_284] : memref<2x8x128xi32, #tpu.memory_space<vmem>> -> memref<1x1x128xi32, #tpu.memory_space<vmem>>
        %dma_wait3A_286 = tpu.memref_squeeze %dma_wait3A_285 : memref<1x1x128xi32, #tpu.memory_space<vmem>> -> memref<128xi32, #tpu.memory_space<vmem>>
        %dma_wait3A_287 = arith.constant 0 : i32
        %dma_wait3A_288 = arith.constant 0 : i32
        %dma_wait3A_289 = tpu.memref_slice %arg12[%dma_wait3A_287, %dma_wait3A_288] : memref<10240x128xf32, #tpu.memory_space<vmem_shared>> -> memref<10240x128xf32, #tpu.memory_space<vmem_shared>>
        tpu.wait_indirect_dma semaphore(%run_scoped3A_269 : memref<!tpu.dma_semaphore, #tpu.memory_space<semaphore_mem>>) src(%dma_wait3A_283 : memref<128x128xf32, #tpu.memory_space<vmem>>) dst(%dma_wait3A_289 : memref<10240x128xf32, #tpu.memory_space<vmem_shared>>)
        tpu.yield
      }) : () -> ()
      %dma_wait3A_223 = arith.constant 6 : i32
      %dma_wait3A_224 = arith.constant 0 : i32
      %dma_wait3A_225 = arith.constant 0 : i32
      %dma_wait3A_226 = arith.constant 0 : i32
      %dma_wait3A_227 = tpu.memref_slice %arg10[%dma_wait3A_224, %dma_wait3A_225, %dma_wait3A_226] : memref<2x128x128xf32, #tpu.memory_space<vmem>> -> memref<1x128x128xf32, #tpu.memory_space<vmem>>
      %dma_wait3A_228 = tpu.memref_squeeze %dma_wait3A_227 : memref<1x128x128xf32, #tpu.memory_space<vmem>> -> memref<128x128xf32, #tpu.memory_space<vmem>>
      %dma_wait3A_229 = arith.constant 0 : i32
      %dma_wait3A_230 = tpu.memref_slice %arg8[%rem3A_60, %dma_wait3A_223, %dma_wait3A_229] : memref<2x8x128xi32, #tpu.memory_space<vmem>> -> memref<1x1x128xi32, #tpu.memory_space<vmem>>
      %dma_wait3A_231 = tpu.memref_squeeze %dma_wait3A_230 : memref<1x1x128xi32, #tpu.memory_space<vmem>> -> memref<128xi32, #tpu.memory_space<vmem>>
      %dma_wait3A_232 = arith.constant 0 : i32
      %dma_wait3A_233 = arith.constant 0 : i32
      %dma_wait3A_234 = tpu.memref_slice %arg2[%dma_wait3A_232, %dma_wait3A_233] : memref<10000x128xf32, #tpu.memory_space<hbm>> -> memref<10000x128xf32, #tpu.memory_space<hbm>>
      tpu.wait_indirect_dma semaphore(%arg13 : memref<!tpu.dma_semaphore, #tpu.memory_space<semaphore_mem>>) src(%dma_wait3A_234 : memref<10000x128xf32, #tpu.memory_space<hbm>>) dst(%dma_wait3A_228 : memref<128x128xf32, #tpu.memory_space<vmem>>)
      %dma_start3A_235 = arith.constant 7 : i32
      %dma_start3A_236 = arith.constant 1 : i32
      %dma_start3A_237 = arith.constant 0 : i32
      %dma_start3A_238 = arith.constant 0 : i32
      %dma_start3A_239 = tpu.memref_slice %arg10[%dma_start3A_236, %dma_start3A_237, %dma_start3A_238] : memref<2x128x128xf32, #tpu.memory_space<vmem>> -> memref<1x128x128xf32, #tpu.memory_space<vmem>>
      %dma_start3A_240 = tpu.memref_squeeze %dma_start3A_239 : memref<1x128x128xf32, #tpu.memory_space<vmem>> -> memref<128x128xf32, #tpu.memory_space<vmem>>
      %dma_start3A_241 = arith.constant 0 : i32
      %dma_start3A_242 = tpu.memref_slice %arg8[%rem3A_60, %dma_start3A_235, %dma_start3A_241] : memref<2x8x128xi32, #tpu.memory_space<vmem>> -> memref<1x1x128xi32, #tpu.memory_space<vmem>>
      %dma_start3A_243 = tpu.memref_squeeze %dma_start3A_242 : memref<1x1x128xi32, #tpu.memory_space<vmem>> -> memref<128xi32, #tpu.memory_space<vmem>>
      %dma_start3A_244 = arith.constant 0 : i32
      %dma_start3A_245 = arith.constant 0 : i32
      %dma_start3A_246 = tpu.memref_slice %arg2[%dma_start3A_244, %dma_start3A_245] : memref<10000x128xf32, #tpu.memory_space<hbm>> -> memref<10000x128xf32, #tpu.memory_space<hbm>>
      tpu.enqueue_indirect_dma source(%dma_start3A_246 : memref<10000x128xf32, #tpu.memory_space<hbm>>) target(%dma_start3A_240 : memref<128x128xf32, #tpu.memory_space<vmem>>) offsets(%dma_start3A_243 : memref<128xi32, #tpu.memory_space<vmem>>) semaphore(%arg13 : memref<!tpu.dma_semaphore, #tpu.memory_space<semaphore_mem>>)
      %run_scoped3A_247 = arith.constant 0 : i32
      %run_scoped3A_248 = arith.constant 6 : i32
      "tpu.region"() ({
        %run_scoped3A_269 = tpu.sem_alloc : memref<!tpu.dma_semaphore, #tpu.memory_space<semaphore_mem>>
        %dma_start3A_270 = arith.constant 0 : i32
        %dma_start3A_271 = arith.constant 0 : i32
        %dma_start3A_272 = tpu.memref_slice %arg10[%run_scoped3A_247, %dma_start3A_270, %dma_start3A_271] : memref<2x128x128xf32, #tpu.memory_space<vmem>> -> memref<1x128x128xf32, #tpu.memory_space<vmem>>
        %dma_start3A_273 = tpu.memref_squeeze %dma_start3A_272 : memref<1x128x128xf32, #tpu.memory_space<vmem>> -> memref<128x128xf32, #tpu.memory_space<vmem>>
        %dma_start3A_274 = arith.constant 0 : i32
        %dma_start3A_275 = tpu.memref_slice %arg9[%rem3A_60, %run_scoped3A_248, %dma_start3A_274] : memref<2x8x128xi32, #tpu.memory_space<vmem>> -> memref<1x1x128xi32, #tpu.memory_space<vmem>>
        %dma_start3A_276 = tpu.memref_squeeze %dma_start3A_275 : memref<1x1x128xi32, #tpu.memory_space<vmem>> -> memref<128xi32, #tpu.memory_space<vmem>>
        %dma_start3A_277 = arith.constant 0 : i32
        %dma_start3A_278 = arith.constant 0 : i32
        %dma_start3A_279 = tpu.memref_slice %arg12[%dma_start3A_277, %dma_start3A_278] : memref<10240x128xf32, #tpu.memory_space<vmem_shared>> -> memref<10240x128xf32, #tpu.memory_space<vmem_shared>>
        tpu.enqueue_indirect_dma source(%dma_start3A_273 : memref<128x128xf32, #tpu.memory_space<vmem>>) target(%dma_start3A_279 : memref<10240x128xf32, #tpu.memory_space<vmem_shared>>) offsets(%dma_start3A_276 : memref<128xi32, #tpu.memory_space<vmem>>) semaphore(%run_scoped3A_269 : memref<!tpu.dma_semaphore, #tpu.memory_space<semaphore_mem>>) {add = true}
        %dma_wait3A_280 = arith.constant 0 : i32
        %dma_wait3A_281 = arith.constant 0 : i32
        %dma_wait3A_282 = tpu.memref_slice %arg10[%run_scoped3A_247, %dma_wait3A_280, %dma_wait3A_281] : memref<2x128x128xf32, #tpu.memory_space<vmem>> -> memref<1x128x128xf32, #tpu.memory_space<vmem>>
        %dma_wait3A_283 = tpu.memref_squeeze %dma_wait3A_282 : memref<1x128x128xf32, #tpu.memory_space<vmem>> -> memref<128x128xf32, #tpu.memory_space<vmem>>
        %dma_wait3A_284 = arith.constant 0 : i32
        %dma_wait3A_285 = tpu.memref_slice %arg9[%rem3A_60, %run_scoped3A_248, %dma_wait3A_284] : memref<2x8x128xi32, #tpu.memory_space<vmem>> -> memref<1x1x128xi32, #tpu.memory_space<vmem>>
        %dma_wait3A_286 = tpu.memref_squeeze %dma_wait3A_285 : memref<1x1x128xi32, #tpu.memory_space<vmem>> -> memref<128xi32, #tpu.memory_space<vmem>>
        %dma_wait3A_287 = arith.constant 0 : i32
        %dma_wait3A_288 = arith.constant 0 : i32
        %dma_wait3A_289 = tpu.memref_slice %arg12[%dma_wait3A_287, %dma_wait3A_288] : memref<10240x128xf32, #tpu.memory_space<vmem_shared>> -> memref<10240x128xf32, #tpu.memory_space<vmem_shared>>
        tpu.wait_indirect_dma semaphore(%run_scoped3A_269 : memref<!tpu.dma_semaphore, #tpu.memory_space<semaphore_mem>>) src(%dma_wait3A_283 : memref<128x128xf32, #tpu.memory_space<vmem>>) dst(%dma_wait3A_289 : memref<10240x128xf32, #tpu.memory_space<vmem_shared>>)
        tpu.yield
      }) : () -> ()
      %dma_wait3A_249 = arith.constant 7 : i32
      %dma_wait3A_250 = arith.constant 1 : i32
      %dma_wait3A_251 = arith.constant 0 : i32
      %dma_wait3A_252 = arith.constant 0 : i32
      %dma_wait3A_253 = tpu.memref_slice %arg10[%dma_wait3A_250, %dma_wait3A_251, %dma_wait3A_252] : memref<2x128x128xf32, #tpu.memory_space<vmem>> -> memref<1x128x128xf32, #tpu.memory_space<vmem>>
      %dma_wait3A_254 = tpu.memref_squeeze %dma_wait3A_253 : memref<1x128x128xf32, #tpu.memory_space<vmem>> -> memref<128x128xf32, #tpu.memory_space<vmem>>
      %dma_wait3A_255 = arith.constant 0 : i32
      %dma_wait3A_256 = tpu.memref_slice %arg8[%rem3A_60, %dma_wait3A_249, %dma_wait3A_255] : memref<2x8x128xi32, #tpu.memory_space<vmem>> -> memref<1x1x128xi32, #tpu.memory_space<vmem>>
      %dma_wait3A_257 = tpu.memref_squeeze %dma_wait3A_256 : memref<1x1x128xi32, #tpu.memory_space<vmem>> -> memref<128xi32, #tpu.memory_space<vmem>>
      %dma_wait3A_258 = arith.constant 0 : i32
      %dma_wait3A_259 = arith.constant 0 : i32
      %dma_wait3A_260 = tpu.memref_slice %arg2[%dma_wait3A_258, %dma_wait3A_259] : memref<10000x128xf32, #tpu.memory_space<hbm>> -> memref<10000x128xf32, #tpu.memory_space<hbm>>
      tpu.wait_indirect_dma semaphore(%arg13 : memref<!tpu.dma_semaphore, #tpu.memory_space<semaphore_mem>>) src(%dma_wait3A_260 : memref<10000x128xf32, #tpu.memory_space<hbm>>) dst(%dma_wait3A_254 : memref<128x128xf32, #tpu.memory_space<vmem>>)
      %add3A_261 = arith.constant 1 : i32
      %add3A_262 = arith.addi %while3A_58, %add3A_261 : i32
      %lt3A_263 = arith.cmpi slt, %add3A_262, %select_n3A : i32
      %convert_element_type3A_264 = arith.extui %lt3A_263 : i1 to i32
      %cond3A_265 = arith.constant 0 : i32
      %cond3A_266 = arith.cmpi ne, %convert_element_type3A_264, %cond3A_265 : i32
      scf.if %cond3A_266 {
        %dma_start3A_269 = arith.constant 0 : i32
        %dma_start3A_270 = arith.constant 0 : i32
        %dma_start3A_271 = arith.constant 0 : i32
        %dma_start3A_272 = arith.constant 0 : i32
        %dma_start3A_273 = tpu.memref_slice %arg10[%dma_start3A_270, %dma_start3A_271, %dma_start3A_272] : memref<2x128x128xf32, #tpu.memory_space<vmem>> -> memref<1x128x128xf32, #tpu.memory_space<vmem>>
        %dma_start3A_274 = tpu.memref_squeeze %dma_start3A_273 : memref<1x128x128xf32, #tpu.memory_space<vmem>> -> memref<128x128xf32, #tpu.memory_space<vmem>>
        %dma_start3A_275 = arith.constant 0 : i32
        %dma_start3A_276 = tpu.memref_slice %arg8[%rem3A_64, %dma_start3A_269, %dma_start3A_275] : memref<2x8x128xi32, #tpu.memory_space<vmem>> -> memref<1x1x128xi32, #tpu.memory_space<vmem>>
        %dma_start3A_277 = tpu.memref_squeeze %dma_start3A_276 : memref<1x1x128xi32, #tpu.memory_space<vmem>> -> memref<128xi32, #tpu.memory_space<vmem>>
        %dma_start3A_278 = arith.constant 0 : i32
        %dma_start3A_279 = arith.constant 0 : i32
        %dma_start3A_280 = tpu.memref_slice %arg2[%dma_start3A_278, %dma_start3A_279] : memref<10000x128xf32, #tpu.memory_space<hbm>> -> memref<10000x128xf32, #tpu.memory_space<hbm>>
        tpu.enqueue_indirect_dma source(%dma_start3A_280 : memref<10000x128xf32, #tpu.memory_space<hbm>>) target(%dma_start3A_274 : memref<128x128xf32, #tpu.memory_space<vmem>>) offsets(%dma_start3A_277 : memref<128xi32, #tpu.memory_space<vmem>>) semaphore(%arg13 : memref<!tpu.dma_semaphore, #tpu.memory_space<semaphore_mem>>)
      } else {
      }
      %run_scoped3A_267 = arith.constant 1 : i32
      %run_scoped3A_268 = arith.constant 7 : i32
      "tpu.region"() ({
        %run_scoped3A_269 = tpu.sem_alloc : memref<!tpu.dma_semaphore, #tpu.memory_space<semaphore_mem>>
        %dma_start3A_270 = arith.constant 0 : i32
        %dma_start3A_271 = arith.constant 0 : i32
        %dma_start3A_272 = tpu.memref_slice %arg10[%run_scoped3A_267, %dma_start3A_270, %dma_start3A_271] : memref<2x128x128xf32, #tpu.memory_space<vmem>> -> memref<1x128x128xf32, #tpu.memory_space<vmem>>
        %dma_start3A_273 = tpu.memref_squeeze %dma_start3A_272 : memref<1x128x128xf32, #tpu.memory_space<vmem>> -> memref<128x128xf32, #tpu.memory_space<vmem>>
        %dma_start3A_274 = arith.constant 0 : i32
        %dma_start3A_275 = tpu.memref_slice %arg9[%rem3A_60, %run_scoped3A_268, %dma_start3A_274] : memref<2x8x128xi32, #tpu.memory_space<vmem>> -> memref<1x1x128xi32, #tpu.memory_space<vmem>>
        %dma_start3A_276 = tpu.memref_squeeze %dma_start3A_275 : memref<1x1x128xi32, #tpu.memory_space<vmem>> -> memref<128xi32, #tpu.memory_space<vmem>>
        %dma_start3A_277 = arith.constant 0 : i32
        %dma_start3A_278 = arith.constant 0 : i32
        %dma_start3A_279 = tpu.memref_slice %arg12[%dma_start3A_277, %dma_start3A_278] : memref<10240x128xf32, #tpu.memory_space<vmem_shared>> -> memref<10240x128xf32, #tpu.memory_space<vmem_shared>>
        tpu.enqueue_indirect_dma source(%dma_start3A_273 : memref<128x128xf32, #tpu.memory_space<vmem>>) target(%dma_start3A_279 : memref<10240x128xf32, #tpu.memory_space<vmem_shared>>) offsets(%dma_start3A_276 : memref<128xi32, #tpu.memory_space<vmem>>) semaphore(%run_scoped3A_269 : memref<!tpu.dma_semaphore, #tpu.memory_space<semaphore_mem>>) {add = true}
        %dma_wait3A_280 = arith.constant 0 : i32
        %dma_wait3A_281 = arith.constant 0 : i32
        %dma_wait3A_282 = tpu.memref_slice %arg10[%run_scoped3A_267, %dma_wait3A_280, %dma_wait3A_281] : memref<2x128x128xf32, #tpu.memory_space<vmem>> -> memref<1x128x128xf32, #tpu.memory_space<vmem>>
        %dma_wait3A_283 = tpu.memref_squeeze %dma_wait3A_282 : memref<1x128x128xf32, #tpu.memory_space<vmem>> -> memref<128x128xf32, #tpu.memory_space<vmem>>
        %dma_wait3A_284 = arith.constant 0 : i32
        %dma_wait3A_285 = tpu.memref_slice %arg9[%rem3A_60, %run_scoped3A_268, %dma_wait3A_284] : memref<2x8x128xi32, #tpu.memory_space<vmem>> -> memref<1x1x128xi32, #tpu.memory_space<vmem>>
        %dma_wait3A_286 = tpu.memref_squeeze %dma_wait3A_285 : memref<1x1x128xi32, #tpu.memory_space<vmem>> -> memref<128xi32, #tpu.memory_space<vmem>>
        %dma_wait3A_287 = arith.constant 0 : i32
        %dma_wait3A_288 = arith.constant 0 : i32
        %dma_wait3A_289 = tpu.memref_slice %arg12[%dma_wait3A_287, %dma_wait3A_288] : memref<10240x128xf32, #tpu.memory_space<vmem_shared>> -> memref<10240x128xf32, #tpu.memory_space<vmem_shared>>
        tpu.wait_indirect_dma semaphore(%run_scoped3A_269 : memref<!tpu.dma_semaphore, #tpu.memory_space<semaphore_mem>>) src(%dma_wait3A_283 : memref<128x128xf32, #tpu.memory_space<vmem>>) dst(%dma_wait3A_289 : memref<10240x128xf32, #tpu.memory_space<vmem_shared>>)
        tpu.yield
      }) : () -> ()
    }
    %while3A_50 = arith.constant 1 : i32
    scf.for %while3A_58 = %while3A_48 to %while3A_44 step %while3A_50  : i32 {
      %rem3A_59 = arith.constant 2 : i32
      %rem3A_60 = arith.remsi %while3A_58, %rem3A_59 : i32
      %add3A_61 = arith.constant 1 : i32
      %add3A_62 = arith.addi %while3A_58, %add3A_61 : i32
      %rem3A_63 = arith.constant 2 : i32
      %rem3A_64 = arith.remsi %add3A_62, %rem3A_63 : i32
      %add3A_65 = arith.constant 1 : i32
      %add3A_66 = arith.addi %while3A_58, %add3A_65 : i32
      %lt3A = arith.cmpi slt, %add3A_66, %select_n3A : i32
      %convert_element_type3A = arith.extui %lt3A : i1 to i32
      %cond3A = arith.constant 0 : i32
      %cond3A_67 = arith.cmpi ne, %convert_element_type3A, %cond3A : i32
      scf.if %cond3A_67 {
        %add3A_269 = arith.constant 1 : i32
        %add3A_270 = arith.addi %while3A_58, %add3A_269 : i32
        %mul3A_271 = arith.constant 8 : i32
        %mul3A_272 = arith.muli %add3A_270, %mul3A_271 : i32
        %add3A_273 = arith.addi %add3A, %mul3A_272 : i32
        "tpu.region"() ({
          %run_scoped3A_279 = tpu.sem_alloc : memref<!tpu.dma_semaphore, #tpu.memory_space<semaphore_mem>>
          %dma_start3A_280 = arith.constant 0 : i32
          %dma_start3A_281 = arith.constant 0 : i32
          %dma_start3A_282 = tpu.memref_slice %arg8[%rem3A_64, %dma_start3A_280, %dma_start3A_281] : memref<2x8x128xi32, #tpu.memory_space<vmem>> -> memref<1x8x128xi32, #tpu.memory_space<vmem>>
          %dma_start3A_283 = tpu.memref_squeeze %dma_start3A_282 : memref<1x8x128xi32, #tpu.memory_space<vmem>> -> memref<8x128xi32, #tpu.memory_space<vmem>>
          %dma_start3A_284 = arith.constant 0 : i32
          %dma_start3A_285 = tpu.memref_slice %arg3[%add3A_273, %dma_start3A_284] : memref<2560x128xi32, #tpu.memory_space<hbm>> -> memref<8x128xi32, #tpu.memory_space<hbm>>
          %dma_start3A_286 = arith.constant 0 : i32
          %dma_start3A_287 = arith.constant 0 : i32
          %dma_start3A_288 = tpu.memref_slice %arg8[%rem3A_64, %dma_start3A_286, %dma_start3A_287] : memref<2x8x128xi32, #tpu.memory_space<vmem>> -> memref<1x8x128xi32, #tpu.memory_space<vmem>>
          %dma_start3A_289 = tpu.memref_squeeze %dma_start3A_288 : memref<1x8x128xi32, #tpu.memory_space<vmem>> -> memref<8x128xi32, #tpu.memory_space<vmem>>
          %dma_start3A_290 = arith.constant 0 : i32
          %dma_start3A_291 = tpu.memref_slice %arg3[%add3A_273, %dma_start3A_290] : memref<2560x128xi32, #tpu.memory_space<hbm>> -> memref<8x128xi32, #tpu.memory_space<hbm>>
          tpu.enqueue_dma source(%dma_start3A_291 : memref<8x128xi32, #tpu.memory_space<hbm>>) target(%dma_start3A_289 : memref<8x128xi32, #tpu.memory_space<vmem>>) target_semaphore(%run_scoped3A_279 : memref<!tpu.dma_semaphore, #tpu.memory_space<semaphore_mem>>)
          %dma_wait3A_292 = arith.constant 0 : i32
          %dma_wait3A_293 = arith.constant 0 : i32
          %dma_wait3A_294 = tpu.memref_slice %arg8[%rem3A_64, %dma_wait3A_292, %dma_wait3A_293] : memref<2x8x128xi32, #tpu.memory_space<vmem>> -> memref<1x8x128xi32, #tpu.memory_space<vmem>>
          %dma_wait3A_295 = tpu.memref_squeeze %dma_wait3A_294 : memref<1x8x128xi32, #tpu.memory_space<vmem>> -> memref<8x128xi32, #tpu.memory_space<vmem>>
          %dma_wait3A_296 = arith.constant 0 : i32
          %dma_wait3A_297 = tpu.memref_slice %arg3[%add3A_273, %dma_wait3A_296] : memref<2560x128xi32, #tpu.memory_space<hbm>> -> memref<8x128xi32, #tpu.memory_space<hbm>>
          %dma_wait3A_298 = arith.constant 0 : i32
          %dma_wait3A_299 = arith.constant 0 : i32
          %dma_wait3A_300 = tpu.memref_slice %arg8[%rem3A_64, %dma_wait3A_298, %dma_wait3A_299] : memref<2x8x128xi32, #tpu.memory_space<vmem>> -> memref<1x8x128xi32, #tpu.memory_space<vmem>>
          %dma_wait3A_301 = tpu.memref_squeeze %dma_wait3A_300 : memref<1x8x128xi32, #tpu.memory_space<vmem>> -> memref<8x128xi32, #tpu.memory_space<vmem>>
          %dma_wait3A_302 = arith.constant 0 : i32
          %dma_wait3A_303 = tpu.memref_slice %arg3[%add3A_273, %dma_wait3A_302] : memref<2560x128xi32, #tpu.memory_space<hbm>> -> memref<8x128xi32, #tpu.memory_space<hbm>>
          tpu.wait_dma2 semaphore(%run_scoped3A_279 : memref<!tpu.dma_semaphore, #tpu.memory_space<semaphore_mem>>) src(%dma_wait3A_303 : memref<8x128xi32, #tpu.memory_space<hbm>>) dst(%dma_wait3A_301 : memref<8x128xi32, #tpu.memory_space<vmem>>)
          tpu.yield
        }) : () -> ()
        %add3A_274 = arith.constant 1 : i32
        %add3A_275 = arith.addi %while3A_58, %add3A_274 : i32
        %mul3A_276 = arith.constant 8 : i32
        %mul3A_277 = arith.muli %add3A_275, %mul3A_276 : i32
        %add3A_278 = arith.addi %add3A, %mul3A_277 : i32
        "tpu.region"() ({
          %run_scoped3A_279 = tpu.sem_alloc : memref<!tpu.dma_semaphore, #tpu.memory_space<semaphore_mem>>
          %dma_start3A_280 = arith.constant 0 : i32
          %dma_start3A_281 = arith.constant 0 : i32
          %dma_start3A_282 = tpu.memref_slice %arg9[%rem3A_64, %dma_start3A_280, %dma_start3A_281] : memref<2x8x128xi32, #tpu.memory_space<vmem>> -> memref<1x8x128xi32, #tpu.memory_space<vmem>>
          %dma_start3A_283 = tpu.memref_squeeze %dma_start3A_282 : memref<1x8x128xi32, #tpu.memory_space<vmem>> -> memref<8x128xi32, #tpu.memory_space<vmem>>
          %dma_start3A_284 = arith.constant 0 : i32
          %dma_start3A_285 = tpu.memref_slice %arg4[%add3A_278, %dma_start3A_284] : memref<2560x128xi32, #tpu.memory_space<hbm>> -> memref<8x128xi32, #tpu.memory_space<hbm>>
          %dma_start3A_286 = arith.constant 0 : i32
          %dma_start3A_287 = arith.constant 0 : i32
          %dma_start3A_288 = tpu.memref_slice %arg9[%rem3A_64, %dma_start3A_286, %dma_start3A_287] : memref<2x8x128xi32, #tpu.memory_space<vmem>> -> memref<1x8x128xi32, #tpu.memory_space<vmem>>
          %dma_start3A_289 = tpu.memref_squeeze %dma_start3A_288 : memref<1x8x128xi32, #tpu.memory_space<vmem>> -> memref<8x128xi32, #tpu.memory_space<vmem>>
          %dma_start3A_290 = arith.constant 0 : i32
          %dma_start3A_291 = tpu.memref_slice %arg4[%add3A_278, %dma_start3A_290] : memref<2560x128xi32, #tpu.memory_space<hbm>> -> memref<8x128xi32, #tpu.memory_space<hbm>>
          tpu.enqueue_dma source(%dma_start3A_291 : memref<8x128xi32, #tpu.memory_space<hbm>>) target(%dma_start3A_289 : memref<8x128xi32, #tpu.memory_space<vmem>>) target_semaphore(%run_scoped3A_279 : memref<!tpu.dma_semaphore, #tpu.memory_space<semaphore_mem>>)
          %dma_wait3A_292 = arith.constant 0 : i32
          %dma_wait3A_293 = arith.constant 0 : i32
          %dma_wait3A_294 = tpu.memref_slice %arg9[%rem3A_64, %dma_wait3A_292, %dma_wait3A_293] : memref<2x8x128xi32, #tpu.memory_space<vmem>> -> memref<1x8x128xi32, #tpu.memory_space<vmem>>
          %dma_wait3A_295 = tpu.memref_squeeze %dma_wait3A_294 : memref<1x8x128xi32, #tpu.memory_space<vmem>> -> memref<8x128xi32, #tpu.memory_space<vmem>>
          %dma_wait3A_296 = arith.constant 0 : i32
          %dma_wait3A_297 = tpu.memref_slice %arg4[%add3A_278, %dma_wait3A_296] : memref<2560x128xi32, #tpu.memory_space<hbm>> -> memref<8x128xi32, #tpu.memory_space<hbm>>
          %dma_wait3A_298 = arith.constant 0 : i32
          %dma_wait3A_299 = arith.constant 0 : i32
          %dma_wait3A_300 = tpu.memref_slice %arg9[%rem3A_64, %dma_wait3A_298, %dma_wait3A_299] : memref<2x8x128xi32, #tpu.memory_space<vmem>> -> memref<1x8x128xi32, #tpu.memory_space<vmem>>
          %dma_wait3A_301 = tpu.memref_squeeze %dma_wait3A_300 : memref<1x8x128xi32, #tpu.memory_space<vmem>> -> memref<8x128xi32, #tpu.memory_space<vmem>>
          %dma_wait3A_302 = arith.constant 0 : i32
          %dma_wait3A_303 = tpu.memref_slice %arg4[%add3A_278, %dma_wait3A_302] : memref<2560x128xi32, #tpu.memory_space<hbm>> -> memref<8x128xi32, #tpu.memory_space<hbm>>
          tpu.wait_dma2 semaphore(%run_scoped3A_279 : memref<!tpu.dma_semaphore, #tpu.memory_space<semaphore_mem>>) src(%dma_wait3A_303 : memref<8x128xi32, #tpu.memory_space<hbm>>) dst(%dma_wait3A_301 : memref<8x128xi32, #tpu.memory_space<vmem>>)
          tpu.yield
        }) : () -> ()
      } else {
      }
      %dma_wait3A = arith.constant 0 : i32
      %dma_wait3A_68 = arith.constant 0 : i32
      %dma_wait3A_69 = arith.constant 0 : i32
      %dma_wait3A_70 = arith.constant 0 : i32
      %dma_wait3A_71 = tpu.memref_slice %arg10[%dma_wait3A_68, %dma_wait3A_69, %dma_wait3A_70] : memref<2x128x128xf32, #tpu.memory_space<vmem>> -> memref<1x128x128xf32, #tpu.memory_space<vmem>>
      %dma_wait3A_72 = tpu.memref_squeeze %dma_wait3A_71 : memref<1x128x128xf32, #tpu.memory_space<vmem>> -> memref<128x128xf32, #tpu.memory_space<vmem>>
      %dma_wait3A_73 = arith.constant 0 : i32
      %dma_wait3A_74 = tpu.memref_slice %arg8[%rem3A_60, %dma_wait3A, %dma_wait3A_73] : memref<2x8x128xi32, #tpu.memory_space<vmem>> -> memref<1x1x128xi32, #tpu.memory_space<vmem>>
      %dma_wait3A_75 = tpu.memref_squeeze %dma_wait3A_74 : memref<1x1x128xi32, #tpu.memory_space<vmem>> -> memref<128xi32, #tpu.memory_space<vmem>>
      %dma_wait3A_76 = arith.constant 0 : i32
      %dma_wait3A_77 = arith.constant 0 : i32
      %dma_wait3A_78 = tpu.memref_slice %arg2[%dma_wait3A_76, %dma_wait3A_77] : memref<10000x128xf32, #tpu.memory_space<hbm>> -> memref<10000x128xf32, #tpu.memory_space<hbm>>
      tpu.wait_indirect_dma semaphore(%arg13 : memref<!tpu.dma_semaphore, #tpu.memory_space<semaphore_mem>>) src(%dma_wait3A_78 : memref<10000x128xf32, #tpu.memory_space<hbm>>) dst(%dma_wait3A_72 : memref<128x128xf32, #tpu.memory_space<vmem>>)
      %dma_start3A_79 = arith.constant 1 : i32
      %dma_start3A_80 = arith.constant 1 : i32
      %dma_start3A_81 = arith.constant 0 : i32
      %dma_start3A_82 = arith.constant 0 : i32
      %dma_start3A_83 = tpu.memref_slice %arg10[%dma_start3A_80, %dma_start3A_81, %dma_start3A_82] : memref<2x128x128xf32, #tpu.memory_space<vmem>> -> memref<1x128x128xf32, #tpu.memory_space<vmem>>
      %dma_start3A_84 = tpu.memref_squeeze %dma_start3A_83 : memref<1x128x128xf32, #tpu.memory_space<vmem>> -> memref<128x128xf32, #tpu.memory_space<vmem>>
      %dma_start3A_85 = arith.constant 0 : i32
      %dma_start3A_86 = tpu.memref_slice %arg8[%rem3A_60, %dma_start3A_79, %dma_start3A_85] : memref<2x8x128xi32, #tpu.memory_space<vmem>> -> memref<1x1x128xi32, #tpu.memory_space<vmem>>
      %dma_start3A_87 = tpu.memref_squeeze %dma_start3A_86 : memref<1x1x128xi32, #tpu.memory_space<vmem>> -> memref<128xi32, #tpu.memory_space<vmem>>
      %dma_start3A_88 = arith.constant 0 : i32
      %dma_start3A_89 = arith.constant 0 : i32
      %dma_start3A_90 = tpu.memref_slice %arg2[%dma_start3A_88, %dma_start3A_89] : memref<10000x128xf32, #tpu.memory_space<hbm>> -> memref<10000x128xf32, #tpu.memory_space<hbm>>
      tpu.enqueue_indirect_dma source(%dma_start3A_90 : memref<10000x128xf32, #tpu.memory_space<hbm>>) target(%dma_start3A_84 : memref<128x128xf32, #tpu.memory_space<vmem>>) offsets(%dma_start3A_87 : memref<128xi32, #tpu.memory_space<vmem>>) semaphore(%arg13 : memref<!tpu.dma_semaphore, #tpu.memory_space<semaphore_mem>>)
      %run_scoped3A_91 = arith.constant 0 : i32
      %run_scoped3A_92 = arith.constant 0 : i32
      "tpu.region"() ({
        %run_scoped3A_269 = tpu.sem_alloc : memref<!tpu.dma_semaphore, #tpu.memory_space<semaphore_mem>>
        %dma_start3A_270 = arith.constant 0 : i32
        %dma_start3A_271 = arith.constant 0 : i32
        %dma_start3A_272 = tpu.memref_slice %arg10[%run_scoped3A_91, %dma_start3A_270, %dma_start3A_271] : memref<2x128x128xf32, #tpu.memory_space<vmem>> -> memref<1x128x128xf32, #tpu.memory_space<vmem>>
        %dma_start3A_273 = tpu.memref_squeeze %dma_start3A_272 : memref<1x128x128xf32, #tpu.memory_space<vmem>> -> memref<128x128xf32, #tpu.memory_space<vmem>>
        %dma_start3A_274 = arith.constant 0 : i32
        %dma_start3A_275 = tpu.memref_slice %arg9[%rem3A_60, %run_scoped3A_92, %dma_start3A_274] : memref<2x8x128xi32, #tpu.memory_space<vmem>> -> memref<1x1x128xi32, #tpu.memory_space<vmem>>
        %dma_start3A_276 = tpu.memref_squeeze %dma_start3A_275 : memref<1x1x128xi32, #tpu.memory_space<vmem>> -> memref<128xi32, #tpu.memory_space<vmem>>
        %dma_start3A_277 = arith.constant 0 : i32
        %dma_start3A_278 = arith.constant 0 : i32
        %dma_start3A_279 = tpu.memref_slice %arg12[%dma_start3A_277, %dma_start3A_278] : memref<10240x128xf32, #tpu.memory_space<vmem_shared>> -> memref<10240x128xf32, #tpu.memory_space<vmem_shared>>
        tpu.enqueue_indirect_dma source(%dma_start3A_273 : memref<128x128xf32, #tpu.memory_space<vmem>>) target(%dma_start3A_279 : memref<10240x128xf32, #tpu.memory_space<vmem_shared>>) offsets(%dma_start3A_276 : memref<128xi32, #tpu.memory_space<vmem>>) semaphore(%run_scoped3A_269 : memref<!tpu.dma_semaphore, #tpu.memory_space<semaphore_mem>>) {add = true}
        %dma_wait3A_280 = arith.constant 0 : i32
        %dma_wait3A_281 = arith.constant 0 : i32
        %dma_wait3A_282 = tpu.memref_slice %arg10[%run_scoped3A_91, %dma_wait3A_280, %dma_wait3A_281] : memref<2x128x128xf32, #tpu.memory_space<vmem>> -> memref<1x128x128xf32, #tpu.memory_space<vmem>>
        %dma_wait3A_283 = tpu.memref_squeeze %dma_wait3A_282 : memref<1x128x128xf32, #tpu.memory_space<vmem>> -> memref<128x128xf32, #tpu.memory_space<vmem>>
        %dma_wait3A_284 = arith.constant 0 : i32
        %dma_wait3A_285 = tpu.memref_slice %arg9[%rem3A_60, %run_scoped3A_92, %dma_wait3A_284] : memref<2x8x128xi32, #tpu.memory_space<vmem>> -> memref<1x1x128xi32, #tpu.memory_space<vmem>>
        %dma_wait3A_286 = tpu.memref_squeeze %dma_wait3A_285 : memref<1x1x128xi32, #tpu.memory_space<vmem>> -> memref<128xi32, #tpu.memory_space<vmem>>
        %dma_wait3A_287 = arith.constant 0 : i32
        %dma_wait3A_288 = arith.constant 0 : i32
        %dma_wait3A_289 = tpu.memref_slice %arg12[%dma_wait3A_287, %dma_wait3A_288] : memref<10240x128xf32, #tpu.memory_space<vmem_shared>> -> memref<10240x128xf32, #tpu.memory_space<vmem_shared>>
        tpu.wait_indirect_dma semaphore(%run_scoped3A_269 : memref<!tpu.dma_semaphore, #tpu.memory_space<semaphore_mem>>) src(%dma_wait3A_283 : memref<128x128xf32, #tpu.memory_space<vmem>>) dst(%dma_wait3A_289 : memref<10240x128xf32, #tpu.memory_space<vmem_shared>>)
        tpu.yield
      }) : () -> ()
      %dma_wait3A_93 = arith.constant 1 : i32
      %dma_wait3A_94 = arith.constant 1 : i32
      %dma_wait3A_95 = arith.constant 0 : i32
      %dma_wait3A_96 = arith.constant 0 : i32
      %dma_wait3A_97 = tpu.memref_slice %arg10[%dma_wait3A_94, %dma_wait3A_95, %dma_wait3A_96] : memref<2x128x128xf32, #tpu.memory_space<vmem>> -> memref<1x128x128xf32, #tpu.memory_space<vmem>>
      %dma_wait3A_98 = tpu.memref_squeeze %dma_wait3A_97 : memref<1x128x128xf32, #tpu.memory_space<vmem>> -> memref<128x128xf32, #tpu.memory_space<vmem>>
      %dma_wait3A_99 = arith.constant 0 : i32
      %dma_wait3A_100 = tpu.memref_slice %arg8[%rem3A_60, %dma_wait3A_93, %dma_wait3A_99] : memref<2x8x128xi32, #tpu.memory_space<vmem>> -> memref<1x1x128xi32, #tpu.memory_space<vmem>>
      %dma_wait3A_101 = tpu.memref_squeeze %dma_wait3A_100 : memref<1x1x128xi32, #tpu.memory_space<vmem>> -> memref<128xi32, #tpu.memory_space<vmem>>
      %dma_wait3A_102 = arith.constant 0 : i32
      %dma_wait3A_103 = arith.constant 0 : i32
      %dma_wait3A_104 = tpu.memref_slice %arg2[%dma_wait3A_102, %dma_wait3A_103] : memref<10000x128xf32, #tpu.memory_space<hbm>> -> memref<10000x128xf32, #tpu.memory_space<hbm>>
      tpu.wait_indirect_dma semaphore(%arg13 : memref<!tpu.dma_semaphore, #tpu.memory_space<semaphore_mem>>) src(%dma_wait3A_104 : memref<10000x128xf32, #tpu.memory_space<hbm>>) dst(%dma_wait3A_98 : memref<128x128xf32, #tpu.memory_space<vmem>>)
      %dma_start3A_105 = arith.constant 2 : i32
      %dma_start3A_106 = arith.constant 0 : i32
      %dma_start3A_107 = arith.constant 0 : i32
      %dma_start3A_108 = arith.constant 0 : i32
      %dma_start3A_109 = tpu.memref_slice %arg10[%dma_start3A_106, %dma_start3A_107, %dma_start3A_108] : memref<2x128x128xf32, #tpu.memory_space<vmem>> -> memref<1x128x128xf32, #tpu.memory_space<vmem>>
      %dma_start3A_110 = tpu.memref_squeeze %dma_start3A_109 : memref<1x128x128xf32, #tpu.memory_space<vmem>> -> memref<128x128xf32, #tpu.memory_space<vmem>>
      %dma_start3A_111 = arith.constant 0 : i32
      %dma_start3A_112 = tpu.memref_slice %arg8[%rem3A_60, %dma_start3A_105, %dma_start3A_111] : memref<2x8x128xi32, #tpu.memory_space<vmem>> -> memref<1x1x128xi32, #tpu.memory_space<vmem>>
      %dma_start3A_113 = tpu.memref_squeeze %dma_start3A_112 : memref<1x1x128xi32, #tpu.memory_space<vmem>> -> memref<128xi32, #tpu.memory_space<vmem>>
      %dma_start3A_114 = arith.constant 0 : i32
      %dma_start3A_115 = arith.constant 0 : i32
      %dma_start3A_116 = tpu.memref_slice %arg2[%dma_start3A_114, %dma_start3A_115] : memref<10000x128xf32, #tpu.memory_space<hbm>> -> memref<10000x128xf32, #tpu.memory_space<hbm>>
      tpu.enqueue_indirect_dma source(%dma_start3A_116 : memref<10000x128xf32, #tpu.memory_space<hbm>>) target(%dma_start3A_110 : memref<128x128xf32, #tpu.memory_space<vmem>>) offsets(%dma_start3A_113 : memref<128xi32, #tpu.memory_space<vmem>>) semaphore(%arg13 : memref<!tpu.dma_semaphore, #tpu.memory_space<semaphore_mem>>)
      %run_scoped3A_117 = arith.constant 1 : i32
      %run_scoped3A_118 = arith.constant 1 : i32
      "tpu.region"() ({
        %run_scoped3A_269 = tpu.sem_alloc : memref<!tpu.dma_semaphore, #tpu.memory_space<semaphore_mem>>
        %dma_start3A_270 = arith.constant 0 : i32
        %dma_start3A_271 = arith.constant 0 : i32
        %dma_start3A_272 = tpu.memref_slice %arg10[%run_scoped3A_117, %dma_start3A_270, %dma_start3A_271] : memref<2x128x128xf32, #tpu.memory_space<vmem>> -> memref<1x128x128xf32, #tpu.memory_space<vmem>>
        %dma_start3A_273 = tpu.memref_squeeze %dma_start3A_272 : memref<1x128x128xf32, #tpu.memory_space<vmem>> -> memref<128x128xf32, #tpu.memory_space<vmem>>
        %dma_start3A_274 = arith.constant 0 : i32
        %dma_start3A_275 = tpu.memref_slice %arg9[%rem3A_60, %run_scoped3A_118, %dma_start3A_274] : memref<2x8x128xi32, #tpu.memory_space<vmem>> -> memref<1x1x128xi32, #tpu.memory_space<vmem>>
        %dma_start3A_276 = tpu.memref_squeeze %dma_start3A_275 : memref<1x1x128xi32, #tpu.memory_space<vmem>> -> memref<128xi32, #tpu.memory_space<vmem>>
        %dma_start3A_277 = arith.constant 0 : i32
        %dma_start3A_278 = arith.constant 0 : i32
        %dma_start3A_279 = tpu.memref_slice %arg12[%dma_start3A_277, %dma_start3A_278] : memref<10240x128xf32, #tpu.memory_space<vmem_shared>> -> memref<10240x128xf32, #tpu.memory_space<vmem_shared>>
        tpu.enqueue_indirect_dma source(%dma_start3A_273 : memref<128x128xf32, #tpu.memory_space<vmem>>) target(%dma_start3A_279 : memref<10240x128xf32, #tpu.memory_space<vmem_shared>>) offsets(%dma_start3A_276 : memref<128xi32, #tpu.memory_space<vmem>>) semaphore(%run_scoped3A_269 : memref<!tpu.dma_semaphore, #tpu.memory_space<semaphore_mem>>) {add = true}
        %dma_wait3A_280 = arith.constant 0 : i32
        %dma_wait3A_281 = arith.constant 0 : i32
        %dma_wait3A_282 = tpu.memref_slice %arg10[%run_scoped3A_117, %dma_wait3A_280, %dma_wait3A_281] : memref<2x128x128xf32, #tpu.memory_space<vmem>> -> memref<1x128x128xf32, #tpu.memory_space<vmem>>
        %dma_wait3A_283 = tpu.memref_squeeze %dma_wait3A_282 : memref<1x128x128xf32, #tpu.memory_space<vmem>> -> memref<128x128xf32, #tpu.memory_space<vmem>>
        %dma_wait3A_284 = arith.constant 0 : i32
        %dma_wait3A_285 = tpu.memref_slice %arg9[%rem3A_60, %run_scoped3A_118, %dma_wait3A_284] : memref<2x8x128xi32, #tpu.memory_space<vmem>> -> memref<1x1x128xi32, #tpu.memory_space<vmem>>
        %dma_wait3A_286 = tpu.memref_squeeze %dma_wait3A_285 : memref<1x1x128xi32, #tpu.memory_space<vmem>> -> memref<128xi32, #tpu.memory_space<vmem>>
        %dma_wait3A_287 = arith.constant 0 : i32
        %dma_wait3A_288 = arith.constant 0 : i32
        %dma_wait3A_289 = tpu.memref_slice %arg12[%dma_wait3A_287, %dma_wait3A_288] : memref<10240x128xf32, #tpu.memory_space<vmem_shared>> -> memref<10240x128xf32, #tpu.memory_space<vmem_shared>>
        tpu.wait_indirect_dma semaphore(%run_scoped3A_269 : memref<!tpu.dma_semaphore, #tpu.memory_space<semaphore_mem>>) src(%dma_wait3A_283 : memref<128x128xf32, #tpu.memory_space<vmem>>) dst(%dma_wait3A_289 : memref<10240x128xf32, #tpu.memory_space<vmem_shared>>)
        tpu.yield
      }) : () -> ()
      %dma_wait3A_119 = arith.constant 2 : i32
      %dma_wait3A_120 = arith.constant 0 : i32
      %dma_wait3A_121 = arith.constant 0 : i32
      %dma_wait3A_122 = arith.constant 0 : i32
      %dma_wait3A_123 = tpu.memref_slice %arg10[%dma_wait3A_120, %dma_wait3A_121, %dma_wait3A_122] : memref<2x128x128xf32, #tpu.memory_space<vmem>> -> memref<1x128x128xf32, #tpu.memory_space<vmem>>
      %dma_wait3A_124 = tpu.memref_squeeze %dma_wait3A_123 : memref<1x128x128xf32, #tpu.memory_space<vmem>> -> memref<128x128xf32, #tpu.memory_space<vmem>>
      %dma_wait3A_125 = arith.constant 0 : i32
      %dma_wait3A_126 = tpu.memref_slice %arg8[%rem3A_60, %dma_wait3A_119, %dma_wait3A_125] : memref<2x8x128xi32, #tpu.memory_space<vmem>> -> memref<1x1x128xi32, #tpu.memory_space<vmem>>
      %dma_wait3A_127 = tpu.memref_squeeze %dma_wait3A_126 : memref<1x1x128xi32, #tpu.memory_space<vmem>> -> memref<128xi32, #tpu.memory_space<vmem>>
      %dma_wait3A_128 = arith.constant 0 : i32
      %dma_wait3A_129 = arith.constant 0 : i32
      %dma_wait3A_130 = tpu.memref_slice %arg2[%dma_wait3A_128, %dma_wait3A_129] : memref<10000x128xf32, #tpu.memory_space<hbm>> -> memref<10000x128xf32, #tpu.memory_space<hbm>>
      tpu.wait_indirect_dma semaphore(%arg13 : memref<!tpu.dma_semaphore, #tpu.memory_space<semaphore_mem>>) src(%dma_wait3A_130 : memref<10000x128xf32, #tpu.memory_space<hbm>>) dst(%dma_wait3A_124 : memref<128x128xf32, #tpu.memory_space<vmem>>)
      %dma_start3A_131 = arith.constant 3 : i32
      %dma_start3A_132 = arith.constant 1 : i32
      %dma_start3A_133 = arith.constant 0 : i32
      %dma_start3A_134 = arith.constant 0 : i32
      %dma_start3A_135 = tpu.memref_slice %arg10[%dma_start3A_132, %dma_start3A_133, %dma_start3A_134] : memref<2x128x128xf32, #tpu.memory_space<vmem>> -> memref<1x128x128xf32, #tpu.memory_space<vmem>>
      %dma_start3A_136 = tpu.memref_squeeze %dma_start3A_135 : memref<1x128x128xf32, #tpu.memory_space<vmem>> -> memref<128x128xf32, #tpu.memory_space<vmem>>
      %dma_start3A_137 = arith.constant 0 : i32
      %dma_start3A_138 = tpu.memref_slice %arg8[%rem3A_60, %dma_start3A_131, %dma_start3A_137] : memref<2x8x128xi32, #tpu.memory_space<vmem>> -> memref<1x1x128xi32, #tpu.memory_space<vmem>>
      %dma_start3A_139 = tpu.memref_squeeze %dma_start3A_138 : memref<1x1x128xi32, #tpu.memory_space<vmem>> -> memref<128xi32, #tpu.memory_space<vmem>>
      %dma_start3A_140 = arith.constant 0 : i32
      %dma_start3A_141 = arith.constant 0 : i32
      %dma_start3A_142 = tpu.memref_slice %arg2[%dma_start3A_140, %dma_start3A_141] : memref<10000x128xf32, #tpu.memory_space<hbm>> -> memref<10000x128xf32, #tpu.memory_space<hbm>>
      tpu.enqueue_indirect_dma source(%dma_start3A_142 : memref<10000x128xf32, #tpu.memory_space<hbm>>) target(%dma_start3A_136 : memref<128x128xf32, #tpu.memory_space<vmem>>) offsets(%dma_start3A_139 : memref<128xi32, #tpu.memory_space<vmem>>) semaphore(%arg13 : memref<!tpu.dma_semaphore, #tpu.memory_space<semaphore_mem>>)
      %run_scoped3A_143 = arith.constant 0 : i32
      %run_scoped3A_144 = arith.constant 2 : i32
      "tpu.region"() ({
        %run_scoped3A_269 = tpu.sem_alloc : memref<!tpu.dma_semaphore, #tpu.memory_space<semaphore_mem>>
        %dma_start3A_270 = arith.constant 0 : i32
        %dma_start3A_271 = arith.constant 0 : i32
        %dma_start3A_272 = tpu.memref_slice %arg10[%run_scoped3A_143, %dma_start3A_270, %dma_start3A_271] : memref<2x128x128xf32, #tpu.memory_space<vmem>> -> memref<1x128x128xf32, #tpu.memory_space<vmem>>
        %dma_start3A_273 = tpu.memref_squeeze %dma_start3A_272 : memref<1x128x128xf32, #tpu.memory_space<vmem>> -> memref<128x128xf32, #tpu.memory_space<vmem>>
        %dma_start3A_274 = arith.constant 0 : i32
        %dma_start3A_275 = tpu.memref_slice %arg9[%rem3A_60, %run_scoped3A_144, %dma_start3A_274] : memref<2x8x128xi32, #tpu.memory_space<vmem>> -> memref<1x1x128xi32, #tpu.memory_space<vmem>>
        %dma_start3A_276 = tpu.memref_squeeze %dma_start3A_275 : memref<1x1x128xi32, #tpu.memory_space<vmem>> -> memref<128xi32, #tpu.memory_space<vmem>>
        %dma_start3A_277 = arith.constant 0 : i32
        %dma_start3A_278 = arith.constant 0 : i32
        %dma_start3A_279 = tpu.memref_slice %arg12[%dma_start3A_277, %dma_start3A_278] : memref<10240x128xf32, #tpu.memory_space<vmem_shared>> -> memref<10240x128xf32, #tpu.memory_space<vmem_shared>>
        tpu.enqueue_indirect_dma source(%dma_start3A_273 : memref<128x128xf32, #tpu.memory_space<vmem>>) target(%dma_start3A_279 : memref<10240x128xf32, #tpu.memory_space<vmem_shared>>) offsets(%dma_start3A_276 : memref<128xi32, #tpu.memory_space<vmem>>) semaphore(%run_scoped3A_269 : memref<!tpu.dma_semaphore, #tpu.memory_space<semaphore_mem>>) {add = true}
        %dma_wait3A_280 = arith.constant 0 : i32
        %dma_wait3A_281 = arith.constant 0 : i32
        %dma_wait3A_282 = tpu.memref_slice %arg10[%run_scoped3A_143, %dma_wait3A_280, %dma_wait3A_281] : memref<2x128x128xf32, #tpu.memory_space<vmem>> -> memref<1x128x128xf32, #tpu.memory_space<vmem>>
        %dma_wait3A_283 = tpu.memref_squeeze %dma_wait3A_282 : memref<1x128x128xf32, #tpu.memory_space<vmem>> -> memref<128x128xf32, #tpu.memory_space<vmem>>
        %dma_wait3A_284 = arith.constant 0 : i32
        %dma_wait3A_285 = tpu.memref_slice %arg9[%rem3A_60, %run_scoped3A_144, %dma_wait3A_284] : memref<2x8x128xi32, #tpu.memory_space<vmem>> -> memref<1x1x128xi32, #tpu.memory_space<vmem>>
        %dma_wait3A_286 = tpu.memref_squeeze %dma_wait3A_285 : memref<1x1x128xi32, #tpu.memory_space<vmem>> -> memref<128xi32, #tpu.memory_space<vmem>>
        %dma_wait3A_287 = arith.constant 0 : i32
        %dma_wait3A_288 = arith.constant 0 : i32
        %dma_wait3A_289 = tpu.memref_slice %arg12[%dma_wait3A_287, %dma_wait3A_288] : memref<10240x128xf32, #tpu.memory_space<vmem_shared>> -> memref<10240x128xf32, #tpu.memory_space<vmem_shared>>
        tpu.wait_indirect_dma semaphore(%run_scoped3A_269 : memref<!tpu.dma_semaphore, #tpu.memory_space<semaphore_mem>>) src(%dma_wait3A_283 : memref<128x128xf32, #tpu.memory_space<vmem>>) dst(%dma_wait3A_289 : memref<10240x128xf32, #tpu.memory_space<vmem_shared>>)
        tpu.yield
      }) : () -> ()
      %dma_wait3A_145 = arith.constant 3 : i32
      %dma_wait3A_146 = arith.constant 1 : i32
      %dma_wait3A_147 = arith.constant 0 : i32
      %dma_wait3A_148 = arith.constant 0 : i32
      %dma_wait3A_149 = tpu.memref_slice %arg10[%dma_wait3A_146, %dma_wait3A_147, %dma_wait3A_148] : memref<2x128x128xf32, #tpu.memory_space<vmem>> -> memref<1x128x128xf32, #tpu.memory_space<vmem>>
      %dma_wait3A_150 = tpu.memref_squeeze %dma_wait3A_149 : memref<1x128x128xf32, #tpu.memory_space<vmem>> -> memref<128x128xf32, #tpu.memory_space<vmem>>
      %dma_wait3A_151 = arith.constant 0 : i32
      %dma_wait3A_152 = tpu.memref_slice %arg8[%rem3A_60, %dma_wait3A_145, %dma_wait3A_151] : memref<2x8x128xi32, #tpu.memory_space<vmem>> -> memref<1x1x128xi32, #tpu.memory_space<vmem>>
      %dma_wait3A_153 = tpu.memref_squeeze %dma_wait3A_152 : memref<1x1x128xi32, #tpu.memory_space<vmem>> -> memref<128xi32, #tpu.memory_space<vmem>>
      %dma_wait3A_154 = arith.constant 0 : i32
      %dma_wait3A_155 = arith.constant 0 : i32
      %dma_wait3A_156 = tpu.memref_slice %arg2[%dma_wait3A_154, %dma_wait3A_155] : memref<10000x128xf32, #tpu.memory_space<hbm>> -> memref<10000x128xf32, #tpu.memory_space<hbm>>
      tpu.wait_indirect_dma semaphore(%arg13 : memref<!tpu.dma_semaphore, #tpu.memory_space<semaphore_mem>>) src(%dma_wait3A_156 : memref<10000x128xf32, #tpu.memory_space<hbm>>) dst(%dma_wait3A_150 : memref<128x128xf32, #tpu.memory_space<vmem>>)
      %dma_start3A_157 = arith.constant 4 : i32
      %dma_start3A_158 = arith.constant 0 : i32
      %dma_start3A_159 = arith.constant 0 : i32
      %dma_start3A_160 = arith.constant 0 : i32
      %dma_start3A_161 = tpu.memref_slice %arg10[%dma_start3A_158, %dma_start3A_159, %dma_start3A_160] : memref<2x128x128xf32, #tpu.memory_space<vmem>> -> memref<1x128x128xf32, #tpu.memory_space<vmem>>
      %dma_start3A_162 = tpu.memref_squeeze %dma_start3A_161 : memref<1x128x128xf32, #tpu.memory_space<vmem>> -> memref<128x128xf32, #tpu.memory_space<vmem>>
      %dma_start3A_163 = arith.constant 0 : i32
      %dma_start3A_164 = tpu.memref_slice %arg8[%rem3A_60, %dma_start3A_157, %dma_start3A_163] : memref<2x8x128xi32, #tpu.memory_space<vmem>> -> memref<1x1x128xi32, #tpu.memory_space<vmem>>
      %dma_start3A_165 = tpu.memref_squeeze %dma_start3A_164 : memref<1x1x128xi32, #tpu.memory_space<vmem>> -> memref<128xi32, #tpu.memory_space<vmem>>
      %dma_start3A_166 = arith.constant 0 : i32
      %dma_start3A_167 = arith.constant 0 : i32
      %dma_start3A_168 = tpu.memref_slice %arg2[%dma_start3A_166, %dma_start3A_167] : memref<10000x128xf32, #tpu.memory_space<hbm>> -> memref<10000x128xf32, #tpu.memory_space<hbm>>
      tpu.enqueue_indirect_dma source(%dma_start3A_168 : memref<10000x128xf32, #tpu.memory_space<hbm>>) target(%dma_start3A_162 : memref<128x128xf32, #tpu.memory_space<vmem>>) offsets(%dma_start3A_165 : memref<128xi32, #tpu.memory_space<vmem>>) semaphore(%arg13 : memref<!tpu.dma_semaphore, #tpu.memory_space<semaphore_mem>>)
      %run_scoped3A_169 = arith.constant 1 : i32
      %run_scoped3A_170 = arith.constant 3 : i32
      "tpu.region"() ({
        %run_scoped3A_269 = tpu.sem_alloc : memref<!tpu.dma_semaphore, #tpu.memory_space<semaphore_mem>>
        %dma_start3A_270 = arith.constant 0 : i32
        %dma_start3A_271 = arith.constant 0 : i32
        %dma_start3A_272 = tpu.memref_slice %arg10[%run_scoped3A_169, %dma_start3A_270, %dma_start3A_271] : memref<2x128x128xf32, #tpu.memory_space<vmem>> -> memref<1x128x128xf32, #tpu.memory_space<vmem>>
        %dma_start3A_273 = tpu.memref_squeeze %dma_start3A_272 : memref<1x128x128xf32, #tpu.memory_space<vmem>> -> memref<128x128xf32, #tpu.memory_space<vmem>>
        %dma_start3A_274 = arith.constant 0 : i32
        %dma_start3A_275 = tpu.memref_slice %arg9[%rem3A_60, %run_scoped3A_170, %dma_start3A_274] : memref<2x8x128xi32, #tpu.memory_space<vmem>> -> memref<1x1x128xi32, #tpu.memory_space<vmem>>
        %dma_start3A_276 = tpu.memref_squeeze %dma_start3A_275 : memref<1x1x128xi32, #tpu.memory_space<vmem>> -> memref<128xi32, #tpu.memory_space<vmem>>
        %dma_start3A_277 = arith.constant 0 : i32
        %dma_start3A_278 = arith.constant 0 : i32
        %dma_start3A_279 = tpu.memref_slice %arg12[%dma_start3A_277, %dma_start3A_278] : memref<10240x128xf32, #tpu.memory_space<vmem_shared>> -> memref<10240x128xf32, #tpu.memory_space<vmem_shared>>
        tpu.enqueue_indirect_dma source(%dma_start3A_273 : memref<128x128xf32, #tpu.memory_space<vmem>>) target(%dma_start3A_279 : memref<10240x128xf32, #tpu.memory_space<vmem_shared>>) offsets(%dma_start3A_276 : memref<128xi32, #tpu.memory_space<vmem>>) semaphore(%run_scoped3A_269 : memref<!tpu.dma_semaphore, #tpu.memory_space<semaphore_mem>>) {add = true}
        %dma_wait3A_280 = arith.constant 0 : i32
        %dma_wait3A_281 = arith.constant 0 : i32
        %dma_wait3A_282 = tpu.memref_slice %arg10[%run_scoped3A_169, %dma_wait3A_280, %dma_wait3A_281] : memref<2x128x128xf32, #tpu.memory_space<vmem>> -> memref<1x128x128xf32, #tpu.memory_space<vmem>>
        %dma_wait3A_283 = tpu.memref_squeeze %dma_wait3A_282 : memref<1x128x128xf32, #tpu.memory_space<vmem>> -> memref<128x128xf32, #tpu.memory_space<vmem>>
        %dma_wait3A_284 = arith.constant 0 : i32
        %dma_wait3A_285 = tpu.memref_slice %arg9[%rem3A_60, %run_scoped3A_170, %dma_wait3A_284] : memref<2x8x128xi32, #tpu.memory_space<vmem>> -> memref<1x1x128xi32, #tpu.memory_space<vmem>>
        %dma_wait3A_286 = tpu.memref_squeeze %dma_wait3A_285 : memref<1x1x128xi32, #tpu.memory_space<vmem>> -> memref<128xi32, #tpu.memory_space<vmem>>
        %dma_wait3A_287 = arith.constant 0 : i32
        %dma_wait3A_288 = arith.constant 0 : i32
        %dma_wait3A_289 = tpu.memref_slice %arg12[%dma_wait3A_287, %dma_wait3A_288] : memref<10240x128xf32, #tpu.memory_space<vmem_shared>> -> memref<10240x128xf32, #tpu.memory_space<vmem_shared>>
        tpu.wait_indirect_dma semaphore(%run_scoped3A_269 : memref<!tpu.dma_semaphore, #tpu.memory_space<semaphore_mem>>) src(%dma_wait3A_283 : memref<128x128xf32, #tpu.memory_space<vmem>>) dst(%dma_wait3A_289 : memref<10240x128xf32, #tpu.memory_space<vmem_shared>>)
        tpu.yield
      }) : () -> ()
      %dma_wait3A_171 = arith.constant 4 : i32
      %dma_wait3A_172 = arith.constant 0 : i32
      %dma_wait3A_173 = arith.constant 0 : i32
      %dma_wait3A_174 = arith.constant 0 : i32
      %dma_wait3A_175 = tpu.memref_slice %arg10[%dma_wait3A_172, %dma_wait3A_173, %dma_wait3A_174] : memref<2x128x128xf32, #tpu.memory_space<vmem>> -> memref<1x128x128xf32, #tpu.memory_space<vmem>>
      %dma_wait3A_176 = tpu.memref_squeeze %dma_wait3A_175 : memref<1x128x128xf32, #tpu.memory_space<vmem>> -> memref<128x128xf32, #tpu.memory_space<vmem>>
      %dma_wait3A_177 = arith.constant 0 : i32
      %dma_wait3A_178 = tpu.memref_slice %arg8[%rem3A_60, %dma_wait3A_171, %dma_wait3A_177] : memref<2x8x128xi32, #tpu.memory_space<vmem>> -> memref<1x1x128xi32, #tpu.memory_space<vmem>>
      %dma_wait3A_179 = tpu.memref_squeeze %dma_wait3A_178 : memref<1x1x128xi32, #tpu.memory_space<vmem>> -> memref<128xi32, #tpu.memory_space<vmem>>
      %dma_wait3A_180 = arith.constant 0 : i32
      %dma_wait3A_181 = arith.constant 0 : i32
      %dma_wait3A_182 = tpu.memref_slice %arg2[%dma_wait3A_180, %dma_wait3A_181] : memref<10000x128xf32, #tpu.memory_space<hbm>> -> memref<10000x128xf32, #tpu.memory_space<hbm>>
      tpu.wait_indirect_dma semaphore(%arg13 : memref<!tpu.dma_semaphore, #tpu.memory_space<semaphore_mem>>) src(%dma_wait3A_182 : memref<10000x128xf32, #tpu.memory_space<hbm>>) dst(%dma_wait3A_176 : memref<128x128xf32, #tpu.memory_space<vmem>>)
      %dma_start3A_183 = arith.constant 5 : i32
      %dma_start3A_184 = arith.constant 1 : i32
      %dma_start3A_185 = arith.constant 0 : i32
      %dma_start3A_186 = arith.constant 0 : i32
      %dma_start3A_187 = tpu.memref_slice %arg10[%dma_start3A_184, %dma_start3A_185, %dma_start3A_186] : memref<2x128x128xf32, #tpu.memory_space<vmem>> -> memref<1x128x128xf32, #tpu.memory_space<vmem>>
      %dma_start3A_188 = tpu.memref_squeeze %dma_start3A_187 : memref<1x128x128xf32, #tpu.memory_space<vmem>> -> memref<128x128xf32, #tpu.memory_space<vmem>>
      %dma_start3A_189 = arith.constant 0 : i32
      %dma_start3A_190 = tpu.memref_slice %arg8[%rem3A_60, %dma_start3A_183, %dma_start3A_189] : memref<2x8x128xi32, #tpu.memory_space<vmem>> -> memref<1x1x128xi32, #tpu.memory_space<vmem>>
      %dma_start3A_191 = tpu.memref_squeeze %dma_start3A_190 : memref<1x1x128xi32, #tpu.memory_space<vmem>> -> memref<128xi32, #tpu.memory_space<vmem>>
      %dma_start3A_192 = arith.constant 0 : i32
      %dma_start3A_193 = arith.constant 0 : i32
      %dma_start3A_194 = tpu.memref_slice %arg2[%dma_start3A_192, %dma_start3A_193] : memref<10000x128xf32, #tpu.memory_space<hbm>> -> memref<10000x128xf32, #tpu.memory_space<hbm>>
      tpu.enqueue_indirect_dma source(%dma_start3A_194 : memref<10000x128xf32, #tpu.memory_space<hbm>>) target(%dma_start3A_188 : memref<128x128xf32, #tpu.memory_space<vmem>>) offsets(%dma_start3A_191 : memref<128xi32, #tpu.memory_space<vmem>>) semaphore(%arg13 : memref<!tpu.dma_semaphore, #tpu.memory_space<semaphore_mem>>)
      %run_scoped3A_195 = arith.constant 0 : i32
      %run_scoped3A_196 = arith.constant 4 : i32
      "tpu.region"() ({
        %run_scoped3A_269 = tpu.sem_alloc : memref<!tpu.dma_semaphore, #tpu.memory_space<semaphore_mem>>
        %dma_start3A_270 = arith.constant 0 : i32
        %dma_start3A_271 = arith.constant 0 : i32
        %dma_start3A_272 = tpu.memref_slice %arg10[%run_scoped3A_195, %dma_start3A_270, %dma_start3A_271] : memref<2x128x128xf32, #tpu.memory_space<vmem>> -> memref<1x128x128xf32, #tpu.memory_space<vmem>>
        %dma_start3A_273 = tpu.memref_squeeze %dma_start3A_272 : memref<1x128x128xf32, #tpu.memory_space<vmem>> -> memref<128x128xf32, #tpu.memory_space<vmem>>
        %dma_start3A_274 = arith.constant 0 : i32
        %dma_start3A_275 = tpu.memref_slice %arg9[%rem3A_60, %run_scoped3A_196, %dma_start3A_274] : memref<2x8x128xi32, #tpu.memory_space<vmem>> -> memref<1x1x128xi32, #tpu.memory_space<vmem>>
        %dma_start3A_276 = tpu.memref_squeeze %dma_start3A_275 : memref<1x1x128xi32, #tpu.memory_space<vmem>> -> memref<128xi32, #tpu.memory_space<vmem>>
        %dma_start3A_277 = arith.constant 0 : i32
        %dma_start3A_278 = arith.constant 0 : i32
        %dma_start3A_279 = tpu.memref_slice %arg12[%dma_start3A_277, %dma_start3A_278] : memref<10240x128xf32, #tpu.memory_space<vmem_shared>> -> memref<10240x128xf32, #tpu.memory_space<vmem_shared>>
        tpu.enqueue_indirect_dma source(%dma_start3A_273 : memref<128x128xf32, #tpu.memory_space<vmem>>) target(%dma_start3A_279 : memref<10240x128xf32, #tpu.memory_space<vmem_shared>>) offsets(%dma_start3A_276 : memref<128xi32, #tpu.memory_space<vmem>>) semaphore(%run_scoped3A_269 : memref<!tpu.dma_semaphore, #tpu.memory_space<semaphore_mem>>) {add = true}
        %dma_wait3A_280 = arith.constant 0 : i32
        %dma_wait3A_281 = arith.constant 0 : i32
        %dma_wait3A_282 = tpu.memref_slice %arg10[%run_scoped3A_195, %dma_wait3A_280, %dma_wait3A_281] : memref<2x128x128xf32, #tpu.memory_space<vmem>> -> memref<1x128x128xf32, #tpu.memory_space<vmem>>
        %dma_wait3A_283 = tpu.memref_squeeze %dma_wait3A_282 : memref<1x128x128xf32, #tpu.memory_space<vmem>> -> memref<128x128xf32, #tpu.memory_space<vmem>>
        %dma_wait3A_284 = arith.constant 0 : i32
        %dma_wait3A_285 = tpu.memref_slice %arg9[%rem3A_60, %run_scoped3A_196, %dma_wait3A_284] : memref<2x8x128xi32, #tpu.memory_space<vmem>> -> memref<1x1x128xi32, #tpu.memory_space<vmem>>
        %dma_wait3A_286 = tpu.memref_squeeze %dma_wait3A_285 : memref<1x1x128xi32, #tpu.memory_space<vmem>> -> memref<128xi32, #tpu.memory_space<vmem>>
        %dma_wait3A_287 = arith.constant 0 : i32
        %dma_wait3A_288 = arith.constant 0 : i32
        %dma_wait3A_289 = tpu.memref_slice %arg12[%dma_wait3A_287, %dma_wait3A_288] : memref<10240x128xf32, #tpu.memory_space<vmem_shared>> -> memref<10240x128xf32, #tpu.memory_space<vmem_shared>>
        tpu.wait_indirect_dma semaphore(%run_scoped3A_269 : memref<!tpu.dma_semaphore, #tpu.memory_space<semaphore_mem>>) src(%dma_wait3A_283 : memref<128x128xf32, #tpu.memory_space<vmem>>) dst(%dma_wait3A_289 : memref<10240x128xf32, #tpu.memory_space<vmem_shared>>)
        tpu.yield
      }) : () -> ()
      %dma_wait3A_197 = arith.constant 5 : i32
      %dma_wait3A_198 = arith.constant 1 : i32
      %dma_wait3A_199 = arith.constant 0 : i32
      %dma_wait3A_200 = arith.constant 0 : i32
      %dma_wait3A_201 = tpu.memref_slice %arg10[%dma_wait3A_198, %dma_wait3A_199, %dma_wait3A_200] : memref<2x128x128xf32, #tpu.memory_space<vmem>> -> memref<1x128x128xf32, #tpu.memory_space<vmem>>
      %dma_wait3A_202 = tpu.memref_squeeze %dma_wait3A_201 : memref<1x128x128xf32, #tpu.memory_space<vmem>> -> memref<128x128xf32, #tpu.memory_space<vmem>>
      %dma_wait3A_203 = arith.constant 0 : i32
      %dma_wait3A_204 = tpu.memref_slice %arg8[%rem3A_60, %dma_wait3A_197, %dma_wait3A_203] : memref<2x8x128xi32, #tpu.memory_space<vmem>> -> memref<1x1x128xi32, #tpu.memory_space<vmem>>
      %dma_wait3A_205 = tpu.memref_squeeze %dma_wait3A_204 : memref<1x1x128xi32, #tpu.memory_space<vmem>> -> memref<128xi32, #tpu.memory_space<vmem>>
      %dma_wait3A_206 = arith.constant 0 : i32
      %dma_wait3A_207 = arith.constant 0 : i32
      %dma_wait3A_208 = tpu.memref_slice %arg2[%dma_wait3A_206, %dma_wait3A_207] : memref<10000x128xf32, #tpu.memory_space<hbm>> -> memref<10000x128xf32, #tpu.memory_space<hbm>>
      tpu.wait_indirect_dma semaphore(%arg13 : memref<!tpu.dma_semaphore, #tpu.memory_space<semaphore_mem>>) src(%dma_wait3A_208 : memref<10000x128xf32, #tpu.memory_space<hbm>>) dst(%dma_wait3A_202 : memref<128x128xf32, #tpu.memory_space<vmem>>)
      %dma_start3A_209 = arith.constant 6 : i32
      %dma_start3A_210 = arith.constant 0 : i32
      %dma_start3A_211 = arith.constant 0 : i32
      %dma_start3A_212 = arith.constant 0 : i32
      %dma_start3A_213 = tpu.memref_slice %arg10[%dma_start3A_210, %dma_start3A_211, %dma_start3A_212] : memref<2x128x128xf32, #tpu.memory_space<vmem>> -> memref<1x128x128xf32, #tpu.memory_space<vmem>>
      %dma_start3A_214 = tpu.memref_squeeze %dma_start3A_213 : memref<1x128x128xf32, #tpu.memory_space<vmem>> -> memref<128x128xf32, #tpu.memory_space<vmem>>
      %dma_start3A_215 = arith.constant 0 : i32
      %dma_start3A_216 = tpu.memref_slice %arg8[%rem3A_60, %dma_start3A_209, %dma_start3A_215] : memref<2x8x128xi32, #tpu.memory_space<vmem>> -> memref<1x1x128xi32, #tpu.memory_space<vmem>>
      %dma_start3A_217 = tpu.memref_squeeze %dma_start3A_216 : memref<1x1x128xi32, #tpu.memory_space<vmem>> -> memref<128xi32, #tpu.memory_space<vmem>>
      %dma_start3A_218 = arith.constant 0 : i32
      %dma_start3A_219 = arith.constant 0 : i32
      %dma_start3A_220 = tpu.memref_slice %arg2[%dma_start3A_218, %dma_start3A_219] : memref<10000x128xf32, #tpu.memory_space<hbm>> -> memref<10000x128xf32, #tpu.memory_space<hbm>>
      tpu.enqueue_indirect_dma source(%dma_start3A_220 : memref<10000x128xf32, #tpu.memory_space<hbm>>) target(%dma_start3A_214 : memref<128x128xf32, #tpu.memory_space<vmem>>) offsets(%dma_start3A_217 : memref<128xi32, #tpu.memory_space<vmem>>) semaphore(%arg13 : memref<!tpu.dma_semaphore, #tpu.memory_space<semaphore_mem>>)
      %run_scoped3A_221 = arith.constant 1 : i32
      %run_scoped3A_222 = arith.constant 5 : i32
      "tpu.region"() ({
        %run_scoped3A_269 = tpu.sem_alloc : memref<!tpu.dma_semaphore, #tpu.memory_space<semaphore_mem>>
        %dma_start3A_270 = arith.constant 0 : i32
        %dma_start3A_271 = arith.constant 0 : i32
        %dma_start3A_272 = tpu.memref_slice %arg10[%run_scoped3A_221, %dma_start3A_270, %dma_start3A_271] : memref<2x128x128xf32, #tpu.memory_space<vmem>> -> memref<1x128x128xf32, #tpu.memory_space<vmem>>
        %dma_start3A_273 = tpu.memref_squeeze %dma_start3A_272 : memref<1x128x128xf32, #tpu.memory_space<vmem>> -> memref<128x128xf32, #tpu.memory_space<vmem>>
        %dma_start3A_274 = arith.constant 0 : i32
        %dma_start3A_275 = tpu.memref_slice %arg9[%rem3A_60, %run_scoped3A_222, %dma_start3A_274] : memref<2x8x128xi32, #tpu.memory_space<vmem>> -> memref<1x1x128xi32, #tpu.memory_space<vmem>>
        %dma_start3A_276 = tpu.memref_squeeze %dma_start3A_275 : memref<1x1x128xi32, #tpu.memory_space<vmem>> -> memref<128xi32, #tpu.memory_space<vmem>>
        %dma_start3A_277 = arith.constant 0 : i32
        %dma_start3A_278 = arith.constant 0 : i32
        %dma_start3A_279 = tpu.memref_slice %arg12[%dma_start3A_277, %dma_start3A_278] : memref<10240x128xf32, #tpu.memory_space<vmem_shared>> -> memref<10240x128xf32, #tpu.memory_space<vmem_shared>>
        tpu.enqueue_indirect_dma source(%dma_start3A_273 : memref<128x128xf32, #tpu.memory_space<vmem>>) target(%dma_start3A_279 : memref<10240x128xf32, #tpu.memory_space<vmem_shared>>) offsets(%dma_start3A_276 : memref<128xi32, #tpu.memory_space<vmem>>) semaphore(%run_scoped3A_269 : memref<!tpu.dma_semaphore, #tpu.memory_space<semaphore_mem>>) {add = true}
        %dma_wait3A_280 = arith.constant 0 : i32
        %dma_wait3A_281 = arith.constant 0 : i32
        %dma_wait3A_282 = tpu.memref_slice %arg10[%run_scoped3A_221, %dma_wait3A_280, %dma_wait3A_281] : memref<2x128x128xf32, #tpu.memory_space<vmem>> -> memref<1x128x128xf32, #tpu.memory_space<vmem>>
        %dma_wait3A_283 = tpu.memref_squeeze %dma_wait3A_282 : memref<1x128x128xf32, #tpu.memory_space<vmem>> -> memref<128x128xf32, #tpu.memory_space<vmem>>
        %dma_wait3A_284 = arith.constant 0 : i32
        %dma_wait3A_285 = tpu.memref_slice %arg9[%rem3A_60, %run_scoped3A_222, %dma_wait3A_284] : memref<2x8x128xi32, #tpu.memory_space<vmem>> -> memref<1x1x128xi32, #tpu.memory_space<vmem>>
        %dma_wait3A_286 = tpu.memref_squeeze %dma_wait3A_285 : memref<1x1x128xi32, #tpu.memory_space<vmem>> -> memref<128xi32, #tpu.memory_space<vmem>>
        %dma_wait3A_287 = arith.constant 0 : i32
        %dma_wait3A_288 = arith.constant 0 : i32
        %dma_wait3A_289 = tpu.memref_slice %arg12[%dma_wait3A_287, %dma_wait3A_288] : memref<10240x128xf32, #tpu.memory_space<vmem_shared>> -> memref<10240x128xf32, #tpu.memory_space<vmem_shared>>
        tpu.wait_indirect_dma semaphore(%run_scoped3A_269 : memref<!tpu.dma_semaphore, #tpu.memory_space<semaphore_mem>>) src(%dma_wait3A_283 : memref<128x128xf32, #tpu.memory_space<vmem>>) dst(%dma_wait3A_289 : memref<10240x128xf32, #tpu.memory_space<vmem_shared>>)
        tpu.yield
      }) : () -> ()
      %dma_wait3A_223 = arith.constant 6 : i32
      %dma_wait3A_224 = arith.constant 0 : i32
      %dma_wait3A_225 = arith.constant 0 : i32
      %dma_wait3A_226 = arith.constant 0 : i32
      %dma_wait3A_227 = tpu.memref_slice %arg10[%dma_wait3A_224, %dma_wait3A_225, %dma_wait3A_226] : memref<2x128x128xf32, #tpu.memory_space<vmem>> -> memref<1x128x128xf32, #tpu.memory_space<vmem>>
      %dma_wait3A_228 = tpu.memref_squeeze %dma_wait3A_227 : memref<1x128x128xf32, #tpu.memory_space<vmem>> -> memref<128x128xf32, #tpu.memory_space<vmem>>
      %dma_wait3A_229 = arith.constant 0 : i32
      %dma_wait3A_230 = tpu.memref_slice %arg8[%rem3A_60, %dma_wait3A_223, %dma_wait3A_229] : memref<2x8x128xi32, #tpu.memory_space<vmem>> -> memref<1x1x128xi32, #tpu.memory_space<vmem>>
      %dma_wait3A_231 = tpu.memref_squeeze %dma_wait3A_230 : memref<1x1x128xi32, #tpu.memory_space<vmem>> -> memref<128xi32, #tpu.memory_space<vmem>>
      %dma_wait3A_232 = arith.constant 0 : i32
      %dma_wait3A_233 = arith.constant 0 : i32
      %dma_wait3A_234 = tpu.memref_slice %arg2[%dma_wait3A_232, %dma_wait3A_233] : memref<10000x128xf32, #tpu.memory_space<hbm>> -> memref<10000x128xf32, #tpu.memory_space<hbm>>
      tpu.wait_indirect_dma semaphore(%arg13 : memref<!tpu.dma_semaphore, #tpu.memory_space<semaphore_mem>>) src(%dma_wait3A_234 : memref<10000x128xf32, #tpu.memory_space<hbm>>) dst(%dma_wait3A_228 : memref<128x128xf32, #tpu.memory_space<vmem>>)
      %dma_start3A_235 = arith.constant 7 : i32
      %dma_start3A_236 = arith.constant 1 : i32
      %dma_start3A_237 = arith.constant 0 : i32
      %dma_start3A_238 = arith.constant 0 : i32
      %dma_start3A_239 = tpu.memref_slice %arg10[%dma_start3A_236, %dma_start3A_237, %dma_start3A_238] : memref<2x128x128xf32, #tpu.memory_space<vmem>> -> memref<1x128x128xf32, #tpu.memory_space<vmem>>
      %dma_start3A_240 = tpu.memref_squeeze %dma_start3A_239 : memref<1x128x128xf32, #tpu.memory_space<vmem>> -> memref<128x128xf32, #tpu.memory_space<vmem>>
      %dma_start3A_241 = arith.constant 0 : i32
      %dma_start3A_242 = tpu.memref_slice %arg8[%rem3A_60, %dma_start3A_235, %dma_start3A_241] : memref<2x8x128xi32, #tpu.memory_space<vmem>> -> memref<1x1x128xi32, #tpu.memory_space<vmem>>
      %dma_start3A_243 = tpu.memref_squeeze %dma_start3A_242 : memref<1x1x128xi32, #tpu.memory_space<vmem>> -> memref<128xi32, #tpu.memory_space<vmem>>
      %dma_start3A_244 = arith.constant 0 : i32
      %dma_start3A_245 = arith.constant 0 : i32
      %dma_start3A_246 = tpu.memref_slice %arg2[%dma_start3A_244, %dma_start3A_245] : memref<10000x128xf32, #tpu.memory_space<hbm>> -> memref<10000x128xf32, #tpu.memory_space<hbm>>
      tpu.enqueue_indirect_dma source(%dma_start3A_246 : memref<10000x128xf32, #tpu.memory_space<hbm>>) target(%dma_start3A_240 : memref<128x128xf32, #tpu.memory_space<vmem>>) offsets(%dma_start3A_243 : memref<128xi32, #tpu.memory_space<vmem>>) semaphore(%arg13 : memref<!tpu.dma_semaphore, #tpu.memory_space<semaphore_mem>>)
      %run_scoped3A_247 = arith.constant 0 : i32
      %run_scoped3A_248 = arith.constant 6 : i32
      "tpu.region"() ({
        %run_scoped3A_269 = tpu.sem_alloc : memref<!tpu.dma_semaphore, #tpu.memory_space<semaphore_mem>>
        %dma_start3A_270 = arith.constant 0 : i32
        %dma_start3A_271 = arith.constant 0 : i32
        %dma_start3A_272 = tpu.memref_slice %arg10[%run_scoped3A_247, %dma_start3A_270, %dma_start3A_271] : memref<2x128x128xf32, #tpu.memory_space<vmem>> -> memref<1x128x128xf32, #tpu.memory_space<vmem>>
        %dma_start3A_273 = tpu.memref_squeeze %dma_start3A_272 : memref<1x128x128xf32, #tpu.memory_space<vmem>> -> memref<128x128xf32, #tpu.memory_space<vmem>>
        %dma_start3A_274 = arith.constant 0 : i32
        %dma_start3A_275 = tpu.memref_slice %arg9[%rem3A_60, %run_scoped3A_248, %dma_start3A_274] : memref<2x8x128xi32, #tpu.memory_space<vmem>> -> memref<1x1x128xi32, #tpu.memory_space<vmem>>
        %dma_start3A_276 = tpu.memref_squeeze %dma_start3A_275 : memref<1x1x128xi32, #tpu.memory_space<vmem>> -> memref<128xi32, #tpu.memory_space<vmem>>
        %dma_start3A_277 = arith.constant 0 : i32
        %dma_start3A_278 = arith.constant 0 : i32
        %dma_start3A_279 = tpu.memref_slice %arg12[%dma_start3A_277, %dma_start3A_278] : memref<10240x128xf32, #tpu.memory_space<vmem_shared>> -> memref<10240x128xf32, #tpu.memory_space<vmem_shared>>
        tpu.enqueue_indirect_dma source(%dma_start3A_273 : memref<128x128xf32, #tpu.memory_space<vmem>>) target(%dma_start3A_279 : memref<10240x128xf32, #tpu.memory_space<vmem_shared>>) offsets(%dma_start3A_276 : memref<128xi32, #tpu.memory_space<vmem>>) semaphore(%run_scoped3A_269 : memref<!tpu.dma_semaphore, #tpu.memory_space<semaphore_mem>>) {add = true}
        %dma_wait3A_280 = arith.constant 0 : i32
        %dma_wait3A_281 = arith.constant 0 : i32
        %dma_wait3A_282 = tpu.memref_slice %arg10[%run_scoped3A_247, %dma_wait3A_280, %dma_wait3A_281] : memref<2x128x128xf32, #tpu.memory_space<vmem>> -> memref<1x128x128xf32, #tpu.memory_space<vmem>>
        %dma_wait3A_283 = tpu.memref_squeeze %dma_wait3A_282 : memref<1x128x128xf32, #tpu.memory_space<vmem>> -> memref<128x128xf32, #tpu.memory_space<vmem>>
        %dma_wait3A_284 = arith.constant 0 : i32
        %dma_wait3A_285 = tpu.memref_slice %arg9[%rem3A_60, %run_scoped3A_248, %dma_wait3A_284] : memref<2x8x128xi32, #tpu.memory_space<vmem>> -> memref<1x1x128xi32, #tpu.memory_space<vmem>>
        %dma_wait3A_286 = tpu.memref_squeeze %dma_wait3A_285 : memref<1x1x128xi32, #tpu.memory_space<vmem>> -> memref<128xi32, #tpu.memory_space<vmem>>
        %dma_wait3A_287 = arith.constant 0 : i32
        %dma_wait3A_288 = arith.constant 0 : i32
        %dma_wait3A_289 = tpu.memref_slice %arg12[%dma_wait3A_287, %dma_wait3A_288] : memref<10240x128xf32, #tpu.memory_space<vmem_shared>> -> memref<10240x128xf32, #tpu.memory_space<vmem_shared>>
        tpu.wait_indirect_dma semaphore(%run_scoped3A_269 : memref<!tpu.dma_semaphore, #tpu.memory_space<semaphore_mem>>) src(%dma_wait3A_283 : memref<128x128xf32, #tpu.memory_space<vmem>>) dst(%dma_wait3A_289 : memref<10240x128xf32, #tpu.memory_space<vmem_shared>>)
        tpu.yield
      }) : () -> ()
      %dma_wait3A_249 = arith.constant 7 : i32
      %dma_wait3A_250 = arith.constant 1 : i32
      %dma_wait3A_251 = arith.constant 0 : i32
      %dma_wait3A_252 = arith.constant 0 : i32
      %dma_wait3A_253 = tpu.memref_slice %arg10[%dma_wait3A_250, %dma_wait3A_251, %dma_wait3A_252] : memref<2x128x128xf32, #tpu.memory_space<vmem>> -> memref<1x128x128xf32, #tpu.memory_space<vmem>>
      %dma_wait3A_254 = tpu.memref_squeeze %dma_wait3A_253 : memref<1x128x128xf32, #tpu.memory_space<vmem>> -> memref<128x128xf32, #tpu.memory_space<vmem>>
      %dma_wait3A_255 = arith.constant 0 : i32
      %dma_wait3A_256 = tpu.memref_slice %arg8[%rem3A_60, %dma_wait3A_249, %dma_wait3A_255] : memref<2x8x128xi32, #tpu.memory_space<vmem>> -> memref<1x1x128xi32, #tpu.memory_space<vmem>>
      %dma_wait3A_257 = tpu.memref_squeeze %dma_wait3A_256 : memref<1x1x128xi32, #tpu.memory_space<vmem>> -> memref<128xi32, #tpu.memory_space<vmem>>
      %dma_wait3A_258 = arith.constant 0 : i32
      %dma_wait3A_259 = arith.constant 0 : i32
      %dma_wait3A_260 = tpu.memref_slice %arg2[%dma_wait3A_258, %dma_wait3A_259] : memref<10000x128xf32, #tpu.memory_space<hbm>> -> memref<10000x128xf32, #tpu.memory_space<hbm>>
      tpu.wait_indirect_dma semaphore(%arg13 : memref<!tpu.dma_semaphore, #tpu.memory_space<semaphore_mem>>) src(%dma_wait3A_260 : memref<10000x128xf32, #tpu.memory_space<hbm>>) dst(%dma_wait3A_254 : memref<128x128xf32, #tpu.memory_space<vmem>>)
      %add3A_261 = arith.constant 1 : i32
      %add3A_262 = arith.addi %while3A_58, %add3A_261 : i32
      %lt3A_263 = arith.cmpi slt, %add3A_262, %select_n3A : i32
      %convert_element_type3A_264 = arith.extui %lt3A_263 : i1 to i32
      %cond3A_265 = arith.constant 0 : i32
      %cond3A_266 = arith.cmpi ne, %convert_element_type3A_264, %cond3A_265 : i32
      scf.if %cond3A_266 {
        %dma_start3A_269 = arith.constant 0 : i32
        %dma_start3A_270 = arith.constant 0 : i32
        %dma_start3A_271 = arith.constant 0 : i32
        %dma_start3A_272 = arith.constant 0 : i32
        %dma_start3A_273 = tpu.memref_slice %arg10[%dma_start3A_270, %dma_start3A_271, %dma_start3A_272] : memref<2x128x128xf32, #tpu.memory_space<vmem>> -> memref<1x128x128xf32, #tpu.memory_space<vmem>>
        %dma_start3A_274 = tpu.memref_squeeze %dma_start3A_273 : memref<1x128x128xf32, #tpu.memory_space<vmem>> -> memref<128x128xf32, #tpu.memory_space<vmem>>
        %dma_start3A_275 = arith.constant 0 : i32
        %dma_start3A_276 = tpu.memref_slice %arg8[%rem3A_64, %dma_start3A_269, %dma_start3A_275] : memref<2x8x128xi32, #tpu.memory_space<vmem>> -> memref<1x1x128xi32, #tpu.memory_space<vmem>>
        %dma_start3A_277 = tpu.memref_squeeze %dma_start3A_276 : memref<1x1x128xi32, #tpu.memory_space<vmem>> -> memref<128xi32, #tpu.memory_space<vmem>>
        %dma_start3A_278 = arith.constant 0 : i32
        %dma_start3A_279 = arith.constant 0 : i32
        %dma_start3A_280 = tpu.memref_slice %arg2[%dma_start3A_278, %dma_start3A_279] : memref<10000x128xf32, #tpu.memory_space<hbm>> -> memref<10000x128xf32, #tpu.memory_space<hbm>>
        tpu.enqueue_indirect_dma source(%dma_start3A_280 : memref<10000x128xf32, #tpu.memory_space<hbm>>) target(%dma_start3A_274 : memref<128x128xf32, #tpu.memory_space<vmem>>) offsets(%dma_start3A_277 : memref<128xi32, #tpu.memory_space<vmem>>) semaphore(%arg13 : memref<!tpu.dma_semaphore, #tpu.memory_space<semaphore_mem>>)
      } else {
      }
      %run_scoped3A_267 = arith.constant 1 : i32
      %run_scoped3A_268 = arith.constant 7 : i32
      "tpu.region"() ({
        %run_scoped3A_269 = tpu.sem_alloc : memref<!tpu.dma_semaphore, #tpu.memory_space<semaphore_mem>>
        %dma_start3A_270 = arith.constant 0 : i32
        %dma_start3A_271 = arith.constant 0 : i32
        %dma_start3A_272 = tpu.memref_slice %arg10[%run_scoped3A_267, %dma_start3A_270, %dma_start3A_271] : memref<2x128x128xf32, #tpu.memory_space<vmem>> -> memref<1x128x128xf32, #tpu.memory_space<vmem>>
        %dma_start3A_273 = tpu.memref_squeeze %dma_start3A_272 : memref<1x128x128xf32, #tpu.memory_space<vmem>> -> memref<128x128xf32, #tpu.memory_space<vmem>>
        %dma_start3A_274 = arith.constant 0 : i32
        %dma_start3A_275 = tpu.memref_slice %arg9[%rem3A_60, %run_scoped3A_268, %dma_start3A_274] : memref<2x8x128xi32, #tpu.memory_space<vmem>> -> memref<1x1x128xi32, #tpu.memory_space<vmem>>
        %dma_start3A_276 = tpu.memref_squeeze %dma_start3A_275 : memref<1x1x128xi32, #tpu.memory_space<vmem>> -> memref<128xi32, #tpu.memory_space<vmem>>
        %dma_start3A_277 = arith.constant 0 : i32
        %dma_start3A_278 = arith.constant 0 : i32
        %dma_start3A_279 = tpu.memref_slice %arg12[%dma_start3A_277, %dma_start3A_278] : memref<10240x128xf32, #tpu.memory_space<vmem_shared>> -> memref<10240x128xf32, #tpu.memory_space<vmem_shared>>
        tpu.enqueue_indirect_dma source(%dma_start3A_273 : memref<128x128xf32, #tpu.memory_space<vmem>>) target(%dma_start3A_279 : memref<10240x128xf32, #tpu.memory_space<vmem_shared>>) offsets(%dma_start3A_276 : memref<128xi32, #tpu.memory_space<vmem>>) semaphore(%run_scoped3A_269 : memref<!tpu.dma_semaphore, #tpu.memory_space<semaphore_mem>>) {add = true}
        %dma_wait3A_280 = arith.constant 0 : i32
        %dma_wait3A_281 = arith.constant 0 : i32
        %dma_wait3A_282 = tpu.memref_slice %arg10[%run_scoped3A_267, %dma_wait3A_280, %dma_wait3A_281] : memref<2x128x128xf32, #tpu.memory_space<vmem>> -> memref<1x128x128xf32, #tpu.memory_space<vmem>>
        %dma_wait3A_283 = tpu.memref_squeeze %dma_wait3A_282 : memref<1x128x128xf32, #tpu.memory_space<vmem>> -> memref<128x128xf32, #tpu.memory_space<vmem>>
        %dma_wait3A_284 = arith.constant 0 : i32
        %dma_wait3A_285 = tpu.memref_slice %arg9[%rem3A_60, %run_scoped3A_268, %dma_wait3A_284] : memref<2x8x128xi32, #tpu.memory_space<vmem>> -> memref<1x1x128xi32, #tpu.memory_space<vmem>>
        %dma_wait3A_286 = tpu.memref_squeeze %dma_wait3A_285 : memref<1x1x128xi32, #tpu.memory_space<vmem>> -> memref<128xi32, #tpu.memory_space<vmem>>
        %dma_wait3A_287 = arith.constant 0 : i32
        %dma_wait3A_288 = arith.constant 0 : i32
        %dma_wait3A_289 = tpu.memref_slice %arg12[%dma_wait3A_287, %dma_wait3A_288] : memref<10240x128xf32, #tpu.memory_space<vmem_shared>> -> memref<10240x128xf32, #tpu.memory_space<vmem_shared>>
        tpu.wait_indirect_dma semaphore(%run_scoped3A_269 : memref<!tpu.dma_semaphore, #tpu.memory_space<semaphore_mem>>) src(%dma_wait3A_283 : memref<128x128xf32, #tpu.memory_space<vmem>>) dst(%dma_wait3A_289 : memref<10240x128xf32, #tpu.memory_space<vmem_shared>>)
        tpu.yield
      }) : () -> ()
    }
    %barrier3A_51 = arith.constant 0 : index
    tpu.barrier barrier_id(%barrier3A_51)
    %scan3A_52 = arith.constant 0 : i32
    %scan3A_53 = arith.constant 0 : i32
    %scan3A_54 = arith.constant 5 : i32
    %scan3A_55 = arith.addi %scan3A_53, %scan3A_54 : i32
    %scan3A_56 = arith.constant 1 : i32
    scf.for %scan3A_58 = %scan3A_53 to %scan3A_55 step %scan3A_56  : i32 {
      %run_scoped3A_59 = arith.constant 0 : i32
      "tpu.region"() ({
        %run_scoped3A_66 = tpu.sem_alloc : memref<!tpu.dma_semaphore, #tpu.memory_space<semaphore_mem>>
        %dma_start3A_67 = arith.constant 0 : i32
        %dma_start3A_68 = arith.constant 0 : i32
        %dma_start3A_69 = tpu.memref_slice %arg10[%run_scoped3A_59, %dma_start3A_67, %dma_start3A_68] : memref<2x128x128xf32, #tpu.memory_space<vmem>> -> memref<1x128x128xf32, #tpu.memory_space<vmem>>
        %dma_start3A_70 = tpu.memref_squeeze %dma_start3A_69 : memref<1x128x128xf32, #tpu.memory_space<vmem>> -> memref<128x128xf32, #tpu.memory_space<vmem>>
        %dma_start3A_71 = arith.constant 0 : i32
        %dma_start3A_72 = tpu.memref_slice %arg11[%scan3A_58, %dma_start3A_71] : memref<5x128xi32, #tpu.memory_space<vmem>> -> memref<1x128xi32, #tpu.memory_space<vmem>>
        %dma_start3A_73 = tpu.memref_squeeze %dma_start3A_72 : memref<1x128xi32, #tpu.memory_space<vmem>> -> memref<128xi32, #tpu.memory_space<vmem>>
        %dma_start3A_74 = arith.constant 0 : i32
        %dma_start3A_75 = arith.constant 0 : i32
        %dma_start3A_76 = tpu.memref_slice %arg12[%dma_start3A_74, %dma_start3A_75] : memref<10240x128xf32, #tpu.memory_space<vmem_shared>> -> memref<10240x128xf32, #tpu.memory_space<vmem_shared>>
        tpu.enqueue_indirect_dma source(%dma_start3A_76 : memref<10240x128xf32, #tpu.memory_space<vmem_shared>>) target(%dma_start3A_70 : memref<128x128xf32, #tpu.memory_space<vmem>>) offsets(%dma_start3A_73 : memref<128xi32, #tpu.memory_space<vmem>>) semaphore(%run_scoped3A_66 : memref<!tpu.dma_semaphore, #tpu.memory_space<semaphore_mem>>)
        %dma_wait3A = arith.constant 0 : i32
        %dma_wait3A_77 = arith.constant 0 : i32
        %dma_wait3A_78 = tpu.memref_slice %arg10[%run_scoped3A_59, %dma_wait3A, %dma_wait3A_77] : memref<2x128x128xf32, #tpu.memory_space<vmem>> -> memref<1x128x128xf32, #tpu.memory_space<vmem>>
        %dma_wait3A_79 = tpu.memref_squeeze %dma_wait3A_78 : memref<1x128x128xf32, #tpu.memory_space<vmem>> -> memref<128x128xf32, #tpu.memory_space<vmem>>
        %dma_wait3A_80 = arith.constant 0 : i32
        %dma_wait3A_81 = tpu.memref_slice %arg11[%scan3A_58, %dma_wait3A_80] : memref<5x128xi32, #tpu.memory_space<vmem>> -> memref<1x128xi32, #tpu.memory_space<vmem>>
        %dma_wait3A_82 = tpu.memref_squeeze %dma_wait3A_81 : memref<1x128xi32, #tpu.memory_space<vmem>> -> memref<128xi32, #tpu.memory_space<vmem>>
        %dma_wait3A_83 = arith.constant 0 : i32
        %dma_wait3A_84 = arith.constant 0 : i32
        %dma_wait3A_85 = tpu.memref_slice %arg12[%dma_wait3A_83, %dma_wait3A_84] : memref<10240x128xf32, #tpu.memory_space<vmem_shared>> -> memref<10240x128xf32, #tpu.memory_space<vmem_shared>>
        tpu.wait_indirect_dma semaphore(%run_scoped3A_66 : memref<!tpu.dma_semaphore, #tpu.memory_space<semaphore_mem>>) src(%dma_wait3A_85 : memref<10240x128xf32, #tpu.memory_space<vmem_shared>>) dst(%dma_wait3A_79 : memref<128x128xf32, #tpu.memory_space<vmem>>)
        tpu.yield
      }) : () -> ()
      %mul3A_60 = arith.constant 640 : i32
      %mul3A_61 = arith.muli %arg1, %mul3A_60 : i32
      %mul3A_62 = arith.constant 128 : i32
      %mul3A_63 = arith.muli %scan3A_58, %mul3A_62 : i32
      %add3A_64 = arith.addi %mul3A_61, %mul3A_63 : i32
      %run_scoped3A_65 = arith.constant 0 : i32
      "tpu.region"() ({
        %run_scoped3A_66 = tpu.sem_alloc : memref<!tpu.dma_semaphore, #tpu.memory_space<semaphore_mem>>
        %dma_start3A_67 = arith.constant 0 : i32
        %dma_start3A_68 = arith.constant 0 : i32
        %dma_start3A_69 = tpu.memref_slice %arg10[%run_scoped3A_65, %dma_start3A_67, %dma_start3A_68] : memref<2x128x128xf32, #tpu.memory_space<vmem>> -> memref<1x128x128xf32, #tpu.memory_space<vmem>>
        %dma_start3A_70 = tpu.memref_squeeze %dma_start3A_69 : memref<1x128x128xf32, #tpu.memory_space<vmem>> -> memref<128x128xf32, #tpu.memory_space<vmem>>
        %dma_start3A_71 = arith.constant 0 : i32
        %dma_start3A_72 = tpu.memref_slice %arg7[%arg0, %add3A_64, %dma_start3A_71] : memref<2x10240x128xf32, #tpu.memory_space<hbm>> -> memref<1x128x128xf32, #tpu.memory_space<hbm>>
        %dma_start3A_73 = tpu.memref_squeeze %dma_start3A_72 : memref<1x128x128xf32, #tpu.memory_space<hbm>> -> memref<128x128xf32, #tpu.memory_space<hbm>>
        %dma_start3A_74 = arith.constant 0 : i32
        %dma_start3A_75 = tpu.memref_slice %arg7[%arg0, %add3A_64, %dma_start3A_74] : memref<2x10240x128xf32, #tpu.memory_space<hbm>> -> memref<1x128x128xf32, #tpu.memory_space<hbm>>
        %dma_start3A_76 = tpu.memref_squeeze %dma_start3A_75 : memref<1x128x128xf32, #tpu.memory_space<hbm>> -> memref<128x128xf32, #tpu.memory_space<hbm>>
        %dma_start3A_77 = arith.constant 0 : i32
        %dma_start3A_78 = arith.constant 0 : i32
        %dma_start3A_79 = tpu.memref_slice %arg10[%run_scoped3A_65, %dma_start3A_77, %dma_start3A_78] : memref<2x128x128xf32, #tpu.memory_space<vmem>> -> memref<1x128x128xf32, #tpu.memory_space<vmem>>
        %dma_start3A_80 = tpu.memref_squeeze %dma_start3A_79 : memref<1x128x128xf32, #tpu.memory_space<vmem>> -> memref<128x128xf32, #tpu.memory_space<vmem>>
        tpu.enqueue_dma source(%dma_start3A_80 : memref<128x128xf32, #tpu.memory_space<vmem>>) target(%dma_start3A_76 : memref<128x128xf32, #tpu.memory_space<hbm>>) target_semaphore(%run_scoped3A_66 : memref<!tpu.dma_semaphore, #tpu.memory_space<semaphore_mem>>)
        %dma_wait3A = arith.constant 0 : i32
        %dma_wait3A_81 = arith.constant 0 : i32
        %dma_wait3A_82 = tpu.memref_slice %arg10[%run_scoped3A_65, %dma_wait3A, %dma_wait3A_81] : memref<2x128x128xf32, #tpu.memory_space<vmem>> -> memref<1x128x128xf32, #tpu.memory_space<vmem>>
        %dma_wait3A_83 = tpu.memref_squeeze %dma_wait3A_82 : memref<1x128x128xf32, #tpu.memory_space<vmem>> -> memref<128x128xf32, #tpu.memory_space<vmem>>
        %dma_wait3A_84 = arith.constant 0 : i32
        %dma_wait3A_85 = tpu.memref_slice %arg7[%arg0, %add3A_64, %dma_wait3A_84] : memref<2x10240x128xf32, #tpu.memory_space<hbm>> -> memref<1x128x128xf32, #tpu.memory_space<hbm>>
        %dma_wait3A_86 = tpu.memref_squeeze %dma_wait3A_85 : memref<1x128x128xf32, #tpu.memory_space<hbm>> -> memref<128x128xf32, #tpu.memory_space<hbm>>
        %dma_wait3A_87 = arith.constant 0 : i32
        %dma_wait3A_88 = tpu.memref_slice %arg7[%arg0, %add3A_64, %dma_wait3A_87] : memref<2x10240x128xf32, #tpu.memory_space<hbm>> -> memref<1x128x128xf32, #tpu.memory_space<hbm>>
        %dma_wait3A_89 = tpu.memref_squeeze %dma_wait3A_88 : memref<1x128x128xf32, #tpu.memory_space<hbm>> -> memref<128x128xf32, #tpu.memory_space<hbm>>
        %dma_wait3A_90 = arith.constant 0 : i32
        %dma_wait3A_91 = arith.constant 0 : i32
        %dma_wait3A_92 = tpu.memref_slice %arg10[%run_scoped3A_65, %dma_wait3A_90, %dma_wait3A_91] : memref<2x128x128xf32, #tpu.memory_space<vmem>> -> memref<1x128x128xf32, #tpu.memory_space<vmem>>
        %dma_wait3A_93 = tpu.memref_squeeze %dma_wait3A_92 : memref<1x128x128xf32, #tpu.memory_space<vmem>> -> memref<128x128xf32, #tpu.memory_space<vmem>>
        tpu.wait_dma2 semaphore(%run_scoped3A_66 : memref<!tpu.dma_semaphore, #tpu.memory_space<semaphore_mem>>) src(%dma_wait3A_93 : memref<128x128xf32, #tpu.memory_space<vmem>>) dst(%dma_wait3A_89 : memref<128x128xf32, #tpu.memory_space<hbm>>)
        tpu.yield
      }) : () -> ()
    }
    %scan3A_57 = arith.constant 5 : i32
    return
  }
}

module attributes {stable_mosaic.version = 14 : i64} {
  func.func @_tc_layer1_body(%arg0: i32, %arg1: memref<400x128xf32, #tpu.memory_space<vmem>>, %arg2: memref<2x400x128xf32, #tpu.memory_space<vmem>>, %arg3: memref<2x400x128xf32, #tpu.memory_space<vmem>>, %arg4: memref<128x128xf32, #tpu.memory_space<vmem>>, %arg5: memref<128x128xf32, #tpu.memory_space<vmem>>, %arg6: memref<1x128xf32, #tpu.memory_space<vmem>>, %arg7: memref<400x128xf32, #tpu.memory_space<vmem>>) attributes {dimension_semantics = [#tpu.dimension_semantics<arbitrary>], iteration_bounds = array<i64: 25>, scalar_prefetch = 0 : i64, scratch_operands = 0 : i64, tpu.core_type = #tpu.core_type<tc>, window_params = [{transform_indices = @transform_0, window_bounds = array<i64: 400, 128>}, {transform_indices = @transform_1, window_bounds = array<i64: 2, 400, 128>}, {transform_indices = @transform_2, window_bounds = array<i64: 2, 400, 128>}, {pipeline_mode = #tpu.pipeline_mode<synchronous>, transform_indices = @transform_3, window_bounds = array<i64: 128, 128>}, {pipeline_mode = #tpu.pipeline_mode<synchronous>, transform_indices = @transform_4, window_bounds = array<i64: 128, 128>}, {pipeline_mode = #tpu.pipeline_mode<synchronous>, transform_indices = @transform_5, window_bounds = array<i64: 1, 128>}, {transform_indices = @transform_6, window_bounds = array<i64: 400, 128>}]} {
    %get3A = arith.constant 0 : index
    %get3A_0 = arith.constant 0 : index
    %get3A_1 = arith.constant 0 : index
    %get3A_2 = vector.load %arg2[%get3A, %get3A_0, %get3A_1] : memref<2x400x128xf32, #tpu.memory_space<vmem>>, vector<1x400x128xf32>
    %get3A_3 = vector.shape_cast %get3A_2 : vector<1x400x128xf32> to vector<400x128xf32>
    %get3A_4 = arith.constant 1 : index
    %get3A_5 = arith.constant 0 : index
    %get3A_6 = arith.constant 0 : index
    %get3A_7 = vector.load %arg2[%get3A_4, %get3A_5, %get3A_6] : memref<2x400x128xf32, #tpu.memory_space<vmem>>, vector<1x400x128xf32>
    %get3A_8 = vector.shape_cast %get3A_7 : vector<1x400x128xf32> to vector<400x128xf32>
    %add3A = arith.addf %get3A_3, %get3A_8 : vector<400x128xf32>
    %get3A_9 = arith.constant 0 : index
    %get3A_10 = arith.constant 0 : index
    %get3A_11 = arith.constant 0 : index
    %get3A_12 = vector.load %arg3[%get3A_9, %get3A_10, %get3A_11] : memref<2x400x128xf32, #tpu.memory_space<vmem>>, vector<1x400x128xf32>
    %get3A_13 = vector.shape_cast %get3A_12 : vector<1x400x128xf32> to vector<400x128xf32>
    %get3A_14 = arith.constant 1 : index
    %get3A_15 = arith.constant 0 : index
    %get3A_16 = arith.constant 0 : index
    %get3A_17 = vector.load %arg3[%get3A_14, %get3A_15, %get3A_16] : memref<2x400x128xf32, #tpu.memory_space<vmem>>, vector<1x400x128xf32>
    %get3A_18 = vector.shape_cast %get3A_17 : vector<1x400x128xf32> to vector<400x128xf32>
    %add3A_19 = arith.addf %get3A_13, %get3A_18 : vector<400x128xf32>
    %slice3A = vector.extract_strided_slice %add3A_19 {offsets = [0, 0], sizes = [400, 1], strides = [1, 1]} : vector<400x128xf32> to vector<400x1xf32>
    %max3A = arith.constant 1.000000e+00 : f32
    %max3A_20 = vector.broadcast %max3A : f32 to vector<400x1xf32>
    %max3A_21 = arith.maximumf %slice3A, %max3A_20 : vector<400x1xf32>
    %div3A = arith.constant 1.000000e+00 : f32
    %div3A_22 = vector.broadcast %div3A : f32 to vector<400x1xf32>
    %div3A_23 = arith.divf %div3A_22, %max3A_21 : vector<400x1xf32>
    %get3A_24 = arith.constant 0 : index
    %get3A_25 = arith.constant 0 : index
    %get3A_26 = vector.load %arg1[%get3A_24, %get3A_25] : memref<400x128xf32, #tpu.memory_space<vmem>>, vector<400x128xf32>
    %get3A_27 = arith.constant 0 : index
    %get3A_28 = arith.constant 0 : index
    %get3A_29 = vector.load %arg4[%get3A_27, %get3A_28] : memref<128x128xf32, #tpu.memory_space<vmem>>, vector<128x128xf32>
    %dot_general3A = arith.constant dense<0.000000e+00> : vector<400x128xf32>
    %dot_general3A_30 = tpu.matmul %get3A_26, %get3A_29, %dot_general3A {dimension_numbers = #tpu.dot_dimension_numbers<[1], [0], [0], [1], [0, 0, 1, 1], [], []>, transpose_lhs_hint = false} : vector<400x128xf32>, vector<128x128xf32>, vector<400x128xf32> -> vector<400x128xf32>
    %mul3A = vector.broadcast %div3A_23 : vector<400x1xf32> to vector<400x128xf32>
    %mul3A_31 = arith.mulf %add3A, %mul3A : vector<400x128xf32>
    %get3A_32 = arith.constant 0 : index
    %get3A_33 = arith.constant 0 : index
    %get3A_34 = vector.load %arg5[%get3A_32, %get3A_33] : memref<128x128xf32, #tpu.memory_space<vmem>>, vector<128x128xf32>
    %dot_general3A_35 = arith.constant dense<0.000000e+00> : vector<400x128xf32>
    %dot_general3A_36 = tpu.matmul %mul3A_31, %get3A_34, %dot_general3A_35 {dimension_numbers = #tpu.dot_dimension_numbers<[1], [0], [0], [1], [0, 0, 1, 1], [], []>, transpose_lhs_hint = false} : vector<400x128xf32>, vector<128x128xf32>, vector<400x128xf32> -> vector<400x128xf32>
    %add3A_37 = arith.addf %dot_general3A_30, %dot_general3A_36 : vector<400x128xf32>
    %get3A_38 = arith.constant 0 : index
    %get3A_39 = arith.constant 0 : index
    %get3A_40 = vector.load %arg6[%get3A_38, %get3A_39] : memref<1x128xf32, #tpu.memory_space<vmem>>, vector<1x128xf32>
    %add3A_41 = vector.broadcast %get3A_40 : vector<1x128xf32> to vector<400x128xf32>
    %add3A_42 = arith.addf %add3A_37, %add3A_41 : vector<400x128xf32>
    %max3A_43 = arith.constant 0.000000e+00 : f32
    %max3A_44 = vector.broadcast %max3A_43 : f32 to vector<400x128xf32>
    %max3A_45 = arith.maximumf %add3A_42, %max3A_44 : vector<400x128xf32>
    %swap3A = arith.constant 0 : index
    %swap3A_46 = arith.constant 0 : index
    %swap3A_47 = vector.load %arg7[%swap3A, %swap3A_46] : memref<400x128xf32, #tpu.memory_space<vmem>>, vector<400x128xf32>
    tpu.vector_store %arg7[%swap3A, %swap3A_46], %max3A_45 {strides = array<i32>} : memref<400x128xf32, #tpu.memory_space<vmem>>, vector<400x128xf32>,
    return
  }
  func.func @transform_0(%arg0: i32) -> (i32, i32) {
    %c0_i32 = arith.constant 0 : i32
    %c0_i32_0 = arith.constant 0 : i32
    return %arg0, %c0_i32 : i32, i32
  }
  func.func @transform_1(%arg0: i32) -> (i32, i32, i32) {
    %c0_i32 = arith.constant 0 : i32
    %c0_i32_0 = arith.constant 0 : i32
    %c0_i32_1 = arith.constant 0 : i32
    return %c0_i32, %arg0, %c0_i32_0 : i32, i32, i32
  }
  func.func @transform_2(%arg0: i32) -> (i32, i32, i32) {
    %c0_i32 = arith.constant 0 : i32
    %c0_i32_0 = arith.constant 0 : i32
    %c0_i32_1 = arith.constant 0 : i32
    return %c0_i32, %arg0, %c0_i32_0 : i32, i32, i32
  }
  func.func @transform_3(%arg0: i32) -> (i32, i32) {
    %c0_i32 = arith.constant 0 : i32
    %c0_i32_0 = arith.constant 0 : i32
    %c0_i32_1 = arith.constant 0 : i32
    return %c0_i32, %c0_i32_0 : i32, i32
  }
  func.func @transform_4(%arg0: i32) -> (i32, i32) {
    %c0_i32 = arith.constant 0 : i32
    %c0_i32_0 = arith.constant 0 : i32
    %c0_i32_1 = arith.constant 0 : i32
    return %c0_i32, %c0_i32_0 : i32, i32
  }
  func.func @transform_5(%arg0: i32) -> (i32, i32) {
    %c0_i32 = arith.constant 0 : i32
    %c0_i32_0 = arith.constant 0 : i32
    %c0_i32_1 = arith.constant 0 : i32
    return %c0_i32, %c0_i32_0 : i32, i32
  }
  func.func @transform_6(%arg0: i32) -> (i32, i32) {
    %c0_i32 = arith.constant 0 : i32
    %c0_i32_0 = arith.constant 0 : i32
    return %arg0, %c0_i32 : i32, i32
  }
}

module attributes {stable_mosaic.version = 14 : i64} {
  func.func @_tc_layer2_body(%arg0: i32, %arg1: memref<400x128xf32, #tpu.memory_space<vmem>>, %arg2: memref<2x400x128xf32, #tpu.memory_space<vmem>>, %arg3: memref<2x400x128xf32, #tpu.memory_space<vmem>>, %arg4: memref<128x128xf32, #tpu.memory_space<vmem>>, %arg5: memref<128x128xf32, #tpu.memory_space<vmem>>, %arg6: memref<1x128xf32, #tpu.memory_space<vmem>>, %arg7: memref<128x128xf32, #tpu.memory_space<vmem>>, %arg8: memref<1x128xf32, #tpu.memory_space<vmem>>, %arg9: memref<400x128xf32, #tpu.memory_space<vmem>>) attributes {dimension_semantics = [#tpu.dimension_semantics<arbitrary>], iteration_bounds = array<i64: 25>, scalar_prefetch = 0 : i64, scratch_operands = 0 : i64, tpu.core_type = #tpu.core_type<tc>, window_params = [{transform_indices = @transform_0, window_bounds = array<i64: 400, 128>}, {transform_indices = @transform_1, window_bounds = array<i64: 2, 400, 128>}, {transform_indices = @transform_2, window_bounds = array<i64: 2, 400, 128>}, {pipeline_mode = #tpu.pipeline_mode<synchronous>, transform_indices = @transform_3, window_bounds = array<i64: 128, 128>}, {pipeline_mode = #tpu.pipeline_mode<synchronous>, transform_indices = @transform_4, window_bounds = array<i64: 128, 128>}, {pipeline_mode = #tpu.pipeline_mode<synchronous>, transform_indices = @transform_5, window_bounds = array<i64: 1, 128>}, {pipeline_mode = #tpu.pipeline_mode<synchronous>, transform_indices = @transform_6, window_bounds = array<i64: 128, 128>}, {pipeline_mode = #tpu.pipeline_mode<synchronous>, transform_indices = @transform_7, window_bounds = array<i64: 1, 128>}, {transform_indices = @transform_8, window_bounds = array<i64: 400, 128>}]} {
    %get3A = arith.constant 0 : index
    %get3A_0 = arith.constant 0 : index
    %get3A_1 = arith.constant 0 : index
    %get3A_2 = vector.load %arg2[%get3A, %get3A_0, %get3A_1] : memref<2x400x128xf32, #tpu.memory_space<vmem>>, vector<1x400x128xf32>
    %get3A_3 = vector.shape_cast %get3A_2 : vector<1x400x128xf32> to vector<400x128xf32>
    %get3A_4 = arith.constant 1 : index
    %get3A_5 = arith.constant 0 : index
    %get3A_6 = arith.constant 0 : index
    %get3A_7 = vector.load %arg2[%get3A_4, %get3A_5, %get3A_6] : memref<2x400x128xf32, #tpu.memory_space<vmem>>, vector<1x400x128xf32>
    %get3A_8 = vector.shape_cast %get3A_7 : vector<1x400x128xf32> to vector<400x128xf32>
    %add3A = arith.addf %get3A_3, %get3A_8 : vector<400x128xf32>
    %get3A_9 = arith.constant 0 : index
    %get3A_10 = arith.constant 0 : index
    %get3A_11 = arith.constant 0 : index
    %get3A_12 = vector.load %arg3[%get3A_9, %get3A_10, %get3A_11] : memref<2x400x128xf32, #tpu.memory_space<vmem>>, vector<1x400x128xf32>
    %get3A_13 = vector.shape_cast %get3A_12 : vector<1x400x128xf32> to vector<400x128xf32>
    %get3A_14 = arith.constant 1 : index
    %get3A_15 = arith.constant 0 : index
    %get3A_16 = arith.constant 0 : index
    %get3A_17 = vector.load %arg3[%get3A_14, %get3A_15, %get3A_16] : memref<2x400x128xf32, #tpu.memory_space<vmem>>, vector<1x400x128xf32>
    %get3A_18 = vector.shape_cast %get3A_17 : vector<1x400x128xf32> to vector<400x128xf32>
    %add3A_19 = arith.addf %get3A_13, %get3A_18 : vector<400x128xf32>
    %slice3A = vector.extract_strided_slice %add3A_19 {offsets = [0, 0], sizes = [400, 1], strides = [1, 1]} : vector<400x128xf32> to vector<400x1xf32>
    %max3A = arith.constant 1.000000e+00 : f32
    %max3A_20 = vector.broadcast %max3A : f32 to vector<400x1xf32>
    %max3A_21 = arith.maximumf %slice3A, %max3A_20 : vector<400x1xf32>
    %div3A = arith.constant 1.000000e+00 : f32
    %div3A_22 = vector.broadcast %div3A : f32 to vector<400x1xf32>
    %div3A_23 = arith.divf %div3A_22, %max3A_21 : vector<400x1xf32>
    %get3A_24 = arith.constant 0 : index
    %get3A_25 = arith.constant 0 : index
    %get3A_26 = vector.load %arg1[%get3A_24, %get3A_25] : memref<400x128xf32, #tpu.memory_space<vmem>>, vector<400x128xf32>
    %get3A_27 = arith.constant 0 : index
    %get3A_28 = arith.constant 0 : index
    %get3A_29 = vector.load %arg4[%get3A_27, %get3A_28] : memref<128x128xf32, #tpu.memory_space<vmem>>, vector<128x128xf32>
    %dot_general3A = arith.constant dense<0.000000e+00> : vector<400x128xf32>
    %dot_general3A_30 = tpu.matmul %get3A_26, %get3A_29, %dot_general3A {dimension_numbers = #tpu.dot_dimension_numbers<[1], [0], [0], [1], [0, 0, 1, 1], [], []>, transpose_lhs_hint = false} : vector<400x128xf32>, vector<128x128xf32>, vector<400x128xf32> -> vector<400x128xf32>
    %mul3A = vector.broadcast %div3A_23 : vector<400x1xf32> to vector<400x128xf32>
    %mul3A_31 = arith.mulf %add3A, %mul3A : vector<400x128xf32>
    %get3A_32 = arith.constant 0 : index
    %get3A_33 = arith.constant 0 : index
    %get3A_34 = vector.load %arg5[%get3A_32, %get3A_33] : memref<128x128xf32, #tpu.memory_space<vmem>>, vector<128x128xf32>
    %dot_general3A_35 = arith.constant dense<0.000000e+00> : vector<400x128xf32>
    %dot_general3A_36 = tpu.matmul %mul3A_31, %get3A_34, %dot_general3A_35 {dimension_numbers = #tpu.dot_dimension_numbers<[1], [0], [0], [1], [0, 0, 1, 1], [], []>, transpose_lhs_hint = false} : vector<400x128xf32>, vector<128x128xf32>, vector<400x128xf32> -> vector<400x128xf32>
    %add3A_37 = arith.addf %dot_general3A_30, %dot_general3A_36 : vector<400x128xf32>
    %get3A_38 = arith.constant 0 : index
    %get3A_39 = arith.constant 0 : index
    %get3A_40 = vector.load %arg6[%get3A_38, %get3A_39] : memref<1x128xf32, #tpu.memory_space<vmem>>, vector<1x128xf32>
    %add3A_41 = vector.broadcast %get3A_40 : vector<1x128xf32> to vector<400x128xf32>
    %add3A_42 = arith.addf %add3A_37, %add3A_41 : vector<400x128xf32>
    %max3A_43 = arith.constant 0.000000e+00 : f32
    %max3A_44 = vector.broadcast %max3A_43 : f32 to vector<400x128xf32>
    %max3A_45 = arith.maximumf %add3A_42, %max3A_44 : vector<400x128xf32>
    %get3A_46 = arith.constant 0 : index
    %get3A_47 = arith.constant 0 : index
    %get3A_48 = vector.load %arg7[%get3A_46, %get3A_47] : memref<128x128xf32, #tpu.memory_space<vmem>>, vector<128x128xf32>
    %dot_general3A_49 = arith.constant dense<0.000000e+00> : vector<400x128xf32>
    %dot_general3A_50 = tpu.matmul %max3A_45, %get3A_48, %dot_general3A_49 {dimension_numbers = #tpu.dot_dimension_numbers<[1], [0], [0], [1], [0, 0, 1, 1], [], []>, transpose_lhs_hint = false} : vector<400x128xf32>, vector<128x128xf32>, vector<400x128xf32> -> vector<400x128xf32>
    %get3A_51 = arith.constant 0 : index
    %get3A_52 = arith.constant 0 : index
    %get3A_53 = vector.load %arg8[%get3A_51, %get3A_52] : memref<1x128xf32, #tpu.memory_space<vmem>>, vector<1x128xf32>
    %add3A_54 = vector.broadcast %get3A_53 : vector<1x128xf32> to vector<400x128xf32>
    %add3A_55 = arith.addf %dot_general3A_50, %add3A_54 : vector<400x128xf32>
    %swap3A = arith.constant 0 : index
    %swap3A_56 = arith.constant 0 : index
    %swap3A_57 = vector.load %arg9[%swap3A, %swap3A_56] : memref<400x128xf32, #tpu.memory_space<vmem>>, vector<400x128xf32>
    tpu.vector_store %arg9[%swap3A, %swap3A_56], %add3A_55 {strides = array<i32>} : memref<400x128xf32, #tpu.memory_space<vmem>>, vector<400x128xf32>,
    return
  }
  func.func @transform_0(%arg0: i32) -> (i32, i32) {
    %c0_i32 = arith.constant 0 : i32
    %c0_i32_0 = arith.constant 0 : i32
    return %arg0, %c0_i32 : i32, i32
  }
  func.func @transform_1(%arg0: i32) -> (i32, i32, i32) {
    %c0_i32 = arith.constant 0 : i32
    %c0_i32_0 = arith.constant 0 : i32
    %c0_i32_1 = arith.constant 0 : i32
    return %c0_i32, %arg0, %c0_i32_0 : i32, i32, i32
  }
  func.func @transform_2(%arg0: i32) -> (i32, i32, i32) {
    %c0_i32 = arith.constant 0 : i32
    %c0_i32_0 = arith.constant 0 : i32
    %c0_i32_1 = arith.constant 0 : i32
    return %c0_i32, %arg0, %c0_i32_0 : i32, i32, i32
  }
  func.func @transform_3(%arg0: i32) -> (i32, i32) {
    %c0_i32 = arith.constant 0 : i32
    %c0_i32_0 = arith.constant 0 : i32
    %c0_i32_1 = arith.constant 0 : i32
    return %c0_i32, %c0_i32_0 : i32, i32
  }
  func.func @transform_4(%arg0: i32) -> (i32, i32) {
    %c0_i32 = arith.constant 0 : i32
    %c0_i32_0 = arith.constant 0 : i32
    %c0_i32_1 = arith.constant 0 : i32
    return %c0_i32, %c0_i32_0 : i32, i32
  }
  func.func @transform_5(%arg0: i32) -> (i32, i32) {
    %c0_i32 = arith.constant 0 : i32
    %c0_i32_0 = arith.constant 0 : i32
    %c0_i32_1 = arith.constant 0 : i32
    return %c0_i32, %c0_i32_0 : i32, i32
  }
  func.func @transform_6(%arg0: i32) -> (i32, i32) {
    %c0_i32 = arith.constant 0 : i32
    %c0_i32_0 = arith.constant 0 : i32
    %c0_i32_1 = arith.constant 0 : i32
    return %c0_i32, %c0_i32_0 : i32, i32
  }
  func.func @transform_7(%arg0: i32) -> (i32, i32) {
    %c0_i32 = arith.constant 0 : i32
    %c0_i32_0 = arith.constant 0 : i32
    %c0_i32_1 = arith.constant 0 : i32
    return %c0_i32, %c0_i32_0 : i32, i32
  }
  func.func @transform_8(%arg0: i32) -> (i32, i32) {
    %c0_i32 = arith.constant 0 : i32
    %c0_i32_0 = arith.constant 0 : i32
    return %arg0, %c0_i32 : i32, i32
  }
}

</mosaic_0001>

<sc_bundles>
// kernel: kernel.10.cloned.1.call-start
scs
__scs_entry_jumppad:
0x0: {  	(pc) =	sbr.rel $0x88, $3  }
0x1: {  	(tag) =	ssettag $0x0;
	lr =	simm.s32 $0x1  }
0x2: {  	[smem:$0x3F97] =	sst lr;
	_ =	strace $0xD0000000  }
0x3: {  	_ = 	snop  }
0x4: {  	_ = 	snop  }
0x5: {  	_ = 	snop  }
0x6: {  	_ = 	snop  }
0x7: {  	_ = 	snop  }
__scs_overlays_trampoline_lowered:
0x8: {  	[smem:$0x3FA6] =	sst s0  }
0x9: {  	[smem:$0x3FA7] =	sst s1  }
0xa: {  	[smem:$0x3FA8] =	sst s2  }
0xb: {  	[smem:$0x3FA9] =	sst s3  }
0xc: {  	[smem:$0x3FAA] =	sst s4  }
0xd: {  	[smem:$0x3FAB] =	sst s5  }
0xe: {  	[smem:$0x3FAC] =	sst s6  }
0xf: {  	[smem:$0x3FAD] =	sst s7  }
0x10: {  	[smem:$0x3FAE] =	sst s8  }
0x11: {  	[smem:$0x3FAF] =	sst s9;
	s0 =	simm.s32 @!p0 $0x0  }
0x12: {  	s1 =	sld [smem:$0x3F95];
	s0 =	simm.s32 @p0 $0x1  }
0x13: {  	[smem:$0x3FB0] =	sst s0;
	s0 =	simm.s32 @!p1 $0x0  }
0x14: {  	s2 =	sld [smem:$0x3F94];
	s0 =	simm.s32 @p1 $0x1  }
0x15: {  	[smem:$0x3FB1] =	sst s0;
	s0 =	simm.s32 @!p2 $0x0  }
0x16: {  	s3 =	sld [smem:$0x3FDB];
	s0 =	simm.s32 @p2 $0x1  }
0x17: {  	s4 =	simm.s32 $0x1BF5;
	[smem:$0x3FB3] =	sst s0  }
0x18: {  	s0 =	sld [smem:$0x3F96];
	_ =	swait.ge [sflag:s4], $0x0  }
0x19: {  	s7 =	sld [smem:$0x3F97]  }
0x1a: {  	s8 =	sadd.s32 $0xFFFFE003, lr  }
0x1b: {  	s9 =	sadd.s32 $0xFFFFFEF7, lr;
	s5 =	simm.s32 $0xFFFFFFFF;
	p2 =	slt.u32 s8, $0xFFFFF086  }
0x1c: {  	p1 =	slt.u32 s9, $0xF7A;
	s5 =	simm.s32 @!p2 $0x0  }
0x1d: {  	s5 =	simm.s32 @p1 $0x1;
	p0 =	seq.s32 s7, s2  }
0x1e: {  	s7 =	smul.u32 @!p0 $0xF7A, s2;
	p2 =	seq.s32 @!p0 s5, $0x0  }
0x1f: {  	s9 =	smul.u32 $0xF7A, s1;
	s8 =	simm.s32 @!p0 $0x1BF5;
	p2 =	por !p2, p0  }
0x20: {  	[sflag:s8] =	ssyncset.s32 @!p0 $0xFFFFF086;
	s6 =	sadd.s32 @!p0 s3, s7;
	s7 =	simm.s32 @!p0 $0x108  }
0x21: {  	s3 =	sadd.s32 s3, s9;
	s6 =	sadd.s32 @!p0 $0x88, s6;
	s7 =	simm.s32 @p2 $0x1082  }
0x22: {  	[simem:s7], [sflag:s8] =	dma.local @!p0 [hbm:s6], $0xF7A  }
0x23: {  	s9 =	sor.u32 $0xD0000000, s2;
	s6 =	simm.s32 $0x108;
	_ =	swait.ge @!p0 [sflag:s8], $0x0  }
0x24: {  	s3 =	sadd.s32 $0x88, s3;
	s6 =	simm.s32 @!p1 $0x1082;
	[sflag:s4] =	ssyncset.s32 $0xFFFFF086  }
0x25: {  	[simem:s6], [sflag:s4] =	dma.local [hbm:s3], $0xF7A  }
0x26: {  	[smem:$0x3F97] =	sst s1;
	(tag) =	ssettag s2;
	_ =	strace s9  }
0x27: {  	s1 =	sld [smem:$0x3FA7]  }
0x28: {  	s2 =	sld [smem:$0x3FA8]  }
0x29: {  	s4 =	sld [smem:$0x3FAA]  }
0x2a: {  	p0 =	seq.s32 s5, $0x0;
	s5 =	sld [smem:$0x3FAB]  }
0x2b: {  	s6 =	sld [smem:$0x3FAC]  }
0x2c: {  	s7 =	sld [smem:$0x3FAD]  }
0x2d: {  	s3 =	simm.s32 $0x108;
	s8 =	sld [smem:$0x3FAE]  }
0x2e: {  	s3 =	simm.s32 @!p0 $0x1082;
	s9 =	sld [smem:$0x3FAF]  }
0x2f: {  	lr =	sadd.s32 s0, s3;
	s0 =	sld [smem:$0x3FA6]  }
0x30: {  	s3 =	sld [smem:$0x3FA9]  }
0x31: {  	[smem:$0x3FB2] =	sst s10  }
0x32: {  	s10 =	sld [smem:$0x3FB0];
	_ =	sdelay $0x3  }
0x33: {  	p0 =	seq.s32 s10, $0x1;
	s10 =	sld [smem:$0x3FB2];
	_ =	sdelay $0x3  }
0x34: {  	[smem:$0x3FB2] =	sst s10  }
0x35: {  	s10 =	sld [smem:$0x3FB1];
	_ =	sdelay $0x3  }
0x36: {  	p1 =	seq.s32 s10, $0x1;
	s10 =	sld [smem:$0x3FB2];
	_ =	sdelay $0x3  }
0x37: {  	[smem:$0x3FB2] =	sst s10  }
0x38: {  	s10 =	sld [smem:$0x3FB3]  }
0x39: {  	_ = 	snop;
	(pc) =	sbr.ind lr, $3  }
0x3a: {  	_ = 	snop  }
0x3b: {  	_ = 	snop  }
0x3c: {  	p2 =	seq.s32 s10, $0x1;
	s10 =	sld [smem:$0x3FB2]  }
0x3d: {  	_ =	shalt  }
0x3e: {  	_ =	shalt  }
0x3f: {  	_ =	shalt  }
0x40: {  	_ =	shalt  }
0x41: {  	_ =	shalt  }
0x42: {  	_ =	shalt  }
0x43: {  	_ =	shalt  }
0x44: {  	_ =	shalt  }
0x45: {  	_ =	shalt  }
0x46: {  	_ =	shalt  }
0x47: {  	_ =	shalt  }
0x48: {  	_ =	shalt  }
0x49: {  	_ =	shalt  }
0x4a: {  	_ =	shalt  }
0x4b: {  	_ =	shalt  }
0x4c: {  	_ =	shalt  }
0x4d: {  	_ =	shalt  }
0x4e: {  	_ =	shalt  }
0x4f: {  	_ =	shalt  }
0x50: {  	_ =	shalt  }
0x51: {  	_ =	shalt  }
0x52: {  	_ =	shalt  }
0x53: {  	_ =	shalt  }
0x54: {  	_ =	shalt  }
0x55: {  	_ =	shalt  }
0x56: {  	_ =	shalt  }
0x57: {  	_ =	shalt  }
0x58: {  	_ =	shalt  }
0x59: {  	_ =	shalt  }
0x5a: {  	_ =	shalt  }
0x5b: {  	_ =	shalt  }
0x5c: {  	_ =	shalt  }
0x5d: {  	_ =	shalt  }
0x5e: {  	_ =	shalt  }
0x5f: {  	_ =	shalt  }
0x60: {  	_ =	shalt  }
0x61: {  	_ =	shalt  }
0x62: {  	_ =	shalt  }
0x63: {  	_ =	shalt  }
0x64: {  	_ =	shalt  }
0x65: {  	_ =	shalt  }
0x66: {  	_ =	shalt  }
0x67: {  	_ =	shalt  }
0x68: {  	_ =	shalt  }
0x69: {  	_ =	shalt  }
0x6a: {  	_ =	shalt  }
0x6b: {  	_ =	shalt  }
0x6c: {  	_ =	shalt  }
0x6d: {  	_ =	shalt  }
0x6e: {  	_ =	shalt  }
0x6f: {  	_ =	shalt  }
0x70: {  	_ =	shalt  }
0x71: {  	_ =	shalt  }
0x72: {  	_ =	shalt  }
0x73: {  	_ =	shalt  }
0x74: {  	_ =	shalt  }
0x75: {  	_ =	shalt  }
0x76: {  	_ =	shalt  }
0x77: {  	_ =	shalt  }
0x78: {  	_ =	shalt  }
0x79: {  	_ =	shalt  }
0x7a: {  	_ =	shalt  }
0x7b: {  	_ =	shalt  }
0x7c: {  	_ =	shalt  }
0x7d: {  	_ =	shalt  }
0x7e: {  	_ =	shalt  }
0x7f: {  	_ =	shalt  }
0x80: {  	_ =	shalt  }
0x81: {  	_ =	shalt  }
0x82: {  	_ =	shalt  }
0x83: {  	_ =	shalt  }
0x84: {  	_ =	shalt  }
0x85: {  	_ =	shalt  }
0x86: {  	_ =	shalt  }
0x87: {  	_ =	shalt  }
.Lfunc_end0:
.L_simem_size_0:
called_computation.1_lowered:
.L_overlay_start_0:
0x88: {  	s2 =	sld [smem:$0x3FD9]  }
0x89: {  	s3 =	sld [smem:$0x3FFE];
	_ =	sdelay $0x1  }
0x8a: {  	s1 =	srdreg.scid  }
0x8b: {  	s0 =	sand.u32 $0x1, s1  }
0x8c: {  	s17 =	sshll.u32 s0, $0xA;
	s2 =	sadd.s32 s3, s2  }
0x8d: {  	s2 =	sadd.s32 s2, s17  }
0x8e: {  	[smem:$0x3FBE] =	sst s2  }
0x8f: {  	_ = 	snop  }
0x90: {  	s18 =	sld [smem:$0x3FC9];
	(tm) =	ssettm $0x1  }
0x91: {  	s19 =	sld [smem:$0x3FFB];
	_ =	sdelay $0x3  }
0x92: {  	_ =	strace s19  }
0x93: {  	s2 =	sld [smem:$0x3FFC];
	_ =	sdelay $0x3  }
0x94: {  	_ =	strace s2  }
0x95: {  	s2 =	sld [smem:$0x3FFD];
	_ =	sdelay $0x3  }
0x96: {  	_ =	strace s2  }
0x97: {  	_ =	strace $0x8FFFFFFF  }
0x98: {  	s20 =	sld [smem:$0x3FDB];
	_ =	sdelay $0x1  }
0x99: {  	s4 =	simm.s32 $_scs_section_size  }
0x9a: {  	s5 =	simm.s32 $_size__tile_overlayer_lowered;
	s6 =	simm.s32 $_tile_overlayer_lowered  }
0x9b: {  	s7 =	simm.s32 $0x1BFF;
	s21 =	sshll.u32 s6, $0x1;
	s4 =	sadd.s32 s4, s20  }
0x9c: {  	s22 =	simm.s32 $0x0;
	s5 =	sshll.u32 s5, $0x1;
	s6 =	sadd.s32 s21, s4  }
0x9d: {  	[timem:s22], [sflag:s7] =	dma.local [hbm:s6], s5  }
0x9e: {  	_ =	swait.ge [sflag:s7], s5  }
0x9f: {  	s5 =	ssub.s32 $0x0, s5;
	[sflag:s7] =	ssyncset.done $0x0  }
0xa0: {  	[sflag:s7] =	ssyncadd.s32 s5;
	_ =	sdelay $0x1  }
0xa1: {  	s23 =	simm.s32 $0x1B8B  }
0xa2: {  	_ =	swait.ge [sflag:s23], $0x1  }
0xa3: {  	[sflag:s23] =	ssyncset.done $0x0  }
0xa4: {  	[sflag:s23] =	ssyncadd.s32 $0xFFFFFFFF  }
0xa5: {  	s5 =	sld [smem:$0x0]  }
0xa6: {  	s6 =	sand.u32 $0xFFFFFFFE, s1  }
0xa7: {  	p0 =	sne.s32 s1, s6  }
0xa8: {  	s6 =	sshll.u32 @p0 s6, $0xE  }
0xa9: {  	s6 =	sadd.s32 @p0 $0x11B8D, s6;
	s7 =	sshll.u32 @p0 s5, $0x11  }
0xaa: {  	s6 =	sor.u32 @p0 s7, s6  }
0xab: {  	[sflag:s6] =	ssyncadd.remote.s32 @p0 $0x1;
	_ =	sdelay $0x1  }
0xac: {  	s6 =	simm.s32 @p0 $0x1B8D  }
0xad: {  	_ =	swait.eq @p0 [sflag:s6], $0x1  }
0xae: {  	[sflag:s6] =	ssyncadd.s32 @p0 $0xFFFFFFFF  }
0xaf: {  	s7 =	sshll.u32 @!p0 s1, $0xE  }
0xb0: {  	s7 =	sor.u32 @!p0 $0x4000, s7;
	s6 =	simm.s32 @!p0 $0x1B8D  }
0xb1: {  	s5 =	sshll.u32 @!p0 s5, $0x11;
	s7 =	sadd.s32 @!p0 $0x11B8D, s7;
	_ =	swait.eq @!p0 [sflag:s6], $0x1  }
0xb2: {  	s5 =	sor.u32 @!p0 s5, s7;
	[sflag:s6] =	ssyncadd.s32 @!p0 $0xFFFFFFFF  }
0xb3: {  	s25 =	simm.s32 $0x1B8E;
	s24 =	sld [smem:$0x3FFE];
	[sflag:s5] =	ssyncadd.remote.s32 @!p0 $0x1  }
0xb4: {  	s26 =	simm.s32 $execute0_lowered;
	[smem:$0x3FD2] =	sst s25  }
0xb5: {  	s6 =	sshll.u32 s26, $0x1;
	_ =	strace $0x80000049;
	[dreg:$0x1] =	wrdreg $0xFFFFFFFF  }
0xb6: {  	s28 =	simm.s32 $_size_execute0_lowered;
	s4 =	sadd.s32 s4, s6;
	[dreg:$0x0] =	wrdreg $0x0  }
0xb7: {  	s6 =	sshll.u32 s28, $0x1;
	[dreg:$0x2] =	wrdreg s4  }
0xb8: {  	[dreg:$0x3] =	wrdreg s6  }
0xb9: {  	[dreg:$0x4] =	wrdreg $0xC0  }
0xba: {  	_ =	task [dreg:s22], $0x5FFFF  }
0xbb: {  	[dreg:$0x1] =	wrdreg $0xFFFFFFFF  }
0xbc: {  	[dreg:$0x0] =	wrdreg $0x60  }
0xbd: {  	[dreg:$0x2] =	wrdreg s18  }
0xbe: {  	[dreg:$0x3] =	wrdreg s24  }
0xbf: {  	[dreg:$0x4] =	wrdreg $0x94000  }
0xc0: {  	[dreg:$0x5] =	wrdreg $0xA  }
0xc1: {  	_ =	task.clear_ibuf [dreg:s22], $0x6FFFF;
	_ =	strace $0x90000049  }
0xc2: {  	s29 =	simm.s32 $0xA;
	_ =	strace $0x8000004B  }
0xc3: {  	_ =	swait.ge [sflag:s29], $0x1  }
0xc4: {  	[sflag:s29] =	ssyncadd.s32 $0xFFFFFFFF  }
0xc5: {  	_ =	strace $0x9000004B  }
0xc6: {  	_ =	sfence  }
0xc7: {  	s30 =	sld [smem:$0x0];
	_ =	sdelay $0x2  }
0xc8: {  	s31 =	sshll.u32 s1, $0xD;
	s1 =	sshrl.u32 s1, $0x2  }
0xc9: {  	s4 =	sand.u32 $0x4000, s31;
	s1 =	sadd.s32 s1, s30  }
0xca: {  	s0 =	sor.u32 s4, s0;
	s1 =	sshll.u32 s1, $0x11  }
0xcb: {  	s0 =	sor.u32 s1, s0  }
0xcc: {  	s0 =	sadd.s32 $0x8F2B, s0  }
0xcd: {  	[sflag:s0] =	ssyncadd.remote.s32 $0x1  }
0xce: {  	_ =	sfence.sel $0xFFFF  }
0xcf: {  	[dreg:$0x0] =	wrdreg $0xFFFFFFFF;
	(pc) =	sbr.abs _section_cstart, $3  }
0xd0: {  	[dreg:$0x1] =	wrdreg $0xFFFFFFFF  }
0xd1: {  	_ =	task.clear_ibuf [dreg:s22], $0x2FFFF;
	_ =	strace $0x9FFFFFFF  }
0xd2: {  	(tm) =	ssettm $0x7FFFFFFF  }
0xd3: {  	_ =	shalt  }
tec
execute0_lowered:
.L_overlay_start_1:
0x0: {  	(tag) =	ssettag $0x1  }
0x1: {  	s1 =	rddreg [dreg:$0x0];
	s0 =	srdreg.scid  }
0x2: {  	s8 =	stileid.u32;
	s2 =	rddreg [dreg:$0x1]  }
0x3: {  	s3 =	rddreg [dreg:$0x2];
	s4 =	simm.s32 $0x0;
	s15 =	simm.s32 $0x9000  }
0x4: {  	s16 =	simm.s32 $0x2;
	s17 =	simm.s32 $0x1000;
	s18 =	simm.s32 $0x80  }
0x5: {  	s19 =	simm.s32 $0x9080;
	s20 =	simm.s32 $0x9100;
	s5 =	smul.u32 $0xA0, s8  }
0x6: {  	s21 =	simm.s32 $0x9180;
	s0 =	sand.u32 $0x1, s0;
	s7 =	smul.u32 $0x14000, s8  }
0x7: {  	s22 =	simm.s32 $0x9200;
	[smem:$0x7FF] =	sst s4;
	s6 =	smul.u32 $0x50, s0  }
0x8: {  	s24 =	sadd.s32 $0xCE00, s2;
	s8 =	sshll.u32 s8, $0x7;
	s23 =	smul.u32 $0x140000, s0  }
0x9: {  	_ =	strace $0x8000004A;
	[dreg:$0x6] =	wrdreg s24;
	s0 =	ssub.s32 $0x2, s0  }
0xa: {  	s25 =	sadd.s32 s8, s2;
	s24 =	simm.s32 $0x1;
	s26 =	sshrl.u32 s0, $0x1  }
0xb: {  	s28 =	sadd.s32 $0x2600, s25;
	s25 =	simm.s32 $0x5000;
	s5 =	sadd.s32 s6, s5  }
0xc: {  	s6 =	sadd.s32 s23, s7;
	s0 =	ssub.s32 s0, s26;
	[dreg:$0x7] =	wrdreg s28  }
0xd: {  	s26 =	simm.s32 $0x0;
	s5 =	sshll.u32 s5, $0x4;
	s6 =	sshrl.u32 s6, $0x3  }
0xe: {  	s9 =	smax.u32 s0, $0x1;
	s13 =	sadd.s32 s5, s2;
	s2 =	sadd.s32 s6, s2  }
0xf: {  	s29 =	sadd.s32 $0x5DE00, s13;
	s8 =	sadd.s32 $0x2E00, s13;
	s10 =	sadd.s32 $0x67E00, s2  }
0x10: {  	s11 =	sadd.s32 $0x68600, s2;
	s30 =	sadd.s32 $0x2E80, s13;
	[dreg:$0x8] =	wrdreg s29  }
0x11: {  	s12 =	sadd.s32 $0x68E00, s2;
	s31 =	sadd.s32 $0x5DE80, s13;
	[dreg:$0x5] =	wrdreg s30  }
0x12: {  	s13 =	sadd.s32 $0x69600, s2;
	s14 =	sadd.s32 $0x69E00, s2;
	[dreg:$0x4] =	wrdreg s31  }
.LBB2_1:
0x13: {  	s0 =	rddreg [dreg:$0x7]  }
0x14: {  	[tilespmem:s15], [sflag:$0x2] =	stream.linear.gather [hbm4b:s0+s4], $0x280, $0x38;
	[tilespmem:$0x1D400] =	vst v63  }
0x15: {  	_ =	swait.ge [sflag:s16], $0x280  }
0x16: {  	[sflag:s16] =	ssyncset.done $0x0  }
0x17: {  	s2 =	rddreg [dreg:$0x6];
	[sflag:s16] =	ssyncadd.s32 $0xFFFFFD80  }
0x18: {  	[tilespmem:s17], [sflag:$0x2] =	stream.linear.gather [hbm4b:s2+s4], $0x4000, $0x38;
	[tilespmem:$0x1D400] =	vst v63  }
0x19: {  	_ =	swait.ge [sflag:s16], $0x4000  }
0x1a: {  	[sflag:s16] =	ssyncset.done $0x0  }
0x1b: {  	[sflag:s16] =	ssyncadd.s32 $0xFFFFC000  }
0x1c: {  	[spmem:s3] =	stream.indirect.scatter [tilespmem:s17], [sflag:$0x2], $0x80, s15, s18, $0xb8;
	[tilespmem:$0x1D400] =	vst v63  }
0x1d: {  	_ =	swait.ge [sflag:s16], $0x4000  }
0x1e: {  	[sflag:s16] =	ssyncset.done $0x0  }
0x1f: {  	[sflag:s16] =	ssyncadd.s32 $0xFFFFC000  }
0x20: {  	[spmem:s3] =	stream.indirect.scatter [tilespmem:s17], [sflag:$0x2], $0x80, s19, s18, $0xb8;
	[tilespmem:$0x1D400] =	vst v63  }
0x21: {  	_ =	swait.ge [sflag:s16], $0x4000  }
0x22: {  	[sflag:s16] =	ssyncset.done $0x0  }
0x23: {  	[sflag:s16] =	ssyncadd.s32 $0xFFFFC000  }
0x24: {  	[spmem:s3] =	stream.indirect.scatter [tilespmem:s17], [sflag:$0x2], $0x80, s20, s18, $0xb8;
	[tilespmem:$0x1D400] =	vst v63  }
0x25: {  	_ =	swait.ge [sflag:s16], $0x4000  }
0x26: {  	[sflag:s16] =	ssyncset.done $0x0  }
0x27: {  	[sflag:s16] =	ssyncadd.s32 $0xFFFFC000  }
0x28: {  	[spmem:s3] =	stream.indirect.scatter [tilespmem:s17], [sflag:$0x2], $0x80, s21, s18, $0xb8;
	[tilespmem:$0x1D400] =	vst v63  }
0x29: {  	_ =	swait.ge [sflag:s16], $0x4000  }
0x2a: {  	[sflag:s16] =	ssyncset.done $0x0  }
0x2b: {  	[sflag:s16] =	ssyncadd.s32 $0xFFFFC000  }
0x2c: {  	[spmem:s3] =	stream.indirect.scatter [tilespmem:s17], [sflag:$0x2], $0x80, s22, s18, $0xb8;
	[tilespmem:$0x1D400] =	vst v63  }
0x2d: {  	_ =	swait.ge [sflag:s16], $0x4000  }
0x2e: {  	[sflag:s16] =	ssyncset.done $0x0  }
0x2f: {  	[sflag:s16] =	ssyncadd.s32 $0xFFFFC000  }
0x30: {  	[bflag:$0x0] =	sbarrier.arrive $0xFFFF  }
0x31: {  	s5 =	rddreg [dreg:$0x8]  }
0x32: {  	[tilespmem:s4], [sflag:$0x2] =	stream.linear.gather [hbm4b:s5+s4], $0x400, $0x38;
	[tilespmem:$0x1D400] =	vst v63  }
0x33: {  	_ =	swait.ge [sflag:s16], $0x400  }
0x34: {  	[sflag:s16] =	ssyncset.done $0x0  }
0x35: {  	s6 =	simm.s32 $0x800;
	[sflag:s16] =	ssyncadd.s32 $0xFFFFFC00  }
0x36: {  	[tilespmem:s6], [sflag:$0x2] =	stream.linear.gather [hbm4b:s8+s4], $0x400, $0x38;
	[tilespmem:$0x1D400] =	vst v63  }
0x37: {  	_ =	swait.ge [sflag:s16], $0x400  }
0x38: {  	p0 =	por $0x0, $0x0;
	[sflag:s16] =	ssyncset.done $0x0  }
0x39: {  	s0 =	sand.u32 $0x1, s24;
	s2 =	rddreg [dreg:$0x4];
	[sflag:s16] =	ssyncadd.s32 $0xFFFFFC00  }
0x3a: {  	[tilespmem:s17], [sflag:$0x1] =	stream.indirect.gather [hbm4b:s1+s18], $0x80, s4, s18, $0xb8;
	[tilespmem:$0x1D400] =	vst v63  }
0x3b: {  	s28 =	simm.s32 @!p0 $0x0;
	s0 =	sshll.u32 @!p0 s0, $0xA;
	s2 =	sadd.s32 @!p0 $0x0, s2  }
0x3c: {  	[tilespmem:s0], [sflag:$0x2] =	stream.linear.gather @!p0 [hbm4b:s2+s28], $0x400, $0x38;
	[tilespmem:$0x1D400] =	vst v63  }
0x3d: {  	s2 =	simm.s32 @!p0 $0x2  }
0x3e: {  	_ =	swait.ge @!p0 [sflag:s2], $0x400  }
0x3f: {  	s29 =	rddreg [dreg:$0x5];
	[sflag:s2] =	ssyncset.done @!p0 $0x0  }
0x40: {  	s30 =	sor.u32 @!p0 $0x800, s0;
	[sflag:s2] =	ssyncadd.s32 @!p0 $0xFFFFFC00;
	s29 =	sadd.s32 @!p0 $0x0, s29  }
0x41: {  	[tilespmem:s30], [sflag:$0x2] =	stream.linear.gather @!p0 [hbm4b:s29+s28], $0x400, $0x38;
	[tilespmem:$0x1D400] =	vst v63  }
0x42: {  	_ =	swait.ge @!p0 [sflag:s2], $0x400  }
0x43: {  	[sflag:s2] =	ssyncset.done @!p0 $0x0  }
0x44: {  	[sflag:s2] =	ssyncadd.s32 @!p0 $0xFFFFFC00  }
0x45: {  	_ =	swait.ge [sflag:s24], $0x4000  }
0x46: {  	s7 =	sand.u32 $0x400, s4;
	[sflag:s24] =	ssyncset.done $0x0  }
0x47: {  	s28 =	sor.u32 $0x80, s7;
	[sflag:s24] =	ssyncadd.s32 $0xFFFFC000  }
0x48: {  	[tilespmem:s25], [sflag:$0x1] =	stream.indirect.gather [hbm4b:s1+s18], $0x80, s28, s18, $0xb8;
	[tilespmem:$0x1D400] =	vst v63  }
0x49: {  	s28 =	sor.u32 $0x800, s7  }
0x4a: {  	[spmem:s3] =	stream.indirect.scatter.add.f32 [tilespmem:s17], [sflag:$0x2], $0x80, s28, s18, $0xb8;
	[tilespmem:$0x1D400] =	vst v63  }
0x4b: {  	_ =	swait.ge [sflag:s16], $0x4000  }
0x4c: {  	[sflag:s16] =	ssyncset.done $0x0  }
0x4d: {  	[sflag:s16] =	ssyncadd.s32 $0xFFFFC000  }
0x4e: {  	_ =	swait.ge [sflag:s24], $0x4000  }
0x4f: {  	[sflag:s24] =	ssyncset.done $0x0  }
0x50: {  	s28 =	sor.u32 $0x100, s7;
	[sflag:s24] =	ssyncadd.s32 $0xFFFFC000  }
0x51: {  	[tilespmem:s17], [sflag:$0x1] =	stream.indirect.gather [hbm4b:s1+s18], $0x80, s28, s18, $0xb8;
	[tilespmem:$0x1D400] =	vst v63  }
0x52: {  	s28 =	sor.u32 $0x880, s7  }
0x53: {  	[spmem:s3] =	stream.indirect.scatter.add.f32 [tilespmem:s25], [sflag:$0x2], $0x80, s28, s18, $0xb8;
	[tilespmem:$0x1D400] =	vst v63  }
0x54: {  	_ =	swait.ge [sflag:s16], $0x4000  }
0x55: {  	[sflag:s16] =	ssyncset.done $0x0  }
0x56: {  	[sflag:s16] =	ssyncadd.s32 $0xFFFFC000  }
0x57: {  	_ =	swait.ge [sflag:s24], $0x4000  }
0x58: {  	[sflag:s24] =	ssyncset.done $0x0  }
0x59: {  	s28 =	sor.u32 $0x180, s7;
	[sflag:s24] =	ssyncadd.s32 $0xFFFFC000  }
0x5a: {  	[tilespmem:s25], [sflag:$0x1] =	stream.indirect.gather [hbm4b:s1+s18], $0x80, s28, s18, $0xb8;
	[tilespmem:$0x1D400] =	vst v63  }
0x5b: {  	s28 =	sor.u32 $0x900, s7  }
0x5c: {  	[spmem:s3] =	stream.indirect.scatter.add.f32 [tilespmem:s17], [sflag:$0x2], $0x80, s28, s18, $0xb8;
	[tilespmem:$0x1D400] =	vst v63  }
0x5d: {  	_ =	swait.ge [sflag:s16], $0x4000  }
0x5e: {  	[sflag:s16] =	ssyncset.done $0x0  }
0x5f: {  	[sflag:s16] =	ssyncadd.s32 $0xFFFFC000  }
0x60: {  	_ =	swait.ge [sflag:s24], $0x4000  }
0x61: {  	[sflag:s24] =	ssyncset.done $0x0  }
0x62: {  	s28 =	sor.u32 $0x200, s7;
	[sflag:s24] =	ssyncadd.s32 $0xFFFFC000  }
0x63: {  	[tilespmem:s17], [sflag:$0x1] =	stream.indirect.gather [hbm4b:s1+s18], $0x80, s28, s18, $0xb8;
	[tilespmem:$0x1D400] =	vst v63  }
0x64: {  	s28 =	sor.u32 $0x980, s7  }
0x65: {  	[spmem:s3] =	stream.indirect.scatter.add.f32 [tilespmem:s25], [sflag:$0x2], $0x80, s28, s18, $0xb8;
	[tilespmem:$0x1D400] =	vst v63  }
0x66: {  	_ =	swait.ge [sflag:s16], $0x4000  }
0x67: {  	[sflag:s16] =	ssyncset.done $0x0  }
0x68: {  	[sflag:s16] =	ssyncadd.s32 $0xFFFFC000  }
0x69: {  	_ =	swait.ge [sflag:s24], $0x4000  }
0x6a: {  	[sflag:s24] =	ssyncset.done $0x0  }
0x6b: {  	s28 =	sor.u32 $0x280, s7;
	[sflag:s24] =	ssyncadd.s32 $0xFFFFC000  }
0x6c: {  	[tilespmem:s25], [sflag:$0x1] =	stream.indirect.gather [hbm4b:s1+s18], $0x80, s28, s18, $0xb8;
	[tilespmem:$0x1D400] =	vst v63  }
0x6d: {  	s28 =	sor.u32 $0xA00, s7  }
0x6e: {  	[spmem:s3] =	stream.indirect.scatter.add.f32 [tilespmem:s17], [sflag:$0x2], $0x80, s28, s18, $0xb8;
	[tilespmem:$0x1D400] =	vst v63  }
0x6f: {  	_ =	swait.ge [sflag:s16], $0x4000  }
0x70: {  	[sflag:s16] =	ssyncset.done $0x0  }
0x71: {  	[sflag:s16] =	ssyncadd.s32 $0xFFFFC000  }
0x72: {  	_ =	swait.ge [sflag:s24], $0x4000  }
0x73: {  	[sflag:s24] =	ssyncset.done $0x0  }
0x74: {  	s28 =	sor.u32 $0x300, s7;
	[sflag:s24] =	ssyncadd.s32 $0xFFFFC000  }
0x75: {  	[tilespmem:s17], [sflag:$0x1] =	stream.indirect.gather [hbm4b:s1+s18], $0x80, s28, s18, $0xb8;
	[tilespmem:$0x1D400] =	vst v63  }
0x76: {  	s28 =	sor.u32 $0xA80, s7  }
0x77: {  	[spmem:s3] =	stream.indirect.scatter.add.f32 [tilespmem:s25], [sflag:$0x2], $0x80, s28, s18, $0xb8;
	[tilespmem:$0x1D400] =	vst v63  }
0x78: {  	_ =	swait.ge [sflag:s16], $0x4000  }
0x79: {  	[sflag:s16] =	ssyncset.done $0x0  }
0x7a: {  	[sflag:s16] =	ssyncadd.s32 $0xFFFFC000  }
0x7b: {  	_ =	swait.ge [sflag:s24], $0x4000  }
0x7c: {  	[sflag:s24] =	ssyncset.done $0x0  }
0x7d: {  	s28 =	sor.u32 $0x380, s7;
	[sflag:s24] =	ssyncadd.s32 $0xFFFFC000  }
0x7e: {  	[tilespmem:s25], [sflag:$0x1] =	stream.indirect.gather [hbm4b:s1+s18], $0x80, s28, s18, $0xb8;
	[tilespmem:$0x1D400] =	vst v63  }
0x7f: {  	s2 =	sor.u32 $0xB00, s7  }
0x80: {  	[spmem:s3] =	stream.indirect.scatter.add.f32 [tilespmem:s17], [sflag:$0x2], $0x80, s2, s18, $0xb8;
	[tilespmem:$0x1D400] =	vst v63  }
0x81: {  	_ =	swait.ge [sflag:s16], $0x4000  }
0x82: {  	[sflag:s16] =	ssyncset.done $0x0  }
0x83: {  	[sflag:s16] =	ssyncadd.s32 $0xFFFFC000  }
0x84: {  	_ =	swait.ge [sflag:s24], $0x4000  }
0x85: {  	[sflag:s24] =	ssyncset.done $0x0  }
0x86: {  	s29 =	simm.s32 @!p0 $0x1000;
	s2 =	simm.s32 @!p0 $0x80;
	[sflag:s24] =	ssyncadd.s32 $0xFFFFC000  }
0x87: {  	[tilespmem:s29], [sflag:$0x1] =	stream.indirect.gather @!p0 [hbm4b:s1+s2], $0x80, s0, s2, $0xb8;
	[tilespmem:$0x1D400] =	vst v63  }
0x88: {  	s31 =	simm.s32 $0x100;
	s30 =	simm.s32 $0x2;
	s23 =	sor.u32 $0x800, s28  }
0x89: {  	[spmem:s3] =	stream.indirect.scatter.add.f32 [tilespmem:s25], [sflag:$0x2], $0x80, s23, s18, $0xb8;
	[tilespmem:$0x1D400] =	vst v63  }
0x8a: {  	s28 =	simm.s32 $0x400;
	s29 =	simm.s32 $0x80;
	_ =	swait.ge [sflag:s16], $0x4000  }
.LBB2_2:
0x8b: {  	s0 =	rddreg [dreg:$0x4];
	[sflag:s16] =	ssyncset.done $0x0  }
0x8c: {  	s2 =	sand.u32 $0x1, s30;
	p1 =	seq.s32 s29, $0x480;
	[sflag:s16] =	ssyncadd.s32 $0xFFFFC000  }
0x8d: {  	s2 =	sshll.u32 @!p1 s2, $0xA;
	s0 =	sadd.s32 @!p1 s29, s0;
	s5 =	simm.s32 @!p1 $0x0  }
0x8e: {  	[tilespmem:s2], [sflag:$0x2] =	stream.linear.gather @!p1 [hbm4b:s0+s5], $0x400, $0x38;
	[tilespmem:$0x1D400] =	vst v63  }
0x8f: {  	s0 =	simm.s32 @!p1 $0x2  }
0x90: {  	_ =	swait.ge @!p1 [sflag:s0], $0x400  }
0x91: {  	[sflag:s0] =	ssyncset.done @!p1 $0x0;
	s7 =	rddreg [dreg:$0x5]  }
0x92: {  	s6 =	sor.u32 @!p1 $0x800, s2;
	[sflag:s0] =	ssyncadd.s32 @!p1 $0xFFFFFC00;
	s7 =	sadd.s32 @!p1 s29, s7  }
0x93: {  	[tilespmem:s6], [sflag:$0x2] =	stream.linear.gather @!p1 [hbm4b:s7+s5], $0x400, $0x38;
	[tilespmem:$0x1D400] =	vst v63  }
0x94: {  	_ =	swait.ge @!p1 [sflag:s0], $0x400  }
0x95: {  	[sflag:s0] =	ssyncset.done @!p1 $0x0  }
0x96: {  	[sflag:s0] =	ssyncadd.s32 @!p1 $0xFFFFFC00  }
0x97: {  	_ =	swait.ge [sflag:s24], $0x4000  }
0x98: {  	s0 =	sand.u32 $0x400, s28;
	[sflag:s24] =	ssyncset.done $0x0  }
0x99: {  	s23 =	smov.u32 s31;
	s7 =	sor.u32 $0x80, s0;
	[sflag:s24] =	ssyncadd.s32 $0xFFFFC000  }
0x9a: {  	[tilespmem:s25], [sflag:$0x1] =	stream.indirect.gather [hbm4b:s1+s18], $0x80, s7, s18, $0xb8;
	[tilespmem:$0x1D400] =	vst v63  }
0x9b: {  	s29 =	smov.u32 s23;
	s23 =	sor.u32 $0x800, s0  }
0x9c: {  	[spmem:s3] =	stream.indirect.scatter.add.f32 [tilespmem:s17], [sflag:$0x2], $0x80, s23, s18, $0xb8;
	[tilespmem:$0x1D400] =	vst v63  }
0x9d: {  	_ =	swait.ge [sflag:s16], $0x4000  }
0x9e: {  	[sflag:s16] =	ssyncset.done $0x0  }
0x9f: {  	[sflag:s16] =	ssyncadd.s32 $0xFFFFC000  }
0xa0: {  	_ =	swait.ge [sflag:s24], $0x4000  }
0xa1: {  	[sflag:s24] =	ssyncset.done $0x0  }
0xa2: {  	s7 =	sor.u32 $0x100, s0;
	[sflag:s24] =	ssyncadd.s32 $0xFFFFC000  }
0xa3: {  	[tilespmem:s17], [sflag:$0x1] =	stream.indirect.gather [hbm4b:s1+s18], $0x80, s7, s18, $0xb8;
	[tilespmem:$0x1D400] =	vst v63  }
0xa4: {  	s23 =	sor.u32 $0x880, s0  }
0xa5: {  	[spmem:s3] =	stream.indirect.scatter.add.f32 [tilespmem:s25], [sflag:$0x2], $0x80, s23, s18, $0xb8;
	[tilespmem:$0x1D400] =	vst v63  }
0xa6: {  	_ =	swait.ge [sflag:s16], $0x4000  }
0xa7: {  	[sflag:s16] =	ssyncset.done $0x0  }
0xa8: {  	[sflag:s16] =	ssyncadd.s32 $0xFFFFC000  }
0xa9: {  	_ =	swait.ge [sflag:s24], $0x4000  }
0xaa: {  	[sflag:s24] =	ssyncset.done $0x0  }
0xab: {  	s7 =	sor.u32 $0x180, s0;
	[sflag:s24] =	ssyncadd.s32 $0xFFFFC000  }
0xac: {  	[tilespmem:s25], [sflag:$0x1] =	stream.indirect.gather [hbm4b:s1+s18], $0x80, s7, s18, $0xb8;
	[tilespmem:$0x1D400] =	vst v63  }
0xad: {  	s23 =	sor.u32 $0x900, s0  }
0xae: {  	[spmem:s3] =	stream.indirect.scatter.add.f32 [tilespmem:s17], [sflag:$0x2], $0x80, s23, s18, $0xb8;
	[tilespmem:$0x1D400] =	vst v63  }
0xaf: {  	_ =	swait.ge [sflag:s16], $0x4000  }
0xb0: {  	[sflag:s16] =	ssyncset.done $0x0  }
0xb1: {  	[sflag:s16] =	ssyncadd.s32 $0xFFFFC000  }
0xb2: {  	_ =	swait.ge [sflag:s24], $0x4000  }
0xb3: {  	[sflag:s24] =	ssyncset.done $0x0  }
0xb4: {  	s7 =	sor.u32 $0x200, s0;
	[sflag:s24] =	ssyncadd.s32 $0xFFFFC000  }
0xb5: {  	[tilespmem:s17], [sflag:$0x1] =	stream.indirect.gather [hbm4b:s1+s18], $0x80, s7, s18, $0xb8;
	[tilespmem:$0x1D400] =	vst v63  }
0xb6: {  	s23 =	sor.u32 $0x980, s0  }
0xb7: {  	[spmem:s3] =	stream.indirect.scatter.add.f32 [tilespmem:s25], [sflag:$0x2], $0x80, s23, s18, $0xb8;
	[tilespmem:$0x1D400] =	vst v63  }
0xb8: {  	_ =	swait.ge [sflag:s16], $0x4000  }
0xb9: {  	[sflag:s16] =	ssyncset.done $0x0  }
0xba: {  	[sflag:s16] =	ssyncadd.s32 $0xFFFFC000  }
0xbb: {  	_ =	swait.ge [sflag:s24], $0x4000  }
0xbc: {  	[sflag:s24] =	ssyncset.done $0x0  }
0xbd: {  	s7 =	sor.u32 $0x280, s0;
	[sflag:s24] =	ssyncadd.s32 $0xFFFFC000  }
0xbe: {  	[tilespmem:s25], [sflag:$0x1] =	stream.indirect.gather [hbm4b:s1+s18], $0x80, s7, s18, $0xb8;
	[tilespmem:$0x1D400] =	vst v63  }
0xbf: {  	s23 =	sor.u32 $0xA00, s0  }
0xc0: {  	[spmem:s3] =	stream.indirect.scatter.add.f32 [tilespmem:s17], [sflag:$0x2], $0x80, s23, s18, $0xb8;
	[tilespmem:$0x1D400] =	vst v63  }
0xc1: {  	_ =	swait.ge [sflag:s16], $0x4000  }
0xc2: {  	[sflag:s16] =	ssyncset.done $0x0  }
0xc3: {  	[sflag:s16] =	ssyncadd.s32 $0xFFFFC000  }
0xc4: {  	_ =	swait.ge [sflag:s24], $0x4000  }
0xc5: {  	[sflag:s24] =	ssyncset.done $0x0  }
0xc6: {  	s6 =	sor.u32 $0x300, s0;
	[sflag:s24] =	ssyncadd.s32 $0xFFFFC000  }
0xc7: {  	[tilespmem:s17], [sflag:$0x1] =	stream.indirect.gather [hbm4b:s1+s18], $0x80, s6, s18, $0xb8;
	[tilespmem:$0x1D400] =	vst v63  }
0xc8: {  	s7 =	sor.u32 $0xA80, s0  }
0xc9: {  	[spmem:s3] =	stream.indirect.scatter.add.f32 [tilespmem:s25], [sflag:$0x2], $0x80, s7, s18, $0xb8;
	[tilespmem:$0x1D400] =	vst v63  }
0xca: {  	_ =	swait.ge [sflag:s16], $0x4000  }
0xcb: {  	[sflag:s16] =	ssyncset.done $0x0  }
0xcc: {  	[sflag:s16] =	ssyncadd.s32 $0xFFFFC000  }
0xcd: {  	_ =	swait.ge [sflag:s24], $0x4000  }
0xce: {  	[sflag:s24] =	ssyncset.done $0x0  }
0xcf: {  	s23 =	sor.u32 $0x380, s0;
	[sflag:s24] =	ssyncadd.s32 $0xFFFFC000  }
0xd0: {  	[tilespmem:s25], [sflag:$0x1] =	stream.indirect.gather [hbm4b:s1+s18], $0x80, s23, s18, $0xb8;
	[tilespmem:$0x1D400] =	vst v63  }
0xd1: {  	s0 =	sor.u32 $0xB00, s0  }
0xd2: {  	[spmem:s3] =	stream.indirect.scatter.add.f32 [tilespmem:s17], [sflag:$0x2], $0x80, s0, s18, $0xb8;
	[tilespmem:$0x1D400] =	vst v63  }
0xd3: {  	_ =	swait.ge [sflag:s16], $0x4000  }
0xd4: {  	[sflag:s16] =	ssyncset.done $0x0  }
0xd5: {  	[sflag:s16] =	ssyncadd.s32 $0xFFFFC000  }
0xd6: {  	s31 =	sadd.s32 $0x80, s31;
	_ =	swait.ge [sflag:s24], $0x4000  }
0xd7: {  	p0 =	sne.s32 s31, $0x500;
	s6 =	simm.s32 @!p1 $0x1000;
	[sflag:s24] =	ssyncset.done $0x0  }
.Ltmp0:
0xd8: {  	s0 =	simm.s32 @!p1 $0x80;
	[sflag:s24] =	ssyncadd.s32 $0xFFFFC000;
	(pc) =	sbr.rel @p0 .LBB2_2-.Ltmp0, $4  }
0xd9: {  	[tilespmem:s6], [sflag:$0x1] =	stream.indirect.gather @!p1 [hbm4b:s1+s0], $0x80, s2, s0, $0xb8;
	[tilespmem:$0x1D400] =	vst v63  }
0xda: {  	s5 =	sor.u32 $0x800, s23  }
0xdb: {  	[spmem:s3] =	stream.indirect.scatter.add.f32 [tilespmem:s25], [sflag:$0x2], $0x80, s5, s18, $0xb8;
	[tilespmem:$0x1D400] =	vst v63  }
0xdc: {  	s30 =	sadd.s32 $0x1, s30;
	s28 =	sadd.s32 $0x400, s28;
	_ =	swait.ge [sflag:s16], $0x4000  }
0xdd: {  	s2 =	rddreg [dreg:$0x4];
	[sflag:s16] =	ssyncset.done $0x0  }
0xde: {  	s0 =	sand.u32 $0x1, s30;
	p0 =	seq.s32 s29, $0x480;
	[sflag:s16] =	ssyncadd.s32 $0xFFFFC000  }
0xdf: {  	s0 =	sshll.u32 @!p0 s0, $0xA;
	s2 =	sadd.s32 @!p0 s29, s2;
	s5 =	simm.s32 @!p0 $0x0  }
0xe0: {  	[tilespmem:s0], [sflag:$0x2] =	stream.linear.gather @!p0 [hbm4b:s2+s5], $0x400, $0x38;
	[tilespmem:$0x1D400] =	vst v63  }
0xe1: {  	s2 =	simm.s32 @!p0 $0x2  }
0xe2: {  	_ =	swait.ge @!p0 [sflag:s2], $0x400  }
0xe3: {  	s6 =	rddreg [dreg:$0x5];
	[sflag:s2] =	ssyncset.done @!p0 $0x0  }
0xe4: {  	s7 =	sor.u32 @!p0 $0x800, s0;
	s6 =	sadd.s32 @!p0 s29, s6;
	[sflag:s2] =	ssyncadd.s32 @!p0 $0xFFFFFC00  }
0xe5: {  	[tilespmem:s7], [sflag:$0x2] =	stream.linear.gather @!p0 [hbm4b:s6+s5], $0x400, $0x38;
	[tilespmem:$0x1D400] =	vst v63  }
0xe6: {  	_ =	swait.ge @!p0 [sflag:s2], $0x400  }
0xe7: {  	[sflag:s2] =	ssyncset.done @!p0 $0x0  }
0xe8: {  	[sflag:s2] =	ssyncadd.s32 @!p0 $0xFFFFFC00  }
0xe9: {  	_ =	swait.ge [sflag:s24], $0x4000  }
0xea: {  	s2 =	sand.u32 $0x400, s28;
	[sflag:s24] =	ssyncset.done $0x0  }
0xeb: {  	s6 =	sor.u32 $0x80, s2;
	[sflag:s24] =	ssyncadd.s32 $0xFFFFC000  }
0xec: {  	[tilespmem:s25], [sflag:$0x1] =	stream.indirect.gather [hbm4b:s1+s18], $0x80, s6, s18, $0xb8;
	[tilespmem:$0x1D400] =	vst v63  }
0xed: {  	s7 =	sor.u32 $0x800, s2  }
0xee: {  	[spmem:s3] =	stream.indirect.scatter.add.f32 [tilespmem:s17], [sflag:$0x2], $0x80, s7, s18, $0xb8;
	[tilespmem:$0x1D400] =	vst v63  }
0xef: {  	_ =	swait.ge [sflag:s16], $0x4000  }
0xf0: {  	[sflag:s16] =	ssyncset.done $0x0  }
0xf1: {  	[sflag:s16] =	ssyncadd.s32 $0xFFFFC000  }
0xf2: {  	_ =	swait.ge [sflag:s24], $0x4000  }
0xf3: {  	[sflag:s24] =	ssyncset.done $0x0  }
0xf4: {  	s23 =	sor.u32 $0x100, s2;
	[sflag:s24] =	ssyncadd.s32 $0xFFFFC000  }
0xf5: {  	[tilespmem:s17], [sflag:$0x1] =	stream.indirect.gather [hbm4b:s1+s18], $0x80, s23, s18, $0xb8;
	[tilespmem:$0x1D400] =	vst v63  }
0xf6: {  	s28 =	sor.u32 $0x880, s2  }
0xf7: {  	[spmem:s3] =	stream.indirect.scatter.add.f32 [tilespmem:s25], [sflag:$0x2], $0x80, s28, s18, $0xb8;
	[tilespmem:$0x1D400] =	vst v63  }
0xf8: {  	_ =	swait.ge [sflag:s16], $0x4000  }
0xf9: {  	[sflag:s16] =	ssyncset.done $0x0  }
0xfa: {  	[sflag:s16] =	ssyncadd.s32 $0xFFFFC000  }
0xfb: {  	_ =	swait.ge [sflag:s24], $0x4000  }
0xfc: {  	[sflag:s24] =	ssyncset.done $0x0  }
0xfd: {  	s29 =	sor.u32 $0x180, s2;
	[sflag:s24] =	ssyncadd.s32 $0xFFFFC000  }
0xfe: {  	[tilespmem:s25], [sflag:$0x1] =	stream.indirect.gather [hbm4b:s1+s18], $0x80, s29, s18, $0xb8;
	[tilespmem:$0x1D400] =	vst v63  }
0xff: {  	s30 =	sor.u32 $0x900, s2  }
0x100: {  	[spmem:s3] =	stream.indirect.scatter.add.f32 [tilespmem:s17], [sflag:$0x2], $0x80, s30, s18, $0xb8;
	[tilespmem:$0x1D400] =	vst v63  }
0x101: {  	_ =	swait.ge [sflag:s16], $0x4000  }
0x102: {  	[sflag:s16] =	ssyncset.done $0x0  }
0x103: {  	[sflag:s16] =	ssyncadd.s32 $0xFFFFC000  }
0x104: {  	_ =	swait.ge [sflag:s24], $0x4000  }
0x105: {  	[sflag:s24] =	ssyncset.done $0x0  }
0x106: {  	s31 =	sor.u32 $0x200, s2;
	[sflag:s24] =	ssyncadd.s32 $0xFFFFC000  }
0x107: {  	[tilespmem:s17], [sflag:$0x1] =	stream.indirect.gather [hbm4b:s1+s18], $0x80, s31, s18, $0xb8;
	[tilespmem:$0x1D400] =	vst v63  }
0x108: {  	s6 =	sor.u32 $0x980, s2  }
0x109: {  	[spmem:s3] =	stream.indirect.scatter.add.f32 [tilespmem:s25], [sflag:$0x2], $0x80, s6, s18, $0xb8;
	[tilespmem:$0x1D400] =	vst v63  }
0x10a: {  	_ =	swait.ge [sflag:s16], $0x4000  }
0x10b: {  	[sflag:s16] =	ssyncset.done $0x0  }
0x10c: {  	[sflag:s16] =	ssyncadd.s32 $0xFFFFC000  }
0x10d: {  	_ =	swait.ge [sflag:s24], $0x4000  }
0x10e: {  	[sflag:s24] =	ssyncset.done $0x0  }
0x10f: {  	s7 =	sor.u32 $0x280, s2;
	[sflag:s24] =	ssyncadd.s32 $0xFFFFC000  }
0x110: {  	[tilespmem:s25], [sflag:$0x1] =	stream.indirect.gather [hbm4b:s1+s18], $0x80, s7, s18, $0xb8;
	[tilespmem:$0x1D400] =	vst v63  }
0x111: {  	s23 =	sor.u32 $0xA00, s2  }
0x112: {  	[spmem:s3] =	stream.indirect.scatter.add.f32 [tilespmem:s17], [sflag:$0x2], $0x80, s23, s18, $0xb8;
	[tilespmem:$0x1D400] =	vst v63  }
0x113: {  	_ =	swait.ge [sflag:s16], $0x4000  }
0x114: {  	[sflag:s16] =	ssyncset.done $0x0  }
0x115: {  	[sflag:s16] =	ssyncadd.s32 $0xFFFFC000  }
0x116: {  	_ =	swait.ge [sflag:s24], $0x4000  }
0x117: {  	[sflag:s24] =	ssyncset.done $0x0  }
0x118: {  	s28 =	sor.u32 $0x300, s2;
	[sflag:s24] =	ssyncadd.s32 $0xFFFFC000  }
0x119: {  	[tilespmem:s17], [sflag:$0x1] =	stream.indirect.gather [hbm4b:s1+s18], $0x80, s28, s18, $0xb8;
	[tilespmem:$0x1D400] =	vst v63  }
0x11a: {  	s29 =	sor.u32 $0xA80, s2  }
0x11b: {  	[spmem:s3] =	stream.indirect.scatter.add.f32 [tilespmem:s25], [sflag:$0x2], $0x80, s29, s18, $0xb8;
	[tilespmem:$0x1D400] =	vst v63  }
0x11c: {  	_ =	swait.ge [sflag:s16], $0x4000  }
0x11d: {  	[sflag:s16] =	ssyncset.done $0x0  }
0x11e: {  	[sflag:s16] =	ssyncadd.s32 $0xFFFFC000  }
0x11f: {  	_ =	swait.ge [sflag:s24], $0x4000  }
0x120: {  	[sflag:s24] =	ssyncset.done $0x0  }
0x121: {  	s30 =	sor.u32 $0x380, s2;
	[sflag:s24] =	ssyncadd.s32 $0xFFFFC000  }
0x122: {  	[tilespmem:s25], [sflag:$0x1] =	stream.indirect.gather [hbm4b:s1+s18], $0x80, s30, s18, $0xb8;
	[tilespmem:$0x1D400] =	vst v63  }
0x123: {  	s2 =	sor.u32 $0xB00, s2  }
0x124: {  	[spmem:s3] =	stream.indirect.scatter.add.f32 [tilespmem:s17], [sflag:$0x2], $0x80, s2, s18, $0xb8;
	[tilespmem:$0x1D400] =	vst v63  }
0x125: {  	_ =	swait.ge [sflag:s16], $0x4000  }
0x126: {  	[sflag:s16] =	ssyncset.done $0x0  }
0x127: {  	[sflag:s16] =	ssyncadd.s32 $0xFFFFC000  }
0x128: {  	_ =	swait.ge [sflag:s24], $0x4000  }
0x129: {  	[sflag:s24] =	ssyncset.done $0x0  }
0x12a: {  	s6 =	simm.s32 @!p0 $0x1000;
	s2 =	simm.s32 @!p0 $0x80;
	[sflag:s24] =	ssyncadd.s32 $0xFFFFC000  }
0x12b: {  	[tilespmem:s6], [sflag:$0x1] =	stream.indirect.gather @!p0 [hbm4b:s1+s2], $0x80, s0, s2, $0xb8;
	[tilespmem:$0x1D400] =	vst v63  }
0x12c: {  	s31 =	sor.u32 $0x800, s30  }
0x12d: {  	[spmem:s3] =	stream.indirect.scatter.add.f32 [tilespmem:s25], [sflag:$0x2], $0x80, s31, s18, $0xb8;
	[tilespmem:$0x1D400] =	vst v63  }
0x12e: {  	_ =	swait.ge [sflag:s16], $0x4000  }
0x12f: {  	[sflag:s16] =	ssyncset.done $0x0  }
0x130: {  	[sflag:s16] =	ssyncadd.s32 $0xFFFFC000  }
0x131: {  	[bflag:$0x0] =	sbarrier.arrive $0xFFFF  }
0x132: {  	[tilespmem:s17], [sflag:$0x2] =	stream.indirect.gather [spmem:s3], $0x80, s15, s18, $0xb8;
	[tilespmem:$0x1D400] =	vst v63  }
0x133: {  	_ =	swait.ge [sflag:s16], $0x4000  }
0x134: {  	[sflag:s16] =	ssyncset.done $0x0  }
0x135: {  	[sflag:s16] =	ssyncadd.s32 $0xFFFFC000  }
0x136: {  	[hbm4b:s10+s4] =	stream.linear.scatter [tilespmem:s17], [sflag:$0x2], $0x4000, $0x38;
	[tilespmem:$0x1D400] =	vst v63  }
0x137: {  	_ =	swait.ge [sflag:s16], $0x4000  }
0x138: {  	[sflag:s16] =	ssyncset.done $0x0  }
0x139: {  	[sflag:s16] =	ssyncadd.s32 $0xFFFFC000  }
0x13a: {  	[tilespmem:s17], [sflag:$0x2] =	stream.indirect.gather [spmem:s3], $0x80, s19, s18, $0xb8;
	[tilespmem:$0x1D400] =	vst v63  }
0x13b: {  	_ =	swait.ge [sflag:s16], $0x4000  }
0x13c: {  	[sflag:s16] =	ssyncset.done $0x0  }
0x13d: {  	[sflag:s16] =	ssyncadd.s32 $0xFFFFC000  }
0x13e: {  	[hbm4b:s11+s4] =	stream.linear.scatter [tilespmem:s17], [sflag:$0x2], $0x4000, $0x38;
	[tilespmem:$0x1D400] =	vst v63  }
0x13f: {  	_ =	swait.ge [sflag:s16], $0x4000  }
0x140: {  	[sflag:s16] =	ssyncset.done $0x0  }
0x141: {  	[sflag:s16] =	ssyncadd.s32 $0xFFFFC000  }
0x142: {  	[tilespmem:s17], [sflag:$0x2] =	stream.indirect.gather [spmem:s3], $0x80, s20, s18, $0xb8;
	[tilespmem:$0x1D400] =	vst v63  }
0x143: {  	_ =	swait.ge [sflag:s16], $0x4000  }
0x144: {  	[sflag:s16] =	ssyncset.done $0x0  }
0x145: {  	[sflag:s16] =	ssyncadd.s32 $0xFFFFC000  }
0x146: {  	[hbm4b:s12+s4] =	stream.linear.scatter [tilespmem:s17], [sflag:$0x2], $0x4000, $0x38;
	[tilespmem:$0x1D400] =	vst v63  }
0x147: {  	_ =	swait.ge [sflag:s16], $0x4000  }
0x148: {  	[sflag:s16] =	ssyncset.done $0x0  }
0x149: {  	[sflag:s16] =	ssyncadd.s32 $0xFFFFC000  }
0x14a: {  	[tilespmem:s17], [sflag:$0x2] =	stream.indirect.gather [spmem:s3], $0x80, s21, s18, $0xb8;
	[tilespmem:$0x1D400] =	vst v63  }
0x14b: {  	_ =	swait.ge [sflag:s16], $0x4000  }
0x14c: {  	[sflag:s16] =	ssyncset.done $0x0  }
0x14d: {  	[sflag:s16] =	ssyncadd.s32 $0xFFFFC000  }
0x14e: {  	[hbm4b:s13+s4] =	stream.linear.scatter [tilespmem:s17], [sflag:$0x2], $0x4000, $0x38;
	[tilespmem:$0x1D400] =	vst v63  }
0x14f: {  	_ =	swait.ge [sflag:s16], $0x4000  }
0x150: {  	[sflag:s16] =	ssyncset.done $0x0  }
0x151: {  	[sflag:s16] =	ssyncadd.s32 $0xFFFFC000  }
0x152: {  	[tilespmem:s17], [sflag:$0x2] =	stream.indirect.gather [spmem:s3], $0x80, s22, s18, $0xb8;
	[tilespmem:$0x1D400] =	vst v63  }
0x153: {  	s26 =	sadd.s32 $0x1, s26;
	_ =	swait.ge [sflag:s16], $0x4000  }
0x154: {  	p0 =	sne.s32 s26, s9;
	[sflag:s16] =	ssyncset.done $0x0  }
.Ltmp1:
0x155: {  	[sflag:s16] =	ssyncadd.s32 $0xFFFFC000;
	(pc) =	sbr.rel @p0 .LBB2_1-.Ltmp1, $4  }
0x156: {  	[hbm4b:s14+s4] =	stream.linear.scatter [tilespmem:s17], [sflag:$0x2], $0x4000, $0x38;
	[tilespmem:$0x1D400] =	vst v63  }
0x157: {  	_ =	swait.ge [sflag:s16], $0x4000  }
0x158: {  	[sflag:s16] =	ssyncset.done $0x0  }
0x159: {  	[sflag:s16] =	ssyncadd.s32 $0xFFFFC000  }
0x15a: {  	_ =	sfence.sel $0x180000  }
0x15b: {  	[bflag:$0x0] =	sbarrier.arrive $0xFFFF  }
0x15c: {  	_ =	strace $0x9000004A  }
0x15d: {  	s0 =	stileid.u32;
	[bflag:$0x2] =	sbarrier.arrive $0xFFFF  }
0x15e: {  	p0 =	sne.s32 s0, $0x0;
	s0 =	rddreg [dreg:$0x3]  }
0x15f: {  	s0 =	sadd.s32 @!p0 $0x100000, s0  }
0x160: {  	[sflag:s0] =	ssyncadd.tile.s32 @!p0 $0x1;
	_ =	shalt  }
.Lfunc_end2:
_tile_overlayer_lowered:
.L_overlay_start_2:
0x161: {  	(tag) =	ssettag $0x2  }
0x162: {  	s0 =	rddreg [dreg:$0x0];
	s2 =	stileid.u32  }
0x163: {  	s1 =	rddreg [dreg:$0x1];
	p0 =	sne.s32 s2, $0x0  }
0x164: {  	s3 =	rddreg [dreg:$0x2];
	[bflag:$0x3] =	sbarrier.arrive $0xFFFF;
	s2 =	simm.s32 @!p0 $0x1C02  }
0x165: {  	[timem:s3], [sflag:s2] =	dma.local @!p0 [hbm:s0], s1  }
0x166: {  	s0 =	simm.s32 @!p0 $0x2  }
0x167: {  	_ =	swait.ge @!p0 [sflag:s0], s1  }
0x168: {  	s1 =	ssub.s32 @!p0 $0x0, s1;
	[sflag:s0] =	ssyncset.done @!p0 $0x0  }
0x169: {  	[sflag:s0] =	ssyncadd.s32 @!p0 s1  }
0x16a: {  	[bflag:$0x3] =	sbarrier.arrive $0xFFFF  }
0x16b: {  	_ =	shalt  }

// kernel: kernel.13.cloned.1.call-start
scs
__scs_entry_jumppad:
0x0: {  	(pc) =	sbr.rel $0x88, $3  }
0x1: {  	(tag) =	ssettag $0x0;
	lr =	simm.s32 $0x1  }
0x2: {  	[smem:$0x3F97] =	sst lr;
	_ =	strace $0xD0000000  }
0x3: {  	_ = 	snop  }
0x4: {  	_ = 	snop  }
0x5: {  	_ = 	snop  }
0x6: {  	_ = 	snop  }
0x7: {  	_ = 	snop  }
__scs_overlays_trampoline_lowered:
0x8: {  	[smem:$0x3FA6] =	sst s0  }
0x9: {  	[smem:$0x3FA7] =	sst s1  }
0xa: {  	[smem:$0x3FA8] =	sst s2  }
0xb: {  	[smem:$0x3FA9] =	sst s3  }
0xc: {  	[smem:$0x3FAA] =	sst s4  }
0xd: {  	[smem:$0x3FAB] =	sst s5  }
0xe: {  	[smem:$0x3FAC] =	sst s6  }
0xf: {  	[smem:$0x3FAD] =	sst s7  }
0x10: {  	[smem:$0x3FAE] =	sst s8  }
0x11: {  	[smem:$0x3FAF] =	sst s9;
	s0 =	simm.s32 @!p0 $0x0  }
0x12: {  	s1 =	sld [smem:$0x3F95];
	s0 =	simm.s32 @p0 $0x1  }
0x13: {  	[smem:$0x3FB0] =	sst s0;
	s0 =	simm.s32 @!p1 $0x0  }
0x14: {  	s2 =	sld [smem:$0x3F94];
	s0 =	simm.s32 @p1 $0x1  }
0x15: {  	[smem:$0x3FB1] =	sst s0;
	s0 =	simm.s32 @!p2 $0x0  }
0x16: {  	s3 =	sld [smem:$0x3FDB];
	s0 =	simm.s32 @p2 $0x1  }
0x17: {  	s4 =	simm.s32 $0x1BF5;
	[smem:$0x3FB3] =	sst s0  }
0x18: {  	s0 =	sld [smem:$0x3F96];
	_ =	swait.ge [sflag:s4], $0x0  }
0x19: {  	s7 =	sld [smem:$0x3F97]  }
0x1a: {  	s8 =	sadd.s32 $0xFFFFE003, lr  }
0x1b: {  	s9 =	sadd.s32 $0xFFFFFEF7, lr;
	s5 =	simm.s32 $0xFFFFFFFF;
	p2 =	slt.u32 s8, $0xFFFFF086  }
0x1c: {  	p1 =	slt.u32 s9, $0xF7A;
	s5 =	simm.s32 @!p2 $0x0  }
0x1d: {  	s5 =	simm.s32 @p1 $0x1;
	p0 =	seq.s32 s7, s2  }
0x1e: {  	s7 =	smul.u32 @!p0 $0xF7A, s2;
	p2 =	seq.s32 @!p0 s5, $0x0  }
0x1f: {  	s9 =	smul.u32 $0xF7A, s1;
	s8 =	simm.s32 @!p0 $0x1BF5;
	p2 =	por !p2, p0  }
0x20: {  	[sflag:s8] =	ssyncset.s32 @!p0 $0xFFFFF086;
	s6 =	sadd.s32 @!p0 s3, s7;
	s7 =	simm.s32 @!p0 $0x108  }
0x21: {  	s3 =	sadd.s32 s3, s9;
	s6 =	sadd.s32 @!p0 $0x88, s6;
	s7 =	simm.s32 @p2 $0x1082  }
0x22: {  	[simem:s7], [sflag:s8] =	dma.local @!p0 [hbm:s6], $0xF7A  }
0x23: {  	s9 =	sor.u32 $0xD0000000, s2;
	s6 =	simm.s32 $0x108;
	_ =	swait.ge @!p0 [sflag:s8], $0x0  }
0x24: {  	s3 =	sadd.s32 $0x88, s3;
	s6 =	simm.s32 @!p1 $0x1082;
	[sflag:s4] =	ssyncset.s32 $0xFFFFF086  }
0x25: {  	[simem:s6], [sflag:s4] =	dma.local [hbm:s3], $0xF7A  }
0x26: {  	[smem:$0x3F97] =	sst s1;
	(tag) =	ssettag s2;
	_ =	strace s9  }
0x27: {  	s1 =	sld [smem:$0x3FA7]  }
0x28: {  	s2 =	sld [smem:$0x3FA8]  }
0x29: {  	s4 =	sld [smem:$0x3FAA]  }
0x2a: {  	p0 =	seq.s32 s5, $0x0;
	s5 =	sld [smem:$0x3FAB]  }
0x2b: {  	s6 =	sld [smem:$0x3FAC]  }
0x2c: {  	s7 =	sld [smem:$0x3FAD]  }
0x2d: {  	s3 =	simm.s32 $0x108;
	s8 =	sld [smem:$0x3FAE]  }
0x2e: {  	s3 =	simm.s32 @!p0 $0x1082;
	s9 =	sld [smem:$0x3FAF]  }
0x2f: {  	lr =	sadd.s32 s0, s3;
	s0 =	sld [smem:$0x3FA6]  }
0x30: {  	s3 =	sld [smem:$0x3FA9]  }
0x31: {  	[smem:$0x3FB2] =	sst s10  }
0x32: {  	s10 =	sld [smem:$0x3FB0];
	_ =	sdelay $0x3  }
0x33: {  	p0 =	seq.s32 s10, $0x1;
	s10 =	sld [smem:$0x3FB2];
	_ =	sdelay $0x3  }
0x34: {  	[smem:$0x3FB2] =	sst s10  }
0x35: {  	s10 =	sld [smem:$0x3FB1];
	_ =	sdelay $0x3  }
0x36: {  	p1 =	seq.s32 s10, $0x1;
	s10 =	sld [smem:$0x3FB2];
	_ =	sdelay $0x3  }
0x37: {  	[smem:$0x3FB2] =	sst s10  }
0x38: {  	s10 =	sld [smem:$0x3FB3]  }
0x39: {  	_ = 	snop;
	(pc) =	sbr.ind lr, $3  }
0x3a: {  	_ = 	snop  }
0x3b: {  	_ = 	snop  }
0x3c: {  	p2 =	seq.s32 s10, $0x1;
	s10 =	sld [smem:$0x3FB2]  }
0x3d: {  	_ =	shalt  }
0x3e: {  	_ =	shalt  }
0x3f: {  	_ =	shalt  }
0x40: {  	_ =	shalt  }
0x41: {  	_ =	shalt  }
0x42: {  	_ =	shalt  }
0x43: {  	_ =	shalt  }
0x44: {  	_ =	shalt  }
0x45: {  	_ =	shalt  }
0x46: {  	_ =	shalt  }
0x47: {  	_ =	shalt  }
0x48: {  	_ =	shalt  }
0x49: {  	_ =	shalt  }
0x4a: {  	_ =	shalt  }
0x4b: {  	_ =	shalt  }
0x4c: {  	_ =	shalt  }
0x4d: {  	_ =	shalt  }
0x4e: {  	_ =	shalt  }
0x4f: {  	_ =	shalt  }
0x50: {  	_ =	shalt  }
0x51: {  	_ =	shalt  }
0x52: {  	_ =	shalt  }
0x53: {  	_ =	shalt  }
0x54: {  	_ =	shalt  }
0x55: {  	_ =	shalt  }
0x56: {  	_ =	shalt  }
0x57: {  	_ =	shalt  }
0x58: {  	_ =	shalt  }
0x59: {  	_ =	shalt  }
0x5a: {  	_ =	shalt  }
0x5b: {  	_ =	shalt  }
0x5c: {  	_ =	shalt  }
0x5d: {  	_ =	shalt  }
0x5e: {  	_ =	shalt  }
0x5f: {  	_ =	shalt  }
0x60: {  	_ =	shalt  }
0x61: {  	_ =	shalt  }
0x62: {  	_ =	shalt  }
0x63: {  	_ =	shalt  }
0x64: {  	_ =	shalt  }
0x65: {  	_ =	shalt  }
0x66: {  	_ =	shalt  }
0x67: {  	_ =	shalt  }
0x68: {  	_ =	shalt  }
0x69: {  	_ =	shalt  }
0x6a: {  	_ =	shalt  }
0x6b: {  	_ =	shalt  }
0x6c: {  	_ =	shalt  }
0x6d: {  	_ =	shalt  }
0x6e: {  	_ =	shalt  }
0x6f: {  	_ =	shalt  }
0x70: {  	_ =	shalt  }
0x71: {  	_ =	shalt  }
0x72: {  	_ =	shalt  }
0x73: {  	_ =	shalt  }
0x74: {  	_ =	shalt  }
0x75: {  	_ =	shalt  }
0x76: {  	_ =	shalt  }
0x77: {  	_ =	shalt  }
0x78: {  	_ =	shalt  }
0x79: {  	_ =	shalt  }
0x7a: {  	_ =	shalt  }
0x7b: {  	_ =	shalt  }
0x7c: {  	_ =	shalt  }
0x7d: {  	_ =	shalt  }
0x7e: {  	_ =	shalt  }
0x7f: {  	_ =	shalt  }
0x80: {  	_ =	shalt  }
0x81: {  	_ =	shalt  }
0x82: {  	_ =	shalt  }
0x83: {  	_ =	shalt  }
0x84: {  	_ =	shalt  }
0x85: {  	_ =	shalt  }
0x86: {  	_ =	shalt  }
0x87: {  	_ =	shalt  }
.Lfunc_end0:
.L_simem_size_0:
called_computation.2_lowered:
.L_overlay_start_0:
0x88: {  	s2 =	sld [smem:$0x3FD9]  }
0x89: {  	s3 =	sld [smem:$0x3FFE];
	_ =	sdelay $0x1  }
0x8a: {  	s1 =	srdreg.scid  }
0x8b: {  	s0 =	sand.u32 $0x1, s1  }
0x8c: {  	s17 =	sshll.u32 s0, $0xA;
	s2 =	sadd.s32 s3, s2  }
0x8d: {  	s2 =	sadd.s32 s2, s17  }
0x8e: {  	[smem:$0x3FBE] =	sst s2  }
0x8f: {  	_ = 	snop  }
0x90: {  	s2 =	sld [smem:$0x3FD0];
	(tm) =	ssettm $0x1  }
0x91: {  	s18 =	sld [smem:$0x3FFB];
	_ =	sdelay $0x3  }
0x92: {  	_ =	strace s18  }
0x93: {  	s3 =	sld [smem:$0x3FFC];
	_ =	sdelay $0x3  }
0x94: {  	_ =	strace s3  }
0x95: {  	s3 =	sld [smem:$0x3FFD];
	_ =	sdelay $0x3  }
0x96: {  	_ =	strace s3  }
0x97: {  	_ =	strace $0x8FFFFFFF  }
0x98: {  	s19 =	sld [smem:$0x3FDB];
	_ =	sdelay $0x1  }
0x99: {  	s4 =	simm.s32 $_scs_section_size  }
0x9a: {  	s5 =	simm.s32 $_size__tile_overlayer_lowered;
	s6 =	simm.s32 $_tile_overlayer_lowered  }
0x9b: {  	s22 =	simm.s32 $0x1BFF;
	s21 =	sshll.u32 s6, $0x1;
	s3 =	sadd.s32 s4, s19  }
0x9c: {  	s7 =	simm.s32 $0x0;
	s20 =	sshll.u32 s5, $0x1;
	s5 =	sadd.s32 s21, s3  }
0x9d: {  	[timem:s7], [sflag:s22] =	dma.local [hbm:s5], s20  }
0x9e: {  	_ =	swait.ge [sflag:s22], s20  }
0x9f: {  	s4 =	ssub.s32 $0x0, s20;
	[sflag:s22] =	ssyncset.done $0x0  }
0xa0: {  	[sflag:s22] =	ssyncadd.s32 s4;
	_ =	sdelay $0x1  }
0xa1: {  	s23 =	simm.s32 $0x1B8B  }
0xa2: {  	_ =	swait.ge [sflag:s23], $0x1  }
0xa3: {  	[sflag:s23] =	ssyncset.done $0x0  }
0xa4: {  	s25 =	simm.s32 $0x1B8E;
	s24 =	sld [smem:$0x3FFE];
	[sflag:s23] =	ssyncadd.s32 $0xFFFFFFFF  }
0xa5: {  	s26 =	simm.s32 $execute0_lowered;
	[smem:$0x3FD2] =	sst s25  }
0xa6: {  	s5 =	sshll.u32 s26, $0x1;
	_ =	strace $0x8000004C;
	[dreg:$0x1] =	wrdreg $0xFFFFFFFF  }
0xa7: {  	s28 =	simm.s32 $_size_execute0_lowered;
	s3 =	sadd.s32 s3, s5;
	[dreg:$0x0] =	wrdreg $0x0  }
0xa8: {  	s5 =	sshll.u32 s28, $0x1;
	[dreg:$0x2] =	wrdreg s3  }
0xa9: {  	[dreg:$0x3] =	wrdreg s5  }
0xaa: {  	[dreg:$0x4] =	wrdreg $0xC0  }
0xab: {  	_ =	task [dreg:s7], $0x5FFFF  }
0xac: {  	[dreg:$0x1] =	wrdreg $0xFFFFFFFF  }
0xad: {  	[dreg:$0x0] =	wrdreg $0x60  }
0xae: {  	[dreg:$0x2] =	wrdreg s2  }
0xaf: {  	[dreg:$0x3] =	wrdreg s24  }
0xb0: {  	[dreg:$0x4] =	wrdreg $0x94000  }
0xb1: {  	[dreg:$0x5] =	wrdreg $0x9  }
0xb2: {  	_ =	task.clear_ibuf [dreg:s7], $0x6FFFF;
	_ =	strace $0x9000004C  }
0xb3: {  	s29 =	simm.s32 $0x9;
	_ =	strace $0x8000004E  }
0xb4: {  	_ =	swait.ge [sflag:s29], $0x1  }
0xb5: {  	[sflag:s29] =	ssyncadd.s32 $0xFFFFFFFF  }
0xb6: {  	_ =	strace $0x9000004E  }
0xb7: {  	_ =	sfence  }
0xb8: {  	s30 =	sld [smem:$0x0];
	_ =	sdelay $0x2  }
0xb9: {  	s31 =	sshll.u32 s1, $0xD;
	s1 =	sshrl.u32 s1, $0x2  }
0xba: {  	s3 =	sand.u32 $0x4000, s31;
	s1 =	sadd.s32 s1, s30  }
0xbb: {  	s0 =	sor.u32 s3, s0;
	s1 =	sshll.u32 s1, $0x11  }
0xbc: {  	s0 =	sor.u32 s1, s0  }
0xbd: {  	s0 =	sadd.s32 $0x8F2B, s0  }
0xbe: {  	[sflag:s0] =	ssyncadd.remote.s32 $0x1  }
0xbf: {  	_ =	sfence.sel $0xFFFF  }
0xc0: {  	[dreg:$0x0] =	wrdreg $0xFFFFFFFF;
	(pc) =	sbr.abs _section_cstart, $3  }
0xc1: {  	[dreg:$0x1] =	wrdreg $0xFFFFFFFF  }
0xc2: {  	_ =	task.clear_ibuf [dreg:s7], $0x2FFFF;
	_ =	strace $0x9FFFFFFF  }
0xc3: {  	(tm) =	ssettm $0x7FFFFFFF  }
tec
execute0_lowered:
.L_overlay_start_1:
0x0: {  	(tag) =	ssettag $0x1  }
0x1: {  	s1 =	rddreg [dreg:$0x0];
	s0 =	srdreg.scid  }
0x2: {  	s8 =	stileid.u32;
	s2 =	rddreg [dreg:$0x1]  }
0x3: {  	s3 =	rddreg [dreg:$0x2];
	s4 =	simm.s32 $0x0;
	s15 =	simm.s32 $0x9000  }
0x4: {  	s16 =	simm.s32 $0x2;
	s17 =	simm.s32 $0x1000;
	s18 =	simm.s32 $0x80  }
0x5: {  	s19 =	simm.s32 $0x9080;
	s20 =	simm.s32 $0x9100;
	s5 =	smul.u32 $0xA0, s8  }
0x6: {  	s21 =	simm.s32 $0x9180;
	s0 =	sand.u32 $0x1, s0;
	s7 =	smul.u32 $0x14000, s8  }
0x7: {  	s22 =	simm.s32 $0x9200;
	[smem:$0x7FF] =	sst s4;
	s6 =	smul.u32 $0x50, s0  }
0x8: {  	s24 =	sadd.s32 $0xCE00, s2;
	s8 =	sshll.u32 s8, $0x7;
	s23 =	smul.u32 $0x140000, s0  }
0x9: {  	_ =	strace $0x8000004D;
	[dreg:$0x6] =	wrdreg s24;
	s0 =	ssub.s32 $0x2, s0  }
0xa: {  	s25 =	sadd.s32 s8, s2;
	s24 =	simm.s32 $0x1;
	s26 =	sshrl.u32 s0, $0x1  }
0xb: {  	s28 =	sadd.s32 $0x2600, s25;
	s25 =	simm.s32 $0x5000;
	s5 =	sadd.s32 s6, s5  }
0xc: {  	s6 =	sadd.s32 s23, s7;
	s0 =	ssub.s32 s0, s26;
	[dreg:$0x7] =	wrdreg s28  }
0xd: {  	s26 =	simm.s32 $0x0;
	s5 =	sshll.u32 s5, $0x4;
	s6 =	sshrl.u32 s6, $0x3  }
0xe: {  	s9 =	smax.u32 s0, $0x1;
	s13 =	sadd.s32 s5, s2;
	s2 =	sadd.s32 s6, s2  }
0xf: {  	s29 =	sadd.s32 $0x5DE00, s13;
	s8 =	sadd.s32 $0x2E00, s13;
	s10 =	sadd.s32 $0x67E00, s2  }
0x10: {  	s11 =	sadd.s32 $0x68600, s2;
	s30 =	sadd.s32 $0x2E80, s13;
	[dreg:$0x8] =	wrdreg s29  }
0x11: {  	s12 =	sadd.s32 $0x68E00, s2;
	s31 =	sadd.s32 $0x5DE80, s13;
	[dreg:$0x5] =	wrdreg s30  }
0x12: {  	s13 =	sadd.s32 $0x69600, s2;
	s14 =	sadd.s32 $0x69E00, s2;
	[dreg:$0x4] =	wrdreg s31  }
.LBB2_1:
0x13: {  	s0 =	rddreg [dreg:$0x7]  }
0x14: {  	[tilespmem:s15], [sflag:$0x2] =	stream.linear.gather [hbm4b:s0+s4], $0x280, $0x38;
	[tilespmem:$0x1D400] =	vst v63  }
0x15: {  	_ =	swait.ge [sflag:s16], $0x280  }
0x16: {  	[sflag:s16] =	ssyncset.done $0x0  }
0x17: {  	s2 =	rddreg [dreg:$0x6];
	[sflag:s16] =	ssyncadd.s32 $0xFFFFFD80  }
0x18: {  	[tilespmem:s17], [sflag:$0x2] =	stream.linear.gather [hbm4b:s2+s4], $0x4000, $0x38;
	[tilespmem:$0x1D400] =	vst v63  }
0x19: {  	_ =	swait.ge [sflag:s16], $0x4000  }
0x1a: {  	[sflag:s16] =	ssyncset.done $0x0  }
0x1b: {  	[sflag:s16] =	ssyncadd.s32 $0xFFFFC000  }
0x1c: {  	[spmem:s3] =	stream.indirect.scatter [tilespmem:s17], [sflag:$0x2], $0x80, s15, s18, $0xb8;
	[tilespmem:$0x1D400] =	vst v63  }
0x1d: {  	_ =	swait.ge [sflag:s16], $0x4000  }
0x1e: {  	[sflag:s16] =	ssyncset.done $0x0  }
0x1f: {  	[sflag:s16] =	ssyncadd.s32 $0xFFFFC000  }
0x20: {  	[spmem:s3] =	stream.indirect.scatter [tilespmem:s17], [sflag:$0x2], $0x80, s19, s18, $0xb8;
	[tilespmem:$0x1D400] =	vst v63  }
0x21: {  	_ =	swait.ge [sflag:s16], $0x4000  }
0x22: {  	[sflag:s16] =	ssyncset.done $0x0  }
0x23: {  	[sflag:s16] =	ssyncadd.s32 $0xFFFFC000  }
0x24: {  	[spmem:s3] =	stream.indirect.scatter [tilespmem:s17], [sflag:$0x2], $0x80, s20, s18, $0xb8;
	[tilespmem:$0x1D400] =	vst v63  }
0x25: {  	_ =	swait.ge [sflag:s16], $0x4000  }
0x26: {  	[sflag:s16] =	ssyncset.done $0x0  }
0x27: {  	[sflag:s16] =	ssyncadd.s32 $0xFFFFC000  }
0x28: {  	[spmem:s3] =	stream.indirect.scatter [tilespmem:s17], [sflag:$0x2], $0x80, s21, s18, $0xb8;
	[tilespmem:$0x1D400] =	vst v63  }
0x29: {  	_ =	swait.ge [sflag:s16], $0x4000  }
0x2a: {  	[sflag:s16] =	ssyncset.done $0x0  }
0x2b: {  	[sflag:s16] =	ssyncadd.s32 $0xFFFFC000  }
0x2c: {  	[spmem:s3] =	stream.indirect.scatter [tilespmem:s17], [sflag:$0x2], $0x80, s22, s18, $0xb8;
	[tilespmem:$0x1D400] =	vst v63  }
0x2d: {  	_ =	swait.ge [sflag:s16], $0x4000  }
0x2e: {  	[sflag:s16] =	ssyncset.done $0x0  }
0x2f: {  	[sflag:s16] =	ssyncadd.s32 $0xFFFFC000  }
0x30: {  	[bflag:$0x0] =	sbarrier.arrive $0xFFFF  }
0x31: {  	s5 =	rddreg [dreg:$0x8]  }
0x32: {  	[tilespmem:s4], [sflag:$0x2] =	stream.linear.gather [hbm4b:s5+s4], $0x400, $0x38;
	[tilespmem:$0x1D400] =	vst v63  }
0x33: {  	_ =	swait.ge [sflag:s16], $0x400  }
0x34: {  	[sflag:s16] =	ssyncset.done $0x0  }
0x35: {  	s6 =	simm.s32 $0x800;
	[sflag:s16] =	ssyncadd.s32 $0xFFFFFC00  }
0x36: {  	[tilespmem:s6], [sflag:$0x2] =	stream.linear.gather [hbm4b:s8+s4], $0x400, $0x38;
	[tilespmem:$0x1D400] =	vst v63  }
0x37: {  	_ =	swait.ge [sflag:s16], $0x400  }
0x38: {  	p0 =	por $0x0, $0x0;
	[sflag:s16] =	ssyncset.done $0x0  }
0x39: {  	s0 =	sand.u32 $0x1, s24;
	s2 =	rddreg [dreg:$0x4];
	[sflag:s16] =	ssyncadd.s32 $0xFFFFFC00  }
0x3a: {  	[tilespmem:s17], [sflag:$0x1] =	stream.indirect.gather [hbm4b:s1+s18], $0x80, s4, s18, $0xb8;
	[tilespmem:$0x1D400] =	vst v63  }
0x3b: {  	s28 =	simm.s32 @!p0 $0x0;
	s0 =	sshll.u32 @!p0 s0, $0xA;
	s2 =	sadd.s32 @!p0 $0x0, s2  }
0x3c: {  	[tilespmem:s0], [sflag:$0x2] =	stream.linear.gather @!p0 [hbm4b:s2+s28], $0x400, $0x38;
	[tilespmem:$0x1D400] =	vst v63  }
0x3d: {  	s2 =	simm.s32 @!p0 $0x2  }
0x3e: {  	_ =	swait.ge @!p0 [sflag:s2], $0x400  }
0x3f: {  	s29 =	rddreg [dreg:$0x5];
	[sflag:s2] =	ssyncset.done @!p0 $0x0  }
0x40: {  	s30 =	sor.u32 @!p0 $0x800, s0;
	[sflag:s2] =	ssyncadd.s32 @!p0 $0xFFFFFC00;
	s29 =	sadd.s32 @!p0 $0x0, s29  }
0x41: {  	[tilespmem:s30], [sflag:$0x2] =	stream.linear.gather @!p0 [hbm4b:s29+s28], $0x400, $0x38;
	[tilespmem:$0x1D400] =	vst v63  }
0x42: {  	_ =	swait.ge @!p0 [sflag:s2], $0x400  }
0x43: {  	[sflag:s2] =	ssyncset.done @!p0 $0x0  }
0x44: {  	[sflag:s2] =	ssyncadd.s32 @!p0 $0xFFFFFC00  }
0x45: {  	_ =	swait.ge [sflag:s24], $0x4000  }
0x46: {  	s7 =	sand.u32 $0x400, s4;
	[sflag:s24] =	ssyncset.done $0x0  }
0x47: {  	s28 =	sor.u32 $0x80, s7;
	[sflag:s24] =	ssyncadd.s32 $0xFFFFC000  }
0x48: {  	[tilespmem:s25], [sflag:$0x1] =	stream.indirect.gather [hbm4b:s1+s18], $0x80, s28, s18, $0xb8;
	[tilespmem:$0x1D400] =	vst v63  }
0x49: {  	s28 =	sor.u32 $0x800, s7  }
0x4a: {  	[spmem:s3] =	stream.indirect.scatter.add.f32 [tilespmem:s17], [sflag:$0x2], $0x80, s28, s18, $0xb8;
	[tilespmem:$0x1D400] =	vst v63  }
0x4b: {  	_ =	swait.ge [sflag:s16], $0x4000  }
0x4c: {  	[sflag:s16] =	ssyncset.done $0x0  }
0x4d: {  	[sflag:s16] =	ssyncadd.s32 $0xFFFFC000  }
0x4e: {  	_ =	swait.ge [sflag:s24], $0x4000  }
0x4f: {  	[sflag:s24] =	ssyncset.done $0x0  }
0x50: {  	s28 =	sor.u32 $0x100, s7;
	[sflag:s24] =	ssyncadd.s32 $0xFFFFC000  }
0x51: {  	[tilespmem:s17], [sflag:$0x1] =	stream.indirect.gather [hbm4b:s1+s18], $0x80, s28, s18, $0xb8;
	[tilespmem:$0x1D400] =	vst v63  }
0x52: {  	s28 =	sor.u32 $0x880, s7  }
0x53: {  	[spmem:s3] =	stream.indirect.scatter.add.f32 [tilespmem:s25], [sflag:$0x2], $0x80, s28, s18, $0xb8;
	[tilespmem:$0x1D400] =	vst v63  }
0x54: {  	_ =	swait.ge [sflag:s16], $0x4000  }
0x55: {  	[sflag:s16] =	ssyncset.done $0x0  }
0x56: {  	[sflag:s16] =	ssyncadd.s32 $0xFFFFC000  }
0x57: {  	_ =	swait.ge [sflag:s24], $0x4000  }
0x58: {  	[sflag:s24] =	ssyncset.done $0x0  }
0x59: {  	s28 =	sor.u32 $0x180, s7;
	[sflag:s24] =	ssyncadd.s32 $0xFFFFC000  }
0x5a: {  	[tilespmem:s25], [sflag:$0x1] =	stream.indirect.gather [hbm4b:s1+s18], $0x80, s28, s18, $0xb8;
	[tilespmem:$0x1D400] =	vst v63  }
0x5b: {  	s28 =	sor.u32 $0x900, s7  }
0x5c: {  	[spmem:s3] =	stream.indirect.scatter.add.f32 [tilespmem:s17], [sflag:$0x2], $0x80, s28, s18, $0xb8;
	[tilespmem:$0x1D400] =	vst v63  }
0x5d: {  	_ =	swait.ge [sflag:s16], $0x4000  }
0x5e: {  	[sflag:s16] =	ssyncset.done $0x0  }
0x5f: {  	[sflag:s16] =	ssyncadd.s32 $0xFFFFC000  }
0x60: {  	_ =	swait.ge [sflag:s24], $0x4000  }
0x61: {  	[sflag:s24] =	ssyncset.done $0x0  }
0x62: {  	s28 =	sor.u32 $0x200, s7;
	[sflag:s24] =	ssyncadd.s32 $0xFFFFC000  }
0x63: {  	[tilespmem:s17], [sflag:$0x1] =	stream.indirect.gather [hbm4b:s1+s18], $0x80, s28, s18, $0xb8;
	[tilespmem:$0x1D400] =	vst v63  }
0x64: {  	s28 =	sor.u32 $0x980, s7  }
0x65: {  	[spmem:s3] =	stream.indirect.scatter.add.f32 [tilespmem:s25], [sflag:$0x2], $0x80, s28, s18, $0xb8;
	[tilespmem:$0x1D400] =	vst v63  }
0x66: {  	_ =	swait.ge [sflag:s16], $0x4000  }
0x67: {  	[sflag:s16] =	ssyncset.done $0x0  }
0x68: {  	[sflag:s16] =	ssyncadd.s32 $0xFFFFC000  }
0x69: {  	_ =	swait.ge [sflag:s24], $0x4000  }
0x6a: {  	[sflag:s24] =	ssyncset.done $0x0  }
0x6b: {  	s28 =	sor.u32 $0x280, s7;
	[sflag:s24] =	ssyncadd.s32 $0xFFFFC000  }
0x6c: {  	[tilespmem:s25], [sflag:$0x1] =	stream.indirect.gather [hbm4b:s1+s18], $0x80, s28, s18, $0xb8;
	[tilespmem:$0x1D400] =	vst v63  }
0x6d: {  	s28 =	sor.u32 $0xA00, s7  }
0x6e: {  	[spmem:s3] =	stream.indirect.scatter.add.f32 [tilespmem:s17], [sflag:$0x2], $0x80, s28, s18, $0xb8;
	[tilespmem:$0x1D400] =	vst v63  }
0x6f: {  	_ =	swait.ge [sflag:s16], $0x4000  }
0x70: {  	[sflag:s16] =	ssyncset.done $0x0  }
0x71: {  	[sflag:s16] =	ssyncadd.s32 $0xFFFFC000  }
0x72: {  	_ =	swait.ge [sflag:s24], $0x4000  }
0x73: {  	[sflag:s24] =	ssyncset.done $0x0  }
0x74: {  	s28 =	sor.u32 $0x300, s7;
	[sflag:s24] =	ssyncadd.s32 $0xFFFFC000  }
0x75: {  	[tilespmem:s17], [sflag:$0x1] =	stream.indirect.gather [hbm4b:s1+s18], $0x80, s28, s18, $0xb8;
	[tilespmem:$0x1D400] =	vst v63  }
0x76: {  	s28 =	sor.u32 $0xA80, s7  }
0x77: {  	[spmem:s3] =	stream.indirect.scatter.add.f32 [tilespmem:s25], [sflag:$0x2], $0x80, s28, s18, $0xb8;
	[tilespmem:$0x1D400] =	vst v63  }
0x78: {  	_ =	swait.ge [sflag:s16], $0x4000  }
0x79: {  	[sflag:s16] =	ssyncset.done $0x0  }
0x7a: {  	[sflag:s16] =	ssyncadd.s32 $0xFFFFC000  }
0x7b: {  	_ =	swait.ge [sflag:s24], $0x4000  }
0x7c: {  	[sflag:s24] =	ssyncset.done $0x0  }
0x7d: {  	s28 =	sor.u32 $0x380, s7;
	[sflag:s24] =	ssyncadd.s32 $0xFFFFC000  }
0x7e: {  	[tilespmem:s25], [sflag:$0x1] =	stream.indirect.gather [hbm4b:s1+s18], $0x80, s28, s18, $0xb8;
	[tilespmem:$0x1D400] =	vst v63  }
0x7f: {  	s2 =	sor.u32 $0xB00, s7  }
0x80: {  	[spmem:s3] =	stream.indirect.scatter.add.f32 [tilespmem:s17], [sflag:$0x2], $0x80, s2, s18, $0xb8;
	[tilespmem:$0x1D400] =	vst v63  }
0x81: {  	_ =	swait.ge [sflag:s16], $0x4000  }
0x82: {  	[sflag:s16] =	ssyncset.done $0x0  }
0x83: {  	[sflag:s16] =	ssyncadd.s32 $0xFFFFC000  }
0x84: {  	_ =	swait.ge [sflag:s24], $0x4000  }
0x85: {  	[sflag:s24] =	ssyncset.done $0x0  }
0x86: {  	s29 =	simm.s32 @!p0 $0x1000;
	s2 =	simm.s32 @!p0 $0x80;
	[sflag:s24] =	ssyncadd.s32 $0xFFFFC000  }
0x87: {  	[tilespmem:s29], [sflag:$0x1] =	stream.indirect.gather @!p0 [hbm4b:s1+s2], $0x80, s0, s2, $0xb8;
	[tilespmem:$0x1D400] =	vst v63  }
0x88: {  	s31 =	simm.s32 $0x100;
	s30 =	simm.s32 $0x2;
	s23 =	sor.u32 $0x800, s28  }
0x89: {  	[spmem:s3] =	stream.indirect.scatter.add.f32 [tilespmem:s25], [sflag:$0x2], $0x80, s23, s18, $0xb8;
	[tilespmem:$0x1D400] =	vst v63  }
0x8a: {  	s28 =	simm.s32 $0x400;
	s29 =	simm.s32 $0x80;
	_ =	swait.ge [sflag:s16], $0x4000  }
.LBB2_2:
0x8b: {  	s0 =	rddreg [dreg:$0x4];
	[sflag:s16] =	ssyncset.done $0x0  }
0x8c: {  	s2 =	sand.u32 $0x1, s30;
	p1 =	seq.s32 s29, $0x480;
	[sflag:s16] =	ssyncadd.s32 $0xFFFFC000  }
0x8d: {  	s2 =	sshll.u32 @!p1 s2, $0xA;
	s0 =	sadd.s32 @!p1 s29, s0;
	s5 =	simm.s32 @!p1 $0x0  }
0x8e: {  	[tilespmem:s2], [sflag:$0x2] =	stream.linear.gather @!p1 [hbm4b:s0+s5], $0x400, $0x38;
	[tilespmem:$0x1D400] =	vst v63  }
0x8f: {  	s0 =	simm.s32 @!p1 $0x2  }
0x90: {  	_ =	swait.ge @!p1 [sflag:s0], $0x400  }
0x91: {  	[sflag:s0] =	ssyncset.done @!p1 $0x0;
	s7 =	rddreg [dreg:$0x5]  }
0x92: {  	s6 =	sor.u32 @!p1 $0x800, s2;
	[sflag:s0] =	ssyncadd.s32 @!p1 $0xFFFFFC00;
	s7 =	sadd.s32 @!p1 s29, s7  }
0x93: {  	[tilespmem:s6], [sflag:$0x2] =	stream.linear.gather @!p1 [hbm4b:s7+s5], $0x400, $0x38;
	[tilespmem:$0x1D400] =	vst v63  }
0x94: {  	_ =	swait.ge @!p1 [sflag:s0], $0x400  }
0x95: {  	[sflag:s0] =	ssyncset.done @!p1 $0x0  }
0x96: {  	[sflag:s0] =	ssyncadd.s32 @!p1 $0xFFFFFC00  }
0x97: {  	_ =	swait.ge [sflag:s24], $0x4000  }
0x98: {  	s0 =	sand.u32 $0x400, s28;
	[sflag:s24] =	ssyncset.done $0x0  }
0x99: {  	s23 =	smov.u32 s31;
	s7 =	sor.u32 $0x80, s0;
	[sflag:s24] =	ssyncadd.s32 $0xFFFFC000  }
0x9a: {  	[tilespmem:s25], [sflag:$0x1] =	stream.indirect.gather [hbm4b:s1+s18], $0x80, s7, s18, $0xb8;
	[tilespmem:$0x1D400] =	vst v63  }
0x9b: {  	s29 =	smov.u32 s23;
	s23 =	sor.u32 $0x800, s0  }
0x9c: {  	[spmem:s3] =	stream.indirect.scatter.add.f32 [tilespmem:s17], [sflag:$0x2], $0x80, s23, s18, $0xb8;
	[tilespmem:$0x1D400] =	vst v63  }
0x9d: {  	_ =	swait.ge [sflag:s16], $0x4000  }
0x9e: {  	[sflag:s16] =	ssyncset.done $0x0  }
0x9f: {  	[sflag:s16] =	ssyncadd.s32 $0xFFFFC000  }
0xa0: {  	_ =	swait.ge [sflag:s24], $0x4000  }
0xa1: {  	[sflag:s24] =	ssyncset.done $0x0  }
0xa2: {  	s7 =	sor.u32 $0x100, s0;
	[sflag:s24] =	ssyncadd.s32 $0xFFFFC000  }
0xa3: {  	[tilespmem:s17], [sflag:$0x1] =	stream.indirect.gather [hbm4b:s1+s18], $0x80, s7, s18, $0xb8;
	[tilespmem:$0x1D400] =	vst v63  }
0xa4: {  	s23 =	sor.u32 $0x880, s0  }
0xa5: {  	[spmem:s3] =	stream.indirect.scatter.add.f32 [tilespmem:s25], [sflag:$0x2], $0x80, s23, s18, $0xb8;
	[tilespmem:$0x1D400] =	vst v63  }
0xa6: {  	_ =	swait.ge [sflag:s16], $0x4000  }
0xa7: {  	[sflag:s16] =	ssyncset.done $0x0  }
0xa8: {  	[sflag:s16] =	ssyncadd.s32 $0xFFFFC000  }
0xa9: {  	_ =	swait.ge [sflag:s24], $0x4000  }
0xaa: {  	[sflag:s24] =	ssyncset.done $0x0  }
0xab: {  	s7 =	sor.u32 $0x180, s0;
	[sflag:s24] =	ssyncadd.s32 $0xFFFFC000  }
0xac: {  	[tilespmem:s25], [sflag:$0x1] =	stream.indirect.gather [hbm4b:s1+s18], $0x80, s7, s18, $0xb8;
	[tilespmem:$0x1D400] =	vst v63  }
0xad: {  	s23 =	sor.u32 $0x900, s0  }
0xae: {  	[spmem:s3] =	stream.indirect.scatter.add.f32 [tilespmem:s17], [sflag:$0x2], $0x80, s23, s18, $0xb8;
	[tilespmem:$0x1D400] =	vst v63  }
0xaf: {  	_ =	swait.ge [sflag:s16], $0x4000  }
0xb0: {  	[sflag:s16] =	ssyncset.done $0x0  }
0xb1: {  	[sflag:s16] =	ssyncadd.s32 $0xFFFFC000  }
0xb2: {  	_ =	swait.ge [sflag:s24], $0x4000  }
0xb3: {  	[sflag:s24] =	ssyncset.done $0x0  }
0xb4: {  	s7 =	sor.u32 $0x200, s0;
	[sflag:s24] =	ssyncadd.s32 $0xFFFFC000  }
0xb5: {  	[tilespmem:s17], [sflag:$0x1] =	stream.indirect.gather [hbm4b:s1+s18], $0x80, s7, s18, $0xb8;
	[tilespmem:$0x1D400] =	vst v63  }
0xb6: {  	s23 =	sor.u32 $0x980, s0  }
0xb7: {  	[spmem:s3] =	stream.indirect.scatter.add.f32 [tilespmem:s25], [sflag:$0x2], $0x80, s23, s18, $0xb8;
	[tilespmem:$0x1D400] =	vst v63  }
0xb8: {  	_ =	swait.ge [sflag:s16], $0x4000  }
0xb9: {  	[sflag:s16] =	ssyncset.done $0x0  }
0xba: {  	[sflag:s16] =	ssyncadd.s32 $0xFFFFC000  }
0xbb: {  	_ =	swait.ge [sflag:s24], $0x4000  }
0xbc: {  	[sflag:s24] =	ssyncset.done $0x0  }
0xbd: {  	s7 =	sor.u32 $0x280, s0;
	[sflag:s24] =	ssyncadd.s32 $0xFFFFC000  }
0xbe: {  	[tilespmem:s25], [sflag:$0x1] =	stream.indirect.gather [hbm4b:s1+s18], $0x80, s7, s18, $0xb8;
	[tilespmem:$0x1D400] =	vst v63  }
0xbf: {  	s23 =	sor.u32 $0xA00, s0  }
0xc0: {  	[spmem:s3] =	stream.indirect.scatter.add.f32 [tilespmem:s17], [sflag:$0x2], $0x80, s23, s18, $0xb8;
	[tilespmem:$0x1D400] =	vst v63  }
0xc1: {  	_ =	swait.ge [sflag:s16], $0x4000  }
0xc2: {  	[sflag:s16] =	ssyncset.done $0x0  }
0xc3: {  	[sflag:s16] =	ssyncadd.s32 $0xFFFFC000  }
0xc4: {  	_ =	swait.ge [sflag:s24], $0x4000  }
0xc5: {  	[sflag:s24] =	ssyncset.done $0x0  }
0xc6: {  	s6 =	sor.u32 $0x300, s0;
	[sflag:s24] =	ssyncadd.s32 $0xFFFFC000  }
0xc7: {  	[tilespmem:s17], [sflag:$0x1] =	stream.indirect.gather [hbm4b:s1+s18], $0x80, s6, s18, $0xb8;
	[tilespmem:$0x1D400] =	vst v63  }
0xc8: {  	s7 =	sor.u32 $0xA80, s0  }
0xc9: {  	[spmem:s3] =	stream.indirect.scatter.add.f32 [tilespmem:s25], [sflag:$0x2], $0x80, s7, s18, $0xb8;
	[tilespmem:$0x1D400] =	vst v63  }
0xca: {  	_ =	swait.ge [sflag:s16], $0x4000  }
0xcb: {  	[sflag:s16] =	ssyncset.done $0x0  }
0xcc: {  	[sflag:s16] =	ssyncadd.s32 $0xFFFFC000  }
0xcd: {  	_ =	swait.ge [sflag:s24], $0x4000  }
0xce: {  	[sflag:s24] =	ssyncset.done $0x0  }
0xcf: {  	s23 =	sor.u32 $0x380, s0;
	[sflag:s24] =	ssyncadd.s32 $0xFFFFC000  }
0xd0: {  	[tilespmem:s25], [sflag:$0x1] =	stream.indirect.gather [hbm4b:s1+s18], $0x80, s23, s18, $0xb8;
	[tilespmem:$0x1D400] =	vst v63  }
0xd1: {  	s0 =	sor.u32 $0xB00, s0  }
0xd2: {  	[spmem:s3] =	stream.indirect.scatter.add.f32 [tilespmem:s17], [sflag:$0x2], $0x80, s0, s18, $0xb8;
	[tilespmem:$0x1D400] =	vst v63  }
0xd3: {  	_ =	swait.ge [sflag:s16], $0x4000  }
0xd4: {  	[sflag:s16] =	ssyncset.done $0x0  }
0xd5: {  	[sflag:s16] =	ssyncadd.s32 $0xFFFFC000  }
0xd6: {  	s31 =	sadd.s32 $0x80, s31;
	_ =	swait.ge [sflag:s24], $0x4000  }
0xd7: {  	p0 =	sne.s32 s31, $0x500;
	s6 =	simm.s32 @!p1 $0x1000;
	[sflag:s24] =	ssyncset.done $0x0  }
.Ltmp0:
0xd8: {  	s0 =	simm.s32 @!p1 $0x80;
	[sflag:s24] =	ssyncadd.s32 $0xFFFFC000;
	(pc) =	sbr.rel @p0 .LBB2_2-.Ltmp0, $4  }
0xd9: {  	[tilespmem:s6], [sflag:$0x1] =	stream.indirect.gather @!p1 [hbm4b:s1+s0], $0x80, s2, s0, $0xb8;
	[tilespmem:$0x1D400] =	vst v63  }
0xda: {  	s5 =	sor.u32 $0x800, s23  }
0xdb: {  	[spmem:s3] =	stream.indirect.scatter.add.f32 [tilespmem:s25], [sflag:$0x2], $0x80, s5, s18, $0xb8;
	[tilespmem:$0x1D400] =	vst v63  }
0xdc: {  	s30 =	sadd.s32 $0x1, s30;
	s28 =	sadd.s32 $0x400, s28;
	_ =	swait.ge [sflag:s16], $0x4000  }
0xdd: {  	s2 =	rddreg [dreg:$0x4];
	[sflag:s16] =	ssyncset.done $0x0  }
0xde: {  	s0 =	sand.u32 $0x1, s30;
	p0 =	seq.s32 s29, $0x480;
	[sflag:s16] =	ssyncadd.s32 $0xFFFFC000  }
0xdf: {  	s0 =	sshll.u32 @!p0 s0, $0xA;
	s2 =	sadd.s32 @!p0 s29, s2;
	s5 =	simm.s32 @!p0 $0x0  }
0xe0: {  	[tilespmem:s0], [sflag:$0x2] =	stream.linear.gather @!p0 [hbm4b:s2+s5], $0x400, $0x38;
	[tilespmem:$0x1D400] =	vst v63  }
0xe1: {  	s2 =	simm.s32 @!p0 $0x2  }
0xe2: {  	_ =	swait.ge @!p0 [sflag:s2], $0x400  }
0xe3: {  	s6 =	rddreg [dreg:$0x5];
	[sflag:s2] =	ssyncset.done @!p0 $0x0  }
0xe4: {  	s7 =	sor.u32 @!p0 $0x800, s0;
	s6 =	sadd.s32 @!p0 s29, s6;
	[sflag:s2] =	ssyncadd.s32 @!p0 $0xFFFFFC00  }
0xe5: {  	[tilespmem:s7], [sflag:$0x2] =	stream.linear.gather @!p0 [hbm4b:s6+s5], $0x400, $0x38;
	[tilespmem:$0x1D400] =	vst v63  }
0xe6: {  	_ =	swait.ge @!p0 [sflag:s2], $0x400  }
0xe7: {  	[sflag:s2] =	ssyncset.done @!p0 $0x0  }
0xe8: {  	[sflag:s2] =	ssyncadd.s32 @!p0 $0xFFFFFC00  }
0xe9: {  	_ =	swait.ge [sflag:s24], $0x4000  }
0xea: {  	s2 =	sand.u32 $0x400, s28;
	[sflag:s24] =	ssyncset.done $0x0  }
0xeb: {  	s6 =	sor.u32 $0x80, s2;
	[sflag:s24] =	ssyncadd.s32 $0xFFFFC000  }
0xec: {  	[tilespmem:s25], [sflag:$0x1] =	stream.indirect.gather [hbm4b:s1+s18], $0x80, s6, s18, $0xb8;
	[tilespmem:$0x1D400] =	vst v63  }
0xed: {  	s7 =	sor.u32 $0x800, s2  }
0xee: {  	[spmem:s3] =	stream.indirect.scatter.add.f32 [tilespmem:s17], [sflag:$0x2], $0x80, s7, s18, $0xb8;
	[tilespmem:$0x1D400] =	vst v63  }
0xef: {  	_ =	swait.ge [sflag:s16], $0x4000  }
0xf0: {  	[sflag:s16] =	ssyncset.done $0x0  }
0xf1: {  	[sflag:s16] =	ssyncadd.s32 $0xFFFFC000  }
0xf2: {  	_ =	swait.ge [sflag:s24], $0x4000  }
0xf3: {  	[sflag:s24] =	ssyncset.done $0x0  }
0xf4: {  	s23 =	sor.u32 $0x100, s2;
	[sflag:s24] =	ssyncadd.s32 $0xFFFFC000  }
0xf5: {  	[tilespmem:s17], [sflag:$0x1] =	stream.indirect.gather [hbm4b:s1+s18], $0x80, s23, s18, $0xb8;
	[tilespmem:$0x1D400] =	vst v63  }
0xf6: {  	s28 =	sor.u32 $0x880, s2  }
0xf7: {  	[spmem:s3] =	stream.indirect.scatter.add.f32 [tilespmem:s25], [sflag:$0x2], $0x80, s28, s18, $0xb8;
	[tilespmem:$0x1D400] =	vst v63  }
0xf8: {  	_ =	swait.ge [sflag:s16], $0x4000  }
0xf9: {  	[sflag:s16] =	ssyncset.done $0x0  }
0xfa: {  	[sflag:s16] =	ssyncadd.s32 $0xFFFFC000  }
0xfb: {  	_ =	swait.ge [sflag:s24], $0x4000  }
0xfc: {  	[sflag:s24] =	ssyncset.done $0x0  }
0xfd: {  	s29 =	sor.u32 $0x180, s2;
	[sflag:s24] =	ssyncadd.s32 $0xFFFFC000  }
0xfe: {  	[tilespmem:s25], [sflag:$0x1] =	stream.indirect.gather [hbm4b:s1+s18], $0x80, s29, s18, $0xb8;
	[tilespmem:$0x1D400] =	vst v63  }
0xff: {  	s30 =	sor.u32 $0x900, s2  }
0x100: {  	[spmem:s3] =	stream.indirect.scatter.add.f32 [tilespmem:s17], [sflag:$0x2], $0x80, s30, s18, $0xb8;
	[tilespmem:$0x1D400] =	vst v63  }
0x101: {  	_ =	swait.ge [sflag:s16], $0x4000  }
0x102: {  	[sflag:s16] =	ssyncset.done $0x0  }
0x103: {  	[sflag:s16] =	ssyncadd.s32 $0xFFFFC000  }
0x104: {  	_ =	swait.ge [sflag:s24], $0x4000  }
0x105: {  	[sflag:s24] =	ssyncset.done $0x0  }
0x106: {  	s31 =	sor.u32 $0x200, s2;
	[sflag:s24] =	ssyncadd.s32 $0xFFFFC000  }
0x107: {  	[tilespmem:s17], [sflag:$0x1] =	stream.indirect.gather [hbm4b:s1+s18], $0x80, s31, s18, $0xb8;
	[tilespmem:$0x1D400] =	vst v63  }
0x108: {  	s6 =	sor.u32 $0x980, s2  }
0x109: {  	[spmem:s3] =	stream.indirect.scatter.add.f32 [tilespmem:s25], [sflag:$0x2], $0x80, s6, s18, $0xb8;
	[tilespmem:$0x1D400] =	vst v63  }
0x10a: {  	_ =	swait.ge [sflag:s16], $0x4000  }
0x10b: {  	[sflag:s16] =	ssyncset.done $0x0  }
0x10c: {  	[sflag:s16] =	ssyncadd.s32 $0xFFFFC000  }
0x10d: {  	_ =	swait.ge [sflag:s24], $0x4000  }
0x10e: {  	[sflag:s24] =	ssyncset.done $0x0  }
0x10f: {  	s7 =	sor.u32 $0x280, s2;
	[sflag:s24] =	ssyncadd.s32 $0xFFFFC000  }
0x110: {  	[tilespmem:s25], [sflag:$0x1] =	stream.indirect.gather [hbm4b:s1+s18], $0x80, s7, s18, $0xb8;
	[tilespmem:$0x1D400] =	vst v63  }
0x111: {  	s23 =	sor.u32 $0xA00, s2  }
0x112: {  	[spmem:s3] =	stream.indirect.scatter.add.f32 [tilespmem:s17], [sflag:$0x2], $0x80, s23, s18, $0xb8;
	[tilespmem:$0x1D400] =	vst v63  }
0x113: {  	_ =	swait.ge [sflag:s16], $0x4000  }
0x114: {  	[sflag:s16] =	ssyncset.done $0x0  }
0x115: {  	[sflag:s16] =	ssyncadd.s32 $0xFFFFC000  }
0x116: {  	_ =	swait.ge [sflag:s24], $0x4000  }
0x117: {  	[sflag:s24] =	ssyncset.done $0x0  }
0x118: {  	s28 =	sor.u32 $0x300, s2;
	[sflag:s24] =	ssyncadd.s32 $0xFFFFC000  }
0x119: {  	[tilespmem:s17], [sflag:$0x1] =	stream.indirect.gather [hbm4b:s1+s18], $0x80, s28, s18, $0xb8;
	[tilespmem:$0x1D400] =	vst v63  }
0x11a: {  	s29 =	sor.u32 $0xA80, s2  }
0x11b: {  	[spmem:s3] =	stream.indirect.scatter.add.f32 [tilespmem:s25], [sflag:$0x2], $0x80, s29, s18, $0xb8;
	[tilespmem:$0x1D400] =	vst v63  }
0x11c: {  	_ =	swait.ge [sflag:s16], $0x4000  }
0x11d: {  	[sflag:s16] =	ssyncset.done $0x0  }
0x11e: {  	[sflag:s16] =	ssyncadd.s32 $0xFFFFC000  }
0x11f: {  	_ =	swait.ge [sflag:s24], $0x4000  }
0x120: {  	[sflag:s24] =	ssyncset.done $0x0  }
0x121: {  	s30 =	sor.u32 $0x380, s2;
	[sflag:s24] =	ssyncadd.s32 $0xFFFFC000  }
0x122: {  	[tilespmem:s25], [sflag:$0x1] =	stream.indirect.gather [hbm4b:s1+s18], $0x80, s30, s18, $0xb8;
	[tilespmem:$0x1D400] =	vst v63  }
0x123: {  	s2 =	sor.u32 $0xB00, s2  }
0x124: {  	[spmem:s3] =	stream.indirect.scatter.add.f32 [tilespmem:s17], [sflag:$0x2], $0x80, s2, s18, $0xb8;
	[tilespmem:$0x1D400] =	vst v63  }
0x125: {  	_ =	swait.ge [sflag:s16], $0x4000  }
0x126: {  	[sflag:s16] =	ssyncset.done $0x0  }
0x127: {  	[sflag:s16] =	ssyncadd.s32 $0xFFFFC000  }
0x128: {  	_ =	swait.ge [sflag:s24], $0x4000  }
0x129: {  	[sflag:s24] =	ssyncset.done $0x0  }
0x12a: {  	s6 =	simm.s32 @!p0 $0x1000;
	s2 =	simm.s32 @!p0 $0x80;
	[sflag:s24] =	ssyncadd.s32 $0xFFFFC000  }
0x12b: {  	[tilespmem:s6], [sflag:$0x1] =	stream.indirect.gather @!p0 [hbm4b:s1+s2], $0x80, s0, s2, $0xb8;
	[tilespmem:$0x1D400] =	vst v63  }
0x12c: {  	s31 =	sor.u32 $0x800, s30  }
0x12d: {  	[spmem:s3] =	stream.indirect.scatter.add.f32 [tilespmem:s25], [sflag:$0x2], $0x80, s31, s18, $0xb8;
	[tilespmem:$0x1D400] =	vst v63  }
0x12e: {  	_ =	swait.ge [sflag:s16], $0x4000  }
0x12f: {  	[sflag:s16] =	ssyncset.done $0x0  }
0x130: {  	[sflag:s16] =	ssyncadd.s32 $0xFFFFC000  }
0x131: {  	[bflag:$0x0] =	sbarrier.arrive $0xFFFF  }
0x132: {  	[tilespmem:s17], [sflag:$0x2] =	stream.indirect.gather [spmem:s3], $0x80, s15, s18, $0xb8;
	[tilespmem:$0x1D400] =	vst v63  }
0x133: {  	_ =	swait.ge [sflag:s16], $0x4000  }
0x134: {  	[sflag:s16] =	ssyncset.done $0x0  }
0x135: {  	[sflag:s16] =	ssyncadd.s32 $0xFFFFC000  }
0x136: {  	[hbm4b:s10+s4] =	stream.linear.scatter [tilespmem:s17], [sflag:$0x2], $0x4000, $0x38;
	[tilespmem:$0x1D400] =	vst v63  }
0x137: {  	_ =	swait.ge [sflag:s16], $0x4000  }
0x138: {  	[sflag:s16] =	ssyncset.done $0x0  }
0x139: {  	[sflag:s16] =	ssyncadd.s32 $0xFFFFC000  }
0x13a: {  	[tilespmem:s17], [sflag:$0x2] =	stream.indirect.gather [spmem:s3], $0x80, s19, s18, $0xb8;
	[tilespmem:$0x1D400] =	vst v63  }
0x13b: {  	_ =	swait.ge [sflag:s16], $0x4000  }
0x13c: {  	[sflag:s16] =	ssyncset.done $0x0  }
0x13d: {  	[sflag:s16] =	ssyncadd.s32 $0xFFFFC000  }
0x13e: {  	[hbm4b:s11+s4] =	stream.linear.scatter [tilespmem:s17], [sflag:$0x2], $0x4000, $0x38;
	[tilespmem:$0x1D400] =	vst v63  }
0x13f: {  	_ =	swait.ge [sflag:s16], $0x4000  }
0x140: {  	[sflag:s16] =	ssyncset.done $0x0  }
0x141: {  	[sflag:s16] =	ssyncadd.s32 $0xFFFFC000  }
0x142: {  	[tilespmem:s17], [sflag:$0x2] =	stream.indirect.gather [spmem:s3], $0x80, s20, s18, $0xb8;
	[tilespmem:$0x1D400] =	vst v63  }
0x143: {  	_ =	swait.ge [sflag:s16], $0x4000  }
0x144: {  	[sflag:s16] =	ssyncset.done $0x0  }
0x145: {  	[sflag:s16] =	ssyncadd.s32 $0xFFFFC000  }
0x146: {  	[hbm4b:s12+s4] =	stream.linear.scatter [tilespmem:s17], [sflag:$0x2], $0x4000, $0x38;
	[tilespmem:$0x1D400] =	vst v63  }
0x147: {  	_ =	swait.ge [sflag:s16], $0x4000  }
0x148: {  	[sflag:s16] =	ssyncset.done $0x0  }
0x149: {  	[sflag:s16] =	ssyncadd.s32 $0xFFFFC000  }
0x14a: {  	[tilespmem:s17], [sflag:$0x2] =	stream.indirect.gather [spmem:s3], $0x80, s21, s18, $0xb8;
	[tilespmem:$0x1D400] =	vst v63  }
0x14b: {  	_ =	swait.ge [sflag:s16], $0x4000  }
0x14c: {  	[sflag:s16] =	ssyncset.done $0x0  }
0x14d: {  	[sflag:s16] =	ssyncadd.s32 $0xFFFFC000  }
0x14e: {  	[hbm4b:s13+s4] =	stream.linear.scatter [tilespmem:s17], [sflag:$0x2], $0x4000, $0x38;
	[tilespmem:$0x1D400] =	vst v63  }
0x14f: {  	_ =	swait.ge [sflag:s16], $0x4000  }
0x150: {  	[sflag:s16] =	ssyncset.done $0x0  }
0x151: {  	[sflag:s16] =	ssyncadd.s32 $0xFFFFC000  }
0x152: {  	[tilespmem:s17], [sflag:$0x2] =	stream.indirect.gather [spmem:s3], $0x80, s22, s18, $0xb8;
	[tilespmem:$0x1D400] =	vst v63  }
0x153: {  	s26 =	sadd.s32 $0x1, s26;
	_ =	swait.ge [sflag:s16], $0x4000  }
0x154: {  	p0 =	sne.s32 s26, s9;
	[sflag:s16] =	ssyncset.done $0x0  }
.Ltmp1:
0x155: {  	[sflag:s16] =	ssyncadd.s32 $0xFFFFC000;
	(pc) =	sbr.rel @p0 .LBB2_1-.Ltmp1, $4  }
0x156: {  	[hbm4b:s14+s4] =	stream.linear.scatter [tilespmem:s17], [sflag:$0x2], $0x4000, $0x38;
	[tilespmem:$0x1D400] =	vst v63  }
0x157: {  	_ =	swait.ge [sflag:s16], $0x4000  }
0x158: {  	[sflag:s16] =	ssyncset.done $0x0  }
0x159: {  	[sflag:s16] =	ssyncadd.s32 $0xFFFFC000  }
0x15a: {  	_ =	sfence.sel $0x180000  }
0x15b: {  	[bflag:$0x0] =	sbarrier.arrive $0xFFFF  }
0x15c: {  	_ =	strace $0x9000004D  }
0x15d: {  	s0 =	stileid.u32;
	[bflag:$0x2] =	sbarrier.arrive $0xFFFF  }
0x15e: {  	p0 =	sne.s32 s0, $0x0;
	s0 =	rddreg [dreg:$0x3]  }
0x15f: {  	s0 =	sadd.s32 @!p0 $0x100000, s0  }
0x160: {  	[sflag:s0] =	ssyncadd.tile.s32 @!p0 $0x1;
	_ =	shalt  }
.Lfunc_end2:
_tile_overlayer_lowered:
.L_overlay_start_2:
0x161: {  	(tag) =	ssettag $0x2  }
0x162: {  	s0 =	rddreg [dreg:$0x0];
	s2 =	stileid.u32  }
0x163: {  	s1 =	rddreg [dreg:$0x1];
	p0 =	sne.s32 s2, $0x0  }
0x164: {  	s3 =	rddreg [dreg:$0x2];
	[bflag:$0x3] =	sbarrier.arrive $0xFFFF;
	s2 =	simm.s32 @!p0 $0x1C02  }
0x165: {  	[timem:s3], [sflag:s2] =	dma.local @!p0 [hbm:s0], s1  }
0x166: {  	s0 =	simm.s32 @!p0 $0x2  }
0x167: {  	_ =	swait.ge @!p0 [sflag:s0], s1  }
0x168: {  	s1 =	ssub.s32 @!p0 $0x0, s1;
	[sflag:s0] =	ssyncset.done @!p0 $0x0  }
0x169: {  	[sflag:s0] =	ssyncadd.s32 @!p0 s1  }
0x16a: {  	[bflag:$0x3] =	sbarrier.arrive $0xFFFF  }
0x16b: {  	_ =	shalt  }

// kernel: kernel.7.cloned.1.call-start
scs
__scs_entry_jumppad:
0x0: {  	(pc) =	sbr.rel $0x88, $3  }
0x1: {  	(tag) =	ssettag $0x0;
	lr =	simm.s32 $0x1  }
0x2: {  	[smem:$0x3F97] =	sst lr;
	_ =	strace $0xD0000000  }
0x3: {  	_ = 	snop  }
0x4: {  	_ = 	snop  }
0x5: {  	_ = 	snop  }
0x6: {  	_ = 	snop  }
0x7: {  	_ = 	snop  }
__scs_overlays_trampoline_lowered:
0x8: {  	[smem:$0x3FA6] =	sst s0  }
0x9: {  	[smem:$0x3FA7] =	sst s1  }
0xa: {  	[smem:$0x3FA8] =	sst s2  }
0xb: {  	[smem:$0x3FA9] =	sst s3  }
0xc: {  	[smem:$0x3FAA] =	sst s4  }
0xd: {  	[smem:$0x3FAB] =	sst s5  }
0xe: {  	[smem:$0x3FAC] =	sst s6  }
0xf: {  	[smem:$0x3FAD] =	sst s7  }
0x10: {  	[smem:$0x3FAE] =	sst s8  }
0x11: {  	[smem:$0x3FAF] =	sst s9;
	s0 =	simm.s32 @!p0 $0x0  }
0x12: {  	s1 =	sld [smem:$0x3F95];
	s0 =	simm.s32 @p0 $0x1  }
0x13: {  	[smem:$0x3FB0] =	sst s0;
	s0 =	simm.s32 @!p1 $0x0  }
0x14: {  	s2 =	sld [smem:$0x3F94];
	s0 =	simm.s32 @p1 $0x1  }
0x15: {  	[smem:$0x3FB1] =	sst s0;
	s0 =	simm.s32 @!p2 $0x0  }
0x16: {  	s3 =	sld [smem:$0x3FDB];
	s0 =	simm.s32 @p2 $0x1  }
0x17: {  	s4 =	simm.s32 $0x1BF5;
	[smem:$0x3FB3] =	sst s0  }
0x18: {  	s0 =	sld [smem:$0x3F96];
	_ =	swait.ge [sflag:s4], $0x0  }
0x19: {  	s7 =	sld [smem:$0x3F97]  }
0x1a: {  	s8 =	sadd.s32 $0xFFFFE003, lr  }
0x1b: {  	s9 =	sadd.s32 $0xFFFFFEF7, lr;
	s5 =	simm.s32 $0xFFFFFFFF;
	p2 =	slt.u32 s8, $0xFFFFF086  }
0x1c: {  	p1 =	slt.u32 s9, $0xF7A;
	s5 =	simm.s32 @!p2 $0x0  }
0x1d: {  	s5 =	simm.s32 @p1 $0x1;
	p0 =	seq.s32 s7, s2  }
0x1e: {  	s7 =	smul.u32 @!p0 $0xF7A, s2;
	p2 =	seq.s32 @!p0 s5, $0x0  }
0x1f: {  	s9 =	smul.u32 $0xF7A, s1;
	s8 =	simm.s32 @!p0 $0x1BF5;
	p2 =	por !p2, p0  }
0x20: {  	[sflag:s8] =	ssyncset.s32 @!p0 $0xFFFFF086;
	s6 =	sadd.s32 @!p0 s3, s7;
	s7 =	simm.s32 @!p0 $0x108  }
0x21: {  	s3 =	sadd.s32 s3, s9;
	s6 =	sadd.s32 @!p0 $0x88, s6;
	s7 =	simm.s32 @p2 $0x1082  }
0x22: {  	[simem:s7], [sflag:s8] =	dma.local @!p0 [hbm:s6], $0xF7A  }
0x23: {  	s9 =	sor.u32 $0xD0000000, s2;
	s6 =	simm.s32 $0x108;
	_ =	swait.ge @!p0 [sflag:s8], $0x0  }
0x24: {  	s3 =	sadd.s32 $0x88, s3;
	s6 =	simm.s32 @!p1 $0x1082;
	[sflag:s4] =	ssyncset.s32 $0xFFFFF086  }
0x25: {  	[simem:s6], [sflag:s4] =	dma.local [hbm:s3], $0xF7A  }
0x26: {  	[smem:$0x3F97] =	sst s1;
	(tag) =	ssettag s2;
	_ =	strace s9  }
0x27: {  	s1 =	sld [smem:$0x3FA7]  }
0x28: {  	s2 =	sld [smem:$0x3FA8]  }
0x29: {  	s4 =	sld [smem:$0x3FAA]  }
0x2a: {  	p0 =	seq.s32 s5, $0x0;
	s5 =	sld [smem:$0x3FAB]  }
0x2b: {  	s6 =	sld [smem:$0x3FAC]  }
0x2c: {  	s7 =	sld [smem:$0x3FAD]  }
0x2d: {  	s3 =	simm.s32 $0x108;
	s8 =	sld [smem:$0x3FAE]  }
0x2e: {  	s3 =	simm.s32 @!p0 $0x1082;
	s9 =	sld [smem:$0x3FAF]  }
0x2f: {  	lr =	sadd.s32 s0, s3;
	s0 =	sld [smem:$0x3FA6]  }
0x30: {  	s3 =	sld [smem:$0x3FA9]  }
0x31: {  	[smem:$0x3FB2] =	sst s10  }
0x32: {  	s10 =	sld [smem:$0x3FB0];
	_ =	sdelay $0x3  }
0x33: {  	p0 =	seq.s32 s10, $0x1;
	s10 =	sld [smem:$0x3FB2];
	_ =	sdelay $0x3  }
0x34: {  	[smem:$0x3FB2] =	sst s10  }
0x35: {  	s10 =	sld [smem:$0x3FB1];
	_ =	sdelay $0x3  }
0x36: {  	p1 =	seq.s32 s10, $0x1;
	s10 =	sld [smem:$0x3FB2];
	_ =	sdelay $0x3  }
0x37: {  	[smem:$0x3FB2] =	sst s10  }
0x38: {  	s10 =	sld [smem:$0x3FB3]  }
0x39: {  	_ = 	snop;
	(pc) =	sbr.ind lr, $3  }
0x3a: {  	_ = 	snop  }
0x3b: {  	_ = 	snop  }
0x3c: {  	p2 =	seq.s32 s10, $0x1;
	s10 =	sld [smem:$0x3FB2]  }
0x3d: {  	_ =	shalt  }
0x3e: {  	_ =	shalt  }
0x3f: {  	_ =	shalt  }
0x40: {  	_ =	shalt  }
0x41: {  	_ =	shalt  }
0x42: {  	_ =	shalt  }
0x43: {  	_ =	shalt  }
0x44: {  	_ =	shalt  }
0x45: {  	_ =	shalt  }
0x46: {  	_ =	shalt  }
0x47: {  	_ =	shalt  }
0x48: {  	_ =	shalt  }
0x49: {  	_ =	shalt  }
0x4a: {  	_ =	shalt  }
0x4b: {  	_ =	shalt  }
0x4c: {  	_ =	shalt  }
0x4d: {  	_ =	shalt  }
0x4e: {  	_ =	shalt  }
0x4f: {  	_ =	shalt  }
0x50: {  	_ =	shalt  }
0x51: {  	_ =	shalt  }
0x52: {  	_ =	shalt  }
0x53: {  	_ =	shalt  }
0x54: {  	_ =	shalt  }
0x55: {  	_ =	shalt  }
0x56: {  	_ =	shalt  }
0x57: {  	_ =	shalt  }
0x58: {  	_ =	shalt  }
0x59: {  	_ =	shalt  }
0x5a: {  	_ =	shalt  }
0x5b: {  	_ =	shalt  }
0x5c: {  	_ =	shalt  }
0x5d: {  	_ =	shalt  }
0x5e: {  	_ =	shalt  }
0x5f: {  	_ =	shalt  }
0x60: {  	_ =	shalt  }
0x61: {  	_ =	shalt  }
0x62: {  	_ =	shalt  }
0x63: {  	_ =	shalt  }
0x64: {  	_ =	shalt  }
0x65: {  	_ =	shalt  }
0x66: {  	_ =	shalt  }
0x67: {  	_ =	shalt  }
0x68: {  	_ =	shalt  }
0x69: {  	_ =	shalt  }
0x6a: {  	_ =	shalt  }
0x6b: {  	_ =	shalt  }
0x6c: {  	_ =	shalt  }
0x6d: {  	_ =	shalt  }
0x6e: {  	_ =	shalt  }
0x6f: {  	_ =	shalt  }
0x70: {  	_ =	shalt  }
0x71: {  	_ =	shalt  }
0x72: {  	_ =	shalt  }
0x73: {  	_ =	shalt  }
0x74: {  	_ =	shalt  }
0x75: {  	_ =	shalt  }
0x76: {  	_ =	shalt  }
0x77: {  	_ =	shalt  }
0x78: {  	_ =	shalt  }
0x79: {  	_ =	shalt  }
0x7a: {  	_ =	shalt  }
0x7b: {  	_ =	shalt  }
0x7c: {  	_ =	shalt  }
0x7d: {  	_ =	shalt  }
0x7e: {  	_ =	shalt  }
0x7f: {  	_ =	shalt  }
0x80: {  	_ =	shalt  }
0x81: {  	_ =	shalt  }
0x82: {  	_ =	shalt  }
0x83: {  	_ =	shalt  }
0x84: {  	_ =	shalt  }
0x85: {  	_ =	shalt  }
0x86: {  	_ =	shalt  }
0x87: {  	_ =	shalt  }
.Lfunc_end0:
.L_simem_size_0:
called_computation_lowered:
.L_overlay_start_0:
0x88: {  	s2 =	sld [smem:$0x3FD9]  }
0x89: {  	s3 =	sld [smem:$0x3FFE];
	_ =	sdelay $0x1  }
0x8a: {  	s1 =	srdreg.scid  }
0x8b: {  	s0 =	sand.u32 $0x1, s1  }
0x8c: {  	s17 =	sshll.u32 s0, $0xA;
	s2 =	sadd.s32 s3, s2  }
0x8d: {  	s2 =	sadd.s32 s2, s17  }
0x8e: {  	[smem:$0x3FBE] =	sst s2  }
0x8f: {  	_ = 	snop  }
0x90: {  	s2 =	sld [smem:$0x3FD0];
	(tm) =	ssettm $0x1  }
0x91: {  	s18 =	sld [smem:$0x3FFB];
	_ =	sdelay $0x3  }
0x92: {  	_ =	strace s18  }
0x93: {  	s3 =	sld [smem:$0x3FFC];
	_ =	sdelay $0x3  }
0x94: {  	_ =	strace s3  }
0x95: {  	s3 =	sld [smem:$0x3FFD];
	_ =	sdelay $0x3  }
0x96: {  	_ =	strace s3  }
0x97: {  	_ =	strace $0x8FFFFFFF  }
0x98: {  	s19 =	sld [smem:$0x3FDB];
	_ =	sdelay $0x1  }
0x99: {  	s4 =	simm.s32 $_scs_section_size  }
0x9a: {  	s5 =	simm.s32 $_size__tile_overlayer_lowered;
	s6 =	simm.s32 $_tile_overlayer_lowered  }
0x9b: {  	s22 =	simm.s32 $0x1BFF;
	s21 =	sshll.u32 s6, $0x1;
	s3 =	sadd.s32 s4, s19  }
0x9c: {  	s7 =	simm.s32 $0x0;
	s20 =	sshll.u32 s5, $0x1;
	s5 =	sadd.s32 s21, s3  }
0x9d: {  	[timem:s7], [sflag:s22] =	dma.local [hbm:s5], s20  }
0x9e: {  	_ =	swait.ge [sflag:s22], s20  }
0x9f: {  	s4 =	ssub.s32 $0x0, s20;
	[sflag:s22] =	ssyncset.done $0x0  }
0xa0: {  	[sflag:s22] =	ssyncadd.s32 s4;
	_ =	sdelay $0x1  }
0xa1: {  	s23 =	simm.s32 $0x1B8B  }
0xa2: {  	_ =	swait.ge [sflag:s23], $0x1  }
0xa3: {  	[sflag:s23] =	ssyncset.done $0x0  }
0xa4: {  	s25 =	simm.s32 $0x1B8E;
	s24 =	sld [smem:$0x3FFE];
	[sflag:s23] =	ssyncadd.s32 $0xFFFFFFFF  }
0xa5: {  	s26 =	simm.s32 $execute0_lowered;
	[smem:$0x3FD2] =	sst s25  }
0xa6: {  	s5 =	sshll.u32 s26, $0x1;
	_ =	strace $0x80000046;
	[dreg:$0x1] =	wrdreg $0xFFFFFFFF  }
0xa7: {  	s28 =	simm.s32 $_size_execute0_lowered;
	s3 =	sadd.s32 s3, s5;
	[dreg:$0x0] =	wrdreg $0x0  }
0xa8: {  	s5 =	sshll.u32 s28, $0x1;
	[dreg:$0x2] =	wrdreg s3  }
0xa9: {  	[dreg:$0x3] =	wrdreg s5  }
0xaa: {  	[dreg:$0x4] =	wrdreg $0xC0  }
0xab: {  	_ =	task [dreg:s7], $0x5FFFF  }
0xac: {  	[dreg:$0x1] =	wrdreg $0xFFFFFFFF  }
0xad: {  	[dreg:$0x0] =	wrdreg $0x60  }
0xae: {  	[dreg:$0x2] =	wrdreg s2  }
0xaf: {  	[dreg:$0x3] =	wrdreg s24  }
0xb0: {  	[dreg:$0x4] =	wrdreg $0x88000  }
0xb1: {  	[dreg:$0x5] =	wrdreg $0x9  }
0xb2: {  	_ =	task.clear_ibuf [dreg:s7], $0x6FFFF;
	_ =	strace $0x90000046  }
0xb3: {  	s29 =	simm.s32 $0x9;
	_ =	strace $0x80000048  }
0xb4: {  	_ =	swait.ge [sflag:s29], $0x1  }
0xb5: {  	[sflag:s29] =	ssyncadd.s32 $0xFFFFFFFF  }
0xb6: {  	_ =	strace $0x90000048  }
0xb7: {  	_ =	sfence  }
0xb8: {  	s30 =	sld [smem:$0x0];
	_ =	sdelay $0x2  }
0xb9: {  	s31 =	sshll.u32 s1, $0xD;
	s1 =	sshrl.u32 s1, $0x2  }
0xba: {  	s3 =	sand.u32 $0x4000, s31;
	s1 =	sadd.s32 s1, s30  }
0xbb: {  	s0 =	sor.u32 s3, s0;
	s1 =	sshll.u32 s1, $0x11  }
0xbc: {  	s0 =	sor.u32 s1, s0  }
0xbd: {  	s0 =	sadd.s32 $0x8F2B, s0  }
0xbe: {  	[sflag:s0] =	ssyncadd.remote.s32 $0x1  }
0xbf: {  	_ =	sfence.sel $0xFFFF  }
0xc0: {  	[dreg:$0x0] =	wrdreg $0xFFFFFFFF;
	(pc) =	sbr.abs _section_cstart, $3  }
0xc1: {  	[dreg:$0x1] =	wrdreg $0xFFFFFFFF  }
0xc2: {  	_ =	task.clear_ibuf [dreg:s7], $0x2FFFF;
	_ =	strace $0x9FFFFFFF  }
0xc3: {  	(tm) =	ssettm $0x7FFFFFFF  }
tec
execute0_lowered:
.L_overlay_start_1:
0x0: {  	(tag) =	ssettag $0x1  }
0x1: {  	s0 =	rddreg [dreg:$0x0]  }
0x2: {  	s3 =	rddreg [dreg:$0x1]  }
0x3: {  	s1 =	rddreg [dreg:$0x2];
	s2 =	simm.s32 $0x0;
	s4 =	srdreg.scid  }
0x4: {  	s23 =	stileid.u32;
	s14 =	simm.s32 $0x400;
	s15 =	simm.s32 $0x1  }
0x5: {  	s16 =	simm.s32 $0x4400;
	s17 =	simm.s32 $0x8400;
	s18 =	simm.s32 $0x80  }
0x6: {  	s19 =	simm.s32 $0x8480;
	s20 =	simm.s32 $0x8500;
	s21 =	simm.s32 $0x8580  }
0x7: {  	s22 =	simm.s32 $0x8600;
	s28 =	simm.s32 $0x300;
	s29 =	simm.s32 $0x380  }
0x8: {  	s30 =	simm.s32 $0x0;
	[smem:$0x7FF] =	sst s2;
	s6 =	sand.u32 $0x1, s4  }
0x9: {  	s5 =	sadd.s32 $0xD600, s3;
	s8 =	sshll.u32 s23, $0x7;
	s9 =	smul.u32 $0x14000, s23  }
0xa: {  	s31 =	smul.u32 $0x2800, s23;
	s23 =	simm.s32 $0x100;
	_ =	strace $0x80000047  }
0xb: {  	s7 =	smul.u32 $0x140000, s6;
	[dreg:$0x4] =	wrdreg s5;
	s5 =	sadd.s32 $0xCE00, s3  }
0xc: {  	s8 =	sadd.s32 s8, s3;
	s10 =	ssub.s32 $0x2, s6;
	s11 =	smul.u32 $0x28000, s6  }
0xd: {  	s24 =	sshrl.u32 s10, $0x1;
	s6 =	sadd.s32 $0x2600, s8;
	s7 =	sadd.s32 s7, s9  }
0xe: {  	s26 =	ssub.s32 s10, s24;
	s12 =	sadd.s32 s31, s11;
	s24 =	simm.s32 $0x180  }
0xf: {  	s25 =	sshrl.u32 s7, $0x3;
	s7 =	smax.u32 s26, $0x1;
	s13 =	sshrl.u32 s12, $0x3  }
0x10: {  	s26 =	simm.s32 $0x280;
	s3 =	sadd.s32 s25, s3;
	s13 =	sadd.s32 s13, s0  }
0x11: {  	s25 =	simm.s32 $0x200;
	s8 =	sadd.s32 $0xDE00, s3;
	s9 =	sadd.s32 $0xE600, s3  }
0x12: {  	s10 =	sadd.s32 $0xEE00, s3;
	s11 =	sadd.s32 $0xF600, s3;
	s12 =	sadd.s32 $0xFE00, s3  }
.LBB2_1:
0x13: {  	s0 =	rddreg [dreg:$0x4]  }
0x14: {  	[tilespmem:s14], [sflag:$0x1] =	stream.linear.gather [hbm4b:s0+s2], $0x4000, $0x38;
	[tilespmem:$0x1C800] =	vst v63  }
0x15: {  	_ =	swait.ge [sflag:s15], $0x4000  }
0x16: {  	[sflag:s15] =	ssyncset.done $0x0  }
0x17: {  	[sflag:s15] =	ssyncadd.s32 $0xFFFFC000  }
0x18: {  	[tilespmem:s16], [sflag:$0x1] =	stream.linear.gather [hbm4b:s5+s2], $0x4000, $0x38;
	[tilespmem:$0x1C800] =	vst v63  }
0x19: {  	_ =	swait.ge [sflag:s15], $0x4000  }
0x1a: {  	[sflag:s15] =	ssyncset.done $0x0  }
0x1b: {  	[sflag:s15] =	ssyncadd.s32 $0xFFFFC000  }
0x1c: {  	[tilespmem:s17], [sflag:$0x1] =	stream.linear.gather [hbm4b:s6+s2], $0x280, $0x38;
	[tilespmem:$0x1C800] =	vst v63  }
0x1d: {  	_ =	swait.ge [sflag:s15], $0x280  }
0x1e: {  	[sflag:s15] =	ssyncset.done $0x0  }
0x1f: {  	[sflag:s15] =	ssyncadd.s32 $0xFFFFFD80  }
0x20: {  	[spmem:s1] =	stream.indirect.scatter [tilespmem:s16], [sflag:$0x1], $0x80, s17, s18, $0xb8;
	[tilespmem:$0x1C800] =	vst v63  }
0x21: {  	_ =	swait.ge [sflag:s15], $0x4000  }
0x22: {  	[sflag:s15] =	ssyncset.done $0x0  }
0x23: {  	[sflag:s15] =	ssyncadd.s32 $0xFFFFC000  }
0x24: {  	[spmem:s1] =	stream.indirect.scatter [tilespmem:s16], [sflag:$0x1], $0x80, s19, s18, $0xb8;
	[tilespmem:$0x1C800] =	vst v63  }
0x25: {  	_ =	swait.ge [sflag:s15], $0x4000  }
0x26: {  	[sflag:s15] =	ssyncset.done $0x0  }
0x27: {  	[sflag:s15] =	ssyncadd.s32 $0xFFFFC000  }
0x28: {  	[spmem:s1] =	stream.indirect.scatter [tilespmem:s16], [sflag:$0x1], $0x80, s20, s18, $0xb8;
	[tilespmem:$0x1C800] =	vst v63  }
0x29: {  	_ =	swait.ge [sflag:s15], $0x4000  }
0x2a: {  	[sflag:s15] =	ssyncset.done $0x0  }
0x2b: {  	[sflag:s15] =	ssyncadd.s32 $0xFFFFC000  }
0x2c: {  	[spmem:s1] =	stream.indirect.scatter [tilespmem:s16], [sflag:$0x1], $0x80, s21, s18, $0xb8;
	[tilespmem:$0x1C800] =	vst v63  }
0x2d: {  	_ =	swait.ge [sflag:s15], $0x4000  }
0x2e: {  	[sflag:s15] =	ssyncset.done $0x0  }
0x2f: {  	[sflag:s15] =	ssyncadd.s32 $0xFFFFC000  }
0x30: {  	[spmem:s1] =	stream.indirect.scatter [tilespmem:s16], [sflag:$0x1], $0x80, s22, s18, $0xb8;
	[tilespmem:$0x1C800] =	vst v63  }
0x31: {  	_ =	swait.ge [sflag:s15], $0x4000  }
0x32: {  	[sflag:s15] =	ssyncset.done $0x0  }
0x33: {  	[sflag:s15] =	ssyncadd.s32 $0xFFFFC000  }
0x34: {  	s4 =	sadd.s32 $0x0, s13;
	[bflag:$0x0] =	sbarrier.arrive $0xFFFF  }
0x35: {  	[tilespmem:s2], [sflag:$0x1] =	stream.linear.gather [hbm4b:s4+s2], $0x400, $0x38;
	[tilespmem:$0x1C800] =	vst v63  }
0x36: {  	_ =	swait.ge [sflag:s15], $0x400  }
0x37: {  	[sflag:s15] =	ssyncset.done $0x0  }
0x38: {  	[sflag:s15] =	ssyncadd.s32 $0xFFFFFC00  }
0x39: {  	[spmem:s1] =	stream.indirect.scatter.add.f32 [tilespmem:s14], [sflag:$0x1], $0x80, s2, s18, $0xb8;
	[tilespmem:$0x1C800] =	vst v63  }
0x3a: {  	_ =	swait.ge [sflag:s15], $0x4000  }
0x3b: {  	[sflag:s15] =	ssyncset.done $0x0  }
0x3c: {  	[sflag:s15] =	ssyncadd.s32 $0xFFFFC000  }
0x3d: {  	[spmem:s1] =	stream.indirect.scatter.add.f32 [tilespmem:s14], [sflag:$0x1], $0x80, s18, s18, $0xb8;
	[tilespmem:$0x1C800] =	vst v63  }
0x3e: {  	_ =	swait.ge [sflag:s15], $0x4000  }
0x3f: {  	[sflag:s15] =	ssyncset.done $0x0  }
0x40: {  	[sflag:s15] =	ssyncadd.s32 $0xFFFFC000  }
0x41: {  	[spmem:s1] =	stream.indirect.scatter.add.f32 [tilespmem:s14], [sflag:$0x1], $0x80, s23, s18, $0xb8;
	[tilespmem:$0x1C800] =	vst v63  }
0x42: {  	_ =	swait.ge [sflag:s15], $0x4000  }
0x43: {  	[sflag:s15] =	ssyncset.done $0x0  }
0x44: {  	[sflag:s15] =	ssyncadd.s32 $0xFFFFC000  }
0x45: {  	[spmem:s1] =	stream.indirect.scatter.add.f32 [tilespmem:s14], [sflag:$0x1], $0x80, s24, s18, $0xb8;
	[tilespmem:$0x1C800] =	vst v63  }
0x46: {  	_ =	swait.ge [sflag:s15], $0x4000  }
0x47: {  	[sflag:s15] =	ssyncset.done $0x0  }
0x48: {  	[sflag:s15] =	ssyncadd.s32 $0xFFFFC000  }
0x49: {  	[spmem:s1] =	stream.indirect.scatter.add.f32 [tilespmem:s14], [sflag:$0x1], $0x80, s25, s18, $0xb8;
	[tilespmem:$0x1C800] =	vst v63  }
0x4a: {  	_ =	swait.ge [sflag:s15], $0x4000  }
0x4b: {  	[sflag:s15] =	ssyncset.done $0x0  }
0x4c: {  	[sflag:s15] =	ssyncadd.s32 $0xFFFFC000  }
0x4d: {  	[spmem:s1] =	stream.indirect.scatter.add.f32 [tilespmem:s14], [sflag:$0x1], $0x80, s26, s18, $0xb8;
	[tilespmem:$0x1C800] =	vst v63  }
0x4e: {  	_ =	swait.ge [sflag:s15], $0x4000  }
0x4f: {  	[sflag:s15] =	ssyncset.done $0x0  }
0x50: {  	[sflag:s15] =	ssyncadd.s32 $0xFFFFC000  }
0x51: {  	[spmem:s1] =	stream.indirect.scatter.add.f32 [tilespmem:s14], [sflag:$0x1], $0x80, s28, s18, $0xb8;
	[tilespmem:$0x1C800] =	vst v63  }
0x52: {  	_ =	swait.ge [sflag:s15], $0x4000  }
0x53: {  	[sflag:s15] =	ssyncset.done $0x0  }
0x54: {  	[sflag:s15] =	ssyncadd.s32 $0xFFFFC000  }
0x55: {  	[spmem:s1] =	stream.indirect.scatter.add.f32 [tilespmem:s14], [sflag:$0x1], $0x80, s29, s18, $0xb8;
	[tilespmem:$0x1C800] =	vst v63  }
0x56: {  	_ =	swait.ge [sflag:s15], $0x4000  }
0x57: {  	s31 =	simm.s32 $0x80;
	s0 =	simm.s32 $0x100;
	[sflag:s15] =	ssyncset.done $0x0  }
.LBB2_2:
0x58: {  	s4 =	sadd.s32 s31, s13  }
0x59: {  	[sflag:s15] =	ssyncadd.s32 $0xFFFFC000;
	s31 =	smov.u32 s0;
	s3 =	sadd.s32 $0x80, s0  }
0x5a: {  	[tilespmem:s2], [sflag:$0x1] =	stream.linear.gather [hbm4b:s4+s2], $0x400, $0x38;
	[tilespmem:$0x1C800] =	vst v63  }
0x5b: {  	p0 =	sne.s32 s0, $0x480;
	_ =	swait.ge [sflag:s15], $0x400  }
0x5c: {  	[sflag:s15] =	ssyncset.done $0x0  }
0x5d: {  	[sflag:s15] =	ssyncadd.s32 $0xFFFFFC00  }
0x5e: {  	[spmem:s1] =	stream.indirect.scatter.add.f32 [tilespmem:s14], [sflag:$0x1], $0x80, s2, s18, $0xb8;
	[tilespmem:$0x1C800] =	vst v63  }
0x5f: {  	_ =	swait.ge [sflag:s15], $0x4000  }
0x60: {  	[sflag:s15] =	ssyncset.done $0x0  }
0x61: {  	[sflag:s15] =	ssyncadd.s32 $0xFFFFC000  }
0x62: {  	[spmem:s1] =	stream.indirect.scatter.add.f32 [tilespmem:s14], [sflag:$0x1], $0x80, s18, s18, $0xb8;
	[tilespmem:$0x1C800] =	vst v63  }
0x63: {  	_ =	swait.ge [sflag:s15], $0x4000  }
0x64: {  	[sflag:s15] =	ssyncset.done $0x0  }
0x65: {  	[sflag:s15] =	ssyncadd.s32 $0xFFFFC000  }
0x66: {  	[spmem:s1] =	stream.indirect.scatter.add.f32 [tilespmem:s14], [sflag:$0x1], $0x80, s23, s18, $0xb8;
	[tilespmem:$0x1C800] =	vst v63  }
0x67: {  	_ =	swait.ge [sflag:s15], $0x4000  }
0x68: {  	[sflag:s15] =	ssyncset.done $0x0  }
0x69: {  	[sflag:s15] =	ssyncadd.s32 $0xFFFFC000  }
0x6a: {  	[spmem:s1] =	stream.indirect.scatter.add.f32 [tilespmem:s14], [sflag:$0x1], $0x80, s24, s18, $0xb8;
	[tilespmem:$0x1C800] =	vst v63  }
0x6b: {  	_ =	swait.ge [sflag:s15], $0x4000  }
0x6c: {  	[sflag:s15] =	ssyncset.done $0x0  }
0x6d: {  	[sflag:s15] =	ssyncadd.s32 $0xFFFFC000  }
0x6e: {  	[spmem:s1] =	stream.indirect.scatter.add.f32 [tilespmem:s14], [sflag:$0x1], $0x80, s25, s18, $0xb8;
	[tilespmem:$0x1C800] =	vst v63  }
0x6f: {  	_ =	swait.ge [sflag:s15], $0x4000  }
0x70: {  	[sflag:s15] =	ssyncset.done $0x0  }
0x71: {  	[sflag:s15] =	ssyncadd.s32 $0xFFFFC000  }
0x72: {  	[spmem:s1] =	stream.indirect.scatter.add.f32 [tilespmem:s14], [sflag:$0x1], $0x80, s26, s18, $0xb8;
	[tilespmem:$0x1C800] =	vst v63  }
0x73: {  	_ =	swait.ge [sflag:s15], $0x4000  }
0x74: {  	[sflag:s15] =	ssyncset.done $0x0  }
0x75: {  	[sflag:s15] =	ssyncadd.s32 $0xFFFFC000  }
0x76: {  	[spmem:s1] =	stream.indirect.scatter.add.f32 [tilespmem:s14], [sflag:$0x1], $0x80, s28, s18, $0xb8;
	[tilespmem:$0x1C800] =	vst v63  }
0x77: {  	_ =	swait.ge [sflag:s15], $0x4000  }
.Ltmp0:
0x78: {  	[sflag:s15] =	ssyncset.done $0x0;
	(pc) =	sbr.rel @p0 .LBB2_2-.Ltmp0, $4  }
0x79: {  	[sflag:s15] =	ssyncadd.s32 $0xFFFFC000  }
0x7a: {  	[spmem:s1] =	stream.indirect.scatter.add.f32 [tilespmem:s14], [sflag:$0x1], $0x80, s29, s18, $0xb8;
	[tilespmem:$0x1C800] =	vst v63  }
0x7b: {  	_ =	swait.ge [sflag:s15], $0x4000  }
0x7c: {  	s0 =	smov.u32 s3;
	[sflag:s15] =	ssyncset.done $0x0  }
0x7d: {  	s0 =	sadd.s32 s31, s13;
	[sflag:s15] =	ssyncadd.s32 $0xFFFFC000  }
0x7e: {  	[tilespmem:s2], [sflag:$0x1] =	stream.linear.gather [hbm4b:s0+s2], $0x400, $0x38;
	[tilespmem:$0x1C800] =	vst v63  }
0x7f: {  	_ =	swait.ge [sflag:s15], $0x400  }
0x80: {  	[sflag:s15] =	ssyncset.done $0x0  }
0x81: {  	[sflag:s15] =	ssyncadd.s32 $0xFFFFFC00  }
0x82: {  	[spmem:s1] =	stream.indirect.scatter.add.f32 [tilespmem:s14], [sflag:$0x1], $0x80, s2, s18, $0xb8;
	[tilespmem:$0x1C800] =	vst v63  }
0x83: {  	_ =	swait.ge [sflag:s15], $0x4000  }
0x84: {  	[sflag:s15] =	ssyncset.done $0x0  }
0x85: {  	[sflag:s15] =	ssyncadd.s32 $0xFFFFC000  }
0x86: {  	[spmem:s1] =	stream.indirect.scatter.add.f32 [tilespmem:s14], [sflag:$0x1], $0x80, s18, s18, $0xb8;
	[tilespmem:$0x1C800] =	vst v63  }
0x87: {  	_ =	swait.ge [sflag:s15], $0x4000  }
0x88: {  	[sflag:s15] =	ssyncset.done $0x0  }
0x89: {  	[sflag:s15] =	ssyncadd.s32 $0xFFFFC000  }
0x8a: {  	[spmem:s1] =	stream.indirect.scatter.add.f32 [tilespmem:s14], [sflag:$0x1], $0x80, s23, s18, $0xb8;
	[tilespmem:$0x1C800] =	vst v63  }
0x8b: {  	_ =	swait.ge [sflag:s15], $0x4000  }
0x8c: {  	[sflag:s15] =	ssyncset.done $0x0  }
0x8d: {  	[sflag:s15] =	ssyncadd.s32 $0xFFFFC000  }
0x8e: {  	[spmem:s1] =	stream.indirect.scatter.add.f32 [tilespmem:s14], [sflag:$0x1], $0x80, s24, s18, $0xb8;
	[tilespmem:$0x1C800] =	vst v63  }
0x8f: {  	_ =	swait.ge [sflag:s15], $0x4000  }
0x90: {  	[sflag:s15] =	ssyncset.done $0x0  }
0x91: {  	[sflag:s15] =	ssyncadd.s32 $0xFFFFC000  }
0x92: {  	[spmem:s1] =	stream.indirect.scatter.add.f32 [tilespmem:s14], [sflag:$0x1], $0x80, s25, s18, $0xb8;
	[tilespmem:$0x1C800] =	vst v63  }
0x93: {  	_ =	swait.ge [sflag:s15], $0x4000  }
0x94: {  	[sflag:s15] =	ssyncset.done $0x0  }
0x95: {  	[sflag:s15] =	ssyncadd.s32 $0xFFFFC000  }
0x96: {  	[spmem:s1] =	stream.indirect.scatter.add.f32 [tilespmem:s14], [sflag:$0x1], $0x80, s26, s18, $0xb8;
	[tilespmem:$0x1C800] =	vst v63  }
0x97: {  	_ =	swait.ge [sflag:s15], $0x4000  }
0x98: {  	[sflag:s15] =	ssyncset.done $0x0  }
0x99: {  	[sflag:s15] =	ssyncadd.s32 $0xFFFFC000  }
0x9a: {  	[spmem:s1] =	stream.indirect.scatter.add.f32 [tilespmem:s14], [sflag:$0x1], $0x80, s28, s18, $0xb8;
	[tilespmem:$0x1C800] =	vst v63  }
0x9b: {  	_ =	swait.ge [sflag:s15], $0x4000  }
0x9c: {  	[sflag:s15] =	ssyncset.done $0x0  }
0x9d: {  	[sflag:s15] =	ssyncadd.s32 $0xFFFFC000  }
0x9e: {  	[spmem:s1] =	stream.indirect.scatter.add.f32 [tilespmem:s14], [sflag:$0x1], $0x80, s29, s18, $0xb8;
	[tilespmem:$0x1C800] =	vst v63  }
0x9f: {  	_ =	swait.ge [sflag:s15], $0x4000  }
0xa0: {  	[sflag:s15] =	ssyncset.done $0x0  }
0xa1: {  	[sflag:s15] =	ssyncadd.s32 $0xFFFFC000  }
0xa2: {  	[bflag:$0x0] =	sbarrier.arrive $0xFFFF  }
0xa3: {  	[tilespmem:s16], [sflag:$0x1] =	stream.indirect.gather [spmem:s1], $0x80, s17, s18, $0xb8;
	[tilespmem:$0x1C800] =	vst v63  }
0xa4: {  	_ =	swait.ge [sflag:s15], $0x4000  }
0xa5: {  	[sflag:s15] =	ssyncset.done $0x0  }
0xa6: {  	[sflag:s15] =	ssyncadd.s32 $0xFFFFC000  }
0xa7: {  	[hbm4b:s8+s2] =	stream.linear.scatter [tilespmem:s16], [sflag:$0x1], $0x4000, $0x38;
	[tilespmem:$0x1C800] =	vst v63  }
0xa8: {  	_ =	swait.ge [sflag:s15], $0x4000  }
0xa9: {  	[sflag:s15] =	ssyncset.done $0x0  }
0xaa: {  	[sflag:s15] =	ssyncadd.s32 $0xFFFFC000  }
0xab: {  	[tilespmem:s16], [sflag:$0x1] =	stream.indirect.gather [spmem:s1], $0x80, s19, s18, $0xb8;
	[tilespmem:$0x1C800] =	vst v63  }
0xac: {  	_ =	swait.ge [sflag:s15], $0x4000  }
0xad: {  	[sflag:s15] =	ssyncset.done $0x0  }
0xae: {  	[sflag:s15] =	ssyncadd.s32 $0xFFFFC000  }
0xaf: {  	[hbm4b:s9+s2] =	stream.linear.scatter [tilespmem:s16], [sflag:$0x1], $0x4000, $0x38;
	[tilespmem:$0x1C800] =	vst v63  }
0xb0: {  	_ =	swait.ge [sflag:s15], $0x4000  }
0xb1: {  	[sflag:s15] =	ssyncset.done $0x0  }
0xb2: {  	[sflag:s15] =	ssyncadd.s32 $0xFFFFC000  }
0xb3: {  	[tilespmem:s16], [sflag:$0x1] =	stream.indirect.gather [spmem:s1], $0x80, s20, s18, $0xb8;
	[tilespmem:$0x1C800] =	vst v63  }
0xb4: {  	_ =	swait.ge [sflag:s15], $0x4000  }
0xb5: {  	[sflag:s15] =	ssyncset.done $0x0  }
0xb6: {  	[sflag:s15] =	ssyncadd.s32 $0xFFFFC000  }
0xb7: {  	[hbm4b:s10+s2] =	stream.linear.scatter [tilespmem:s16], [sflag:$0x1], $0x4000, $0x38;
	[tilespmem:$0x1C800] =	vst v63  }
0xb8: {  	_ =	swait.ge [sflag:s15], $0x4000  }
0xb9: {  	[sflag:s15] =	ssyncset.done $0x0  }
0xba: {  	[sflag:s15] =	ssyncadd.s32 $0xFFFFC000  }
0xbb: {  	[tilespmem:s16], [sflag:$0x1] =	stream.indirect.gather [spmem:s1], $0x80, s21, s18, $0xb8;
	[tilespmem:$0x1C800] =	vst v63  }
0xbc: {  	_ =	swait.ge [sflag:s15], $0x4000  }
0xbd: {  	[sflag:s15] =	ssyncset.done $0x0  }
0xbe: {  	[sflag:s15] =	ssyncadd.s32 $0xFFFFC000  }
0xbf: {  	[hbm4b:s11+s2] =	stream.linear.scatter [tilespmem:s16], [sflag:$0x1], $0x4000, $0x38;
	[tilespmem:$0x1C800] =	vst v63  }
0xc0: {  	_ =	swait.ge [sflag:s15], $0x4000  }
0xc1: {  	[sflag:s15] =	ssyncset.done $0x0  }
0xc2: {  	[sflag:s15] =	ssyncadd.s32 $0xFFFFC000  }
0xc3: {  	[tilespmem:s16], [sflag:$0x1] =	stream.indirect.gather [spmem:s1], $0x80, s22, s18, $0xb8;
	[tilespmem:$0x1C800] =	vst v63  }
0xc4: {  	s30 =	sadd.s32 $0x1, s30;
	_ =	swait.ge [sflag:s15], $0x4000  }
0xc5: {  	p0 =	sne.s32 s30, s7;
	[sflag:s15] =	ssyncset.done $0x0  }
.Ltmp1:
0xc6: {  	[sflag:s15] =	ssyncadd.s32 $0xFFFFC000;
	(pc) =	sbr.rel @p0 .LBB2_1-.Ltmp1, $4  }
0xc7: {  	[hbm4b:s12+s2] =	stream.linear.scatter [tilespmem:s16], [sflag:$0x1], $0x4000, $0x38;
	[tilespmem:$0x1C800] =	vst v63  }
0xc8: {  	_ =	swait.ge [sflag:s15], $0x4000  }
0xc9: {  	[sflag:s15] =	ssyncset.done $0x0  }
0xca: {  	[sflag:s15] =	ssyncadd.s32 $0xFFFFC000  }
0xcb: {  	_ =	sfence.sel $0x180000  }
0xcc: {  	[bflag:$0x0] =	sbarrier.arrive $0xFFFF  }
0xcd: {  	_ =	strace $0x90000047  }
0xce: {  	s0 =	stileid.u32;
	[bflag:$0x2] =	sbarrier.arrive $0xFFFF  }
0xcf: {  	p0 =	sne.s32 s0, $0x0;
	s0 =	rddreg [dreg:$0x3]  }
0xd0: {  	s0 =	sadd.s32 @!p0 $0x100000, s0  }
0xd1: {  	[sflag:s0] =	ssyncadd.tile.s32 @!p0 $0x1;
	_ =	shalt  }
.Lfunc_end2:
_tile_overlayer_lowered:
.L_overlay_start_2:
0xd2: {  	(tag) =	ssettag $0x2  }
0xd3: {  	s0 =	rddreg [dreg:$0x0];
	s2 =	stileid.u32  }
0xd4: {  	s1 =	rddreg [dreg:$0x1];
	p0 =	sne.s32 s2, $0x0  }
0xd5: {  	s3 =	rddreg [dreg:$0x2];
	[bflag:$0x3] =	sbarrier.arrive $0xFFFF;
	s2 =	simm.s32 @!p0 $0x1C01  }
0xd6: {  	[timem:s3], [sflag:s2] =	dma.local @!p0 [hbm:s0], s1  }
0xd7: {  	s0 =	simm.s32 @!p0 $0x1  }
0xd8: {  	_ =	swait.ge @!p0 [sflag:s0], s1  }
0xd9: {  	s1 =	ssub.s32 @!p0 $0x0, s1;
	[sflag:s0] =	ssyncset.done @!p0 $0x0  }
0xda: {  	[sflag:s0] =	ssyncadd.s32 @!p0 s1  }
0xdb: {  	[bflag:$0x3] =	sbarrier.arrive $0xFFFF  }
0xdc: {  	_ =	shalt  }

</sc_bundles>
